<compile_context>
chip_gen: v7x
topology: tpu7x:2x2x1
jax: 0.10.2.dev20260603
libtpu: 0.0.44.dev20260713+nightly
codegen_flags: <defaults>
</compile_context>

<pallas_src>
import functools

import jax
import jax.numpy as jnp
from jax import lax
from jax.experimental import pallas as pl
from jax.experimental.pallas import tpu as pltpu
from jax.experimental.pallas import tpu_sc as plsc

f32 = jnp.float32
i32 = jnp.int32

N = 10000
NPAD = 10240
E = 320000
D = 128
H = 64
Q = 32
CH = 80
ROWS = E // CH

_MESH = plsc.VectorSubcoreMesh(core_axis_name="c", subcore_axis_name="s")
_SC_PARAMS = pltpu.CompilerParams(
    use_tc_tiling_on_sc=False, needs_layout_passes=False
)


def _zero_rows(ref, nrows, ncols, dtype=f32):
    lanes = 32 if dtype == jnp.int16 else 16
    z = jnp.zeros((lanes,), dtype)

    def body(i, _):
        for k in range(ncols // lanes):
            ref[i, pl.ds(k * lanes, lanes)] = z
        return 0

    lax.fori_loop(0, nrows, body, 0)


def _deg_body(dst2d, out, dstb, ones_b, zb, acc, sem):
    c = lax.axis_index("c")
    s = lax.axis_index("s")
    one = jnp.full((16,), 1.0, f32)

    def fill_ones(i, _):
        ones_b[i] = one
        return 0

    lax.fori_loop(0, 125, fill_ones, 0)
    _zero_rows(zb, 128, 16)
    base = s * 640

    def zcp(k, _):
        pltpu.sync_copy(zb, acc.at[pl.ds(base + k * 128, 128)])
        return 0

    lax.fori_loop(0, 5, zcp, 0)
    plsc.subcore_barrier()

    row0 = c * 1280 + s * 80
    pltpu.sync_copy(dst2d.at[pl.ds(row0, 80)], dstb)

    def fire(j, _):
        pltpu.async_copy(ones_b, acc.at[dstb.at[j]], sem, add=True)
        return 0

    lax.fori_loop(0, 80, fire, 0)

    def drain(j, _):
        pltpu.make_async_copy(ones_b, acc.at[dstb.at[0]], sem).wait()
        return 0

    lax.fori_loop(0, 80, drain, 0)
    plsc.subcore_barrier()
    pltpu.sync_copy(acc.at[pl.ds(base, 640)], out.at[c, pl.ds(base, 640)])


_deg_kernel = functools.partial(
    pl.kernel,
    out_type=jax.ShapeDtypeStruct((2, NPAD, 16), f32),
    mesh=_MESH,
    scratch_types=[
        pltpu.VMEM((80, 125), i32),
        pltpu.VMEM((125, 16), f32),
        pltpu.VMEM((128, 16), f32),
        pltpu.VMEM_SHARED((NPAD, 16), f32),
        pltpu.SemaphoreType.DMA,
    ],
    compiler_params=_SC_PARAMS,
)(_deg_body)


SCH = 125
SROWS = E // SCH
NBUF = 5


def _norm_body(dinv, src2d, dst2d, out1d, dinvf, srcb, dstb, nb):
    c = lax.axis_index("c")
    s = lax.axis_index("s")
    w = s * 2 + c
    _Z16 = jnp.zeros((16,), i32)
    pltpu.sync_copy(dinv, dinvf)
    row0 = w * 80
    pltpu.sync_copy(src2d.at[pl.ds(row0, 80)], srcb)
    pltpu.sync_copy(dst2d.at[pl.ds(row0, 80)], dstb)

    def body(j, _):
        for off in (0, 16, 32, 48, 64, 80, 96, 109):
            si = srcb[j, pl.ds(off, 16)]
            di = dstb[j, pl.ds(off, 16)]
            a = plsc.load_gather(dinvf, [si, _Z16])
            b = plsc.load_gather(dinvf, [di, _Z16])
            nb[pl.ds(j * SCH + off, 16)] = a * b
        return 0

    lax.fori_loop(0, 80, body, 0)
    pltpu.sync_copy(nb, out1d.at[pl.ds(w * 10000, 10000)])


_norm_kernel = functools.partial(
    pl.kernel,
    out_type=jax.ShapeDtypeStruct((E,), f32),
    mesh=_MESH,
    scratch_types=[
        pltpu.VMEM((NPAD, 1), f32),
        pltpu.VMEM((80, SCH), i32),
        pltpu.VMEM((80, SCH), i32),
        pltpu.VMEM((10000,), f32),
    ],
    compiler_params=_SC_PARAMS,
)(_norm_body)


def _make_seg_edge(Dc):
    rpt = SROWS // 32
    ngrp = rpt // NBUF

    def body(ytab, src2d, dst2d, out, srcb, dstb, rbs, zb, acc, gsems, ssems):
        c = lax.axis_index("c")
        s = lax.axis_index("s")
        _zero_rows(zb, 128, Dc, jnp.int16)
        base = s * 640

        def zcp(k, _):
            pltpu.sync_copy(zb, acc.at[pl.ds(base + k * 128, 128)])
            return 0

        lax.fori_loop(0, 5, zcp, 0)

        row0 = c * (SROWS // 2) + s * rpt
        pltpu.sync_copy(src2d.at[pl.ds(row0, rpt)], srcb)
        pltpu.sync_copy(dst2d.at[pl.ds(row0, rpt)], dstb)
        plsc.subcore_barrier()

        def start_g(j, k):
            pltpu.make_async_copy(ytab.at[srcb.at[j]], rbs[k], gsems[k]).start()

        def wait_g(k):
            pltpu.make_async_copy(ytab.at[srcb.at[0]], rbs[k], gsems[k]).wait()

        def start_s(j, k):
            pltpu.async_copy(rbs[k], acc.at[dstb.at[j]], ssems[k], add=True)

        def wait_s(k):
            pltpu.make_async_copy(rbs[k], acc.at[dstb.at[0]], ssems[k]).wait()

        for k in range(NBUF):
            start_g(k, k)

        def group(g, _):
            j0 = g * NBUF
            for k in range(NBUF):
                wait_g(k)
                start_s(j0 + k, k)
            for k in range(NBUF):
                @pl.when(g < ngrp - 1)
                def _():
                    wait_s(k)
                    start_g(j0 + NBUF + k, k)
            return 0

        lax.fori_loop(0, ngrp, group, 0)
        for k in range(NBUF):
            wait_s(k)
        plsc.subcore_barrier()
        pltpu.sync_copy(acc.at[pl.ds(base, 640)], out.at[c, pl.ds(base, 640)])

    return functools.partial(
        pl.kernel,
        out_type=jax.ShapeDtypeStruct((2, NPAD, Dc), jnp.int16),
        mesh=_MESH,
        scratch_types=[
            pltpu.VMEM((rpt, SCH), i32),
            pltpu.VMEM((rpt, SCH), i32),
            [pltpu.VMEM((SCH, Dc), jnp.int16)] * NBUF,
            pltpu.VMEM((128, Dc), jnp.int16),
            pltpu.VMEM_SHARED((NPAD, Dc), jnp.int16),
            [pltpu.SemaphoreType.DMA] * NBUF,
            [pltpu.SemaphoreType.DMA] * NBUF,
        ],
        compiler_params=_SC_PARAMS,
    )(body)


_seg128e = _make_seg_edge(D)
_seg64e = _make_seg_edge(2 * Q)


def _quantize(z, degmax):
    zmax = jnp.max(jnp.abs(z))
    bound = jnp.maximum(degmax * zmax, 1e-30)
    scale = 32767.0 / bound
    zq = jnp.round(z * scale).astype(jnp.int16)
    return zq, bound / 32767.0


def _prep_body(deg16_ref, feat_ref, dinv_ref, y_ref, sinv_ref, dm_ref):
    a = deg16_ref[...]
    d = a[0, :, 0:1] + a[1, :, 0:1]
    dinv = lax.rsqrt(jnp.maximum(d, 1.0))
    dinv_ref[...] = dinv
    degmax = jnp.maximum(jnp.max(d), 1.0)
    dm_ref[...] = jnp.full((1, 1), 0.0, f32) + degmax
    y = feat_ref[...] * dinv[:N]
    yq, sinv = _quantize(y, degmax)
    y_ref[...] = yq
    sinv_ref[...] = jnp.full((1, 1), 0.0, f32) + sinv


_prep = pl.pallas_call(
    _prep_body,
    out_shape=(
        jax.ShapeDtypeStruct((NPAD, 1), f32),
        jax.ShapeDtypeStruct((N, D), jnp.int16),
        jax.ShapeDtypeStruct((1, 1), f32),
        jax.ShapeDtypeStruct((1, 1), f32),
    ),
)


def _l1_body(s_ref, sinv_ref, dm_ref, dinv_ref, w_ref, b_ref, y_ref, sinvo_ref):
    a = s_ref[...].astype(f32)
    sc = (a[0] + a[1]) * sinv_ref[0, 0]
    dinv = dinv_ref[...]
    h = jnp.maximum(
        jnp.dot(sc * dinv, w_ref[...], preferred_element_type=f32) + b_ref[...],
        0.0,
    )
    z = (h * dinv)[:N]
    zq, sinv = _quantize(z, dm_ref[0, 0])
    y_ref[...] = zq
    sinvo_ref[...] = jnp.full((1, 1), 0.0, f32) + sinv


_l1 = pl.pallas_call(
    _l1_body,
    out_shape=(
        jax.ShapeDtypeStruct((N, D), jnp.int16),
        jax.ShapeDtypeStruct((1, 1), f32),
    ),
)


def _l2_body(s_ref, sinv_ref, dm_ref, dinv_ref, w_ref, b_ref, wn_ref,
             y_ref, sinvo_ref):
    a = s_ref[...].astype(f32)
    sc = (a[0] + a[1]) * sinv_ref[0, 0]
    dinv = dinv_ref[...]
    h = jnp.maximum(
        jnp.dot(sc * dinv, w_ref[...], preferred_element_type=f32) + b_ref[...],
        0.0,
    )
    z = jnp.dot(h * dinv, wn_ref[...], preferred_element_type=f32)[:N]
    zq, sinv = _quantize(z, dm_ref[0, 0])
    y_ref[...] = zq
    sinvo_ref[...] = jnp.full((1, 1), 0.0, f32) + sinv


_l2 = pl.pallas_call(
    _l2_body,
    out_shape=(
        jax.ShapeDtypeStruct((N, 2 * Q), jnp.int16),
        jax.ShapeDtypeStruct((1, 1), f32),
    ),
)


def _final_body(s_ref, sinv_ref, dinv_ref, b_ref, out_ref):
    a = s_ref[...].astype(f32)
    sc = (a[0] + a[1]) * sinv_ref[0, 0]
    out_ref[...] = (sc * dinv_ref[...])[:N] + b_ref[...]


_final = pl.pallas_call(
    _final_body,
    out_shape=jax.ShapeDtypeStruct((N, 2 * Q), f32),
)


def kernel(features, edge_index, W1, b1, W2, b2, W3, b3):
    srcS = edge_index[0].reshape(SROWS, SCH)
    dstS = edge_index[1].reshape(SROWS, SCH)

    deg16 = _deg_kernel(dstS)
    dinv_col, y0q, sinv0, dm = _prep(deg16, features)

    norm_e = _norm_kernel(dinv_col, srcS, dstS)
    s1 = _seg128e(y0q, srcS, dstS)
    y1q, sinv1 = _l1(s1, sinv0, dm, dinv_col, W1, b1)
    s2 = _seg128e(y1q, srcS, dstS)
    z2q, sinv2 = _l2(s2, sinv1, dm, dinv_col, W2, b2, W3)
    s3 = _seg64e(z2q, srcS, dstS)
    logits = _final(s3, sinv2, dinv_col, b3)
    return logits, norm_e, norm_e, norm_e

# --- scband reference (transcript-rebuilt; emitter-appended) ---
"""Pipeline reference for scband-gcn-2877628089018 (READ-ONLY COPY).

The authoritative reference and input builder live on the scoring server;
editing this copy changes nothing except your own understanding.
"""

import jax, jax.numpy as jnp
import numpy as np

N = 10000
E = 320000
D_DATA = 128
H1 = 128
H2 = 128
N_CLS = 64


def setup_inputs(seed: int = 0) -> dict:
    key = jax.random.key(seed)
    ks = jax.random.split(key, 9)
    features = jax.random.normal(ks[0], (N, D_DATA), dtype=jnp.float32)
    edge_index = jax.random.randint(ks[1], (2, E), 0, N, dtype=jnp.int32)
    # GCN layer weights (glorot-ish init) sized per init_kwargs: dims = [128, 128, 128, 64]
    W1 = jax.random.normal(ks[2], (D_DATA, H1), dtype=jnp.float32) * (1.0 / np.sqrt(D_DATA))
    b1 = jnp.zeros((H1,), dtype=jnp.float32)
    W2 = jax.random.normal(ks[3], (H1, H2), dtype=jnp.float32) * (1.0 / np.sqrt(H1))
    b2 = jnp.zeros((H2,), dtype=jnp.float32)
    W3 = jax.random.normal(ks[4], (H2, N_CLS), dtype=jnp.float32) * (1.0 / np.sqrt(H2))
    b3 = jnp.zeros((N_CLS,), dtype=jnp.float32)
    return {"features": features, "edge_index": edge_index,
            "W1": W1, "b1": b1, "W2": W2, "b2": b2, "W3": W3, "b3": b3}


def reference(features, edge_index, W1, b1, W2, b2, W3, b3):
    src = edge_index[0]
    dst = edge_index[1]
    ones = jnp.ones((E,), dtype=jnp.float32)
    deg = jax.ops.segment_sum(ones, dst, num_segments=N)
    deg = jnp.maximum(deg, 1.0)
    # symmetric GCN normalization per edge (the 'e' values collected in e_list)
    norm_e = jax.lax.rsqrt(deg[src] * deg[dst])

    def gcn_layer(h, W, b):
        msg = jnp.take(h, src, axis=0) * norm_e[:, None]   # gather (SparseCore)
        agg = jax.ops.segment_sum(msg, dst, num_segments=N)  # scatter-add
        return agg @ W + b

    # layer 1 + relu (dropout is identity in eval)
    h = jax.nn.relu(gcn_layer(features, W1, b1))
    # layer 2 + relu
    h = jax.nn.relu(gcn_layer(h, W2, b2))
    # final layer -> logits
    logits = gcn_layer(h, W3, b3)
    # (logits, e_list): e per layer is the edge normalization coefficients
    return (logits, norm_e, norm_e, norm_e)

if __name__ == "__main__":
    import jax
    _d = setup_inputs()
    print(jax.jit(kernel)(*tuple(_d.values())))

</pallas_src>

<mosaic_0001>
#map = affine_map<(d0, d1) -> (0, 0)>
#map1 = affine_map<(d0, d1) -> (0, 0, 0)>
module attributes {stable_mosaic.version = 14 : i64} {
  func.func @_deg_body(%arg0: i32, %arg1: i32, %arg2: memref<2560x125xi32, #tpu.memory_space<hbm>>, %arg3: memref<2x10240x16xf32, #tpu.memory_space<hbm>>, %arg4: memref<80x125xi32, #tpu.memory_space<vmem>>, %arg5: memref<125x16xf32, #tpu.memory_space<vmem>>, %arg6: memref<128x16xf32, #tpu.memory_space<vmem>>, %arg7: memref<10240x16xf32, #tpu.memory_space<vmem_shared>>, %arg8: memref<!tpu.dma_semaphore, #tpu.memory_space<semaphore_mem>>) attributes {dimension_semantics = [#tpu.dimension_semantics<core_parallel>, #tpu.dimension_semantics<subcore_parallel>], iteration_bounds = array<i64: 2, 16>, scalar_prefetch = 0 : i64, scratch_operands = 5 : i64, tpu.core_type = #tpu.core_type<sc_vector_subcore>, window_params = [{transform_indices = #map}, {transform_indices = #map1}]} {
    %broadcast_in_dim3A = arith.constant 1.000000e+00 : f32
    %broadcast_in_dim3A_0 = vector.broadcast %broadcast_in_dim3A : f32 to vector<16xf32>
    %scan3A = arith.constant 0 : i32
    %scan3A_1 = arith.constant 0 : i32
    %scan3A_2 = arith.constant 125 : i32
    %scan3A_3 = arith.addi %scan3A_1, %scan3A_2 : i32
    %scan3A_4 = arith.constant 1 : i32
    %scan3A_5 = scf.for %scan3A_43 = %scan3A_1 to %scan3A_3 step %scan3A_4 iter_args(%scan3A_44 = %scan3A) -> (i32)  : i32 {
      %swap3A = arith.index_cast %scan3A_43 : i32 to index
      %swap3A_45 = arith.constant 0 : index
      %swap3A_46 = tpu.vector_load %arg5[%swap3A, %swap3A_45] {strides = array<i32>} : memref<125x16xf32, #tpu.memory_space<vmem>>, vector<16xf32>,
      tpu.vector_store %arg5[%swap3A, %swap3A_45], %broadcast_in_dim3A_0 {strides = array<i32>} : memref<125x16xf32, #tpu.memory_space<vmem>>, vector<16xf32>,
      %scan3A_47 = arith.constant 0 : i32
      scf.yield %scan3A_47 : i32
    }
    %scan3A_6 = arith.constant 125 : i32
    %broadcast_in_dim3A_7 = arith.constant 0.000000e+00 : f32
    %broadcast_in_dim3A_8 = vector.broadcast %broadcast_in_dim3A_7 : f32 to vector<16xf32>
    %scan3A_9 = arith.constant 0 : i32
    %scan3A_10 = arith.constant 0 : i32
    %scan3A_11 = arith.constant 128 : i32
    %scan3A_12 = arith.addi %scan3A_10, %scan3A_11 : i32
    %scan3A_13 = arith.constant 1 : i32
    %scan3A_14 = scf.for %scan3A_43 = %scan3A_10 to %scan3A_12 step %scan3A_13 iter_args(%scan3A_44 = %scan3A_9) -> (i32)  : i32 {
      %swap3A = arith.index_cast %scan3A_43 : i32 to index
      %swap3A_45 = arith.constant 0 : index
      %swap3A_46 = tpu.vector_load %arg6[%swap3A, %swap3A_45] {strides = array<i32>} : memref<128x16xf32, #tpu.memory_space<vmem>>, vector<16xf32>,
      tpu.vector_store %arg6[%swap3A, %swap3A_45], %broadcast_in_dim3A_8 {strides = array<i32>} : memref<128x16xf32, #tpu.memory_space<vmem>>, vector<16xf32>,
      %scan3A_47 = arith.constant 0 : i32
      scf.yield %scan3A_47 : i32
    }
    %scan3A_15 = arith.constant 128 : i32
    %mul3A = arith.constant 640 : i32
    %mul3A_16 = arith.muli %arg1, %mul3A : i32
    %scan3A_17 = arith.constant 0 : i32
    %scan3A_18 = arith.constant 0 : i32
    %scan3A_19 = arith.constant 5 : i32
    %scan3A_20 = arith.addi %scan3A_18, %scan3A_19 : i32
    %scan3A_21 = arith.constant 1 : i32
    %scan3A_22 = scf.for %scan3A_43 = %scan3A_18 to %scan3A_20 step %scan3A_21 iter_args(%scan3A_44 = %scan3A_17) -> (i32)  : i32 {
      %mul3A_45 = arith.constant 128 : i32
      %mul3A_46 = arith.muli %scan3A_43, %mul3A_45 : i32
      %add3A_47 = arith.addi %mul3A_16, %mul3A_46 : i32
      "tpu.region"() ({
        %run_scoped3A = tpu.sem_alloc : memref<!tpu.dma_semaphore, #tpu.memory_space<semaphore_mem>>
        %dma_start3A = arith.constant 0 : i32
        %dma_start3A_49 = tpu.memref_slice %arg7[%add3A_47, %dma_start3A] : memref<10240x16xf32, #tpu.memory_space<vmem_shared>> -> memref<128x16xf32, #tpu.memory_space<vmem_shared>>
        %dma_start3A_50 = arith.constant 0 : i32
        %dma_start3A_51 = tpu.memref_slice %arg7[%add3A_47, %dma_start3A_50] : memref<10240x16xf32, #tpu.memory_space<vmem_shared>> -> memref<128x16xf32, #tpu.memory_space<vmem_shared>>
        tpu.enqueue_dma source(%arg6 : memref<128x16xf32, #tpu.memory_space<vmem>>) target(%dma_start3A_51 : memref<128x16xf32, #tpu.memory_space<vmem_shared>>) target_semaphore(%run_scoped3A : memref<!tpu.dma_semaphore, #tpu.memory_space<semaphore_mem>>)
        %dma_wait3A = arith.constant 0 : i32
        %dma_wait3A_52 = tpu.memref_slice %arg7[%add3A_47, %dma_wait3A] : memref<10240x16xf32, #tpu.memory_space<vmem_shared>> -> memref<128x16xf32, #tpu.memory_space<vmem_shared>>
        %dma_wait3A_53 = arith.constant 0 : i32
        %dma_wait3A_54 = tpu.memref_slice %arg7[%add3A_47, %dma_wait3A_53] : memref<10240x16xf32, #tpu.memory_space<vmem_shared>> -> memref<128x16xf32, #tpu.memory_space<vmem_shared>>
        tpu.wait_dma2 semaphore(%run_scoped3A : memref<!tpu.dma_semaphore, #tpu.memory_space<semaphore_mem>>) src(%arg6 : memref<128x16xf32, #tpu.memory_space<vmem>>) dst(%dma_wait3A_54 : memref<128x16xf32, #tpu.memory_space<vmem_shared>>)
        tpu.yield
      }) : () -> ()
      %scan3A_48 = arith.constant 0 : i32
      scf.yield %scan3A_48 : i32
    }
    %scan3A_23 = arith.constant 5 : i32
    %barrier3A = arith.constant 0 : index
    tpu.barrier barrier_id(%barrier3A)
    %mul3A_24 = arith.constant 1280 : i32
    %mul3A_25 = arith.muli %arg0, %mul3A_24 : i32
    %mul3A_26 = arith.constant 80 : i32
    %mul3A_27 = arith.muli %arg1, %mul3A_26 : i32
    %add3A = arith.addi %mul3A_25, %mul3A_27 : i32
    "tpu.region"() ({
      %run_scoped3A = tpu.sem_alloc : memref<!tpu.dma_semaphore, #tpu.memory_space<semaphore_mem>>
      %dma_start3A = arith.constant 0 : i32
      %dma_start3A_43 = tpu.memref_slice %arg2[%add3A, %dma_start3A] : memref<2560x125xi32, #tpu.memory_space<hbm>> -> memref<80x125xi32, #tpu.memory_space<hbm>>
      %dma_start3A_44 = arith.constant 0 : i32
      %dma_start3A_45 = tpu.memref_slice %arg2[%add3A, %dma_start3A_44] : memref<2560x125xi32, #tpu.memory_space<hbm>> -> memref<80x125xi32, #tpu.memory_space<hbm>>
      tpu.enqueue_dma source(%dma_start3A_45 : memref<80x125xi32, #tpu.memory_space<hbm>>) target(%arg4 : memref<80x125xi32, #tpu.memory_space<vmem>>) target_semaphore(%run_scoped3A : memref<!tpu.dma_semaphore, #tpu.memory_space<semaphore_mem>>)
      %dma_wait3A = arith.constant 0 : i32
      %dma_wait3A_46 = tpu.memref_slice %arg2[%add3A, %dma_wait3A] : memref<2560x125xi32, #tpu.memory_space<hbm>> -> memref<80x125xi32, #tpu.memory_space<hbm>>
      %dma_wait3A_47 = arith.constant 0 : i32
      %dma_wait3A_48 = tpu.memref_slice %arg2[%add3A, %dma_wait3A_47] : memref<2560x125xi32, #tpu.memory_space<hbm>> -> memref<80x125xi32, #tpu.memory_space<hbm>>
      tpu.wait_dma2 semaphore(%run_scoped3A : memref<!tpu.dma_semaphore, #tpu.memory_space<semaphore_mem>>) src(%dma_wait3A_48 : memref<80x125xi32, #tpu.memory_space<hbm>>) dst(%arg4 : memref<80x125xi32, #tpu.memory_space<vmem>>)
      tpu.yield
    }) : () -> ()
    %scan3A_28 = arith.constant 0 : i32
    %scan3A_29 = arith.constant 0 : i32
    %scan3A_30 = arith.constant 80 : i32
    %scan3A_31 = arith.addi %scan3A_29, %scan3A_30 : i32
    %scan3A_32 = arith.constant 1 : i32
    %scan3A_33 = scf.for %scan3A_43 = %scan3A_29 to %scan3A_31 step %scan3A_32 iter_args(%scan3A_44 = %scan3A_28) -> (i32)  : i32 {
      %dma_start3A = arith.constant 0 : i32
      %dma_start3A_45 = tpu.memref_slice %arg4[%scan3A_43, %dma_start3A] : memref<80x125xi32, #tpu.memory_space<vmem>> -> memref<1x125xi32, #tpu.memory_space<vmem>>
      %dma_start3A_46 = tpu.memref_squeeze %dma_start3A_45 : memref<1x125xi32, #tpu.memory_space<vmem>> -> memref<125xi32, #tpu.memory_space<vmem>>
      %dma_start3A_47 = arith.constant 0 : i32
      %dma_start3A_48 = arith.constant 0 : i32
      %dma_start3A_49 = tpu.memref_slice %arg7[%dma_start3A_47, %dma_start3A_48] : memref<10240x16xf32, #tpu.memory_space<vmem_shared>> -> memref<10240x16xf32, #tpu.memory_space<vmem_shared>>
      tpu.enqueue_indirect_dma source(%arg5 : memref<125x16xf32, #tpu.memory_space<vmem>>) target(%dma_start3A_49 : memref<10240x16xf32, #tpu.memory_space<vmem_shared>>) offsets(%dma_start3A_46 : memref<125xi32, #tpu.memory_space<vmem>>) semaphore(%arg8 : memref<!tpu.dma_semaphore, #tpu.memory_space<semaphore_mem>>) {add = true}
      %scan3A_50 = arith.constant 0 : i32
      scf.yield %scan3A_50 : i32
    }
    %scan3A_34 = arith.constant 80 : i32
    %scan3A_35 = arith.constant 0 : i32
    %scan3A_36 = arith.constant 0 : i32
    %scan3A_37 = arith.constant 80 : i32
    %scan3A_38 = arith.addi %scan3A_36, %scan3A_37 : i32
    %scan3A_39 = arith.constant 1 : i32
    %scan3A_40 = scf.for %scan3A_43 = %scan3A_36 to %scan3A_38 step %scan3A_39 iter_args(%scan3A_44 = %scan3A_35) -> (i32)  : i32 {
      %dma_wait3A = arith.constant 0 : i32
      %dma_wait3A_45 = arith.constant 0 : i32
      %dma_wait3A_46 = tpu.memref_slice %arg4[%dma_wait3A, %dma_wait3A_45] : memref<80x125xi32, #tpu.memory_space<vmem>> -> memref<1x125xi32, #tpu.memory_space<vmem>>
      %dma_wait3A_47 = tpu.memref_squeeze %dma_wait3A_46 : memref<1x125xi32, #tpu.memory_space<vmem>> -> memref<125xi32, #tpu.memory_space<vmem>>
      %dma_wait3A_48 = arith.constant 0 : i32
      %dma_wait3A_49 = arith.constant 0 : i32
      %dma_wait3A_50 = tpu.memref_slice %arg7[%dma_wait3A_48, %dma_wait3A_49] : memref<10240x16xf32, #tpu.memory_space<vmem_shared>> -> memref<10240x16xf32, #tpu.memory_space<vmem_shared>>
      tpu.wait_indirect_dma semaphore(%arg8 : memref<!tpu.dma_semaphore, #tpu.memory_space<semaphore_mem>>) src(%arg5 : memref<125x16xf32, #tpu.memory_space<vmem>>) dst(%dma_wait3A_50 : memref<10240x16xf32, #tpu.memory_space<vmem_shared>>)
      %scan3A_51 = arith.constant 0 : i32
      scf.yield %scan3A_51 : i32
    }
    %scan3A_41 = arith.constant 80 : i32
    %barrier3A_42 = arith.constant 0 : index
    tpu.barrier barrier_id(%barrier3A_42)
    "tpu.region"() ({
      %run_scoped3A = tpu.sem_alloc : memref<!tpu.dma_semaphore, #tpu.memory_space<semaphore_mem>>
      %dma_start3A = arith.constant 0 : i32
      %dma_start3A_43 = tpu.memref_slice %arg3[%arg0, %mul3A_16, %dma_start3A] : memref<2x10240x16xf32, #tpu.memory_space<hbm>> -> memref<1x640x16xf32, #tpu.memory_space<hbm>>
      %dma_start3A_44 = tpu.memref_squeeze %dma_start3A_43 : memref<1x640x16xf32, #tpu.memory_space<hbm>> -> memref<640x16xf32, #tpu.memory_space<hbm>>
      %dma_start3A_45 = arith.constant 0 : i32
      %dma_start3A_46 = tpu.memref_slice %arg7[%mul3A_16, %dma_start3A_45] : memref<10240x16xf32, #tpu.memory_space<vmem_shared>> -> memref<640x16xf32, #tpu.memory_space<vmem_shared>>
      tpu.enqueue_dma source(%dma_start3A_46 : memref<640x16xf32, #tpu.memory_space<vmem_shared>>) target(%dma_start3A_44 : memref<640x16xf32, #tpu.memory_space<hbm>>) target_semaphore(%run_scoped3A : memref<!tpu.dma_semaphore, #tpu.memory_space<semaphore_mem>>)
      %dma_wait3A = arith.constant 0 : i32
      %dma_wait3A_47 = tpu.memref_slice %arg3[%arg0, %mul3A_16, %dma_wait3A] : memref<2x10240x16xf32, #tpu.memory_space<hbm>> -> memref<1x640x16xf32, #tpu.memory_space<hbm>>
      %dma_wait3A_48 = tpu.memref_squeeze %dma_wait3A_47 : memref<1x640x16xf32, #tpu.memory_space<hbm>> -> memref<640x16xf32, #tpu.memory_space<hbm>>
      %dma_wait3A_49 = arith.constant 0 : i32
      %dma_wait3A_50 = tpu.memref_slice %arg7[%mul3A_16, %dma_wait3A_49] : memref<10240x16xf32, #tpu.memory_space<vmem_shared>> -> memref<640x16xf32, #tpu.memory_space<vmem_shared>>
      tpu.wait_dma2 semaphore(%run_scoped3A : memref<!tpu.dma_semaphore, #tpu.memory_space<semaphore_mem>>) src(%dma_wait3A_50 : memref<640x16xf32, #tpu.memory_space<vmem_shared>>) dst(%dma_wait3A_48 : memref<640x16xf32, #tpu.memory_space<hbm>>)
      tpu.yield
    }) : () -> ()
    return
  }
}

#map = affine_map<(d0, d1) -> (0, 0)>
#map1 = affine_map<(d0, d1) -> (0)>
module attributes {stable_mosaic.version = 14 : i64} {
  func.func @_norm_body(%arg0: i32, %arg1: i32, %arg2: memref<10240x1xf32, #tpu.memory_space<hbm>>, %arg3: memref<2560x125xi32, #tpu.memory_space<hbm>>, %arg4: memref<2560x125xi32, #tpu.memory_space<hbm>>, %arg5: memref<320000xf32, #tpu.memory_space<hbm>>, %arg6: memref<10240x1xf32, #tpu.memory_space<vmem>>, %arg7: memref<80x125xi32, #tpu.memory_space<vmem>>, %arg8: memref<80x125xi32, #tpu.memory_space<vmem>>, %arg9: memref<10000xf32, #tpu.memory_space<vmem>>) attributes {dimension_semantics = [#tpu.dimension_semantics<core_parallel>, #tpu.dimension_semantics<subcore_parallel>], iteration_bounds = array<i64: 2, 16>, scalar_prefetch = 0 : i64, scratch_operands = 4 : i64, tpu.core_type = #tpu.core_type<sc_vector_subcore>, window_params = [{transform_indices = #map}, {transform_indices = #map}, {transform_indices = #map}, {transform_indices = #map1}]} {
    %mul3A = arith.constant 2 : i32
    %mul3A_0 = arith.muli %arg1, %mul3A : i32
    %add3A = arith.addi %mul3A_0, %arg0 : i32
    %broadcast_in_dim3A = arith.constant 0 : i32
    %broadcast_in_dim3A_1 = vector.broadcast %broadcast_in_dim3A : i32 to vector<16xi32>
    "tpu.region"() ({
      %run_scoped3A = tpu.sem_alloc : memref<!tpu.dma_semaphore, #tpu.memory_space<semaphore_mem>>
      tpu.enqueue_dma source(%arg2 : memref<10240x1xf32, #tpu.memory_space<hbm>>) target(%arg6 : memref<10240x1xf32, #tpu.memory_space<vmem>>) target_semaphore(%run_scoped3A : memref<!tpu.dma_semaphore, #tpu.memory_space<semaphore_mem>>)
      tpu.wait_dma2 semaphore(%run_scoped3A : memref<!tpu.dma_semaphore, #tpu.memory_space<semaphore_mem>>) src(%arg2 : memref<10240x1xf32, #tpu.memory_space<hbm>>) dst(%arg6 : memref<10240x1xf32, #tpu.memory_space<vmem>>)
      tpu.yield
    }) : () -> ()
    %mul3A_2 = arith.constant 80 : i32
    %mul3A_3 = arith.muli %add3A, %mul3A_2 : i32
    "tpu.region"() ({
      %run_scoped3A = tpu.sem_alloc : memref<!tpu.dma_semaphore, #tpu.memory_space<semaphore_mem>>
      %dma_start3A = arith.constant 0 : i32
      %dma_start3A_12 = tpu.memref_slice %arg3[%mul3A_3, %dma_start3A] : memref<2560x125xi32, #tpu.memory_space<hbm>> -> memref<80x125xi32, #tpu.memory_space<hbm>>
      %dma_start3A_13 = arith.constant 0 : i32
      %dma_start3A_14 = tpu.memref_slice %arg3[%mul3A_3, %dma_start3A_13] : memref<2560x125xi32, #tpu.memory_space<hbm>> -> memref<80x125xi32, #tpu.memory_space<hbm>>
      tpu.enqueue_dma source(%dma_start3A_14 : memref<80x125xi32, #tpu.memory_space<hbm>>) target(%arg7 : memref<80x125xi32, #tpu.memory_space<vmem>>) target_semaphore(%run_scoped3A : memref<!tpu.dma_semaphore, #tpu.memory_space<semaphore_mem>>)
      %dma_wait3A = arith.constant 0 : i32
      %dma_wait3A_15 = tpu.memref_slice %arg3[%mul3A_3, %dma_wait3A] : memref<2560x125xi32, #tpu.memory_space<hbm>> -> memref<80x125xi32, #tpu.memory_space<hbm>>
      %dma_wait3A_16 = arith.constant 0 : i32
      %dma_wait3A_17 = tpu.memref_slice %arg3[%mul3A_3, %dma_wait3A_16] : memref<2560x125xi32, #tpu.memory_space<hbm>> -> memref<80x125xi32, #tpu.memory_space<hbm>>
      tpu.wait_dma2 semaphore(%run_scoped3A : memref<!tpu.dma_semaphore, #tpu.memory_space<semaphore_mem>>) src(%dma_wait3A_17 : memref<80x125xi32, #tpu.memory_space<hbm>>) dst(%arg7 : memref<80x125xi32, #tpu.memory_space<vmem>>)
      tpu.yield
    }) : () -> ()
    "tpu.region"() ({
      %run_scoped3A = tpu.sem_alloc : memref<!tpu.dma_semaphore, #tpu.memory_space<semaphore_mem>>
      %dma_start3A = arith.constant 0 : i32
      %dma_start3A_12 = tpu.memref_slice %arg4[%mul3A_3, %dma_start3A] : memref<2560x125xi32, #tpu.memory_space<hbm>> -> memref<80x125xi32, #tpu.memory_space<hbm>>
      %dma_start3A_13 = arith.constant 0 : i32
      %dma_start3A_14 = tpu.memref_slice %arg4[%mul3A_3, %dma_start3A_13] : memref<2560x125xi32, #tpu.memory_space<hbm>> -> memref<80x125xi32, #tpu.memory_space<hbm>>
      tpu.enqueue_dma source(%dma_start3A_14 : memref<80x125xi32, #tpu.memory_space<hbm>>) target(%arg8 : memref<80x125xi32, #tpu.memory_space<vmem>>) target_semaphore(%run_scoped3A : memref<!tpu.dma_semaphore, #tpu.memory_space<semaphore_mem>>)
      %dma_wait3A = arith.constant 0 : i32
      %dma_wait3A_15 = tpu.memref_slice %arg4[%mul3A_3, %dma_wait3A] : memref<2560x125xi32, #tpu.memory_space<hbm>> -> memref<80x125xi32, #tpu.memory_space<hbm>>
      %dma_wait3A_16 = arith.constant 0 : i32
      %dma_wait3A_17 = tpu.memref_slice %arg4[%mul3A_3, %dma_wait3A_16] : memref<2560x125xi32, #tpu.memory_space<hbm>> -> memref<80x125xi32, #tpu.memory_space<hbm>>
      tpu.wait_dma2 semaphore(%run_scoped3A : memref<!tpu.dma_semaphore, #tpu.memory_space<semaphore_mem>>) src(%dma_wait3A_17 : memref<80x125xi32, #tpu.memory_space<hbm>>) dst(%arg8 : memref<80x125xi32, #tpu.memory_space<vmem>>)
      tpu.yield
    }) : () -> ()
    %scan3A = arith.constant 0 : i32
    %scan3A_4 = arith.constant 0 : i32
    %scan3A_5 = arith.constant 80 : i32
    %scan3A_6 = arith.addi %scan3A_4, %scan3A_5 : i32
    %scan3A_7 = arith.constant 1 : i32
    %scan3A_8 = scf.for %scan3A_12 = %scan3A_4 to %scan3A_6 step %scan3A_7 iter_args(%scan3A_13 = %scan3A) -> (i32)  : i32 {
      %get3A = arith.index_cast %scan3A_12 : i32 to index
      %get3A_14 = arith.constant 0 : index
      %get3A_15 = tpu.vector_load %arg7[%get3A, %get3A_14] {strides = array<i32>} : memref<80x125xi32, #tpu.memory_space<vmem>>, vector<16xi32>,
      %get3A_16 = arith.index_cast %scan3A_12 : i32 to index
      %get3A_17 = arith.constant 0 : index
      %get3A_18 = tpu.vector_load %arg8[%get3A_16, %get3A_17] {strides = array<i32>} : memref<80x125xi32, #tpu.memory_space<vmem>>, vector<16xi32>,
      %gather3A = tpu.vector_load_idx %arg6[%get3A_15, %broadcast_in_dim3A_1] : memref<10240x1xf32, #tpu.memory_space<vmem>>[vector<16xi32>, vector<16xi32>], vector<16xf32>,
      %gather3A_19 = tpu.vector_load_idx %arg6[%get3A_18, %broadcast_in_dim3A_1] : memref<10240x1xf32, #tpu.memory_space<vmem>>[vector<16xi32>, vector<16xi32>], vector<16xf32>,
      %mul3A_20 = arith.mulf %gather3A, %gather3A_19 : vector<16xf32>
      %mul3A_21 = arith.constant 125 : i32
      %mul3A_22 = arith.muli %scan3A_12, %mul3A_21 : i32
      %add3A_23 = arith.constant 0 : i32
      %add3A_24 = arith.addi %mul3A_22, %add3A_23 : i32
      %swap3A = arith.index_cast %add3A_24 : i32 to index
      %swap3A_25 = tpu.vector_load %arg9[%swap3A] {strides = array<i32>} : memref<10000xf32, #tpu.memory_space<vmem>>, vector<16xf32>,
      tpu.vector_store %arg9[%swap3A], %mul3A_20 {strides = array<i32>} : memref<10000xf32, #tpu.memory_space<vmem>>, vector<16xf32>,
      %get3A_26 = arith.index_cast %scan3A_12 : i32 to index
      %get3A_27 = arith.constant 16 : index
      %get3A_28 = tpu.vector_load %arg7[%get3A_26, %get3A_27] {strides = array<i32>} : memref<80x125xi32, #tpu.memory_space<vmem>>, vector<16xi32>,
      %get3A_29 = arith.index_cast %scan3A_12 : i32 to index
      %get3A_30 = arith.constant 16 : index
      %get3A_31 = tpu.vector_load %arg8[%get3A_29, %get3A_30] {strides = array<i32>} : memref<80x125xi32, #tpu.memory_space<vmem>>, vector<16xi32>,
      %gather3A_32 = tpu.vector_load_idx %arg6[%get3A_28, %broadcast_in_dim3A_1] : memref<10240x1xf32, #tpu.memory_space<vmem>>[vector<16xi32>, vector<16xi32>], vector<16xf32>,
      %gather3A_33 = tpu.vector_load_idx %arg6[%get3A_31, %broadcast_in_dim3A_1] : memref<10240x1xf32, #tpu.memory_space<vmem>>[vector<16xi32>, vector<16xi32>], vector<16xf32>,
      %mul3A_34 = arith.mulf %gather3A_32, %gather3A_33 : vector<16xf32>
      %mul3A_35 = arith.constant 125 : i32
      %mul3A_36 = arith.muli %scan3A_12, %mul3A_35 : i32
      %add3A_37 = arith.constant 16 : i32
      %add3A_38 = arith.addi %mul3A_36, %add3A_37 : i32
      %swap3A_39 = arith.index_cast %add3A_38 : i32 to index
      %swap3A_40 = tpu.vector_load %arg9[%swap3A_39] {strides = array<i32>} : memref<10000xf32, #tpu.memory_space<vmem>>, vector<16xf32>,
      tpu.vector_store %arg9[%swap3A_39], %mul3A_34 {strides = array<i32>} : memref<10000xf32, #tpu.memory_space<vmem>>, vector<16xf32>,
      %get3A_41 = arith.index_cast %scan3A_12 : i32 to index
      %get3A_42 = arith.constant 32 : index
      %get3A_43 = tpu.vector_load %arg7[%get3A_41, %get3A_42] {strides = array<i32>} : memref<80x125xi32, #tpu.memory_space<vmem>>, vector<16xi32>,
      %get3A_44 = arith.index_cast %scan3A_12 : i32 to index
      %get3A_45 = arith.constant 32 : index
      %get3A_46 = tpu.vector_load %arg8[%get3A_44, %get3A_45] {strides = array<i32>} : memref<80x125xi32, #tpu.memory_space<vmem>>, vector<16xi32>,
      %gather3A_47 = tpu.vector_load_idx %arg6[%get3A_43, %broadcast_in_dim3A_1] : memref<10240x1xf32, #tpu.memory_space<vmem>>[vector<16xi32>, vector<16xi32>], vector<16xf32>,
      %gather3A_48 = tpu.vector_load_idx %arg6[%get3A_46, %broadcast_in_dim3A_1] : memref<10240x1xf32, #tpu.memory_space<vmem>>[vector<16xi32>, vector<16xi32>], vector<16xf32>,
      %mul3A_49 = arith.mulf %gather3A_47, %gather3A_48 : vector<16xf32>
      %mul3A_50 = arith.constant 125 : i32
      %mul3A_51 = arith.muli %scan3A_12, %mul3A_50 : i32
      %add3A_52 = arith.constant 32 : i32
      %add3A_53 = arith.addi %mul3A_51, %add3A_52 : i32
      %swap3A_54 = arith.index_cast %add3A_53 : i32 to index
      %swap3A_55 = tpu.vector_load %arg9[%swap3A_54] {strides = array<i32>} : memref<10000xf32, #tpu.memory_space<vmem>>, vector<16xf32>,
      tpu.vector_store %arg9[%swap3A_54], %mul3A_49 {strides = array<i32>} : memref<10000xf32, #tpu.memory_space<vmem>>, vector<16xf32>,
      %get3A_56 = arith.index_cast %scan3A_12 : i32 to index
      %get3A_57 = arith.constant 48 : index
      %get3A_58 = tpu.vector_load %arg7[%get3A_56, %get3A_57] {strides = array<i32>} : memref<80x125xi32, #tpu.memory_space<vmem>>, vector<16xi32>,
      %get3A_59 = arith.index_cast %scan3A_12 : i32 to index
      %get3A_60 = arith.constant 48 : index
      %get3A_61 = tpu.vector_load %arg8[%get3A_59, %get3A_60] {strides = array<i32>} : memref<80x125xi32, #tpu.memory_space<vmem>>, vector<16xi32>,
      %gather3A_62 = tpu.vector_load_idx %arg6[%get3A_58, %broadcast_in_dim3A_1] : memref<10240x1xf32, #tpu.memory_space<vmem>>[vector<16xi32>, vector<16xi32>], vector<16xf32>,
      %gather3A_63 = tpu.vector_load_idx %arg6[%get3A_61, %broadcast_in_dim3A_1] : memref<10240x1xf32, #tpu.memory_space<vmem>>[vector<16xi32>, vector<16xi32>], vector<16xf32>,
      %mul3A_64 = arith.mulf %gather3A_62, %gather3A_63 : vector<16xf32>
      %mul3A_65 = arith.constant 125 : i32
      %mul3A_66 = arith.muli %scan3A_12, %mul3A_65 : i32
      %add3A_67 = arith.constant 48 : i32
      %add3A_68 = arith.addi %mul3A_66, %add3A_67 : i32
      %swap3A_69 = arith.index_cast %add3A_68 : i32 to index
      %swap3A_70 = tpu.vector_load %arg9[%swap3A_69] {strides = array<i32>} : memref<10000xf32, #tpu.memory_space<vmem>>, vector<16xf32>,
      tpu.vector_store %arg9[%swap3A_69], %mul3A_64 {strides = array<i32>} : memref<10000xf32, #tpu.memory_space<vmem>>, vector<16xf32>,
      %get3A_71 = arith.index_cast %scan3A_12 : i32 to index
      %get3A_72 = arith.constant 64 : index
      %get3A_73 = tpu.vector_load %arg7[%get3A_71, %get3A_72] {strides = array<i32>} : memref<80x125xi32, #tpu.memory_space<vmem>>, vector<16xi32>,
      %get3A_74 = arith.index_cast %scan3A_12 : i32 to index
      %get3A_75 = arith.constant 64 : index
      %get3A_76 = tpu.vector_load %arg8[%get3A_74, %get3A_75] {strides = array<i32>} : memref<80x125xi32, #tpu.memory_space<vmem>>, vector<16xi32>,
      %gather3A_77 = tpu.vector_load_idx %arg6[%get3A_73, %broadcast_in_dim3A_1] : memref<10240x1xf32, #tpu.memory_space<vmem>>[vector<16xi32>, vector<16xi32>], vector<16xf32>,
      %gather3A_78 = tpu.vector_load_idx %arg6[%get3A_76, %broadcast_in_dim3A_1] : memref<10240x1xf32, #tpu.memory_space<vmem>>[vector<16xi32>, vector<16xi32>], vector<16xf32>,
      %mul3A_79 = arith.mulf %gather3A_77, %gather3A_78 : vector<16xf32>
      %mul3A_80 = arith.constant 125 : i32
      %mul3A_81 = arith.muli %scan3A_12, %mul3A_80 : i32
      %add3A_82 = arith.constant 64 : i32
      %add3A_83 = arith.addi %mul3A_81, %add3A_82 : i32
      %swap3A_84 = arith.index_cast %add3A_83 : i32 to index
      %swap3A_85 = tpu.vector_load %arg9[%swap3A_84] {strides = array<i32>} : memref<10000xf32, #tpu.memory_space<vmem>>, vector<16xf32>,
      tpu.vector_store %arg9[%swap3A_84], %mul3A_79 {strides = array<i32>} : memref<10000xf32, #tpu.memory_space<vmem>>, vector<16xf32>,
      %get3A_86 = arith.index_cast %scan3A_12 : i32 to index
      %get3A_87 = arith.constant 80 : index
      %get3A_88 = tpu.vector_load %arg7[%get3A_86, %get3A_87] {strides = array<i32>} : memref<80x125xi32, #tpu.memory_space<vmem>>, vector<16xi32>,
      %get3A_89 = arith.index_cast %scan3A_12 : i32 to index
      %get3A_90 = arith.constant 80 : index
      %get3A_91 = tpu.vector_load %arg8[%get3A_89, %get3A_90] {strides = array<i32>} : memref<80x125xi32, #tpu.memory_space<vmem>>, vector<16xi32>,
      %gather3A_92 = tpu.vector_load_idx %arg6[%get3A_88, %broadcast_in_dim3A_1] : memref<10240x1xf32, #tpu.memory_space<vmem>>[vector<16xi32>, vector<16xi32>], vector<16xf32>,
      %gather3A_93 = tpu.vector_load_idx %arg6[%get3A_91, %broadcast_in_dim3A_1] : memref<10240x1xf32, #tpu.memory_space<vmem>>[vector<16xi32>, vector<16xi32>], vector<16xf32>,
      %mul3A_94 = arith.mulf %gather3A_92, %gather3A_93 : vector<16xf32>
      %mul3A_95 = arith.constant 125 : i32
      %mul3A_96 = arith.muli %scan3A_12, %mul3A_95 : i32
      %add3A_97 = arith.constant 80 : i32
      %add3A_98 = arith.addi %mul3A_96, %add3A_97 : i32
      %swap3A_99 = arith.index_cast %add3A_98 : i32 to index
      %swap3A_100 = tpu.vector_load %arg9[%swap3A_99] {strides = array<i32>} : memref<10000xf32, #tpu.memory_space<vmem>>, vector<16xf32>,
      tpu.vector_store %arg9[%swap3A_99], %mul3A_94 {strides = array<i32>} : memref<10000xf32, #tpu.memory_space<vmem>>, vector<16xf32>,
      %get3A_101 = arith.index_cast %scan3A_12 : i32 to index
      %get3A_102 = arith.constant 96 : index
      %get3A_103 = tpu.vector_load %arg7[%get3A_101, %get3A_102] {strides = array<i32>} : memref<80x125xi32, #tpu.memory_space<vmem>>, vector<16xi32>,
      %get3A_104 = arith.index_cast %scan3A_12 : i32 to index
      %get3A_105 = arith.constant 96 : index
      %get3A_106 = tpu.vector_load %arg8[%get3A_104, %get3A_105] {strides = array<i32>} : memref<80x125xi32, #tpu.memory_space<vmem>>, vector<16xi32>,
      %gather3A_107 = tpu.vector_load_idx %arg6[%get3A_103, %broadcast_in_dim3A_1] : memref<10240x1xf32, #tpu.memory_space<vmem>>[vector<16xi32>, vector<16xi32>], vector<16xf32>,
      %gather3A_108 = tpu.vector_load_idx %arg6[%get3A_106, %broadcast_in_dim3A_1] : memref<10240x1xf32, #tpu.memory_space<vmem>>[vector<16xi32>, vector<16xi32>], vector<16xf32>,
      %mul3A_109 = arith.mulf %gather3A_107, %gather3A_108 : vector<16xf32>
      %mul3A_110 = arith.constant 125 : i32
      %mul3A_111 = arith.muli %scan3A_12, %mul3A_110 : i32
      %add3A_112 = arith.constant 96 : i32
      %add3A_113 = arith.addi %mul3A_111, %add3A_112 : i32
      %swap3A_114 = arith.index_cast %add3A_113 : i32 to index
      %swap3A_115 = tpu.vector_load %arg9[%swap3A_114] {strides = array<i32>} : memref<10000xf32, #tpu.memory_space<vmem>>, vector<16xf32>,
      tpu.vector_store %arg9[%swap3A_114], %mul3A_109 {strides = array<i32>} : memref<10000xf32, #tpu.memory_space<vmem>>, vector<16xf32>,
      %get3A_116 = arith.index_cast %scan3A_12 : i32 to index
      %get3A_117 = arith.constant 109 : index
      %get3A_118 = tpu.vector_load %arg7[%get3A_116, %get3A_117] {strides = array<i32>} : memref<80x125xi32, #tpu.memory_space<vmem>>, vector<16xi32>,
      %get3A_119 = arith.index_cast %scan3A_12 : i32 to index
      %get3A_120 = arith.constant 109 : index
      %get3A_121 = tpu.vector_load %arg8[%get3A_119, %get3A_120] {strides = array<i32>} : memref<80x125xi32, #tpu.memory_space<vmem>>, vector<16xi32>,
      %gather3A_122 = tpu.vector_load_idx %arg6[%get3A_118, %broadcast_in_dim3A_1] : memref<10240x1xf32, #tpu.memory_space<vmem>>[vector<16xi32>, vector<16xi32>], vector<16xf32>,
      %gather3A_123 = tpu.vector_load_idx %arg6[%get3A_121, %broadcast_in_dim3A_1] : memref<10240x1xf32, #tpu.memory_space<vmem>>[vector<16xi32>, vector<16xi32>], vector<16xf32>,
      %mul3A_124 = arith.mulf %gather3A_122, %gather3A_123 : vector<16xf32>
      %mul3A_125 = arith.constant 125 : i32
      %mul3A_126 = arith.muli %scan3A_12, %mul3A_125 : i32
      %add3A_127 = arith.constant 109 : i32
      %add3A_128 = arith.addi %mul3A_126, %add3A_127 : i32
      %swap3A_129 = arith.index_cast %add3A_128 : i32 to index
      %swap3A_130 = tpu.vector_load %arg9[%swap3A_129] {strides = array<i32>} : memref<10000xf32, #tpu.memory_space<vmem>>, vector<16xf32>,
      tpu.vector_store %arg9[%swap3A_129], %mul3A_124 {strides = array<i32>} : memref<10000xf32, #tpu.memory_space<vmem>>, vector<16xf32>,
      %scan3A_131 = arith.constant 0 : i32
      scf.yield %scan3A_131 : i32
    }
    %scan3A_9 = arith.constant 80 : i32
    %mul3A_10 = arith.constant 10000 : i32
    %mul3A_11 = arith.muli %add3A, %mul3A_10 : i32
    "tpu.region"() ({
      %run_scoped3A = tpu.sem_alloc : memref<!tpu.dma_semaphore, #tpu.memory_space<semaphore_mem>>
      %dma_start3A = tpu.memref_slice %arg5[%mul3A_11] : memref<320000xf32, #tpu.memory_space<hbm>> -> memref<10000xf32, #tpu.memory_space<hbm>>
      %dma_start3A_12 = tpu.memref_slice %arg5[%mul3A_11] : memref<320000xf32, #tpu.memory_space<hbm>> -> memref<10000xf32, #tpu.memory_space<hbm>>
      tpu.enqueue_dma source(%arg9 : memref<10000xf32, #tpu.memory_space<vmem>>) target(%dma_start3A_12 : memref<10000xf32, #tpu.memory_space<hbm>>) target_semaphore(%run_scoped3A : memref<!tpu.dma_semaphore, #tpu.memory_space<semaphore_mem>>)
      %dma_wait3A = tpu.memref_slice %arg5[%mul3A_11] : memref<320000xf32, #tpu.memory_space<hbm>> -> memref<10000xf32, #tpu.memory_space<hbm>>
      %dma_wait3A_13 = tpu.memref_slice %arg5[%mul3A_11] : memref<320000xf32, #tpu.memory_space<hbm>> -> memref<10000xf32, #tpu.memory_space<hbm>>
      tpu.wait_dma2 semaphore(%run_scoped3A : memref<!tpu.dma_semaphore, #tpu.memory_space<semaphore_mem>>) src(%arg9 : memref<10000xf32, #tpu.memory_space<vmem>>) dst(%dma_wait3A_13 : memref<10000xf32, #tpu.memory_space<hbm>>)
      tpu.yield
    }) : () -> ()
    return
  }
}

#map = affine_map<(d0, d1) -> (0, 0)>
#map1 = affine_map<(d0, d1) -> (0, 0, 0)>
module attributes {stable_mosaic.version = 14 : i64} {
  func.func @body(%arg0: i32, %arg1: i32, %arg2: memref<10000x128xi16, #tpu.memory_space<hbm>>, %arg3: memref<2560x125xi32, #tpu.memory_space<hbm>>, %arg4: memref<2560x125xi32, #tpu.memory_space<hbm>>, %arg5: memref<2x10240x128xi16, #tpu.memory_space<hbm>>, %arg6: memref<80x125xi32, #tpu.memory_space<vmem>>, %arg7: memref<80x125xi32, #tpu.memory_space<vmem>>, %arg8: memref<125x128xi16, #tpu.memory_space<vmem>>, %arg9: memref<125x128xi16, #tpu.memory_space<vmem>>, %arg10: memref<125x128xi16, #tpu.memory_space<vmem>>, %arg11: memref<125x128xi16, #tpu.memory_space<vmem>>, %arg12: memref<125x128xi16, #tpu.memory_space<vmem>>, %arg13: memref<128x128xi16, #tpu.memory_space<vmem>>, %arg14: memref<10240x128xi16, #tpu.memory_space<vmem_shared>>, %arg15: memref<!tpu.dma_semaphore, #tpu.memory_space<semaphore_mem>>, %arg16: memref<!tpu.dma_semaphore, #tpu.memory_space<semaphore_mem>>, %arg17: memref<!tpu.dma_semaphore, #tpu.memory_space<semaphore_mem>>, %arg18: memref<!tpu.dma_semaphore, #tpu.memory_space<semaphore_mem>>, %arg19: memref<!tpu.dma_semaphore, #tpu.memory_space<semaphore_mem>>, %arg20: memref<!tpu.dma_semaphore, #tpu.memory_space<semaphore_mem>>, %arg21: memref<!tpu.dma_semaphore, #tpu.memory_space<semaphore_mem>>, %arg22: memref<!tpu.dma_semaphore, #tpu.memory_space<semaphore_mem>>, %arg23: memref<!tpu.dma_semaphore, #tpu.memory_space<semaphore_mem>>, %arg24: memref<!tpu.dma_semaphore, #tpu.memory_space<semaphore_mem>>) attributes {dimension_semantics = [#tpu.dimension_semantics<core_parallel>, #tpu.dimension_semantics<subcore_parallel>], iteration_bounds = array<i64: 2, 16>, scalar_prefetch = 0 : i64, scratch_operands = 19 : i64, tpu.core_type = #tpu.core_type<sc_vector_subcore>, window_params = [{transform_indices = #map}, {transform_indices = #map}, {transform_indices = #map}, {transform_indices = #map1}]} {
    %broadcast_in_dim3A = arith.constant 0 : i16
    %broadcast_in_dim3A_0 = vector.broadcast %broadcast_in_dim3A : i16 to vector<32xi16>
    %scan3A = arith.constant 0 : i32
    %scan3A_1 = arith.constant 0 : i32
    %scan3A_2 = arith.constant 128 : i32
    %scan3A_3 = arith.addi %scan3A_1, %scan3A_2 : i32
    %scan3A_4 = arith.constant 1 : i32
    %scan3A_5 = scf.for %scan3A_95 = %scan3A_1 to %scan3A_3 step %scan3A_4 iter_args(%scan3A_96 = %scan3A) -> (i32)  : i32 {
      %swap3A = arith.index_cast %scan3A_95 : i32 to index
      %swap3A_97 = arith.constant 0 : index
      %swap3A_98 = tpu.vector_load %arg13[%swap3A, %swap3A_97] {strides = array<i32>} : memref<128x128xi16, #tpu.memory_space<vmem>>, vector<32xi16>,
      tpu.vector_store %arg13[%swap3A, %swap3A_97], %broadcast_in_dim3A_0 {strides = array<i32>} : memref<128x128xi16, #tpu.memory_space<vmem>>, vector<32xi16>,
      %swap3A_99 = arith.index_cast %scan3A_95 : i32 to index
      %swap3A_100 = arith.constant 32 : index
      %swap3A_101 = tpu.vector_load %arg13[%swap3A_99, %swap3A_100] {strides = array<i32>} : memref<128x128xi16, #tpu.memory_space<vmem>>, vector<32xi16>,
      tpu.vector_store %arg13[%swap3A_99, %swap3A_100], %broadcast_in_dim3A_0 {strides = array<i32>} : memref<128x128xi16, #tpu.memory_space<vmem>>, vector<32xi16>,
      %swap3A_102 = arith.index_cast %scan3A_95 : i32 to index
      %swap3A_103 = arith.constant 64 : index
      %swap3A_104 = tpu.vector_load %arg13[%swap3A_102, %swap3A_103] {strides = array<i32>} : memref<128x128xi16, #tpu.memory_space<vmem>>, vector<32xi16>,
      tpu.vector_store %arg13[%swap3A_102, %swap3A_103], %broadcast_in_dim3A_0 {strides = array<i32>} : memref<128x128xi16, #tpu.memory_space<vmem>>, vector<32xi16>,
      %swap3A_105 = arith.index_cast %scan3A_95 : i32 to index
      %swap3A_106 = arith.constant 96 : index
      %swap3A_107 = tpu.vector_load %arg13[%swap3A_105, %swap3A_106] {strides = array<i32>} : memref<128x128xi16, #tpu.memory_space<vmem>>, vector<32xi16>,
      tpu.vector_store %arg13[%swap3A_105, %swap3A_106], %broadcast_in_dim3A_0 {strides = array<i32>} : memref<128x128xi16, #tpu.memory_space<vmem>>, vector<32xi16>,
      %scan3A_108 = arith.constant 0 : i32
      scf.yield %scan3A_108 : i32
    }
    %scan3A_6 = arith.constant 128 : i32
    %mul3A = arith.constant 640 : i32
    %mul3A_7 = arith.muli %arg1, %mul3A : i32
    %scan3A_8 = arith.constant 0 : i32
    %scan3A_9 = arith.constant 0 : i32
    %scan3A_10 = arith.constant 5 : i32
    %scan3A_11 = arith.addi %scan3A_9, %scan3A_10 : i32
    %scan3A_12 = arith.constant 1 : i32
    %scan3A_13 = scf.for %scan3A_95 = %scan3A_9 to %scan3A_11 step %scan3A_12 iter_args(%scan3A_96 = %scan3A_8) -> (i32)  : i32 {
      %mul3A_97 = arith.constant 128 : i32
      %mul3A_98 = arith.muli %scan3A_95, %mul3A_97 : i32
      %add3A_99 = arith.addi %mul3A_7, %mul3A_98 : i32
      "tpu.region"() ({
        %run_scoped3A = tpu.sem_alloc : memref<!tpu.dma_semaphore, #tpu.memory_space<semaphore_mem>>
        %dma_start3A_101 = arith.constant 0 : i32
        %dma_start3A_102 = tpu.memref_slice %arg14[%add3A_99, %dma_start3A_101] : memref<10240x128xi16, #tpu.memory_space<vmem_shared>> -> memref<128x128xi16, #tpu.memory_space<vmem_shared>>
        %dma_start3A_103 = arith.constant 0 : i32
        %dma_start3A_104 = tpu.memref_slice %arg14[%add3A_99, %dma_start3A_103] : memref<10240x128xi16, #tpu.memory_space<vmem_shared>> -> memref<128x128xi16, #tpu.memory_space<vmem_shared>>
        tpu.enqueue_dma source(%arg13 : memref<128x128xi16, #tpu.memory_space<vmem>>) target(%dma_start3A_104 : memref<128x128xi16, #tpu.memory_space<vmem_shared>>) target_semaphore(%run_scoped3A : memref<!tpu.dma_semaphore, #tpu.memory_space<semaphore_mem>>)
        %dma_wait3A_105 = arith.constant 0 : i32
        %dma_wait3A_106 = tpu.memref_slice %arg14[%add3A_99, %dma_wait3A_105] : memref<10240x128xi16, #tpu.memory_space<vmem_shared>> -> memref<128x128xi16, #tpu.memory_space<vmem_shared>>
        %dma_wait3A_107 = arith.constant 0 : i32
        %dma_wait3A_108 = tpu.memref_slice %arg14[%add3A_99, %dma_wait3A_107] : memref<10240x128xi16, #tpu.memory_space<vmem_shared>> -> memref<128x128xi16, #tpu.memory_space<vmem_shared>>
        tpu.wait_dma2 semaphore(%run_scoped3A : memref<!tpu.dma_semaphore, #tpu.memory_space<semaphore_mem>>) src(%arg13 : memref<128x128xi16, #tpu.memory_space<vmem>>) dst(%dma_wait3A_108 : memref<128x128xi16, #tpu.memory_space<vmem_shared>>)
        tpu.yield
      }) : () -> ()
      %scan3A_100 = arith.constant 0 : i32
      scf.yield %scan3A_100 : i32
    }
    %scan3A_14 = arith.constant 5 : i32
    %mul3A_15 = arith.constant 1280 : i32
    %mul3A_16 = arith.muli %arg0, %mul3A_15 : i32
    %mul3A_17 = arith.constant 80 : i32
    %mul3A_18 = arith.muli %arg1, %mul3A_17 : i32
    %add3A = arith.addi %mul3A_16, %mul3A_18 : i32
    "tpu.region"() ({
      %run_scoped3A = tpu.sem_alloc : memref<!tpu.dma_semaphore, #tpu.memory_space<semaphore_mem>>
      %dma_start3A_95 = arith.constant 0 : i32
      %dma_start3A_96 = tpu.memref_slice %arg3[%add3A, %dma_start3A_95] : memref<2560x125xi32, #tpu.memory_space<hbm>> -> memref<80x125xi32, #tpu.memory_space<hbm>>
      %dma_start3A_97 = arith.constant 0 : i32
      %dma_start3A_98 = tpu.memref_slice %arg3[%add3A, %dma_start3A_97] : memref<2560x125xi32, #tpu.memory_space<hbm>> -> memref<80x125xi32, #tpu.memory_space<hbm>>
      tpu.enqueue_dma source(%dma_start3A_98 : memref<80x125xi32, #tpu.memory_space<hbm>>) target(%arg6 : memref<80x125xi32, #tpu.memory_space<vmem>>) target_semaphore(%run_scoped3A : memref<!tpu.dma_semaphore, #tpu.memory_space<semaphore_mem>>)
      %dma_wait3A_99 = arith.constant 0 : i32
      %dma_wait3A_100 = tpu.memref_slice %arg3[%add3A, %dma_wait3A_99] : memref<2560x125xi32, #tpu.memory_space<hbm>> -> memref<80x125xi32, #tpu.memory_space<hbm>>
      %dma_wait3A_101 = arith.constant 0 : i32
      %dma_wait3A_102 = tpu.memref_slice %arg3[%add3A, %dma_wait3A_101] : memref<2560x125xi32, #tpu.memory_space<hbm>> -> memref<80x125xi32, #tpu.memory_space<hbm>>
      tpu.wait_dma2 semaphore(%run_scoped3A : memref<!tpu.dma_semaphore, #tpu.memory_space<semaphore_mem>>) src(%dma_wait3A_102 : memref<80x125xi32, #tpu.memory_space<hbm>>) dst(%arg6 : memref<80x125xi32, #tpu.memory_space<vmem>>)
      tpu.yield
    }) : () -> ()
    "tpu.region"() ({
      %run_scoped3A = tpu.sem_alloc : memref<!tpu.dma_semaphore, #tpu.memory_space<semaphore_mem>>
      %dma_start3A_95 = arith.constant 0 : i32
      %dma_start3A_96 = tpu.memref_slice %arg4[%add3A, %dma_start3A_95] : memref<2560x125xi32, #tpu.memory_space<hbm>> -> memref<80x125xi32, #tpu.memory_space<hbm>>
      %dma_start3A_97 = arith.constant 0 : i32
      %dma_start3A_98 = tpu.memref_slice %arg4[%add3A, %dma_start3A_97] : memref<2560x125xi32, #tpu.memory_space<hbm>> -> memref<80x125xi32, #tpu.memory_space<hbm>>
      tpu.enqueue_dma source(%dma_start3A_98 : memref<80x125xi32, #tpu.memory_space<hbm>>) target(%arg7 : memref<80x125xi32, #tpu.memory_space<vmem>>) target_semaphore(%run_scoped3A : memref<!tpu.dma_semaphore, #tpu.memory_space<semaphore_mem>>)
      %dma_wait3A_99 = arith.constant 0 : i32
      %dma_wait3A_100 = tpu.memref_slice %arg4[%add3A, %dma_wait3A_99] : memref<2560x125xi32, #tpu.memory_space<hbm>> -> memref<80x125xi32, #tpu.memory_space<hbm>>
      %dma_wait3A_101 = arith.constant 0 : i32
      %dma_wait3A_102 = tpu.memref_slice %arg4[%add3A, %dma_wait3A_101] : memref<2560x125xi32, #tpu.memory_space<hbm>> -> memref<80x125xi32, #tpu.memory_space<hbm>>
      tpu.wait_dma2 semaphore(%run_scoped3A : memref<!tpu.dma_semaphore, #tpu.memory_space<semaphore_mem>>) src(%dma_wait3A_102 : memref<80x125xi32, #tpu.memory_space<hbm>>) dst(%arg7 : memref<80x125xi32, #tpu.memory_space<vmem>>)
      tpu.yield
    }) : () -> ()
    %barrier3A = arith.constant 0 : index
    tpu.barrier barrier_id(%barrier3A)
    %dma_start3A = arith.constant 0 : i32
    %dma_start3A_19 = arith.constant 0 : i32
    %dma_start3A_20 = tpu.memref_slice %arg6[%dma_start3A, %dma_start3A_19] : memref<80x125xi32, #tpu.memory_space<vmem>> -> memref<1x125xi32, #tpu.memory_space<vmem>>
    %dma_start3A_21 = tpu.memref_squeeze %dma_start3A_20 : memref<1x125xi32, #tpu.memory_space<vmem>> -> memref<125xi32, #tpu.memory_space<vmem>>
    %dma_start3A_22 = arith.constant 0 : i32
    %dma_start3A_23 = arith.constant 0 : i32
    %dma_start3A_24 = tpu.memref_slice %arg2[%dma_start3A_22, %dma_start3A_23] : memref<10000x128xi16, #tpu.memory_space<hbm>> -> memref<10000x128xi16, #tpu.memory_space<hbm>>
    tpu.enqueue_indirect_dma source(%dma_start3A_24 : memref<10000x128xi16, #tpu.memory_space<hbm>>) target(%arg8 : memref<125x128xi16, #tpu.memory_space<vmem>>) offsets(%dma_start3A_21 : memref<125xi32, #tpu.memory_space<vmem>>) semaphore(%arg15 : memref<!tpu.dma_semaphore, #tpu.memory_space<semaphore_mem>>)
    %dma_start3A_25 = arith.constant 1 : i32
    %dma_start3A_26 = arith.constant 0 : i32
    %dma_start3A_27 = tpu.memref_slice %arg6[%dma_start3A_25, %dma_start3A_26] : memref<80x125xi32, #tpu.memory_space<vmem>> -> memref<1x125xi32, #tpu.memory_space<vmem>>
    %dma_start3A_28 = tpu.memref_squeeze %dma_start3A_27 : memref<1x125xi32, #tpu.memory_space<vmem>> -> memref<125xi32, #tpu.memory_space<vmem>>
    %dma_start3A_29 = arith.constant 0 : i32
    %dma_start3A_30 = arith.constant 0 : i32
    %dma_start3A_31 = tpu.memref_slice %arg2[%dma_start3A_29, %dma_start3A_30] : memref<10000x128xi16, #tpu.memory_space<hbm>> -> memref<10000x128xi16, #tpu.memory_space<hbm>>
    tpu.enqueue_indirect_dma source(%dma_start3A_31 : memref<10000x128xi16, #tpu.memory_space<hbm>>) target(%arg9 : memref<125x128xi16, #tpu.memory_space<vmem>>) offsets(%dma_start3A_28 : memref<125xi32, #tpu.memory_space<vmem>>) semaphore(%arg16 : memref<!tpu.dma_semaphore, #tpu.memory_space<semaphore_mem>>)
    %dma_start3A_32 = arith.constant 2 : i32
    %dma_start3A_33 = arith.constant 0 : i32
    %dma_start3A_34 = tpu.memref_slice %arg6[%dma_start3A_32, %dma_start3A_33] : memref<80x125xi32, #tpu.memory_space<vmem>> -> memref<1x125xi32, #tpu.memory_space<vmem>>
    %dma_start3A_35 = tpu.memref_squeeze %dma_start3A_34 : memref<1x125xi32, #tpu.memory_space<vmem>> -> memref<125xi32, #tpu.memory_space<vmem>>
    %dma_start3A_36 = arith.constant 0 : i32
    %dma_start3A_37 = arith.constant 0 : i32
    %dma_start3A_38 = tpu.memref_slice %arg2[%dma_start3A_36, %dma_start3A_37] : memref<10000x128xi16, #tpu.memory_space<hbm>> -> memref<10000x128xi16, #tpu.memory_space<hbm>>
    tpu.enqueue_indirect_dma source(%dma_start3A_38 : memref<10000x128xi16, #tpu.memory_space<hbm>>) target(%arg10 : memref<125x128xi16, #tpu.memory_space<vmem>>) offsets(%dma_start3A_35 : memref<125xi32, #tpu.memory_space<vmem>>) semaphore(%arg17 : memref<!tpu.dma_semaphore, #tpu.memory_space<semaphore_mem>>)
    %dma_start3A_39 = arith.constant 3 : i32
    %dma_start3A_40 = arith.constant 0 : i32
    %dma_start3A_41 = tpu.memref_slice %arg6[%dma_start3A_39, %dma_start3A_40] : memref<80x125xi32, #tpu.memory_space<vmem>> -> memref<1x125xi32, #tpu.memory_space<vmem>>
    %dma_start3A_42 = tpu.memref_squeeze %dma_start3A_41 : memref<1x125xi32, #tpu.memory_space<vmem>> -> memref<125xi32, #tpu.memory_space<vmem>>
    %dma_start3A_43 = arith.constant 0 : i32
    %dma_start3A_44 = arith.constant 0 : i32
    %dma_start3A_45 = tpu.memref_slice %arg2[%dma_start3A_43, %dma_start3A_44] : memref<10000x128xi16, #tpu.memory_space<hbm>> -> memref<10000x128xi16, #tpu.memory_space<hbm>>
    tpu.enqueue_indirect_dma source(%dma_start3A_45 : memref<10000x128xi16, #tpu.memory_space<hbm>>) target(%arg11 : memref<125x128xi16, #tpu.memory_space<vmem>>) offsets(%dma_start3A_42 : memref<125xi32, #tpu.memory_space<vmem>>) semaphore(%arg18 : memref<!tpu.dma_semaphore, #tpu.memory_space<semaphore_mem>>)
    %dma_start3A_46 = arith.constant 4 : i32
    %dma_start3A_47 = arith.constant 0 : i32
    %dma_start3A_48 = tpu.memref_slice %arg6[%dma_start3A_46, %dma_start3A_47] : memref<80x125xi32, #tpu.memory_space<vmem>> -> memref<1x125xi32, #tpu.memory_space<vmem>>
    %dma_start3A_49 = tpu.memref_squeeze %dma_start3A_48 : memref<1x125xi32, #tpu.memory_space<vmem>> -> memref<125xi32, #tpu.memory_space<vmem>>
    %dma_start3A_50 = arith.constant 0 : i32
    %dma_start3A_51 = arith.constant 0 : i32
    %dma_start3A_52 = tpu.memref_slice %arg2[%dma_start3A_50, %dma_start3A_51] : memref<10000x128xi16, #tpu.memory_space<hbm>> -> memref<10000x128xi16, #tpu.memory_space<hbm>>
    tpu.enqueue_indirect_dma source(%dma_start3A_52 : memref<10000x128xi16, #tpu.memory_space<hbm>>) target(%arg12 : memref<125x128xi16, #tpu.memory_space<vmem>>) offsets(%dma_start3A_49 : memref<125xi32, #tpu.memory_space<vmem>>) semaphore(%arg19 : memref<!tpu.dma_semaphore, #tpu.memory_space<semaphore_mem>>)
    %scan3A_53 = arith.constant 0 : i32
    %scan3A_54 = arith.constant 0 : i32
    %scan3A_55 = arith.constant 16 : i32
    %scan3A_56 = arith.addi %scan3A_54, %scan3A_55 : i32
    %scan3A_57 = arith.constant 1 : i32
    %scan3A_58 = scf.for %scan3A_95 = %scan3A_54 to %scan3A_56 step %scan3A_57 iter_args(%scan3A_96 = %scan3A_53) -> (i32)  : i32 {
      %mul3A_97 = arith.constant 5 : i32
      %mul3A_98 = arith.muli %scan3A_95, %mul3A_97 : i32
      %dma_wait3A_99 = arith.constant 0 : i32
      %dma_wait3A_100 = arith.constant 0 : i32
      %dma_wait3A_101 = tpu.memref_slice %arg6[%dma_wait3A_99, %dma_wait3A_100] : memref<80x125xi32, #tpu.memory_space<vmem>> -> memref<1x125xi32, #tpu.memory_space<vmem>>
      %dma_wait3A_102 = tpu.memref_squeeze %dma_wait3A_101 : memref<1x125xi32, #tpu.memory_space<vmem>> -> memref<125xi32, #tpu.memory_space<vmem>>
      %dma_wait3A_103 = arith.constant 0 : i32
      %dma_wait3A_104 = arith.constant 0 : i32
      %dma_wait3A_105 = tpu.memref_slice %arg2[%dma_wait3A_103, %dma_wait3A_104] : memref<10000x128xi16, #tpu.memory_space<hbm>> -> memref<10000x128xi16, #tpu.memory_space<hbm>>
      tpu.wait_indirect_dma semaphore(%arg15 : memref<!tpu.dma_semaphore, #tpu.memory_space<semaphore_mem>>) src(%dma_wait3A_105 : memref<10000x128xi16, #tpu.memory_space<hbm>>) dst(%arg8 : memref<125x128xi16, #tpu.memory_space<vmem>>)
      %add3A_106 = arith.constant 0 : i32
      %add3A_107 = arith.addi %mul3A_98, %add3A_106 : i32
      %dma_start3A_108 = arith.constant 0 : i32
      %dma_start3A_109 = tpu.memref_slice %arg7[%add3A_107, %dma_start3A_108] : memref<80x125xi32, #tpu.memory_space<vmem>> -> memref<1x125xi32, #tpu.memory_space<vmem>>
      %dma_start3A_110 = tpu.memref_squeeze %dma_start3A_109 : memref<1x125xi32, #tpu.memory_space<vmem>> -> memref<125xi32, #tpu.memory_space<vmem>>
      %dma_start3A_111 = arith.constant 0 : i32
      %dma_start3A_112 = arith.constant 0 : i32
      %dma_start3A_113 = tpu.memref_slice %arg14[%dma_start3A_111, %dma_start3A_112] : memref<10240x128xi16, #tpu.memory_space<vmem_shared>> -> memref<10240x128xi16, #tpu.memory_space<vmem_shared>>
      tpu.enqueue_indirect_dma source(%arg8 : memref<125x128xi16, #tpu.memory_space<vmem>>) target(%dma_start3A_113 : memref<10240x128xi16, #tpu.memory_space<vmem_shared>>) offsets(%dma_start3A_110 : memref<125xi32, #tpu.memory_space<vmem>>) semaphore(%arg20 : memref<!tpu.dma_semaphore, #tpu.memory_space<semaphore_mem>>) {add = true}
      %dma_wait3A_114 = arith.constant 0 : i32
      %dma_wait3A_115 = arith.constant 0 : i32
      %dma_wait3A_116 = tpu.memref_slice %arg6[%dma_wait3A_114, %dma_wait3A_115] : memref<80x125xi32, #tpu.memory_space<vmem>> -> memref<1x125xi32, #tpu.memory_space<vmem>>
      %dma_wait3A_117 = tpu.memref_squeeze %dma_wait3A_116 : memref<1x125xi32, #tpu.memory_space<vmem>> -> memref<125xi32, #tpu.memory_space<vmem>>
      %dma_wait3A_118 = arith.constant 0 : i32
      %dma_wait3A_119 = arith.constant 0 : i32
      %dma_wait3A_120 = tpu.memref_slice %arg2[%dma_wait3A_118, %dma_wait3A_119] : memref<10000x128xi16, #tpu.memory_space<hbm>> -> memref<10000x128xi16, #tpu.memory_space<hbm>>
      tpu.wait_indirect_dma semaphore(%arg16 : memref<!tpu.dma_semaphore, #tpu.memory_space<semaphore_mem>>) src(%dma_wait3A_120 : memref<10000x128xi16, #tpu.memory_space<hbm>>) dst(%arg9 : memref<125x128xi16, #tpu.memory_space<vmem>>)
      %add3A_121 = arith.constant 1 : i32
      %add3A_122 = arith.addi %mul3A_98, %add3A_121 : i32
      %dma_start3A_123 = arith.constant 0 : i32
      %dma_start3A_124 = tpu.memref_slice %arg7[%add3A_122, %dma_start3A_123] : memref<80x125xi32, #tpu.memory_space<vmem>> -> memref<1x125xi32, #tpu.memory_space<vmem>>
      %dma_start3A_125 = tpu.memref_squeeze %dma_start3A_124 : memref<1x125xi32, #tpu.memory_space<vmem>> -> memref<125xi32, #tpu.memory_space<vmem>>
      %dma_start3A_126 = arith.constant 0 : i32
      %dma_start3A_127 = arith.constant 0 : i32
      %dma_start3A_128 = tpu.memref_slice %arg14[%dma_start3A_126, %dma_start3A_127] : memref<10240x128xi16, #tpu.memory_space<vmem_shared>> -> memref<10240x128xi16, #tpu.memory_space<vmem_shared>>
      tpu.enqueue_indirect_dma source(%arg9 : memref<125x128xi16, #tpu.memory_space<vmem>>) target(%dma_start3A_128 : memref<10240x128xi16, #tpu.memory_space<vmem_shared>>) offsets(%dma_start3A_125 : memref<125xi32, #tpu.memory_space<vmem>>) semaphore(%arg21 : memref<!tpu.dma_semaphore, #tpu.memory_space<semaphore_mem>>) {add = true}
      %dma_wait3A_129 = arith.constant 0 : i32
      %dma_wait3A_130 = arith.constant 0 : i32
      %dma_wait3A_131 = tpu.memref_slice %arg6[%dma_wait3A_129, %dma_wait3A_130] : memref<80x125xi32, #tpu.memory_space<vmem>> -> memref<1x125xi32, #tpu.memory_space<vmem>>
      %dma_wait3A_132 = tpu.memref_squeeze %dma_wait3A_131 : memref<1x125xi32, #tpu.memory_space<vmem>> -> memref<125xi32, #tpu.memory_space<vmem>>
      %dma_wait3A_133 = arith.constant 0 : i32
      %dma_wait3A_134 = arith.constant 0 : i32
      %dma_wait3A_135 = tpu.memref_slice %arg2[%dma_wait3A_133, %dma_wait3A_134] : memref<10000x128xi16, #tpu.memory_space<hbm>> -> memref<10000x128xi16, #tpu.memory_space<hbm>>
      tpu.wait_indirect_dma semaphore(%arg17 : memref<!tpu.dma_semaphore, #tpu.memory_space<semaphore_mem>>) src(%dma_wait3A_135 : memref<10000x128xi16, #tpu.memory_space<hbm>>) dst(%arg10 : memref<125x128xi16, #tpu.memory_space<vmem>>)
      %add3A_136 = arith.constant 2 : i32
      %add3A_137 = arith.addi %mul3A_98, %add3A_136 : i32
      %dma_start3A_138 = arith.constant 0 : i32
      %dma_start3A_139 = tpu.memref_slice %arg7[%add3A_137, %dma_start3A_138] : memref<80x125xi32, #tpu.memory_space<vmem>> -> memref<1x125xi32, #tpu.memory_space<vmem>>
      %dma_start3A_140 = tpu.memref_squeeze %dma_start3A_139 : memref<1x125xi32, #tpu.memory_space<vmem>> -> memref<125xi32, #tpu.memory_space<vmem>>
      %dma_start3A_141 = arith.constant 0 : i32
      %dma_start3A_142 = arith.constant 0 : i32
      %dma_start3A_143 = tpu.memref_slice %arg14[%dma_start3A_141, %dma_start3A_142] : memref<10240x128xi16, #tpu.memory_space<vmem_shared>> -> memref<10240x128xi16, #tpu.memory_space<vmem_shared>>
      tpu.enqueue_indirect_dma source(%arg10 : memref<125x128xi16, #tpu.memory_space<vmem>>) target(%dma_start3A_143 : memref<10240x128xi16, #tpu.memory_space<vmem_shared>>) offsets(%dma_start3A_140 : memref<125xi32, #tpu.memory_space<vmem>>) semaphore(%arg22 : memref<!tpu.dma_semaphore, #tpu.memory_space<semaphore_mem>>) {add = true}
      %dma_wait3A_144 = arith.constant 0 : i32
      %dma_wait3A_145 = arith.constant 0 : i32
      %dma_wait3A_146 = tpu.memref_slice %arg6[%dma_wait3A_144, %dma_wait3A_145] : memref<80x125xi32, #tpu.memory_space<vmem>> -> memref<1x125xi32, #tpu.memory_space<vmem>>
      %dma_wait3A_147 = tpu.memref_squeeze %dma_wait3A_146 : memref<1x125xi32, #tpu.memory_space<vmem>> -> memref<125xi32, #tpu.memory_space<vmem>>
      %dma_wait3A_148 = arith.constant 0 : i32
      %dma_wait3A_149 = arith.constant 0 : i32
      %dma_wait3A_150 = tpu.memref_slice %arg2[%dma_wait3A_148, %dma_wait3A_149] : memref<10000x128xi16, #tpu.memory_space<hbm>> -> memref<10000x128xi16, #tpu.memory_space<hbm>>
      tpu.wait_indirect_dma semaphore(%arg18 : memref<!tpu.dma_semaphore, #tpu.memory_space<semaphore_mem>>) src(%dma_wait3A_150 : memref<10000x128xi16, #tpu.memory_space<hbm>>) dst(%arg11 : memref<125x128xi16, #tpu.memory_space<vmem>>)
      %add3A_151 = arith.constant 3 : i32
      %add3A_152 = arith.addi %mul3A_98, %add3A_151 : i32
      %dma_start3A_153 = arith.constant 0 : i32
      %dma_start3A_154 = tpu.memref_slice %arg7[%add3A_152, %dma_start3A_153] : memref<80x125xi32, #tpu.memory_space<vmem>> -> memref<1x125xi32, #tpu.memory_space<vmem>>
      %dma_start3A_155 = tpu.memref_squeeze %dma_start3A_154 : memref<1x125xi32, #tpu.memory_space<vmem>> -> memref<125xi32, #tpu.memory_space<vmem>>
      %dma_start3A_156 = arith.constant 0 : i32
      %dma_start3A_157 = arith.constant 0 : i32
      %dma_start3A_158 = tpu.memref_slice %arg14[%dma_start3A_156, %dma_start3A_157] : memref<10240x128xi16, #tpu.memory_space<vmem_shared>> -> memref<10240x128xi16, #tpu.memory_space<vmem_shared>>
      tpu.enqueue_indirect_dma source(%arg11 : memref<125x128xi16, #tpu.memory_space<vmem>>) target(%dma_start3A_158 : memref<10240x128xi16, #tpu.memory_space<vmem_shared>>) offsets(%dma_start3A_155 : memref<125xi32, #tpu.memory_space<vmem>>) semaphore(%arg23 : memref<!tpu.dma_semaphore, #tpu.memory_space<semaphore_mem>>) {add = true}
      %dma_wait3A_159 = arith.constant 0 : i32
      %dma_wait3A_160 = arith.constant 0 : i32
      %dma_wait3A_161 = tpu.memref_slice %arg6[%dma_wait3A_159, %dma_wait3A_160] : memref<80x125xi32, #tpu.memory_space<vmem>> -> memref<1x125xi32, #tpu.memory_space<vmem>>
      %dma_wait3A_162 = tpu.memref_squeeze %dma_wait3A_161 : memref<1x125xi32, #tpu.memory_space<vmem>> -> memref<125xi32, #tpu.memory_space<vmem>>
      %dma_wait3A_163 = arith.constant 0 : i32
      %dma_wait3A_164 = arith.constant 0 : i32
      %dma_wait3A_165 = tpu.memref_slice %arg2[%dma_wait3A_163, %dma_wait3A_164] : memref<10000x128xi16, #tpu.memory_space<hbm>> -> memref<10000x128xi16, #tpu.memory_space<hbm>>
      tpu.wait_indirect_dma semaphore(%arg19 : memref<!tpu.dma_semaphore, #tpu.memory_space<semaphore_mem>>) src(%dma_wait3A_165 : memref<10000x128xi16, #tpu.memory_space<hbm>>) dst(%arg12 : memref<125x128xi16, #tpu.memory_space<vmem>>)
      %add3A_166 = arith.constant 4 : i32
      %add3A_167 = arith.addi %mul3A_98, %add3A_166 : i32
      %dma_start3A_168 = arith.constant 0 : i32
      %dma_start3A_169 = tpu.memref_slice %arg7[%add3A_167, %dma_start3A_168] : memref<80x125xi32, #tpu.memory_space<vmem>> -> memref<1x125xi32, #tpu.memory_space<vmem>>
      %dma_start3A_170 = tpu.memref_squeeze %dma_start3A_169 : memref<1x125xi32, #tpu.memory_space<vmem>> -> memref<125xi32, #tpu.memory_space<vmem>>
      %dma_start3A_171 = arith.constant 0 : i32
      %dma_start3A_172 = arith.constant 0 : i32
      %dma_start3A_173 = tpu.memref_slice %arg14[%dma_start3A_171, %dma_start3A_172] : memref<10240x128xi16, #tpu.memory_space<vmem_shared>> -> memref<10240x128xi16, #tpu.memory_space<vmem_shared>>
      tpu.enqueue_indirect_dma source(%arg12 : memref<125x128xi16, #tpu.memory_space<vmem>>) target(%dma_start3A_173 : memref<10240x128xi16, #tpu.memory_space<vmem_shared>>) offsets(%dma_start3A_170 : memref<125xi32, #tpu.memory_space<vmem>>) semaphore(%arg24 : memref<!tpu.dma_semaphore, #tpu.memory_space<semaphore_mem>>) {add = true}
      %lt3A = arith.constant 15 : i32
      %lt3A_174 = arith.cmpi slt, %scan3A_95, %lt3A : i32
      %convert_element_type3A = arith.extui %lt3A_174 : i1 to i32
      %cond3A = arith.constant 0 : i32
      %cond3A_175 = arith.cmpi ne, %convert_element_type3A, %cond3A : i32
      scf.if %cond3A_175 {
        %dma_wait3A_197 = arith.constant 0 : i32
        %dma_wait3A_198 = arith.constant 0 : i32
        %dma_wait3A_199 = tpu.memref_slice %arg7[%dma_wait3A_197, %dma_wait3A_198] : memref<80x125xi32, #tpu.memory_space<vmem>> -> memref<1x125xi32, #tpu.memory_space<vmem>>
        %dma_wait3A_200 = tpu.memref_squeeze %dma_wait3A_199 : memref<1x125xi32, #tpu.memory_space<vmem>> -> memref<125xi32, #tpu.memory_space<vmem>>
        %dma_wait3A_201 = arith.constant 0 : i32
        %dma_wait3A_202 = arith.constant 0 : i32
        %dma_wait3A_203 = tpu.memref_slice %arg14[%dma_wait3A_201, %dma_wait3A_202] : memref<10240x128xi16, #tpu.memory_space<vmem_shared>> -> memref<10240x128xi16, #tpu.memory_space<vmem_shared>>
        tpu.wait_indirect_dma semaphore(%arg20 : memref<!tpu.dma_semaphore, #tpu.memory_space<semaphore_mem>>) src(%arg8 : memref<125x128xi16, #tpu.memory_space<vmem>>) dst(%dma_wait3A_203 : memref<10240x128xi16, #tpu.memory_space<vmem_shared>>)
        %add3A_204 = arith.constant 5 : i32
        %add3A_205 = arith.addi %mul3A_98, %add3A_204 : i32
        %add3A_206 = arith.constant 0 : i32
        %add3A_207 = arith.addi %add3A_205, %add3A_206 : i32
        %dma_start3A_208 = arith.constant 0 : i32
        %dma_start3A_209 = tpu.memref_slice %arg6[%add3A_207, %dma_start3A_208] : memref<80x125xi32, #tpu.memory_space<vmem>> -> memref<1x125xi32, #tpu.memory_space<vmem>>
        %dma_start3A_210 = tpu.memref_squeeze %dma_start3A_209 : memref<1x125xi32, #tpu.memory_space<vmem>> -> memref<125xi32, #tpu.memory_space<vmem>>
        %dma_start3A_211 = arith.constant 0 : i32
        %dma_start3A_212 = arith.constant 0 : i32
        %dma_start3A_213 = tpu.memref_slice %arg2[%dma_start3A_211, %dma_start3A_212] : memref<10000x128xi16, #tpu.memory_space<hbm>> -> memref<10000x128xi16, #tpu.memory_space<hbm>>
        tpu.enqueue_indirect_dma source(%dma_start3A_213 : memref<10000x128xi16, #tpu.memory_space<hbm>>) target(%arg8 : memref<125x128xi16, #tpu.memory_space<vmem>>) offsets(%dma_start3A_210 : memref<125xi32, #tpu.memory_space<vmem>>) semaphore(%arg15 : memref<!tpu.dma_semaphore, #tpu.memory_space<semaphore_mem>>)
      } else {
      }
      %lt3A_176 = arith.constant 15 : i32
      %lt3A_177 = arith.cmpi slt, %scan3A_95, %lt3A_176 : i32
      %convert_element_type3A_178 = arith.extui %lt3A_177 : i1 to i32
      %cond3A_179 = arith.constant 0 : i32
      %cond3A_180 = arith.cmpi ne, %convert_element_type3A_178, %cond3A_179 : i32
      scf.if %cond3A_180 {
        %dma_wait3A_197 = arith.constant 0 : i32
        %dma_wait3A_198 = arith.constant 0 : i32
        %dma_wait3A_199 = tpu.memref_slice %arg7[%dma_wait3A_197, %dma_wait3A_198] : memref<80x125xi32, #tpu.memory_space<vmem>> -> memref<1x125xi32, #tpu.memory_space<vmem>>
        %dma_wait3A_200 = tpu.memref_squeeze %dma_wait3A_199 : memref<1x125xi32, #tpu.memory_space<vmem>> -> memref<125xi32, #tpu.memory_space<vmem>>
        %dma_wait3A_201 = arith.constant 0 : i32
        %dma_wait3A_202 = arith.constant 0 : i32
        %dma_wait3A_203 = tpu.memref_slice %arg14[%dma_wait3A_201, %dma_wait3A_202] : memref<10240x128xi16, #tpu.memory_space<vmem_shared>> -> memref<10240x128xi16, #tpu.memory_space<vmem_shared>>
        tpu.wait_indirect_dma semaphore(%arg21 : memref<!tpu.dma_semaphore, #tpu.memory_space<semaphore_mem>>) src(%arg9 : memref<125x128xi16, #tpu.memory_space<vmem>>) dst(%dma_wait3A_203 : memref<10240x128xi16, #tpu.memory_space<vmem_shared>>)
        %add3A_204 = arith.constant 5 : i32
        %add3A_205 = arith.addi %mul3A_98, %add3A_204 : i32
        %add3A_206 = arith.constant 1 : i32
        %add3A_207 = arith.addi %add3A_205, %add3A_206 : i32
        %dma_start3A_208 = arith.constant 0 : i32
        %dma_start3A_209 = tpu.memref_slice %arg6[%add3A_207, %dma_start3A_208] : memref<80x125xi32, #tpu.memory_space<vmem>> -> memref<1x125xi32, #tpu.memory_space<vmem>>
        %dma_start3A_210 = tpu.memref_squeeze %dma_start3A_209 : memref<1x125xi32, #tpu.memory_space<vmem>> -> memref<125xi32, #tpu.memory_space<vmem>>
        %dma_start3A_211 = arith.constant 0 : i32
        %dma_start3A_212 = arith.constant 0 : i32
        %dma_start3A_213 = tpu.memref_slice %arg2[%dma_start3A_211, %dma_start3A_212] : memref<10000x128xi16, #tpu.memory_space<hbm>> -> memref<10000x128xi16, #tpu.memory_space<hbm>>
        tpu.enqueue_indirect_dma source(%dma_start3A_213 : memref<10000x128xi16, #tpu.memory_space<hbm>>) target(%arg9 : memref<125x128xi16, #tpu.memory_space<vmem>>) offsets(%dma_start3A_210 : memref<125xi32, #tpu.memory_space<vmem>>) semaphore(%arg16 : memref<!tpu.dma_semaphore, #tpu.memory_space<semaphore_mem>>)
      } else {
      }
      %lt3A_181 = arith.constant 15 : i32
      %lt3A_182 = arith.cmpi slt, %scan3A_95, %lt3A_181 : i32
      %convert_element_type3A_183 = arith.extui %lt3A_182 : i1 to i32
      %cond3A_184 = arith.constant 0 : i32
      %cond3A_185 = arith.cmpi ne, %convert_element_type3A_183, %cond3A_184 : i32
      scf.if %cond3A_185 {
        %dma_wait3A_197 = arith.constant 0 : i32
        %dma_wait3A_198 = arith.constant 0 : i32
        %dma_wait3A_199 = tpu.memref_slice %arg7[%dma_wait3A_197, %dma_wait3A_198] : memref<80x125xi32, #tpu.memory_space<vmem>> -> memref<1x125xi32, #tpu.memory_space<vmem>>
        %dma_wait3A_200 = tpu.memref_squeeze %dma_wait3A_199 : memref<1x125xi32, #tpu.memory_space<vmem>> -> memref<125xi32, #tpu.memory_space<vmem>>
        %dma_wait3A_201 = arith.constant 0 : i32
        %dma_wait3A_202 = arith.constant 0 : i32
        %dma_wait3A_203 = tpu.memref_slice %arg14[%dma_wait3A_201, %dma_wait3A_202] : memref<10240x128xi16, #tpu.memory_space<vmem_shared>> -> memref<10240x128xi16, #tpu.memory_space<vmem_shared>>
        tpu.wait_indirect_dma semaphore(%arg22 : memref<!tpu.dma_semaphore, #tpu.memory_space<semaphore_mem>>) src(%arg10 : memref<125x128xi16, #tpu.memory_space<vmem>>) dst(%dma_wait3A_203 : memref<10240x128xi16, #tpu.memory_space<vmem_shared>>)
        %add3A_204 = arith.constant 5 : i32
        %add3A_205 = arith.addi %mul3A_98, %add3A_204 : i32
        %add3A_206 = arith.constant 2 : i32
        %add3A_207 = arith.addi %add3A_205, %add3A_206 : i32
        %dma_start3A_208 = arith.constant 0 : i32
        %dma_start3A_209 = tpu.memref_slice %arg6[%add3A_207, %dma_start3A_208] : memref<80x125xi32, #tpu.memory_space<vmem>> -> memref<1x125xi32, #tpu.memory_space<vmem>>
        %dma_start3A_210 = tpu.memref_squeeze %dma_start3A_209 : memref<1x125xi32, #tpu.memory_space<vmem>> -> memref<125xi32, #tpu.memory_space<vmem>>
        %dma_start3A_211 = arith.constant 0 : i32
        %dma_start3A_212 = arith.constant 0 : i32
        %dma_start3A_213 = tpu.memref_slice %arg2[%dma_start3A_211, %dma_start3A_212] : memref<10000x128xi16, #tpu.memory_space<hbm>> -> memref<10000x128xi16, #tpu.memory_space<hbm>>
        tpu.enqueue_indirect_dma source(%dma_start3A_213 : memref<10000x128xi16, #tpu.memory_space<hbm>>) target(%arg10 : memref<125x128xi16, #tpu.memory_space<vmem>>) offsets(%dma_start3A_210 : memref<125xi32, #tpu.memory_space<vmem>>) semaphore(%arg17 : memref<!tpu.dma_semaphore, #tpu.memory_space<semaphore_mem>>)
      } else {
      }
      %lt3A_186 = arith.constant 15 : i32
      %lt3A_187 = arith.cmpi slt, %scan3A_95, %lt3A_186 : i32
      %convert_element_type3A_188 = arith.extui %lt3A_187 : i1 to i32
      %cond3A_189 = arith.constant 0 : i32
      %cond3A_190 = arith.cmpi ne, %convert_element_type3A_188, %cond3A_189 : i32
      scf.if %cond3A_190 {
        %dma_wait3A_197 = arith.constant 0 : i32
        %dma_wait3A_198 = arith.constant 0 : i32
        %dma_wait3A_199 = tpu.memref_slice %arg7[%dma_wait3A_197, %dma_wait3A_198] : memref<80x125xi32, #tpu.memory_space<vmem>> -> memref<1x125xi32, #tpu.memory_space<vmem>>
        %dma_wait3A_200 = tpu.memref_squeeze %dma_wait3A_199 : memref<1x125xi32, #tpu.memory_space<vmem>> -> memref<125xi32, #tpu.memory_space<vmem>>
        %dma_wait3A_201 = arith.constant 0 : i32
        %dma_wait3A_202 = arith.constant 0 : i32
        %dma_wait3A_203 = tpu.memref_slice %arg14[%dma_wait3A_201, %dma_wait3A_202] : memref<10240x128xi16, #tpu.memory_space<vmem_shared>> -> memref<10240x128xi16, #tpu.memory_space<vmem_shared>>
        tpu.wait_indirect_dma semaphore(%arg23 : memref<!tpu.dma_semaphore, #tpu.memory_space<semaphore_mem>>) src(%arg11 : memref<125x128xi16, #tpu.memory_space<vmem>>) dst(%dma_wait3A_203 : memref<10240x128xi16, #tpu.memory_space<vmem_shared>>)
        %add3A_204 = arith.constant 5 : i32
        %add3A_205 = arith.addi %mul3A_98, %add3A_204 : i32
        %add3A_206 = arith.constant 3 : i32
        %add3A_207 = arith.addi %add3A_205, %add3A_206 : i32
        %dma_start3A_208 = arith.constant 0 : i32
        %dma_start3A_209 = tpu.memref_slice %arg6[%add3A_207, %dma_start3A_208] : memref<80x125xi32, #tpu.memory_space<vmem>> -> memref<1x125xi32, #tpu.memory_space<vmem>>
        %dma_start3A_210 = tpu.memref_squeeze %dma_start3A_209 : memref<1x125xi32, #tpu.memory_space<vmem>> -> memref<125xi32, #tpu.memory_space<vmem>>
        %dma_start3A_211 = arith.constant 0 : i32
        %dma_start3A_212 = arith.constant 0 : i32
        %dma_start3A_213 = tpu.memref_slice %arg2[%dma_start3A_211, %dma_start3A_212] : memref<10000x128xi16, #tpu.memory_space<hbm>> -> memref<10000x128xi16, #tpu.memory_space<hbm>>
        tpu.enqueue_indirect_dma source(%dma_start3A_213 : memref<10000x128xi16, #tpu.memory_space<hbm>>) target(%arg11 : memref<125x128xi16, #tpu.memory_space<vmem>>) offsets(%dma_start3A_210 : memref<125xi32, #tpu.memory_space<vmem>>) semaphore(%arg18 : memref<!tpu.dma_semaphore, #tpu.memory_space<semaphore_mem>>)
      } else {
      }
      %lt3A_191 = arith.constant 15 : i32
      %lt3A_192 = arith.cmpi slt, %scan3A_95, %lt3A_191 : i32
      %convert_element_type3A_193 = arith.extui %lt3A_192 : i1 to i32
      %cond3A_194 = arith.constant 0 : i32
      %cond3A_195 = arith.cmpi ne, %convert_element_type3A_193, %cond3A_194 : i32
      scf.if %cond3A_195 {
        %dma_wait3A_197 = arith.constant 0 : i32
        %dma_wait3A_198 = arith.constant 0 : i32
        %dma_wait3A_199 = tpu.memref_slice %arg7[%dma_wait3A_197, %dma_wait3A_198] : memref<80x125xi32, #tpu.memory_space<vmem>> -> memref<1x125xi32, #tpu.memory_space<vmem>>
        %dma_wait3A_200 = tpu.memref_squeeze %dma_wait3A_199 : memref<1x125xi32, #tpu.memory_space<vmem>> -> memref<125xi32, #tpu.memory_space<vmem>>
        %dma_wait3A_201 = arith.constant 0 : i32
        %dma_wait3A_202 = arith.constant 0 : i32
        %dma_wait3A_203 = tpu.memref_slice %arg14[%dma_wait3A_201, %dma_wait3A_202] : memref<10240x128xi16, #tpu.memory_space<vmem_shared>> -> memref<10240x128xi16, #tpu.memory_space<vmem_shared>>
        tpu.wait_indirect_dma semaphore(%arg24 : memref<!tpu.dma_semaphore, #tpu.memory_space<semaphore_mem>>) src(%arg12 : memref<125x128xi16, #tpu.memory_space<vmem>>) dst(%dma_wait3A_203 : memref<10240x128xi16, #tpu.memory_space<vmem_shared>>)
        %add3A_204 = arith.constant 5 : i32
        %add3A_205 = arith.addi %mul3A_98, %add3A_204 : i32
        %add3A_206 = arith.constant 4 : i32
        %add3A_207 = arith.addi %add3A_205, %add3A_206 : i32
        %dma_start3A_208 = arith.constant 0 : i32
        %dma_start3A_209 = tpu.memref_slice %arg6[%add3A_207, %dma_start3A_208] : memref<80x125xi32, #tpu.memory_space<vmem>> -> memref<1x125xi32, #tpu.memory_space<vmem>>
        %dma_start3A_210 = tpu.memref_squeeze %dma_start3A_209 : memref<1x125xi32, #tpu.memory_space<vmem>> -> memref<125xi32, #tpu.memory_space<vmem>>
        %dma_start3A_211 = arith.constant 0 : i32
        %dma_start3A_212 = arith.constant 0 : i32
        %dma_start3A_213 = tpu.memref_slice %arg2[%dma_start3A_211, %dma_start3A_212] : memref<10000x128xi16, #tpu.memory_space<hbm>> -> memref<10000x128xi16, #tpu.memory_space<hbm>>
        tpu.enqueue_indirect_dma source(%dma_start3A_213 : memref<10000x128xi16, #tpu.memory_space<hbm>>) target(%arg12 : memref<125x128xi16, #tpu.memory_space<vmem>>) offsets(%dma_start3A_210 : memref<125xi32, #tpu.memory_space<vmem>>) semaphore(%arg19 : memref<!tpu.dma_semaphore, #tpu.memory_space<semaphore_mem>>)
      } else {
      }
      %scan3A_196 = arith.constant 0 : i32
      scf.yield %scan3A_196 : i32
    }
    %scan3A_59 = arith.constant 16 : i32
    %dma_wait3A = arith.constant 0 : i32
    %dma_wait3A_60 = arith.constant 0 : i32
    %dma_wait3A_61 = tpu.memref_slice %arg7[%dma_wait3A, %dma_wait3A_60] : memref<80x125xi32, #tpu.memory_space<vmem>> -> memref<1x125xi32, #tpu.memory_space<vmem>>
    %dma_wait3A_62 = tpu.memref_squeeze %dma_wait3A_61 : memref<1x125xi32, #tpu.memory_space<vmem>> -> memref<125xi32, #tpu.memory_space<vmem>>
    %dma_wait3A_63 = arith.constant 0 : i32
    %dma_wait3A_64 = arith.constant 0 : i32
    %dma_wait3A_65 = tpu.memref_slice %arg14[%dma_wait3A_63, %dma_wait3A_64] : memref<10240x128xi16, #tpu.memory_space<vmem_shared>> -> memref<10240x128xi16, #tpu.memory_space<vmem_shared>>
    tpu.wait_indirect_dma semaphore(%arg20 : memref<!tpu.dma_semaphore, #tpu.memory_space<semaphore_mem>>) src(%arg8 : memref<125x128xi16, #tpu.memory_space<vmem>>) dst(%dma_wait3A_65 : memref<10240x128xi16, #tpu.memory_space<vmem_shared>>)
    %dma_wait3A_66 = arith.constant 0 : i32
    %dma_wait3A_67 = arith.constant 0 : i32
    %dma_wait3A_68 = tpu.memref_slice %arg7[%dma_wait3A_66, %dma_wait3A_67] : memref<80x125xi32, #tpu.memory_space<vmem>> -> memref<1x125xi32, #tpu.memory_space<vmem>>
    %dma_wait3A_69 = tpu.memref_squeeze %dma_wait3A_68 : memref<1x125xi32, #tpu.memory_space<vmem>> -> memref<125xi32, #tpu.memory_space<vmem>>
    %dma_wait3A_70 = arith.constant 0 : i32
    %dma_wait3A_71 = arith.constant 0 : i32
    %dma_wait3A_72 = tpu.memref_slice %arg14[%dma_wait3A_70, %dma_wait3A_71] : memref<10240x128xi16, #tpu.memory_space<vmem_shared>> -> memref<10240x128xi16, #tpu.memory_space<vmem_shared>>
    tpu.wait_indirect_dma semaphore(%arg21 : memref<!tpu.dma_semaphore, #tpu.memory_space<semaphore_mem>>) src(%arg9 : memref<125x128xi16, #tpu.memory_space<vmem>>) dst(%dma_wait3A_72 : memref<10240x128xi16, #tpu.memory_space<vmem_shared>>)
    %dma_wait3A_73 = arith.constant 0 : i32
    %dma_wait3A_74 = arith.constant 0 : i32
    %dma_wait3A_75 = tpu.memref_slice %arg7[%dma_wait3A_73, %dma_wait3A_74] : memref<80x125xi32, #tpu.memory_space<vmem>> -> memref<1x125xi32, #tpu.memory_space<vmem>>
    %dma_wait3A_76 = tpu.memref_squeeze %dma_wait3A_75 : memref<1x125xi32, #tpu.memory_space<vmem>> -> memref<125xi32, #tpu.memory_space<vmem>>
    %dma_wait3A_77 = arith.constant 0 : i32
    %dma_wait3A_78 = arith.constant 0 : i32
    %dma_wait3A_79 = tpu.memref_slice %arg14[%dma_wait3A_77, %dma_wait3A_78] : memref<10240x128xi16, #tpu.memory_space<vmem_shared>> -> memref<10240x128xi16, #tpu.memory_space<vmem_shared>>
    tpu.wait_indirect_dma semaphore(%arg22 : memref<!tpu.dma_semaphore, #tpu.memory_space<semaphore_mem>>) src(%arg10 : memref<125x128xi16, #tpu.memory_space<vmem>>) dst(%dma_wait3A_79 : memref<10240x128xi16, #tpu.memory_space<vmem_shared>>)
    %dma_wait3A_80 = arith.constant 0 : i32
    %dma_wait3A_81 = arith.constant 0 : i32
    %dma_wait3A_82 = tpu.memref_slice %arg7[%dma_wait3A_80, %dma_wait3A_81] : memref<80x125xi32, #tpu.memory_space<vmem>> -> memref<1x125xi32, #tpu.memory_space<vmem>>
    %dma_wait3A_83 = tpu.memref_squeeze %dma_wait3A_82 : memref<1x125xi32, #tpu.memory_space<vmem>> -> memref<125xi32, #tpu.memory_space<vmem>>
    %dma_wait3A_84 = arith.constant 0 : i32
    %dma_wait3A_85 = arith.constant 0 : i32
    %dma_wait3A_86 = tpu.memref_slice %arg14[%dma_wait3A_84, %dma_wait3A_85] : memref<10240x128xi16, #tpu.memory_space<vmem_shared>> -> memref<10240x128xi16, #tpu.memory_space<vmem_shared>>
    tpu.wait_indirect_dma semaphore(%arg23 : memref<!tpu.dma_semaphore, #tpu.memory_space<semaphore_mem>>) src(%arg11 : memref<125x128xi16, #tpu.memory_space<vmem>>) dst(%dma_wait3A_86 : memref<10240x128xi16, #tpu.memory_space<vmem_shared>>)
    %dma_wait3A_87 = arith.constant 0 : i32
    %dma_wait3A_88 = arith.constant 0 : i32
    %dma_wait3A_89 = tpu.memref_slice %arg7[%dma_wait3A_87, %dma_wait3A_88] : memref<80x125xi32, #tpu.memory_space<vmem>> -> memref<1x125xi32, #tpu.memory_space<vmem>>
    %dma_wait3A_90 = tpu.memref_squeeze %dma_wait3A_89 : memref<1x125xi32, #tpu.memory_space<vmem>> -> memref<125xi32, #tpu.memory_space<vmem>>
    %dma_wait3A_91 = arith.constant 0 : i32
    %dma_wait3A_92 = arith.constant 0 : i32
    %dma_wait3A_93 = tpu.memref_slice %arg14[%dma_wait3A_91, %dma_wait3A_92] : memref<10240x128xi16, #tpu.memory_space<vmem_shared>> -> memref<10240x128xi16, #tpu.memory_space<vmem_shared>>
    tpu.wait_indirect_dma semaphore(%arg24 : memref<!tpu.dma_semaphore, #tpu.memory_space<semaphore_mem>>) src(%arg12 : memref<125x128xi16, #tpu.memory_space<vmem>>) dst(%dma_wait3A_93 : memref<10240x128xi16, #tpu.memory_space<vmem_shared>>)
    %barrier3A_94 = arith.constant 0 : index
    tpu.barrier barrier_id(%barrier3A_94)
    "tpu.region"() ({
      %run_scoped3A = tpu.sem_alloc : memref<!tpu.dma_semaphore, #tpu.memory_space<semaphore_mem>>
      %dma_start3A_95 = arith.constant 0 : i32
      %dma_start3A_96 = tpu.memref_slice %arg5[%arg0, %mul3A_7, %dma_start3A_95] : memref<2x10240x128xi16, #tpu.memory_space<hbm>> -> memref<1x640x128xi16, #tpu.memory_space<hbm>>
      %dma_start3A_97 = tpu.memref_squeeze %dma_start3A_96 : memref<1x640x128xi16, #tpu.memory_space<hbm>> -> memref<640x128xi16, #tpu.memory_space<hbm>>
      %dma_start3A_98 = arith.constant 0 : i32
      %dma_start3A_99 = tpu.memref_slice %arg14[%mul3A_7, %dma_start3A_98] : memref<10240x128xi16, #tpu.memory_space<vmem_shared>> -> memref<640x128xi16, #tpu.memory_space<vmem_shared>>
      tpu.enqueue_dma source(%dma_start3A_99 : memref<640x128xi16, #tpu.memory_space<vmem_shared>>) target(%dma_start3A_97 : memref<640x128xi16, #tpu.memory_space<hbm>>) target_semaphore(%run_scoped3A : memref<!tpu.dma_semaphore, #tpu.memory_space<semaphore_mem>>)
      %dma_wait3A_100 = arith.constant 0 : i32
      %dma_wait3A_101 = tpu.memref_slice %arg5[%arg0, %mul3A_7, %dma_wait3A_100] : memref<2x10240x128xi16, #tpu.memory_space<hbm>> -> memref<1x640x128xi16, #tpu.memory_space<hbm>>
      %dma_wait3A_102 = tpu.memref_squeeze %dma_wait3A_101 : memref<1x640x128xi16, #tpu.memory_space<hbm>> -> memref<640x128xi16, #tpu.memory_space<hbm>>
      %dma_wait3A_103 = arith.constant 0 : i32
      %dma_wait3A_104 = tpu.memref_slice %arg14[%mul3A_7, %dma_wait3A_103] : memref<10240x128xi16, #tpu.memory_space<vmem_shared>> -> memref<640x128xi16, #tpu.memory_space<vmem_shared>>
      tpu.wait_dma2 semaphore(%run_scoped3A : memref<!tpu.dma_semaphore, #tpu.memory_space<semaphore_mem>>) src(%dma_wait3A_104 : memref<640x128xi16, #tpu.memory_space<vmem_shared>>) dst(%dma_wait3A_102 : memref<640x128xi16, #tpu.memory_space<hbm>>)
      tpu.yield
    }) : () -> ()
    return
  }
}

#map = affine_map<(d0, d1) -> (0, 0)>
#map1 = affine_map<(d0, d1) -> (0, 0, 0)>
module attributes {stable_mosaic.version = 14 : i64} {
  func.func @body(%arg0: i32, %arg1: i32, %arg2: memref<10000x128xi16, #tpu.memory_space<hbm>>, %arg3: memref<2560x125xi32, #tpu.memory_space<hbm>>, %arg4: memref<2560x125xi32, #tpu.memory_space<hbm>>, %arg5: memref<2x10240x128xi16, #tpu.memory_space<hbm>>, %arg6: memref<80x125xi32, #tpu.memory_space<vmem>>, %arg7: memref<80x125xi32, #tpu.memory_space<vmem>>, %arg8: memref<125x128xi16, #tpu.memory_space<vmem>>, %arg9: memref<125x128xi16, #tpu.memory_space<vmem>>, %arg10: memref<125x128xi16, #tpu.memory_space<vmem>>, %arg11: memref<125x128xi16, #tpu.memory_space<vmem>>, %arg12: memref<125x128xi16, #tpu.memory_space<vmem>>, %arg13: memref<128x128xi16, #tpu.memory_space<vmem>>, %arg14: memref<10240x128xi16, #tpu.memory_space<vmem_shared>>, %arg15: memref<!tpu.dma_semaphore, #tpu.memory_space<semaphore_mem>>, %arg16: memref<!tpu.dma_semaphore, #tpu.memory_space<semaphore_mem>>, %arg17: memref<!tpu.dma_semaphore, #tpu.memory_space<semaphore_mem>>, %arg18: memref<!tpu.dma_semaphore, #tpu.memory_space<semaphore_mem>>, %arg19: memref<!tpu.dma_semaphore, #tpu.memory_space<semaphore_mem>>, %arg20: memref<!tpu.dma_semaphore, #tpu.memory_space<semaphore_mem>>, %arg21: memref<!tpu.dma_semaphore, #tpu.memory_space<semaphore_mem>>, %arg22: memref<!tpu.dma_semaphore, #tpu.memory_space<semaphore_mem>>, %arg23: memref<!tpu.dma_semaphore, #tpu.memory_space<semaphore_mem>>, %arg24: memref<!tpu.dma_semaphore, #tpu.memory_space<semaphore_mem>>) attributes {dimension_semantics = [#tpu.dimension_semantics<core_parallel>, #tpu.dimension_semantics<subcore_parallel>], iteration_bounds = array<i64: 2, 16>, scalar_prefetch = 0 : i64, scratch_operands = 19 : i64, tpu.core_type = #tpu.core_type<sc_vector_subcore>, window_params = [{transform_indices = #map}, {transform_indices = #map}, {transform_indices = #map}, {transform_indices = #map1}]} {
    %broadcast_in_dim3A = arith.constant 0 : i16
    %broadcast_in_dim3A_0 = vector.broadcast %broadcast_in_dim3A : i16 to vector<32xi16>
    %scan3A = arith.constant 0 : i32
    %scan3A_1 = arith.constant 0 : i32
    %scan3A_2 = arith.constant 128 : i32
    %scan3A_3 = arith.addi %scan3A_1, %scan3A_2 : i32
    %scan3A_4 = arith.constant 1 : i32
    %scan3A_5 = scf.for %scan3A_95 = %scan3A_1 to %scan3A_3 step %scan3A_4 iter_args(%scan3A_96 = %scan3A) -> (i32)  : i32 {
      %swap3A = arith.index_cast %scan3A_95 : i32 to index
      %swap3A_97 = arith.constant 0 : index
      %swap3A_98 = tpu.vector_load %arg13[%swap3A, %swap3A_97] {strides = array<i32>} : memref<128x128xi16, #tpu.memory_space<vmem>>, vector<32xi16>,
      tpu.vector_store %arg13[%swap3A, %swap3A_97], %broadcast_in_dim3A_0 {strides = array<i32>} : memref<128x128xi16, #tpu.memory_space<vmem>>, vector<32xi16>,
      %swap3A_99 = arith.index_cast %scan3A_95 : i32 to index
      %swap3A_100 = arith.constant 32 : index
      %swap3A_101 = tpu.vector_load %arg13[%swap3A_99, %swap3A_100] {strides = array<i32>} : memref<128x128xi16, #tpu.memory_space<vmem>>, vector<32xi16>,
      tpu.vector_store %arg13[%swap3A_99, %swap3A_100], %broadcast_in_dim3A_0 {strides = array<i32>} : memref<128x128xi16, #tpu.memory_space<vmem>>, vector<32xi16>,
      %swap3A_102 = arith.index_cast %scan3A_95 : i32 to index
      %swap3A_103 = arith.constant 64 : index
      %swap3A_104 = tpu.vector_load %arg13[%swap3A_102, %swap3A_103] {strides = array<i32>} : memref<128x128xi16, #tpu.memory_space<vmem>>, vector<32xi16>,
      tpu.vector_store %arg13[%swap3A_102, %swap3A_103], %broadcast_in_dim3A_0 {strides = array<i32>} : memref<128x128xi16, #tpu.memory_space<vmem>>, vector<32xi16>,
      %swap3A_105 = arith.index_cast %scan3A_95 : i32 to index
      %swap3A_106 = arith.constant 96 : index
      %swap3A_107 = tpu.vector_load %arg13[%swap3A_105, %swap3A_106] {strides = array<i32>} : memref<128x128xi16, #tpu.memory_space<vmem>>, vector<32xi16>,
      tpu.vector_store %arg13[%swap3A_105, %swap3A_106], %broadcast_in_dim3A_0 {strides = array<i32>} : memref<128x128xi16, #tpu.memory_space<vmem>>, vector<32xi16>,
      %scan3A_108 = arith.constant 0 : i32
      scf.yield %scan3A_108 : i32
    }
    %scan3A_6 = arith.constant 128 : i32
    %mul3A = arith.constant 640 : i32
    %mul3A_7 = arith.muli %arg1, %mul3A : i32
    %scan3A_8 = arith.constant 0 : i32
    %scan3A_9 = arith.constant 0 : i32
    %scan3A_10 = arith.constant 5 : i32
    %scan3A_11 = arith.addi %scan3A_9, %scan3A_10 : i32
    %scan3A_12 = arith.constant 1 : i32
    %scan3A_13 = scf.for %scan3A_95 = %scan3A_9 to %scan3A_11 step %scan3A_12 iter_args(%scan3A_96 = %scan3A_8) -> (i32)  : i32 {
      %mul3A_97 = arith.constant 128 : i32
      %mul3A_98 = arith.muli %scan3A_95, %mul3A_97 : i32
      %add3A_99 = arith.addi %mul3A_7, %mul3A_98 : i32
      "tpu.region"() ({
        %run_scoped3A = tpu.sem_alloc : memref<!tpu.dma_semaphore, #tpu.memory_space<semaphore_mem>>
        %dma_start3A_101 = arith.constant 0 : i32
        %dma_start3A_102 = tpu.memref_slice %arg14[%add3A_99, %dma_start3A_101] : memref<10240x128xi16, #tpu.memory_space<vmem_shared>> -> memref<128x128xi16, #tpu.memory_space<vmem_shared>>
        %dma_start3A_103 = arith.constant 0 : i32
        %dma_start3A_104 = tpu.memref_slice %arg14[%add3A_99, %dma_start3A_103] : memref<10240x128xi16, #tpu.memory_space<vmem_shared>> -> memref<128x128xi16, #tpu.memory_space<vmem_shared>>
        tpu.enqueue_dma source(%arg13 : memref<128x128xi16, #tpu.memory_space<vmem>>) target(%dma_start3A_104 : memref<128x128xi16, #tpu.memory_space<vmem_shared>>) target_semaphore(%run_scoped3A : memref<!tpu.dma_semaphore, #tpu.memory_space<semaphore_mem>>)
        %dma_wait3A_105 = arith.constant 0 : i32
        %dma_wait3A_106 = tpu.memref_slice %arg14[%add3A_99, %dma_wait3A_105] : memref<10240x128xi16, #tpu.memory_space<vmem_shared>> -> memref<128x128xi16, #tpu.memory_space<vmem_shared>>
        %dma_wait3A_107 = arith.constant 0 : i32
        %dma_wait3A_108 = tpu.memref_slice %arg14[%add3A_99, %dma_wait3A_107] : memref<10240x128xi16, #tpu.memory_space<vmem_shared>> -> memref<128x128xi16, #tpu.memory_space<vmem_shared>>
        tpu.wait_dma2 semaphore(%run_scoped3A : memref<!tpu.dma_semaphore, #tpu.memory_space<semaphore_mem>>) src(%arg13 : memref<128x128xi16, #tpu.memory_space<vmem>>) dst(%dma_wait3A_108 : memref<128x128xi16, #tpu.memory_space<vmem_shared>>)
        tpu.yield
      }) : () -> ()
      %scan3A_100 = arith.constant 0 : i32
      scf.yield %scan3A_100 : i32
    }
    %scan3A_14 = arith.constant 5 : i32
    %mul3A_15 = arith.constant 1280 : i32
    %mul3A_16 = arith.muli %arg0, %mul3A_15 : i32
    %mul3A_17 = arith.constant 80 : i32
    %mul3A_18 = arith.muli %arg1, %mul3A_17 : i32
    %add3A = arith.addi %mul3A_16, %mul3A_18 : i32
    "tpu.region"() ({
      %run_scoped3A = tpu.sem_alloc : memref<!tpu.dma_semaphore, #tpu.memory_space<semaphore_mem>>
      %dma_start3A_95 = arith.constant 0 : i32
      %dma_start3A_96 = tpu.memref_slice %arg3[%add3A, %dma_start3A_95] : memref<2560x125xi32, #tpu.memory_space<hbm>> -> memref<80x125xi32, #tpu.memory_space<hbm>>
      %dma_start3A_97 = arith.constant 0 : i32
      %dma_start3A_98 = tpu.memref_slice %arg3[%add3A, %dma_start3A_97] : memref<2560x125xi32, #tpu.memory_space<hbm>> -> memref<80x125xi32, #tpu.memory_space<hbm>>
      tpu.enqueue_dma source(%dma_start3A_98 : memref<80x125xi32, #tpu.memory_space<hbm>>) target(%arg6 : memref<80x125xi32, #tpu.memory_space<vmem>>) target_semaphore(%run_scoped3A : memref<!tpu.dma_semaphore, #tpu.memory_space<semaphore_mem>>)
      %dma_wait3A_99 = arith.constant 0 : i32
      %dma_wait3A_100 = tpu.memref_slice %arg3[%add3A, %dma_wait3A_99] : memref<2560x125xi32, #tpu.memory_space<hbm>> -> memref<80x125xi32, #tpu.memory_space<hbm>>
      %dma_wait3A_101 = arith.constant 0 : i32
      %dma_wait3A_102 = tpu.memref_slice %arg3[%add3A, %dma_wait3A_101] : memref<2560x125xi32, #tpu.memory_space<hbm>> -> memref<80x125xi32, #tpu.memory_space<hbm>>
      tpu.wait_dma2 semaphore(%run_scoped3A : memref<!tpu.dma_semaphore, #tpu.memory_space<semaphore_mem>>) src(%dma_wait3A_102 : memref<80x125xi32, #tpu.memory_space<hbm>>) dst(%arg6 : memref<80x125xi32, #tpu.memory_space<vmem>>)
      tpu.yield
    }) : () -> ()
    "tpu.region"() ({
      %run_scoped3A = tpu.sem_alloc : memref<!tpu.dma_semaphore, #tpu.memory_space<semaphore_mem>>
      %dma_start3A_95 = arith.constant 0 : i32
      %dma_start3A_96 = tpu.memref_slice %arg4[%add3A, %dma_start3A_95] : memref<2560x125xi32, #tpu.memory_space<hbm>> -> memref<80x125xi32, #tpu.memory_space<hbm>>
      %dma_start3A_97 = arith.constant 0 : i32
      %dma_start3A_98 = tpu.memref_slice %arg4[%add3A, %dma_start3A_97] : memref<2560x125xi32, #tpu.memory_space<hbm>> -> memref<80x125xi32, #tpu.memory_space<hbm>>
      tpu.enqueue_dma source(%dma_start3A_98 : memref<80x125xi32, #tpu.memory_space<hbm>>) target(%arg7 : memref<80x125xi32, #tpu.memory_space<vmem>>) target_semaphore(%run_scoped3A : memref<!tpu.dma_semaphore, #tpu.memory_space<semaphore_mem>>)
      %dma_wait3A_99 = arith.constant 0 : i32
      %dma_wait3A_100 = tpu.memref_slice %arg4[%add3A, %dma_wait3A_99] : memref<2560x125xi32, #tpu.memory_space<hbm>> -> memref<80x125xi32, #tpu.memory_space<hbm>>
      %dma_wait3A_101 = arith.constant 0 : i32
      %dma_wait3A_102 = tpu.memref_slice %arg4[%add3A, %dma_wait3A_101] : memref<2560x125xi32, #tpu.memory_space<hbm>> -> memref<80x125xi32, #tpu.memory_space<hbm>>
      tpu.wait_dma2 semaphore(%run_scoped3A : memref<!tpu.dma_semaphore, #tpu.memory_space<semaphore_mem>>) src(%dma_wait3A_102 : memref<80x125xi32, #tpu.memory_space<hbm>>) dst(%arg7 : memref<80x125xi32, #tpu.memory_space<vmem>>)
      tpu.yield
    }) : () -> ()
    %barrier3A = arith.constant 0 : index
    tpu.barrier barrier_id(%barrier3A)
    %dma_start3A = arith.constant 0 : i32
    %dma_start3A_19 = arith.constant 0 : i32
    %dma_start3A_20 = tpu.memref_slice %arg6[%dma_start3A, %dma_start3A_19] : memref<80x125xi32, #tpu.memory_space<vmem>> -> memref<1x125xi32, #tpu.memory_space<vmem>>
    %dma_start3A_21 = tpu.memref_squeeze %dma_start3A_20 : memref<1x125xi32, #tpu.memory_space<vmem>> -> memref<125xi32, #tpu.memory_space<vmem>>
    %dma_start3A_22 = arith.constant 0 : i32
    %dma_start3A_23 = arith.constant 0 : i32
    %dma_start3A_24 = tpu.memref_slice %arg2[%dma_start3A_22, %dma_start3A_23] : memref<10000x128xi16, #tpu.memory_space<hbm>> -> memref<10000x128xi16, #tpu.memory_space<hbm>>
    tpu.enqueue_indirect_dma source(%dma_start3A_24 : memref<10000x128xi16, #tpu.memory_space<hbm>>) target(%arg8 : memref<125x128xi16, #tpu.memory_space<vmem>>) offsets(%dma_start3A_21 : memref<125xi32, #tpu.memory_space<vmem>>) semaphore(%arg15 : memref<!tpu.dma_semaphore, #tpu.memory_space<semaphore_mem>>)
    %dma_start3A_25 = arith.constant 1 : i32
    %dma_start3A_26 = arith.constant 0 : i32
    %dma_start3A_27 = tpu.memref_slice %arg6[%dma_start3A_25, %dma_start3A_26] : memref<80x125xi32, #tpu.memory_space<vmem>> -> memref<1x125xi32, #tpu.memory_space<vmem>>
    %dma_start3A_28 = tpu.memref_squeeze %dma_start3A_27 : memref<1x125xi32, #tpu.memory_space<vmem>> -> memref<125xi32, #tpu.memory_space<vmem>>
    %dma_start3A_29 = arith.constant 0 : i32
    %dma_start3A_30 = arith.constant 0 : i32
    %dma_start3A_31 = tpu.memref_slice %arg2[%dma_start3A_29, %dma_start3A_30] : memref<10000x128xi16, #tpu.memory_space<hbm>> -> memref<10000x128xi16, #tpu.memory_space<hbm>>
    tpu.enqueue_indirect_dma source(%dma_start3A_31 : memref<10000x128xi16, #tpu.memory_space<hbm>>) target(%arg9 : memref<125x128xi16, #tpu.memory_space<vmem>>) offsets(%dma_start3A_28 : memref<125xi32, #tpu.memory_space<vmem>>) semaphore(%arg16 : memref<!tpu.dma_semaphore, #tpu.memory_space<semaphore_mem>>)
    %dma_start3A_32 = arith.constant 2 : i32
    %dma_start3A_33 = arith.constant 0 : i32
    %dma_start3A_34 = tpu.memref_slice %arg6[%dma_start3A_32, %dma_start3A_33] : memref<80x125xi32, #tpu.memory_space<vmem>> -> memref<1x125xi32, #tpu.memory_space<vmem>>
    %dma_start3A_35 = tpu.memref_squeeze %dma_start3A_34 : memref<1x125xi32, #tpu.memory_space<vmem>> -> memref<125xi32, #tpu.memory_space<vmem>>
    %dma_start3A_36 = arith.constant 0 : i32
    %dma_start3A_37 = arith.constant 0 : i32
    %dma_start3A_38 = tpu.memref_slice %arg2[%dma_start3A_36, %dma_start3A_37] : memref<10000x128xi16, #tpu.memory_space<hbm>> -> memref<10000x128xi16, #tpu.memory_space<hbm>>
    tpu.enqueue_indirect_dma source(%dma_start3A_38 : memref<10000x128xi16, #tpu.memory_space<hbm>>) target(%arg10 : memref<125x128xi16, #tpu.memory_space<vmem>>) offsets(%dma_start3A_35 : memref<125xi32, #tpu.memory_space<vmem>>) semaphore(%arg17 : memref<!tpu.dma_semaphore, #tpu.memory_space<semaphore_mem>>)
    %dma_start3A_39 = arith.constant 3 : i32
    %dma_start3A_40 = arith.constant 0 : i32
    %dma_start3A_41 = tpu.memref_slice %arg6[%dma_start3A_39, %dma_start3A_40] : memref<80x125xi32, #tpu.memory_space<vmem>> -> memref<1x125xi32, #tpu.memory_space<vmem>>
    %dma_start3A_42 = tpu.memref_squeeze %dma_start3A_41 : memref<1x125xi32, #tpu.memory_space<vmem>> -> memref<125xi32, #tpu.memory_space<vmem>>
    %dma_start3A_43 = arith.constant 0 : i32
    %dma_start3A_44 = arith.constant 0 : i32
    %dma_start3A_45 = tpu.memref_slice %arg2[%dma_start3A_43, %dma_start3A_44] : memref<10000x128xi16, #tpu.memory_space<hbm>> -> memref<10000x128xi16, #tpu.memory_space<hbm>>
    tpu.enqueue_indirect_dma source(%dma_start3A_45 : memref<10000x128xi16, #tpu.memory_space<hbm>>) target(%arg11 : memref<125x128xi16, #tpu.memory_space<vmem>>) offsets(%dma_start3A_42 : memref<125xi32, #tpu.memory_space<vmem>>) semaphore(%arg18 : memref<!tpu.dma_semaphore, #tpu.memory_space<semaphore_mem>>)
    %dma_start3A_46 = arith.constant 4 : i32
    %dma_start3A_47 = arith.constant 0 : i32
    %dma_start3A_48 = tpu.memref_slice %arg6[%dma_start3A_46, %dma_start3A_47] : memref<80x125xi32, #tpu.memory_space<vmem>> -> memref<1x125xi32, #tpu.memory_space<vmem>>
    %dma_start3A_49 = tpu.memref_squeeze %dma_start3A_48 : memref<1x125xi32, #tpu.memory_space<vmem>> -> memref<125xi32, #tpu.memory_space<vmem>>
    %dma_start3A_50 = arith.constant 0 : i32
    %dma_start3A_51 = arith.constant 0 : i32
    %dma_start3A_52 = tpu.memref_slice %arg2[%dma_start3A_50, %dma_start3A_51] : memref<10000x128xi16, #tpu.memory_space<hbm>> -> memref<10000x128xi16, #tpu.memory_space<hbm>>
    tpu.enqueue_indirect_dma source(%dma_start3A_52 : memref<10000x128xi16, #tpu.memory_space<hbm>>) target(%arg12 : memref<125x128xi16, #tpu.memory_space<vmem>>) offsets(%dma_start3A_49 : memref<125xi32, #tpu.memory_space<vmem>>) semaphore(%arg19 : memref<!tpu.dma_semaphore, #tpu.memory_space<semaphore_mem>>)
    %scan3A_53 = arith.constant 0 : i32
    %scan3A_54 = arith.constant 0 : i32
    %scan3A_55 = arith.constant 16 : i32
    %scan3A_56 = arith.addi %scan3A_54, %scan3A_55 : i32
    %scan3A_57 = arith.constant 1 : i32
    %scan3A_58 = scf.for %scan3A_95 = %scan3A_54 to %scan3A_56 step %scan3A_57 iter_args(%scan3A_96 = %scan3A_53) -> (i32)  : i32 {
      %mul3A_97 = arith.constant 5 : i32
      %mul3A_98 = arith.muli %scan3A_95, %mul3A_97 : i32
      %dma_wait3A_99 = arith.constant 0 : i32
      %dma_wait3A_100 = arith.constant 0 : i32
      %dma_wait3A_101 = tpu.memref_slice %arg6[%dma_wait3A_99, %dma_wait3A_100] : memref<80x125xi32, #tpu.memory_space<vmem>> -> memref<1x125xi32, #tpu.memory_space<vmem>>
      %dma_wait3A_102 = tpu.memref_squeeze %dma_wait3A_101 : memref<1x125xi32, #tpu.memory_space<vmem>> -> memref<125xi32, #tpu.memory_space<vmem>>
      %dma_wait3A_103 = arith.constant 0 : i32
      %dma_wait3A_104 = arith.constant 0 : i32
      %dma_wait3A_105 = tpu.memref_slice %arg2[%dma_wait3A_103, %dma_wait3A_104] : memref<10000x128xi16, #tpu.memory_space<hbm>> -> memref<10000x128xi16, #tpu.memory_space<hbm>>
      tpu.wait_indirect_dma semaphore(%arg15 : memref<!tpu.dma_semaphore, #tpu.memory_space<semaphore_mem>>) src(%dma_wait3A_105 : memref<10000x128xi16, #tpu.memory_space<hbm>>) dst(%arg8 : memref<125x128xi16, #tpu.memory_space<vmem>>)
      %add3A_106 = arith.constant 0 : i32
      %add3A_107 = arith.addi %mul3A_98, %add3A_106 : i32
      %dma_start3A_108 = arith.constant 0 : i32
      %dma_start3A_109 = tpu.memref_slice %arg7[%add3A_107, %dma_start3A_108] : memref<80x125xi32, #tpu.memory_space<vmem>> -> memref<1x125xi32, #tpu.memory_space<vmem>>
      %dma_start3A_110 = tpu.memref_squeeze %dma_start3A_109 : memref<1x125xi32, #tpu.memory_space<vmem>> -> memref<125xi32, #tpu.memory_space<vmem>>
      %dma_start3A_111 = arith.constant 0 : i32
      %dma_start3A_112 = arith.constant 0 : i32
      %dma_start3A_113 = tpu.memref_slice %arg14[%dma_start3A_111, %dma_start3A_112] : memref<10240x128xi16, #tpu.memory_space<vmem_shared>> -> memref<10240x128xi16, #tpu.memory_space<vmem_shared>>
      tpu.enqueue_indirect_dma source(%arg8 : memref<125x128xi16, #tpu.memory_space<vmem>>) target(%dma_start3A_113 : memref<10240x128xi16, #tpu.memory_space<vmem_shared>>) offsets(%dma_start3A_110 : memref<125xi32, #tpu.memory_space<vmem>>) semaphore(%arg20 : memref<!tpu.dma_semaphore, #tpu.memory_space<semaphore_mem>>) {add = true}
      %dma_wait3A_114 = arith.constant 0 : i32
      %dma_wait3A_115 = arith.constant 0 : i32
      %dma_wait3A_116 = tpu.memref_slice %arg6[%dma_wait3A_114, %dma_wait3A_115] : memref<80x125xi32, #tpu.memory_space<vmem>> -> memref<1x125xi32, #tpu.memory_space<vmem>>
      %dma_wait3A_117 = tpu.memref_squeeze %dma_wait3A_116 : memref<1x125xi32, #tpu.memory_space<vmem>> -> memref<125xi32, #tpu.memory_space<vmem>>
      %dma_wait3A_118 = arith.constant 0 : i32
      %dma_wait3A_119 = arith.constant 0 : i32
      %dma_wait3A_120 = tpu.memref_slice %arg2[%dma_wait3A_118, %dma_wait3A_119] : memref<10000x128xi16, #tpu.memory_space<hbm>> -> memref<10000x128xi16, #tpu.memory_space<hbm>>
      tpu.wait_indirect_dma semaphore(%arg16 : memref<!tpu.dma_semaphore, #tpu.memory_space<semaphore_mem>>) src(%dma_wait3A_120 : memref<10000x128xi16, #tpu.memory_space<hbm>>) dst(%arg9 : memref<125x128xi16, #tpu.memory_space<vmem>>)
      %add3A_121 = arith.constant 1 : i32
      %add3A_122 = arith.addi %mul3A_98, %add3A_121 : i32
      %dma_start3A_123 = arith.constant 0 : i32
      %dma_start3A_124 = tpu.memref_slice %arg7[%add3A_122, %dma_start3A_123] : memref<80x125xi32, #tpu.memory_space<vmem>> -> memref<1x125xi32, #tpu.memory_space<vmem>>
      %dma_start3A_125 = tpu.memref_squeeze %dma_start3A_124 : memref<1x125xi32, #tpu.memory_space<vmem>> -> memref<125xi32, #tpu.memory_space<vmem>>
      %dma_start3A_126 = arith.constant 0 : i32
      %dma_start3A_127 = arith.constant 0 : i32
      %dma_start3A_128 = tpu.memref_slice %arg14[%dma_start3A_126, %dma_start3A_127] : memref<10240x128xi16, #tpu.memory_space<vmem_shared>> -> memref<10240x128xi16, #tpu.memory_space<vmem_shared>>
      tpu.enqueue_indirect_dma source(%arg9 : memref<125x128xi16, #tpu.memory_space<vmem>>) target(%dma_start3A_128 : memref<10240x128xi16, #tpu.memory_space<vmem_shared>>) offsets(%dma_start3A_125 : memref<125xi32, #tpu.memory_space<vmem>>) semaphore(%arg21 : memref<!tpu.dma_semaphore, #tpu.memory_space<semaphore_mem>>) {add = true}
      %dma_wait3A_129 = arith.constant 0 : i32
      %dma_wait3A_130 = arith.constant 0 : i32
      %dma_wait3A_131 = tpu.memref_slice %arg6[%dma_wait3A_129, %dma_wait3A_130] : memref<80x125xi32, #tpu.memory_space<vmem>> -> memref<1x125xi32, #tpu.memory_space<vmem>>
      %dma_wait3A_132 = tpu.memref_squeeze %dma_wait3A_131 : memref<1x125xi32, #tpu.memory_space<vmem>> -> memref<125xi32, #tpu.memory_space<vmem>>
      %dma_wait3A_133 = arith.constant 0 : i32
      %dma_wait3A_134 = arith.constant 0 : i32
      %dma_wait3A_135 = tpu.memref_slice %arg2[%dma_wait3A_133, %dma_wait3A_134] : memref<10000x128xi16, #tpu.memory_space<hbm>> -> memref<10000x128xi16, #tpu.memory_space<hbm>>
      tpu.wait_indirect_dma semaphore(%arg17 : memref<!tpu.dma_semaphore, #tpu.memory_space<semaphore_mem>>) src(%dma_wait3A_135 : memref<10000x128xi16, #tpu.memory_space<hbm>>) dst(%arg10 : memref<125x128xi16, #tpu.memory_space<vmem>>)
      %add3A_136 = arith.constant 2 : i32
      %add3A_137 = arith.addi %mul3A_98, %add3A_136 : i32
      %dma_start3A_138 = arith.constant 0 : i32
      %dma_start3A_139 = tpu.memref_slice %arg7[%add3A_137, %dma_start3A_138] : memref<80x125xi32, #tpu.memory_space<vmem>> -> memref<1x125xi32, #tpu.memory_space<vmem>>
      %dma_start3A_140 = tpu.memref_squeeze %dma_start3A_139 : memref<1x125xi32, #tpu.memory_space<vmem>> -> memref<125xi32, #tpu.memory_space<vmem>>
      %dma_start3A_141 = arith.constant 0 : i32
      %dma_start3A_142 = arith.constant 0 : i32
      %dma_start3A_143 = tpu.memref_slice %arg14[%dma_start3A_141, %dma_start3A_142] : memref<10240x128xi16, #tpu.memory_space<vmem_shared>> -> memref<10240x128xi16, #tpu.memory_space<vmem_shared>>
      tpu.enqueue_indirect_dma source(%arg10 : memref<125x128xi16, #tpu.memory_space<vmem>>) target(%dma_start3A_143 : memref<10240x128xi16, #tpu.memory_space<vmem_shared>>) offsets(%dma_start3A_140 : memref<125xi32, #tpu.memory_space<vmem>>) semaphore(%arg22 : memref<!tpu.dma_semaphore, #tpu.memory_space<semaphore_mem>>) {add = true}
      %dma_wait3A_144 = arith.constant 0 : i32
      %dma_wait3A_145 = arith.constant 0 : i32
      %dma_wait3A_146 = tpu.memref_slice %arg6[%dma_wait3A_144, %dma_wait3A_145] : memref<80x125xi32, #tpu.memory_space<vmem>> -> memref<1x125xi32, #tpu.memory_space<vmem>>
      %dma_wait3A_147 = tpu.memref_squeeze %dma_wait3A_146 : memref<1x125xi32, #tpu.memory_space<vmem>> -> memref<125xi32, #tpu.memory_space<vmem>>
      %dma_wait3A_148 = arith.constant 0 : i32
      %dma_wait3A_149 = arith.constant 0 : i32
      %dma_wait3A_150 = tpu.memref_slice %arg2[%dma_wait3A_148, %dma_wait3A_149] : memref<10000x128xi16, #tpu.memory_space<hbm>> -> memref<10000x128xi16, #tpu.memory_space<hbm>>
      tpu.wait_indirect_dma semaphore(%arg18 : memref<!tpu.dma_semaphore, #tpu.memory_space<semaphore_mem>>) src(%dma_wait3A_150 : memref<10000x128xi16, #tpu.memory_space<hbm>>) dst(%arg11 : memref<125x128xi16, #tpu.memory_space<vmem>>)
      %add3A_151 = arith.constant 3 : i32
      %add3A_152 = arith.addi %mul3A_98, %add3A_151 : i32
      %dma_start3A_153 = arith.constant 0 : i32
      %dma_start3A_154 = tpu.memref_slice %arg7[%add3A_152, %dma_start3A_153] : memref<80x125xi32, #tpu.memory_space<vmem>> -> memref<1x125xi32, #tpu.memory_space<vmem>>
      %dma_start3A_155 = tpu.memref_squeeze %dma_start3A_154 : memref<1x125xi32, #tpu.memory_space<vmem>> -> memref<125xi32, #tpu.memory_space<vmem>>
      %dma_start3A_156 = arith.constant 0 : i32
      %dma_start3A_157 = arith.constant 0 : i32
      %dma_start3A_158 = tpu.memref_slice %arg14[%dma_start3A_156, %dma_start3A_157] : memref<10240x128xi16, #tpu.memory_space<vmem_shared>> -> memref<10240x128xi16, #tpu.memory_space<vmem_shared>>
      tpu.enqueue_indirect_dma source(%arg11 : memref<125x128xi16, #tpu.memory_space<vmem>>) target(%dma_start3A_158 : memref<10240x128xi16, #tpu.memory_space<vmem_shared>>) offsets(%dma_start3A_155 : memref<125xi32, #tpu.memory_space<vmem>>) semaphore(%arg23 : memref<!tpu.dma_semaphore, #tpu.memory_space<semaphore_mem>>) {add = true}
      %dma_wait3A_159 = arith.constant 0 : i32
      %dma_wait3A_160 = arith.constant 0 : i32
      %dma_wait3A_161 = tpu.memref_slice %arg6[%dma_wait3A_159, %dma_wait3A_160] : memref<80x125xi32, #tpu.memory_space<vmem>> -> memref<1x125xi32, #tpu.memory_space<vmem>>
      %dma_wait3A_162 = tpu.memref_squeeze %dma_wait3A_161 : memref<1x125xi32, #tpu.memory_space<vmem>> -> memref<125xi32, #tpu.memory_space<vmem>>
      %dma_wait3A_163 = arith.constant 0 : i32
      %dma_wait3A_164 = arith.constant 0 : i32
      %dma_wait3A_165 = tpu.memref_slice %arg2[%dma_wait3A_163, %dma_wait3A_164] : memref<10000x128xi16, #tpu.memory_space<hbm>> -> memref<10000x128xi16, #tpu.memory_space<hbm>>
      tpu.wait_indirect_dma semaphore(%arg19 : memref<!tpu.dma_semaphore, #tpu.memory_space<semaphore_mem>>) src(%dma_wait3A_165 : memref<10000x128xi16, #tpu.memory_space<hbm>>) dst(%arg12 : memref<125x128xi16, #tpu.memory_space<vmem>>)
      %add3A_166 = arith.constant 4 : i32
      %add3A_167 = arith.addi %mul3A_98, %add3A_166 : i32
      %dma_start3A_168 = arith.constant 0 : i32
      %dma_start3A_169 = tpu.memref_slice %arg7[%add3A_167, %dma_start3A_168] : memref<80x125xi32, #tpu.memory_space<vmem>> -> memref<1x125xi32, #tpu.memory_space<vmem>>
      %dma_start3A_170 = tpu.memref_squeeze %dma_start3A_169 : memref<1x125xi32, #tpu.memory_space<vmem>> -> memref<125xi32, #tpu.memory_space<vmem>>
      %dma_start3A_171 = arith.constant 0 : i32
      %dma_start3A_172 = arith.constant 0 : i32
      %dma_start3A_173 = tpu.memref_slice %arg14[%dma_start3A_171, %dma_start3A_172] : memref<10240x128xi16, #tpu.memory_space<vmem_shared>> -> memref<10240x128xi16, #tpu.memory_space<vmem_shared>>
      tpu.enqueue_indirect_dma source(%arg12 : memref<125x128xi16, #tpu.memory_space<vmem>>) target(%dma_start3A_173 : memref<10240x128xi16, #tpu.memory_space<vmem_shared>>) offsets(%dma_start3A_170 : memref<125xi32, #tpu.memory_space<vmem>>) semaphore(%arg24 : memref<!tpu.dma_semaphore, #tpu.memory_space<semaphore_mem>>) {add = true}
      %lt3A = arith.constant 15 : i32
      %lt3A_174 = arith.cmpi slt, %scan3A_95, %lt3A : i32
      %convert_element_type3A = arith.extui %lt3A_174 : i1 to i32
      %cond3A = arith.constant 0 : i32
      %cond3A_175 = arith.cmpi ne, %convert_element_type3A, %cond3A : i32
      scf.if %cond3A_175 {
        %dma_wait3A_197 = arith.constant 0 : i32
        %dma_wait3A_198 = arith.constant 0 : i32
        %dma_wait3A_199 = tpu.memref_slice %arg7[%dma_wait3A_197, %dma_wait3A_198] : memref<80x125xi32, #tpu.memory_space<vmem>> -> memref<1x125xi32, #tpu.memory_space<vmem>>
        %dma_wait3A_200 = tpu.memref_squeeze %dma_wait3A_199 : memref<1x125xi32, #tpu.memory_space<vmem>> -> memref<125xi32, #tpu.memory_space<vmem>>
        %dma_wait3A_201 = arith.constant 0 : i32
        %dma_wait3A_202 = arith.constant 0 : i32
        %dma_wait3A_203 = tpu.memref_slice %arg14[%dma_wait3A_201, %dma_wait3A_202] : memref<10240x128xi16, #tpu.memory_space<vmem_shared>> -> memref<10240x128xi16, #tpu.memory_space<vmem_shared>>
        tpu.wait_indirect_dma semaphore(%arg20 : memref<!tpu.dma_semaphore, #tpu.memory_space<semaphore_mem>>) src(%arg8 : memref<125x128xi16, #tpu.memory_space<vmem>>) dst(%dma_wait3A_203 : memref<10240x128xi16, #tpu.memory_space<vmem_shared>>)
        %add3A_204 = arith.constant 5 : i32
        %add3A_205 = arith.addi %mul3A_98, %add3A_204 : i32
        %add3A_206 = arith.constant 0 : i32
        %add3A_207 = arith.addi %add3A_205, %add3A_206 : i32
        %dma_start3A_208 = arith.constant 0 : i32
        %dma_start3A_209 = tpu.memref_slice %arg6[%add3A_207, %dma_start3A_208] : memref<80x125xi32, #tpu.memory_space<vmem>> -> memref<1x125xi32, #tpu.memory_space<vmem>>
        %dma_start3A_210 = tpu.memref_squeeze %dma_start3A_209 : memref<1x125xi32, #tpu.memory_space<vmem>> -> memref<125xi32, #tpu.memory_space<vmem>>
        %dma_start3A_211 = arith.constant 0 : i32
        %dma_start3A_212 = arith.constant 0 : i32
        %dma_start3A_213 = tpu.memref_slice %arg2[%dma_start3A_211, %dma_start3A_212] : memref<10000x128xi16, #tpu.memory_space<hbm>> -> memref<10000x128xi16, #tpu.memory_space<hbm>>
        tpu.enqueue_indirect_dma source(%dma_start3A_213 : memref<10000x128xi16, #tpu.memory_space<hbm>>) target(%arg8 : memref<125x128xi16, #tpu.memory_space<vmem>>) offsets(%dma_start3A_210 : memref<125xi32, #tpu.memory_space<vmem>>) semaphore(%arg15 : memref<!tpu.dma_semaphore, #tpu.memory_space<semaphore_mem>>)
      } else {
      }
      %lt3A_176 = arith.constant 15 : i32
      %lt3A_177 = arith.cmpi slt, %scan3A_95, %lt3A_176 : i32
      %convert_element_type3A_178 = arith.extui %lt3A_177 : i1 to i32
      %cond3A_179 = arith.constant 0 : i32
      %cond3A_180 = arith.cmpi ne, %convert_element_type3A_178, %cond3A_179 : i32
      scf.if %cond3A_180 {
        %dma_wait3A_197 = arith.constant 0 : i32
        %dma_wait3A_198 = arith.constant 0 : i32
        %dma_wait3A_199 = tpu.memref_slice %arg7[%dma_wait3A_197, %dma_wait3A_198] : memref<80x125xi32, #tpu.memory_space<vmem>> -> memref<1x125xi32, #tpu.memory_space<vmem>>
        %dma_wait3A_200 = tpu.memref_squeeze %dma_wait3A_199 : memref<1x125xi32, #tpu.memory_space<vmem>> -> memref<125xi32, #tpu.memory_space<vmem>>
        %dma_wait3A_201 = arith.constant 0 : i32
        %dma_wait3A_202 = arith.constant 0 : i32
        %dma_wait3A_203 = tpu.memref_slice %arg14[%dma_wait3A_201, %dma_wait3A_202] : memref<10240x128xi16, #tpu.memory_space<vmem_shared>> -> memref<10240x128xi16, #tpu.memory_space<vmem_shared>>
        tpu.wait_indirect_dma semaphore(%arg21 : memref<!tpu.dma_semaphore, #tpu.memory_space<semaphore_mem>>) src(%arg9 : memref<125x128xi16, #tpu.memory_space<vmem>>) dst(%dma_wait3A_203 : memref<10240x128xi16, #tpu.memory_space<vmem_shared>>)
        %add3A_204 = arith.constant 5 : i32
        %add3A_205 = arith.addi %mul3A_98, %add3A_204 : i32
        %add3A_206 = arith.constant 1 : i32
        %add3A_207 = arith.addi %add3A_205, %add3A_206 : i32
        %dma_start3A_208 = arith.constant 0 : i32
        %dma_start3A_209 = tpu.memref_slice %arg6[%add3A_207, %dma_start3A_208] : memref<80x125xi32, #tpu.memory_space<vmem>> -> memref<1x125xi32, #tpu.memory_space<vmem>>
        %dma_start3A_210 = tpu.memref_squeeze %dma_start3A_209 : memref<1x125xi32, #tpu.memory_space<vmem>> -> memref<125xi32, #tpu.memory_space<vmem>>
        %dma_start3A_211 = arith.constant 0 : i32
        %dma_start3A_212 = arith.constant 0 : i32
        %dma_start3A_213 = tpu.memref_slice %arg2[%dma_start3A_211, %dma_start3A_212] : memref<10000x128xi16, #tpu.memory_space<hbm>> -> memref<10000x128xi16, #tpu.memory_space<hbm>>
        tpu.enqueue_indirect_dma source(%dma_start3A_213 : memref<10000x128xi16, #tpu.memory_space<hbm>>) target(%arg9 : memref<125x128xi16, #tpu.memory_space<vmem>>) offsets(%dma_start3A_210 : memref<125xi32, #tpu.memory_space<vmem>>) semaphore(%arg16 : memref<!tpu.dma_semaphore, #tpu.memory_space<semaphore_mem>>)
      } else {
      }
      %lt3A_181 = arith.constant 15 : i32
      %lt3A_182 = arith.cmpi slt, %scan3A_95, %lt3A_181 : i32
      %convert_element_type3A_183 = arith.extui %lt3A_182 : i1 to i32
      %cond3A_184 = arith.constant 0 : i32
      %cond3A_185 = arith.cmpi ne, %convert_element_type3A_183, %cond3A_184 : i32
      scf.if %cond3A_185 {
        %dma_wait3A_197 = arith.constant 0 : i32
        %dma_wait3A_198 = arith.constant 0 : i32
        %dma_wait3A_199 = tpu.memref_slice %arg7[%dma_wait3A_197, %dma_wait3A_198] : memref<80x125xi32, #tpu.memory_space<vmem>> -> memref<1x125xi32, #tpu.memory_space<vmem>>
        %dma_wait3A_200 = tpu.memref_squeeze %dma_wait3A_199 : memref<1x125xi32, #tpu.memory_space<vmem>> -> memref<125xi32, #tpu.memory_space<vmem>>
        %dma_wait3A_201 = arith.constant 0 : i32
        %dma_wait3A_202 = arith.constant 0 : i32
        %dma_wait3A_203 = tpu.memref_slice %arg14[%dma_wait3A_201, %dma_wait3A_202] : memref<10240x128xi16, #tpu.memory_space<vmem_shared>> -> memref<10240x128xi16, #tpu.memory_space<vmem_shared>>
        tpu.wait_indirect_dma semaphore(%arg22 : memref<!tpu.dma_semaphore, #tpu.memory_space<semaphore_mem>>) src(%arg10 : memref<125x128xi16, #tpu.memory_space<vmem>>) dst(%dma_wait3A_203 : memref<10240x128xi16, #tpu.memory_space<vmem_shared>>)
        %add3A_204 = arith.constant 5 : i32
        %add3A_205 = arith.addi %mul3A_98, %add3A_204 : i32
        %add3A_206 = arith.constant 2 : i32
        %add3A_207 = arith.addi %add3A_205, %add3A_206 : i32
        %dma_start3A_208 = arith.constant 0 : i32
        %dma_start3A_209 = tpu.memref_slice %arg6[%add3A_207, %dma_start3A_208] : memref<80x125xi32, #tpu.memory_space<vmem>> -> memref<1x125xi32, #tpu.memory_space<vmem>>
        %dma_start3A_210 = tpu.memref_squeeze %dma_start3A_209 : memref<1x125xi32, #tpu.memory_space<vmem>> -> memref<125xi32, #tpu.memory_space<vmem>>
        %dma_start3A_211 = arith.constant 0 : i32
        %dma_start3A_212 = arith.constant 0 : i32
        %dma_start3A_213 = tpu.memref_slice %arg2[%dma_start3A_211, %dma_start3A_212] : memref<10000x128xi16, #tpu.memory_space<hbm>> -> memref<10000x128xi16, #tpu.memory_space<hbm>>
        tpu.enqueue_indirect_dma source(%dma_start3A_213 : memref<10000x128xi16, #tpu.memory_space<hbm>>) target(%arg10 : memref<125x128xi16, #tpu.memory_space<vmem>>) offsets(%dma_start3A_210 : memref<125xi32, #tpu.memory_space<vmem>>) semaphore(%arg17 : memref<!tpu.dma_semaphore, #tpu.memory_space<semaphore_mem>>)
      } else {
      }
      %lt3A_186 = arith.constant 15 : i32
      %lt3A_187 = arith.cmpi slt, %scan3A_95, %lt3A_186 : i32
      %convert_element_type3A_188 = arith.extui %lt3A_187 : i1 to i32
      %cond3A_189 = arith.constant 0 : i32
      %cond3A_190 = arith.cmpi ne, %convert_element_type3A_188, %cond3A_189 : i32
      scf.if %cond3A_190 {
        %dma_wait3A_197 = arith.constant 0 : i32
        %dma_wait3A_198 = arith.constant 0 : i32
        %dma_wait3A_199 = tpu.memref_slice %arg7[%dma_wait3A_197, %dma_wait3A_198] : memref<80x125xi32, #tpu.memory_space<vmem>> -> memref<1x125xi32, #tpu.memory_space<vmem>>
        %dma_wait3A_200 = tpu.memref_squeeze %dma_wait3A_199 : memref<1x125xi32, #tpu.memory_space<vmem>> -> memref<125xi32, #tpu.memory_space<vmem>>
        %dma_wait3A_201 = arith.constant 0 : i32
        %dma_wait3A_202 = arith.constant 0 : i32
        %dma_wait3A_203 = tpu.memref_slice %arg14[%dma_wait3A_201, %dma_wait3A_202] : memref<10240x128xi16, #tpu.memory_space<vmem_shared>> -> memref<10240x128xi16, #tpu.memory_space<vmem_shared>>
        tpu.wait_indirect_dma semaphore(%arg23 : memref<!tpu.dma_semaphore, #tpu.memory_space<semaphore_mem>>) src(%arg11 : memref<125x128xi16, #tpu.memory_space<vmem>>) dst(%dma_wait3A_203 : memref<10240x128xi16, #tpu.memory_space<vmem_shared>>)
        %add3A_204 = arith.constant 5 : i32
        %add3A_205 = arith.addi %mul3A_98, %add3A_204 : i32
        %add3A_206 = arith.constant 3 : i32
        %add3A_207 = arith.addi %add3A_205, %add3A_206 : i32
        %dma_start3A_208 = arith.constant 0 : i32
        %dma_start3A_209 = tpu.memref_slice %arg6[%add3A_207, %dma_start3A_208] : memref<80x125xi32, #tpu.memory_space<vmem>> -> memref<1x125xi32, #tpu.memory_space<vmem>>
        %dma_start3A_210 = tpu.memref_squeeze %dma_start3A_209 : memref<1x125xi32, #tpu.memory_space<vmem>> -> memref<125xi32, #tpu.memory_space<vmem>>
        %dma_start3A_211 = arith.constant 0 : i32
        %dma_start3A_212 = arith.constant 0 : i32
        %dma_start3A_213 = tpu.memref_slice %arg2[%dma_start3A_211, %dma_start3A_212] : memref<10000x128xi16, #tpu.memory_space<hbm>> -> memref<10000x128xi16, #tpu.memory_space<hbm>>
        tpu.enqueue_indirect_dma source(%dma_start3A_213 : memref<10000x128xi16, #tpu.memory_space<hbm>>) target(%arg11 : memref<125x128xi16, #tpu.memory_space<vmem>>) offsets(%dma_start3A_210 : memref<125xi32, #tpu.memory_space<vmem>>) semaphore(%arg18 : memref<!tpu.dma_semaphore, #tpu.memory_space<semaphore_mem>>)
      } else {
      }
      %lt3A_191 = arith.constant 15 : i32
      %lt3A_192 = arith.cmpi slt, %scan3A_95, %lt3A_191 : i32
      %convert_element_type3A_193 = arith.extui %lt3A_192 : i1 to i32
      %cond3A_194 = arith.constant 0 : i32
      %cond3A_195 = arith.cmpi ne, %convert_element_type3A_193, %cond3A_194 : i32
      scf.if %cond3A_195 {
        %dma_wait3A_197 = arith.constant 0 : i32
        %dma_wait3A_198 = arith.constant 0 : i32
        %dma_wait3A_199 = tpu.memref_slice %arg7[%dma_wait3A_197, %dma_wait3A_198] : memref<80x125xi32, #tpu.memory_space<vmem>> -> memref<1x125xi32, #tpu.memory_space<vmem>>
        %dma_wait3A_200 = tpu.memref_squeeze %dma_wait3A_199 : memref<1x125xi32, #tpu.memory_space<vmem>> -> memref<125xi32, #tpu.memory_space<vmem>>
        %dma_wait3A_201 = arith.constant 0 : i32
        %dma_wait3A_202 = arith.constant 0 : i32
        %dma_wait3A_203 = tpu.memref_slice %arg14[%dma_wait3A_201, %dma_wait3A_202] : memref<10240x128xi16, #tpu.memory_space<vmem_shared>> -> memref<10240x128xi16, #tpu.memory_space<vmem_shared>>
        tpu.wait_indirect_dma semaphore(%arg24 : memref<!tpu.dma_semaphore, #tpu.memory_space<semaphore_mem>>) src(%arg12 : memref<125x128xi16, #tpu.memory_space<vmem>>) dst(%dma_wait3A_203 : memref<10240x128xi16, #tpu.memory_space<vmem_shared>>)
        %add3A_204 = arith.constant 5 : i32
        %add3A_205 = arith.addi %mul3A_98, %add3A_204 : i32
        %add3A_206 = arith.constant 4 : i32
        %add3A_207 = arith.addi %add3A_205, %add3A_206 : i32
        %dma_start3A_208 = arith.constant 0 : i32
        %dma_start3A_209 = tpu.memref_slice %arg6[%add3A_207, %dma_start3A_208] : memref<80x125xi32, #tpu.memory_space<vmem>> -> memref<1x125xi32, #tpu.memory_space<vmem>>
        %dma_start3A_210 = tpu.memref_squeeze %dma_start3A_209 : memref<1x125xi32, #tpu.memory_space<vmem>> -> memref<125xi32, #tpu.memory_space<vmem>>
        %dma_start3A_211 = arith.constant 0 : i32
        %dma_start3A_212 = arith.constant 0 : i32
        %dma_start3A_213 = tpu.memref_slice %arg2[%dma_start3A_211, %dma_start3A_212] : memref<10000x128xi16, #tpu.memory_space<hbm>> -> memref<10000x128xi16, #tpu.memory_space<hbm>>
        tpu.enqueue_indirect_dma source(%dma_start3A_213 : memref<10000x128xi16, #tpu.memory_space<hbm>>) target(%arg12 : memref<125x128xi16, #tpu.memory_space<vmem>>) offsets(%dma_start3A_210 : memref<125xi32, #tpu.memory_space<vmem>>) semaphore(%arg19 : memref<!tpu.dma_semaphore, #tpu.memory_space<semaphore_mem>>)
      } else {
      }
      %scan3A_196 = arith.constant 0 : i32
      scf.yield %scan3A_196 : i32
    }
    %scan3A_59 = arith.constant 16 : i32
    %dma_wait3A = arith.constant 0 : i32
    %dma_wait3A_60 = arith.constant 0 : i32
    %dma_wait3A_61 = tpu.memref_slice %arg7[%dma_wait3A, %dma_wait3A_60] : memref<80x125xi32, #tpu.memory_space<vmem>> -> memref<1x125xi32, #tpu.memory_space<vmem>>
    %dma_wait3A_62 = tpu.memref_squeeze %dma_wait3A_61 : memref<1x125xi32, #tpu.memory_space<vmem>> -> memref<125xi32, #tpu.memory_space<vmem>>
    %dma_wait3A_63 = arith.constant 0 : i32
    %dma_wait3A_64 = arith.constant 0 : i32
    %dma_wait3A_65 = tpu.memref_slice %arg14[%dma_wait3A_63, %dma_wait3A_64] : memref<10240x128xi16, #tpu.memory_space<vmem_shared>> -> memref<10240x128xi16, #tpu.memory_space<vmem_shared>>
    tpu.wait_indirect_dma semaphore(%arg20 : memref<!tpu.dma_semaphore, #tpu.memory_space<semaphore_mem>>) src(%arg8 : memref<125x128xi16, #tpu.memory_space<vmem>>) dst(%dma_wait3A_65 : memref<10240x128xi16, #tpu.memory_space<vmem_shared>>)
    %dma_wait3A_66 = arith.constant 0 : i32
    %dma_wait3A_67 = arith.constant 0 : i32
    %dma_wait3A_68 = tpu.memref_slice %arg7[%dma_wait3A_66, %dma_wait3A_67] : memref<80x125xi32, #tpu.memory_space<vmem>> -> memref<1x125xi32, #tpu.memory_space<vmem>>
    %dma_wait3A_69 = tpu.memref_squeeze %dma_wait3A_68 : memref<1x125xi32, #tpu.memory_space<vmem>> -> memref<125xi32, #tpu.memory_space<vmem>>
    %dma_wait3A_70 = arith.constant 0 : i32
    %dma_wait3A_71 = arith.constant 0 : i32
    %dma_wait3A_72 = tpu.memref_slice %arg14[%dma_wait3A_70, %dma_wait3A_71] : memref<10240x128xi16, #tpu.memory_space<vmem_shared>> -> memref<10240x128xi16, #tpu.memory_space<vmem_shared>>
    tpu.wait_indirect_dma semaphore(%arg21 : memref<!tpu.dma_semaphore, #tpu.memory_space<semaphore_mem>>) src(%arg9 : memref<125x128xi16, #tpu.memory_space<vmem>>) dst(%dma_wait3A_72 : memref<10240x128xi16, #tpu.memory_space<vmem_shared>>)
    %dma_wait3A_73 = arith.constant 0 : i32
    %dma_wait3A_74 = arith.constant 0 : i32
    %dma_wait3A_75 = tpu.memref_slice %arg7[%dma_wait3A_73, %dma_wait3A_74] : memref<80x125xi32, #tpu.memory_space<vmem>> -> memref<1x125xi32, #tpu.memory_space<vmem>>
    %dma_wait3A_76 = tpu.memref_squeeze %dma_wait3A_75 : memref<1x125xi32, #tpu.memory_space<vmem>> -> memref<125xi32, #tpu.memory_space<vmem>>
    %dma_wait3A_77 = arith.constant 0 : i32
    %dma_wait3A_78 = arith.constant 0 : i32
    %dma_wait3A_79 = tpu.memref_slice %arg14[%dma_wait3A_77, %dma_wait3A_78] : memref<10240x128xi16, #tpu.memory_space<vmem_shared>> -> memref<10240x128xi16, #tpu.memory_space<vmem_shared>>
    tpu.wait_indirect_dma semaphore(%arg22 : memref<!tpu.dma_semaphore, #tpu.memory_space<semaphore_mem>>) src(%arg10 : memref<125x128xi16, #tpu.memory_space<vmem>>) dst(%dma_wait3A_79 : memref<10240x128xi16, #tpu.memory_space<vmem_shared>>)
    %dma_wait3A_80 = arith.constant 0 : i32
    %dma_wait3A_81 = arith.constant 0 : i32
    %dma_wait3A_82 = tpu.memref_slice %arg7[%dma_wait3A_80, %dma_wait3A_81] : memref<80x125xi32, #tpu.memory_space<vmem>> -> memref<1x125xi32, #tpu.memory_space<vmem>>
    %dma_wait3A_83 = tpu.memref_squeeze %dma_wait3A_82 : memref<1x125xi32, #tpu.memory_space<vmem>> -> memref<125xi32, #tpu.memory_space<vmem>>
    %dma_wait3A_84 = arith.constant 0 : i32
    %dma_wait3A_85 = arith.constant 0 : i32
    %dma_wait3A_86 = tpu.memref_slice %arg14[%dma_wait3A_84, %dma_wait3A_85] : memref<10240x128xi16, #tpu.memory_space<vmem_shared>> -> memref<10240x128xi16, #tpu.memory_space<vmem_shared>>
    tpu.wait_indirect_dma semaphore(%arg23 : memref<!tpu.dma_semaphore, #tpu.memory_space<semaphore_mem>>) src(%arg11 : memref<125x128xi16, #tpu.memory_space<vmem>>) dst(%dma_wait3A_86 : memref<10240x128xi16, #tpu.memory_space<vmem_shared>>)
    %dma_wait3A_87 = arith.constant 0 : i32
    %dma_wait3A_88 = arith.constant 0 : i32
    %dma_wait3A_89 = tpu.memref_slice %arg7[%dma_wait3A_87, %dma_wait3A_88] : memref<80x125xi32, #tpu.memory_space<vmem>> -> memref<1x125xi32, #tpu.memory_space<vmem>>
    %dma_wait3A_90 = tpu.memref_squeeze %dma_wait3A_89 : memref<1x125xi32, #tpu.memory_space<vmem>> -> memref<125xi32, #tpu.memory_space<vmem>>
    %dma_wait3A_91 = arith.constant 0 : i32
    %dma_wait3A_92 = arith.constant 0 : i32
    %dma_wait3A_93 = tpu.memref_slice %arg14[%dma_wait3A_91, %dma_wait3A_92] : memref<10240x128xi16, #tpu.memory_space<vmem_shared>> -> memref<10240x128xi16, #tpu.memory_space<vmem_shared>>
    tpu.wait_indirect_dma semaphore(%arg24 : memref<!tpu.dma_semaphore, #tpu.memory_space<semaphore_mem>>) src(%arg12 : memref<125x128xi16, #tpu.memory_space<vmem>>) dst(%dma_wait3A_93 : memref<10240x128xi16, #tpu.memory_space<vmem_shared>>)
    %barrier3A_94 = arith.constant 0 : index
    tpu.barrier barrier_id(%barrier3A_94)
    "tpu.region"() ({
      %run_scoped3A = tpu.sem_alloc : memref<!tpu.dma_semaphore, #tpu.memory_space<semaphore_mem>>
      %dma_start3A_95 = arith.constant 0 : i32
      %dma_start3A_96 = tpu.memref_slice %arg5[%arg0, %mul3A_7, %dma_start3A_95] : memref<2x10240x128xi16, #tpu.memory_space<hbm>> -> memref<1x640x128xi16, #tpu.memory_space<hbm>>
      %dma_start3A_97 = tpu.memref_squeeze %dma_start3A_96 : memref<1x640x128xi16, #tpu.memory_space<hbm>> -> memref<640x128xi16, #tpu.memory_space<hbm>>
      %dma_start3A_98 = arith.constant 0 : i32
      %dma_start3A_99 = tpu.memref_slice %arg14[%mul3A_7, %dma_start3A_98] : memref<10240x128xi16, #tpu.memory_space<vmem_shared>> -> memref<640x128xi16, #tpu.memory_space<vmem_shared>>
      tpu.enqueue_dma source(%dma_start3A_99 : memref<640x128xi16, #tpu.memory_space<vmem_shared>>) target(%dma_start3A_97 : memref<640x128xi16, #tpu.memory_space<hbm>>) target_semaphore(%run_scoped3A : memref<!tpu.dma_semaphore, #tpu.memory_space<semaphore_mem>>)
      %dma_wait3A_100 = arith.constant 0 : i32
      %dma_wait3A_101 = tpu.memref_slice %arg5[%arg0, %mul3A_7, %dma_wait3A_100] : memref<2x10240x128xi16, #tpu.memory_space<hbm>> -> memref<1x640x128xi16, #tpu.memory_space<hbm>>
      %dma_wait3A_102 = tpu.memref_squeeze %dma_wait3A_101 : memref<1x640x128xi16, #tpu.memory_space<hbm>> -> memref<640x128xi16, #tpu.memory_space<hbm>>
      %dma_wait3A_103 = arith.constant 0 : i32
      %dma_wait3A_104 = tpu.memref_slice %arg14[%mul3A_7, %dma_wait3A_103] : memref<10240x128xi16, #tpu.memory_space<vmem_shared>> -> memref<640x128xi16, #tpu.memory_space<vmem_shared>>
      tpu.wait_dma2 semaphore(%run_scoped3A : memref<!tpu.dma_semaphore, #tpu.memory_space<semaphore_mem>>) src(%dma_wait3A_104 : memref<640x128xi16, #tpu.memory_space<vmem_shared>>) dst(%dma_wait3A_102 : memref<640x128xi16, #tpu.memory_space<hbm>>)
      tpu.yield
    }) : () -> ()
    return
  }
}

#map = affine_map<(d0, d1) -> (0, 0)>
#map1 = affine_map<(d0, d1) -> (0, 0, 0)>
module attributes {stable_mosaic.version = 14 : i64} {
  func.func @body(%arg0: i32, %arg1: i32, %arg2: memref<10000x64xi16, #tpu.memory_space<hbm>>, %arg3: memref<2560x125xi32, #tpu.memory_space<hbm>>, %arg4: memref<2560x125xi32, #tpu.memory_space<hbm>>, %arg5: memref<2x10240x64xi16, #tpu.memory_space<hbm>>, %arg6: memref<80x125xi32, #tpu.memory_space<vmem>>, %arg7: memref<80x125xi32, #tpu.memory_space<vmem>>, %arg8: memref<125x64xi16, #tpu.memory_space<vmem>>, %arg9: memref<125x64xi16, #tpu.memory_space<vmem>>, %arg10: memref<125x64xi16, #tpu.memory_space<vmem>>, %arg11: memref<125x64xi16, #tpu.memory_space<vmem>>, %arg12: memref<125x64xi16, #tpu.memory_space<vmem>>, %arg13: memref<128x64xi16, #tpu.memory_space<vmem>>, %arg14: memref<10240x64xi16, #tpu.memory_space<vmem_shared>>, %arg15: memref<!tpu.dma_semaphore, #tpu.memory_space<semaphore_mem>>, %arg16: memref<!tpu.dma_semaphore, #tpu.memory_space<semaphore_mem>>, %arg17: memref<!tpu.dma_semaphore, #tpu.memory_space<semaphore_mem>>, %arg18: memref<!tpu.dma_semaphore, #tpu.memory_space<semaphore_mem>>, %arg19: memref<!tpu.dma_semaphore, #tpu.memory_space<semaphore_mem>>, %arg20: memref<!tpu.dma_semaphore, #tpu.memory_space<semaphore_mem>>, %arg21: memref<!tpu.dma_semaphore, #tpu.memory_space<semaphore_mem>>, %arg22: memref<!tpu.dma_semaphore, #tpu.memory_space<semaphore_mem>>, %arg23: memref<!tpu.dma_semaphore, #tpu.memory_space<semaphore_mem>>, %arg24: memref<!tpu.dma_semaphore, #tpu.memory_space<semaphore_mem>>) attributes {dimension_semantics = [#tpu.dimension_semantics<core_parallel>, #tpu.dimension_semantics<subcore_parallel>], iteration_bounds = array<i64: 2, 16>, scalar_prefetch = 0 : i64, scratch_operands = 19 : i64, tpu.core_type = #tpu.core_type<sc_vector_subcore>, window_params = [{transform_indices = #map}, {transform_indices = #map}, {transform_indices = #map}, {transform_indices = #map1}]} {
    %broadcast_in_dim3A = arith.constant 0 : i16
    %broadcast_in_dim3A_0 = vector.broadcast %broadcast_in_dim3A : i16 to vector<32xi16>
    %scan3A = arith.constant 0 : i32
    %scan3A_1 = arith.constant 0 : i32
    %scan3A_2 = arith.constant 128 : i32
    %scan3A_3 = arith.addi %scan3A_1, %scan3A_2 : i32
    %scan3A_4 = arith.constant 1 : i32
    %scan3A_5 = scf.for %scan3A_95 = %scan3A_1 to %scan3A_3 step %scan3A_4 iter_args(%scan3A_96 = %scan3A) -> (i32)  : i32 {
      %swap3A = arith.index_cast %scan3A_95 : i32 to index
      %swap3A_97 = arith.constant 0 : index
      %swap3A_98 = tpu.vector_load %arg13[%swap3A, %swap3A_97] {strides = array<i32>} : memref<128x64xi16, #tpu.memory_space<vmem>>, vector<32xi16>,
      tpu.vector_store %arg13[%swap3A, %swap3A_97], %broadcast_in_dim3A_0 {strides = array<i32>} : memref<128x64xi16, #tpu.memory_space<vmem>>, vector<32xi16>,
      %swap3A_99 = arith.index_cast %scan3A_95 : i32 to index
      %swap3A_100 = arith.constant 32 : index
      %swap3A_101 = tpu.vector_load %arg13[%swap3A_99, %swap3A_100] {strides = array<i32>} : memref<128x64xi16, #tpu.memory_space<vmem>>, vector<32xi16>,
      tpu.vector_store %arg13[%swap3A_99, %swap3A_100], %broadcast_in_dim3A_0 {strides = array<i32>} : memref<128x64xi16, #tpu.memory_space<vmem>>, vector<32xi16>,
      %scan3A_102 = arith.constant 0 : i32
      scf.yield %scan3A_102 : i32
    }
    %scan3A_6 = arith.constant 128 : i32
    %mul3A = arith.constant 640 : i32
    %mul3A_7 = arith.muli %arg1, %mul3A : i32
    %scan3A_8 = arith.constant 0 : i32
    %scan3A_9 = arith.constant 0 : i32
    %scan3A_10 = arith.constant 5 : i32
    %scan3A_11 = arith.addi %scan3A_9, %scan3A_10 : i32
    %scan3A_12 = arith.constant 1 : i32
    %scan3A_13 = scf.for %scan3A_95 = %scan3A_9 to %scan3A_11 step %scan3A_12 iter_args(%scan3A_96 = %scan3A_8) -> (i32)  : i32 {
      %mul3A_97 = arith.constant 128 : i32
      %mul3A_98 = arith.muli %scan3A_95, %mul3A_97 : i32
      %add3A_99 = arith.addi %mul3A_7, %mul3A_98 : i32
      "tpu.region"() ({
        %run_scoped3A = tpu.sem_alloc : memref<!tpu.dma_semaphore, #tpu.memory_space<semaphore_mem>>
        %dma_start3A_101 = arith.constant 0 : i32
        %dma_start3A_102 = tpu.memref_slice %arg14[%add3A_99, %dma_start3A_101] : memref<10240x64xi16, #tpu.memory_space<vmem_shared>> -> memref<128x64xi16, #tpu.memory_space<vmem_shared>>
        %dma_start3A_103 = arith.constant 0 : i32
        %dma_start3A_104 = tpu.memref_slice %arg14[%add3A_99, %dma_start3A_103] : memref<10240x64xi16, #tpu.memory_space<vmem_shared>> -> memref<128x64xi16, #tpu.memory_space<vmem_shared>>
        tpu.enqueue_dma source(%arg13 : memref<128x64xi16, #tpu.memory_space<vmem>>) target(%dma_start3A_104 : memref<128x64xi16, #tpu.memory_space<vmem_shared>>) target_semaphore(%run_scoped3A : memref<!tpu.dma_semaphore, #tpu.memory_space<semaphore_mem>>)
        %dma_wait3A_105 = arith.constant 0 : i32
        %dma_wait3A_106 = tpu.memref_slice %arg14[%add3A_99, %dma_wait3A_105] : memref<10240x64xi16, #tpu.memory_space<vmem_shared>> -> memref<128x64xi16, #tpu.memory_space<vmem_shared>>
        %dma_wait3A_107 = arith.constant 0 : i32
        %dma_wait3A_108 = tpu.memref_slice %arg14[%add3A_99, %dma_wait3A_107] : memref<10240x64xi16, #tpu.memory_space<vmem_shared>> -> memref<128x64xi16, #tpu.memory_space<vmem_shared>>
        tpu.wait_dma2 semaphore(%run_scoped3A : memref<!tpu.dma_semaphore, #tpu.memory_space<semaphore_mem>>) src(%arg13 : memref<128x64xi16, #tpu.memory_space<vmem>>) dst(%dma_wait3A_108 : memref<128x64xi16, #tpu.memory_space<vmem_shared>>)
        tpu.yield
      }) : () -> ()
      %scan3A_100 = arith.constant 0 : i32
      scf.yield %scan3A_100 : i32
    }
    %scan3A_14 = arith.constant 5 : i32
    %mul3A_15 = arith.constant 1280 : i32
    %mul3A_16 = arith.muli %arg0, %mul3A_15 : i32
    %mul3A_17 = arith.constant 80 : i32
    %mul3A_18 = arith.muli %arg1, %mul3A_17 : i32
    %add3A = arith.addi %mul3A_16, %mul3A_18 : i32
    "tpu.region"() ({
      %run_scoped3A = tpu.sem_alloc : memref<!tpu.dma_semaphore, #tpu.memory_space<semaphore_mem>>
      %dma_start3A_95 = arith.constant 0 : i32
      %dma_start3A_96 = tpu.memref_slice %arg3[%add3A, %dma_start3A_95] : memref<2560x125xi32, #tpu.memory_space<hbm>> -> memref<80x125xi32, #tpu.memory_space<hbm>>
      %dma_start3A_97 = arith.constant 0 : i32
      %dma_start3A_98 = tpu.memref_slice %arg3[%add3A, %dma_start3A_97] : memref<2560x125xi32, #tpu.memory_space<hbm>> -> memref<80x125xi32, #tpu.memory_space<hbm>>
      tpu.enqueue_dma source(%dma_start3A_98 : memref<80x125xi32, #tpu.memory_space<hbm>>) target(%arg6 : memref<80x125xi32, #tpu.memory_space<vmem>>) target_semaphore(%run_scoped3A : memref<!tpu.dma_semaphore, #tpu.memory_space<semaphore_mem>>)
      %dma_wait3A_99 = arith.constant 0 : i32
      %dma_wait3A_100 = tpu.memref_slice %arg3[%add3A, %dma_wait3A_99] : memref<2560x125xi32, #tpu.memory_space<hbm>> -> memref<80x125xi32, #tpu.memory_space<hbm>>
      %dma_wait3A_101 = arith.constant 0 : i32
      %dma_wait3A_102 = tpu.memref_slice %arg3[%add3A, %dma_wait3A_101] : memref<2560x125xi32, #tpu.memory_space<hbm>> -> memref<80x125xi32, #tpu.memory_space<hbm>>
      tpu.wait_dma2 semaphore(%run_scoped3A : memref<!tpu.dma_semaphore, #tpu.memory_space<semaphore_mem>>) src(%dma_wait3A_102 : memref<80x125xi32, #tpu.memory_space<hbm>>) dst(%arg6 : memref<80x125xi32, #tpu.memory_space<vmem>>)
      tpu.yield
    }) : () -> ()
    "tpu.region"() ({
      %run_scoped3A = tpu.sem_alloc : memref<!tpu.dma_semaphore, #tpu.memory_space<semaphore_mem>>
      %dma_start3A_95 = arith.constant 0 : i32
      %dma_start3A_96 = tpu.memref_slice %arg4[%add3A, %dma_start3A_95] : memref<2560x125xi32, #tpu.memory_space<hbm>> -> memref<80x125xi32, #tpu.memory_space<hbm>>
      %dma_start3A_97 = arith.constant 0 : i32
      %dma_start3A_98 = tpu.memref_slice %arg4[%add3A, %dma_start3A_97] : memref<2560x125xi32, #tpu.memory_space<hbm>> -> memref<80x125xi32, #tpu.memory_space<hbm>>
      tpu.enqueue_dma source(%dma_start3A_98 : memref<80x125xi32, #tpu.memory_space<hbm>>) target(%arg7 : memref<80x125xi32, #tpu.memory_space<vmem>>) target_semaphore(%run_scoped3A : memref<!tpu.dma_semaphore, #tpu.memory_space<semaphore_mem>>)
      %dma_wait3A_99 = arith.constant 0 : i32
      %dma_wait3A_100 = tpu.memref_slice %arg4[%add3A, %dma_wait3A_99] : memref<2560x125xi32, #tpu.memory_space<hbm>> -> memref<80x125xi32, #tpu.memory_space<hbm>>
      %dma_wait3A_101 = arith.constant 0 : i32
      %dma_wait3A_102 = tpu.memref_slice %arg4[%add3A, %dma_wait3A_101] : memref<2560x125xi32, #tpu.memory_space<hbm>> -> memref<80x125xi32, #tpu.memory_space<hbm>>
      tpu.wait_dma2 semaphore(%run_scoped3A : memref<!tpu.dma_semaphore, #tpu.memory_space<semaphore_mem>>) src(%dma_wait3A_102 : memref<80x125xi32, #tpu.memory_space<hbm>>) dst(%arg7 : memref<80x125xi32, #tpu.memory_space<vmem>>)
      tpu.yield
    }) : () -> ()
    %barrier3A = arith.constant 0 : index
    tpu.barrier barrier_id(%barrier3A)
    %dma_start3A = arith.constant 0 : i32
    %dma_start3A_19 = arith.constant 0 : i32
    %dma_start3A_20 = tpu.memref_slice %arg6[%dma_start3A, %dma_start3A_19] : memref<80x125xi32, #tpu.memory_space<vmem>> -> memref<1x125xi32, #tpu.memory_space<vmem>>
    %dma_start3A_21 = tpu.memref_squeeze %dma_start3A_20 : memref<1x125xi32, #tpu.memory_space<vmem>> -> memref<125xi32, #tpu.memory_space<vmem>>
    %dma_start3A_22 = arith.constant 0 : i32
    %dma_start3A_23 = arith.constant 0 : i32
    %dma_start3A_24 = tpu.memref_slice %arg2[%dma_start3A_22, %dma_start3A_23] : memref<10000x64xi16, #tpu.memory_space<hbm>> -> memref<10000x64xi16, #tpu.memory_space<hbm>>
    tpu.enqueue_indirect_dma source(%dma_start3A_24 : memref<10000x64xi16, #tpu.memory_space<hbm>>) target(%arg8 : memref<125x64xi16, #tpu.memory_space<vmem>>) offsets(%dma_start3A_21 : memref<125xi32, #tpu.memory_space<vmem>>) semaphore(%arg15 : memref<!tpu.dma_semaphore, #tpu.memory_space<semaphore_mem>>)
    %dma_start3A_25 = arith.constant 1 : i32
    %dma_start3A_26 = arith.constant 0 : i32
    %dma_start3A_27 = tpu.memref_slice %arg6[%dma_start3A_25, %dma_start3A_26] : memref<80x125xi32, #tpu.memory_space<vmem>> -> memref<1x125xi32, #tpu.memory_space<vmem>>
    %dma_start3A_28 = tpu.memref_squeeze %dma_start3A_27 : memref<1x125xi32, #tpu.memory_space<vmem>> -> memref<125xi32, #tpu.memory_space<vmem>>
    %dma_start3A_29 = arith.constant 0 : i32
    %dma_start3A_30 = arith.constant 0 : i32
    %dma_start3A_31 = tpu.memref_slice %arg2[%dma_start3A_29, %dma_start3A_30] : memref<10000x64xi16, #tpu.memory_space<hbm>> -> memref<10000x64xi16, #tpu.memory_space<hbm>>
    tpu.enqueue_indirect_dma source(%dma_start3A_31 : memref<10000x64xi16, #tpu.memory_space<hbm>>) target(%arg9 : memref<125x64xi16, #tpu.memory_space<vmem>>) offsets(%dma_start3A_28 : memref<125xi32, #tpu.memory_space<vmem>>) semaphore(%arg16 : memref<!tpu.dma_semaphore, #tpu.memory_space<semaphore_mem>>)
    %dma_start3A_32 = arith.constant 2 : i32
    %dma_start3A_33 = arith.constant 0 : i32
    %dma_start3A_34 = tpu.memref_slice %arg6[%dma_start3A_32, %dma_start3A_33] : memref<80x125xi32, #tpu.memory_space<vmem>> -> memref<1x125xi32, #tpu.memory_space<vmem>>
    %dma_start3A_35 = tpu.memref_squeeze %dma_start3A_34 : memref<1x125xi32, #tpu.memory_space<vmem>> -> memref<125xi32, #tpu.memory_space<vmem>>
    %dma_start3A_36 = arith.constant 0 : i32
    %dma_start3A_37 = arith.constant 0 : i32
    %dma_start3A_38 = tpu.memref_slice %arg2[%dma_start3A_36, %dma_start3A_37] : memref<10000x64xi16, #tpu.memory_space<hbm>> -> memref<10000x64xi16, #tpu.memory_space<hbm>>
    tpu.enqueue_indirect_dma source(%dma_start3A_38 : memref<10000x64xi16, #tpu.memory_space<hbm>>) target(%arg10 : memref<125x64xi16, #tpu.memory_space<vmem>>) offsets(%dma_start3A_35 : memref<125xi32, #tpu.memory_space<vmem>>) semaphore(%arg17 : memref<!tpu.dma_semaphore, #tpu.memory_space<semaphore_mem>>)
    %dma_start3A_39 = arith.constant 3 : i32
    %dma_start3A_40 = arith.constant 0 : i32
    %dma_start3A_41 = tpu.memref_slice %arg6[%dma_start3A_39, %dma_start3A_40] : memref<80x125xi32, #tpu.memory_space<vmem>> -> memref<1x125xi32, #tpu.memory_space<vmem>>
    %dma_start3A_42 = tpu.memref_squeeze %dma_start3A_41 : memref<1x125xi32, #tpu.memory_space<vmem>> -> memref<125xi32, #tpu.memory_space<vmem>>
    %dma_start3A_43 = arith.constant 0 : i32
    %dma_start3A_44 = arith.constant 0 : i32
    %dma_start3A_45 = tpu.memref_slice %arg2[%dma_start3A_43, %dma_start3A_44] : memref<10000x64xi16, #tpu.memory_space<hbm>> -> memref<10000x64xi16, #tpu.memory_space<hbm>>
    tpu.enqueue_indirect_dma source(%dma_start3A_45 : memref<10000x64xi16, #tpu.memory_space<hbm>>) target(%arg11 : memref<125x64xi16, #tpu.memory_space<vmem>>) offsets(%dma_start3A_42 : memref<125xi32, #tpu.memory_space<vmem>>) semaphore(%arg18 : memref<!tpu.dma_semaphore, #tpu.memory_space<semaphore_mem>>)
    %dma_start3A_46 = arith.constant 4 : i32
    %dma_start3A_47 = arith.constant 0 : i32
    %dma_start3A_48 = tpu.memref_slice %arg6[%dma_start3A_46, %dma_start3A_47] : memref<80x125xi32, #tpu.memory_space<vmem>> -> memref<1x125xi32, #tpu.memory_space<vmem>>
    %dma_start3A_49 = tpu.memref_squeeze %dma_start3A_48 : memref<1x125xi32, #tpu.memory_space<vmem>> -> memref<125xi32, #tpu.memory_space<vmem>>
    %dma_start3A_50 = arith.constant 0 : i32
    %dma_start3A_51 = arith.constant 0 : i32
    %dma_start3A_52 = tpu.memref_slice %arg2[%dma_start3A_50, %dma_start3A_51] : memref<10000x64xi16, #tpu.memory_space<hbm>> -> memref<10000x64xi16, #tpu.memory_space<hbm>>
    tpu.enqueue_indirect_dma source(%dma_start3A_52 : memref<10000x64xi16, #tpu.memory_space<hbm>>) target(%arg12 : memref<125x64xi16, #tpu.memory_space<vmem>>) offsets(%dma_start3A_49 : memref<125xi32, #tpu.memory_space<vmem>>) semaphore(%arg19 : memref<!tpu.dma_semaphore, #tpu.memory_space<semaphore_mem>>)
    %scan3A_53 = arith.constant 0 : i32
    %scan3A_54 = arith.constant 0 : i32
    %scan3A_55 = arith.constant 16 : i32
    %scan3A_56 = arith.addi %scan3A_54, %scan3A_55 : i32
    %scan3A_57 = arith.constant 1 : i32
    %scan3A_58 = scf.for %scan3A_95 = %scan3A_54 to %scan3A_56 step %scan3A_57 iter_args(%scan3A_96 = %scan3A_53) -> (i32)  : i32 {
      %mul3A_97 = arith.constant 5 : i32
      %mul3A_98 = arith.muli %scan3A_95, %mul3A_97 : i32
      %dma_wait3A_99 = arith.constant 0 : i32
      %dma_wait3A_100 = arith.constant 0 : i32
      %dma_wait3A_101 = tpu.memref_slice %arg6[%dma_wait3A_99, %dma_wait3A_100] : memref<80x125xi32, #tpu.memory_space<vmem>> -> memref<1x125xi32, #tpu.memory_space<vmem>>
      %dma_wait3A_102 = tpu.memref_squeeze %dma_wait3A_101 : memref<1x125xi32, #tpu.memory_space<vmem>> -> memref<125xi32, #tpu.memory_space<vmem>>
      %dma_wait3A_103 = arith.constant 0 : i32
      %dma_wait3A_104 = arith.constant 0 : i32
      %dma_wait3A_105 = tpu.memref_slice %arg2[%dma_wait3A_103, %dma_wait3A_104] : memref<10000x64xi16, #tpu.memory_space<hbm>> -> memref<10000x64xi16, #tpu.memory_space<hbm>>
      tpu.wait_indirect_dma semaphore(%arg15 : memref<!tpu.dma_semaphore, #tpu.memory_space<semaphore_mem>>) src(%dma_wait3A_105 : memref<10000x64xi16, #tpu.memory_space<hbm>>) dst(%arg8 : memref<125x64xi16, #tpu.memory_space<vmem>>)
      %add3A_106 = arith.constant 0 : i32
      %add3A_107 = arith.addi %mul3A_98, %add3A_106 : i32
      %dma_start3A_108 = arith.constant 0 : i32
      %dma_start3A_109 = tpu.memref_slice %arg7[%add3A_107, %dma_start3A_108] : memref<80x125xi32, #tpu.memory_space<vmem>> -> memref<1x125xi32, #tpu.memory_space<vmem>>
      %dma_start3A_110 = tpu.memref_squeeze %dma_start3A_109 : memref<1x125xi32, #tpu.memory_space<vmem>> -> memref<125xi32, #tpu.memory_space<vmem>>
      %dma_start3A_111 = arith.constant 0 : i32
      %dma_start3A_112 = arith.constant 0 : i32
      %dma_start3A_113 = tpu.memref_slice %arg14[%dma_start3A_111, %dma_start3A_112] : memref<10240x64xi16, #tpu.memory_space<vmem_shared>> -> memref<10240x64xi16, #tpu.memory_space<vmem_shared>>
      tpu.enqueue_indirect_dma source(%arg8 : memref<125x64xi16, #tpu.memory_space<vmem>>) target(%dma_start3A_113 : memref<10240x64xi16, #tpu.memory_space<vmem_shared>>) offsets(%dma_start3A_110 : memref<125xi32, #tpu.memory_space<vmem>>) semaphore(%arg20 : memref<!tpu.dma_semaphore, #tpu.memory_space<semaphore_mem>>) {add = true}
      %dma_wait3A_114 = arith.constant 0 : i32
      %dma_wait3A_115 = arith.constant 0 : i32
      %dma_wait3A_116 = tpu.memref_slice %arg6[%dma_wait3A_114, %dma_wait3A_115] : memref<80x125xi32, #tpu.memory_space<vmem>> -> memref<1x125xi32, #tpu.memory_space<vmem>>
      %dma_wait3A_117 = tpu.memref_squeeze %dma_wait3A_116 : memref<1x125xi32, #tpu.memory_space<vmem>> -> memref<125xi32, #tpu.memory_space<vmem>>
      %dma_wait3A_118 = arith.constant 0 : i32
      %dma_wait3A_119 = arith.constant 0 : i32
      %dma_wait3A_120 = tpu.memref_slice %arg2[%dma_wait3A_118, %dma_wait3A_119] : memref<10000x64xi16, #tpu.memory_space<hbm>> -> memref<10000x64xi16, #tpu.memory_space<hbm>>
      tpu.wait_indirect_dma semaphore(%arg16 : memref<!tpu.dma_semaphore, #tpu.memory_space<semaphore_mem>>) src(%dma_wait3A_120 : memref<10000x64xi16, #tpu.memory_space<hbm>>) dst(%arg9 : memref<125x64xi16, #tpu.memory_space<vmem>>)
      %add3A_121 = arith.constant 1 : i32
      %add3A_122 = arith.addi %mul3A_98, %add3A_121 : i32
      %dma_start3A_123 = arith.constant 0 : i32
      %dma_start3A_124 = tpu.memref_slice %arg7[%add3A_122, %dma_start3A_123] : memref<80x125xi32, #tpu.memory_space<vmem>> -> memref<1x125xi32, #tpu.memory_space<vmem>>
      %dma_start3A_125 = tpu.memref_squeeze %dma_start3A_124 : memref<1x125xi32, #tpu.memory_space<vmem>> -> memref<125xi32, #tpu.memory_space<vmem>>
      %dma_start3A_126 = arith.constant 0 : i32
      %dma_start3A_127 = arith.constant 0 : i32
      %dma_start3A_128 = tpu.memref_slice %arg14[%dma_start3A_126, %dma_start3A_127] : memref<10240x64xi16, #tpu.memory_space<vmem_shared>> -> memref<10240x64xi16, #tpu.memory_space<vmem_shared>>
      tpu.enqueue_indirect_dma source(%arg9 : memref<125x64xi16, #tpu.memory_space<vmem>>) target(%dma_start3A_128 : memref<10240x64xi16, #tpu.memory_space<vmem_shared>>) offsets(%dma_start3A_125 : memref<125xi32, #tpu.memory_space<vmem>>) semaphore(%arg21 : memref<!tpu.dma_semaphore, #tpu.memory_space<semaphore_mem>>) {add = true}
      %dma_wait3A_129 = arith.constant 0 : i32
      %dma_wait3A_130 = arith.constant 0 : i32
      %dma_wait3A_131 = tpu.memref_slice %arg6[%dma_wait3A_129, %dma_wait3A_130] : memref<80x125xi32, #tpu.memory_space<vmem>> -> memref<1x125xi32, #tpu.memory_space<vmem>>
      %dma_wait3A_132 = tpu.memref_squeeze %dma_wait3A_131 : memref<1x125xi32, #tpu.memory_space<vmem>> -> memref<125xi32, #tpu.memory_space<vmem>>
      %dma_wait3A_133 = arith.constant 0 : i32
      %dma_wait3A_134 = arith.constant 0 : i32
      %dma_wait3A_135 = tpu.memref_slice %arg2[%dma_wait3A_133, %dma_wait3A_134] : memref<10000x64xi16, #tpu.memory_space<hbm>> -> memref<10000x64xi16, #tpu.memory_space<hbm>>
      tpu.wait_indirect_dma semaphore(%arg17 : memref<!tpu.dma_semaphore, #tpu.memory_space<semaphore_mem>>) src(%dma_wait3A_135 : memref<10000x64xi16, #tpu.memory_space<hbm>>) dst(%arg10 : memref<125x64xi16, #tpu.memory_space<vmem>>)
      %add3A_136 = arith.constant 2 : i32
      %add3A_137 = arith.addi %mul3A_98, %add3A_136 : i32
      %dma_start3A_138 = arith.constant 0 : i32
      %dma_start3A_139 = tpu.memref_slice %arg7[%add3A_137, %dma_start3A_138] : memref<80x125xi32, #tpu.memory_space<vmem>> -> memref<1x125xi32, #tpu.memory_space<vmem>>
      %dma_start3A_140 = tpu.memref_squeeze %dma_start3A_139 : memref<1x125xi32, #tpu.memory_space<vmem>> -> memref<125xi32, #tpu.memory_space<vmem>>
      %dma_start3A_141 = arith.constant 0 : i32
      %dma_start3A_142 = arith.constant 0 : i32
      %dma_start3A_143 = tpu.memref_slice %arg14[%dma_start3A_141, %dma_start3A_142] : memref<10240x64xi16, #tpu.memory_space<vmem_shared>> -> memref<10240x64xi16, #tpu.memory_space<vmem_shared>>
      tpu.enqueue_indirect_dma source(%arg10 : memref<125x64xi16, #tpu.memory_space<vmem>>) target(%dma_start3A_143 : memref<10240x64xi16, #tpu.memory_space<vmem_shared>>) offsets(%dma_start3A_140 : memref<125xi32, #tpu.memory_space<vmem>>) semaphore(%arg22 : memref<!tpu.dma_semaphore, #tpu.memory_space<semaphore_mem>>) {add = true}
      %dma_wait3A_144 = arith.constant 0 : i32
      %dma_wait3A_145 = arith.constant 0 : i32
      %dma_wait3A_146 = tpu.memref_slice %arg6[%dma_wait3A_144, %dma_wait3A_145] : memref<80x125xi32, #tpu.memory_space<vmem>> -> memref<1x125xi32, #tpu.memory_space<vmem>>
      %dma_wait3A_147 = tpu.memref_squeeze %dma_wait3A_146 : memref<1x125xi32, #tpu.memory_space<vmem>> -> memref<125xi32, #tpu.memory_space<vmem>>
      %dma_wait3A_148 = arith.constant 0 : i32
      %dma_wait3A_149 = arith.constant 0 : i32
      %dma_wait3A_150 = tpu.memref_slice %arg2[%dma_wait3A_148, %dma_wait3A_149] : memref<10000x64xi16, #tpu.memory_space<hbm>> -> memref<10000x64xi16, #tpu.memory_space<hbm>>
      tpu.wait_indirect_dma semaphore(%arg18 : memref<!tpu.dma_semaphore, #tpu.memory_space<semaphore_mem>>) src(%dma_wait3A_150 : memref<10000x64xi16, #tpu.memory_space<hbm>>) dst(%arg11 : memref<125x64xi16, #tpu.memory_space<vmem>>)
      %add3A_151 = arith.constant 3 : i32
      %add3A_152 = arith.addi %mul3A_98, %add3A_151 : i32
      %dma_start3A_153 = arith.constant 0 : i32
      %dma_start3A_154 = tpu.memref_slice %arg7[%add3A_152, %dma_start3A_153] : memref<80x125xi32, #tpu.memory_space<vmem>> -> memref<1x125xi32, #tpu.memory_space<vmem>>
      %dma_start3A_155 = tpu.memref_squeeze %dma_start3A_154 : memref<1x125xi32, #tpu.memory_space<vmem>> -> memref<125xi32, #tpu.memory_space<vmem>>
      %dma_start3A_156 = arith.constant 0 : i32
      %dma_start3A_157 = arith.constant 0 : i32
      %dma_start3A_158 = tpu.memref_slice %arg14[%dma_start3A_156, %dma_start3A_157] : memref<10240x64xi16, #tpu.memory_space<vmem_shared>> -> memref<10240x64xi16, #tpu.memory_space<vmem_shared>>
      tpu.enqueue_indirect_dma source(%arg11 : memref<125x64xi16, #tpu.memory_space<vmem>>) target(%dma_start3A_158 : memref<10240x64xi16, #tpu.memory_space<vmem_shared>>) offsets(%dma_start3A_155 : memref<125xi32, #tpu.memory_space<vmem>>) semaphore(%arg23 : memref<!tpu.dma_semaphore, #tpu.memory_space<semaphore_mem>>) {add = true}
      %dma_wait3A_159 = arith.constant 0 : i32
      %dma_wait3A_160 = arith.constant 0 : i32
      %dma_wait3A_161 = tpu.memref_slice %arg6[%dma_wait3A_159, %dma_wait3A_160] : memref<80x125xi32, #tpu.memory_space<vmem>> -> memref<1x125xi32, #tpu.memory_space<vmem>>
      %dma_wait3A_162 = tpu.memref_squeeze %dma_wait3A_161 : memref<1x125xi32, #tpu.memory_space<vmem>> -> memref<125xi32, #tpu.memory_space<vmem>>
      %dma_wait3A_163 = arith.constant 0 : i32
      %dma_wait3A_164 = arith.constant 0 : i32
      %dma_wait3A_165 = tpu.memref_slice %arg2[%dma_wait3A_163, %dma_wait3A_164] : memref<10000x64xi16, #tpu.memory_space<hbm>> -> memref<10000x64xi16, #tpu.memory_space<hbm>>
      tpu.wait_indirect_dma semaphore(%arg19 : memref<!tpu.dma_semaphore, #tpu.memory_space<semaphore_mem>>) src(%dma_wait3A_165 : memref<10000x64xi16, #tpu.memory_space<hbm>>) dst(%arg12 : memref<125x64xi16, #tpu.memory_space<vmem>>)
      %add3A_166 = arith.constant 4 : i32
      %add3A_167 = arith.addi %mul3A_98, %add3A_166 : i32
      %dma_start3A_168 = arith.constant 0 : i32
      %dma_start3A_169 = tpu.memref_slice %arg7[%add3A_167, %dma_start3A_168] : memref<80x125xi32, #tpu.memory_space<vmem>> -> memref<1x125xi32, #tpu.memory_space<vmem>>
      %dma_start3A_170 = tpu.memref_squeeze %dma_start3A_169 : memref<1x125xi32, #tpu.memory_space<vmem>> -> memref<125xi32, #tpu.memory_space<vmem>>
      %dma_start3A_171 = arith.constant 0 : i32
      %dma_start3A_172 = arith.constant 0 : i32
      %dma_start3A_173 = tpu.memref_slice %arg14[%dma_start3A_171, %dma_start3A_172] : memref<10240x64xi16, #tpu.memory_space<vmem_shared>> -> memref<10240x64xi16, #tpu.memory_space<vmem_shared>>
      tpu.enqueue_indirect_dma source(%arg12 : memref<125x64xi16, #tpu.memory_space<vmem>>) target(%dma_start3A_173 : memref<10240x64xi16, #tpu.memory_space<vmem_shared>>) offsets(%dma_start3A_170 : memref<125xi32, #tpu.memory_space<vmem>>) semaphore(%arg24 : memref<!tpu.dma_semaphore, #tpu.memory_space<semaphore_mem>>) {add = true}
      %lt3A = arith.constant 15 : i32
      %lt3A_174 = arith.cmpi slt, %scan3A_95, %lt3A : i32
      %convert_element_type3A = arith.extui %lt3A_174 : i1 to i32
      %cond3A = arith.constant 0 : i32
      %cond3A_175 = arith.cmpi ne, %convert_element_type3A, %cond3A : i32
      scf.if %cond3A_175 {
        %dma_wait3A_197 = arith.constant 0 : i32
        %dma_wait3A_198 = arith.constant 0 : i32
        %dma_wait3A_199 = tpu.memref_slice %arg7[%dma_wait3A_197, %dma_wait3A_198] : memref<80x125xi32, #tpu.memory_space<vmem>> -> memref<1x125xi32, #tpu.memory_space<vmem>>
        %dma_wait3A_200 = tpu.memref_squeeze %dma_wait3A_199 : memref<1x125xi32, #tpu.memory_space<vmem>> -> memref<125xi32, #tpu.memory_space<vmem>>
        %dma_wait3A_201 = arith.constant 0 : i32
        %dma_wait3A_202 = arith.constant 0 : i32
        %dma_wait3A_203 = tpu.memref_slice %arg14[%dma_wait3A_201, %dma_wait3A_202] : memref<10240x64xi16, #tpu.memory_space<vmem_shared>> -> memref<10240x64xi16, #tpu.memory_space<vmem_shared>>
        tpu.wait_indirect_dma semaphore(%arg20 : memref<!tpu.dma_semaphore, #tpu.memory_space<semaphore_mem>>) src(%arg8 : memref<125x64xi16, #tpu.memory_space<vmem>>) dst(%dma_wait3A_203 : memref<10240x64xi16, #tpu.memory_space<vmem_shared>>)
        %add3A_204 = arith.constant 5 : i32
        %add3A_205 = arith.addi %mul3A_98, %add3A_204 : i32
        %add3A_206 = arith.constant 0 : i32
        %add3A_207 = arith.addi %add3A_205, %add3A_206 : i32
        %dma_start3A_208 = arith.constant 0 : i32
        %dma_start3A_209 = tpu.memref_slice %arg6[%add3A_207, %dma_start3A_208] : memref<80x125xi32, #tpu.memory_space<vmem>> -> memref<1x125xi32, #tpu.memory_space<vmem>>
        %dma_start3A_210 = tpu.memref_squeeze %dma_start3A_209 : memref<1x125xi32, #tpu.memory_space<vmem>> -> memref<125xi32, #tpu.memory_space<vmem>>
        %dma_start3A_211 = arith.constant 0 : i32
        %dma_start3A_212 = arith.constant 0 : i32
        %dma_start3A_213 = tpu.memref_slice %arg2[%dma_start3A_211, %dma_start3A_212] : memref<10000x64xi16, #tpu.memory_space<hbm>> -> memref<10000x64xi16, #tpu.memory_space<hbm>>
        tpu.enqueue_indirect_dma source(%dma_start3A_213 : memref<10000x64xi16, #tpu.memory_space<hbm>>) target(%arg8 : memref<125x64xi16, #tpu.memory_space<vmem>>) offsets(%dma_start3A_210 : memref<125xi32, #tpu.memory_space<vmem>>) semaphore(%arg15 : memref<!tpu.dma_semaphore, #tpu.memory_space<semaphore_mem>>)
      } else {
      }
      %lt3A_176 = arith.constant 15 : i32
      %lt3A_177 = arith.cmpi slt, %scan3A_95, %lt3A_176 : i32
      %convert_element_type3A_178 = arith.extui %lt3A_177 : i1 to i32
      %cond3A_179 = arith.constant 0 : i32
      %cond3A_180 = arith.cmpi ne, %convert_element_type3A_178, %cond3A_179 : i32
      scf.if %cond3A_180 {
        %dma_wait3A_197 = arith.constant 0 : i32
        %dma_wait3A_198 = arith.constant 0 : i32
        %dma_wait3A_199 = tpu.memref_slice %arg7[%dma_wait3A_197, %dma_wait3A_198] : memref<80x125xi32, #tpu.memory_space<vmem>> -> memref<1x125xi32, #tpu.memory_space<vmem>>
        %dma_wait3A_200 = tpu.memref_squeeze %dma_wait3A_199 : memref<1x125xi32, #tpu.memory_space<vmem>> -> memref<125xi32, #tpu.memory_space<vmem>>
        %dma_wait3A_201 = arith.constant 0 : i32
        %dma_wait3A_202 = arith.constant 0 : i32
        %dma_wait3A_203 = tpu.memref_slice %arg14[%dma_wait3A_201, %dma_wait3A_202] : memref<10240x64xi16, #tpu.memory_space<vmem_shared>> -> memref<10240x64xi16, #tpu.memory_space<vmem_shared>>
        tpu.wait_indirect_dma semaphore(%arg21 : memref<!tpu.dma_semaphore, #tpu.memory_space<semaphore_mem>>) src(%arg9 : memref<125x64xi16, #tpu.memory_space<vmem>>) dst(%dma_wait3A_203 : memref<10240x64xi16, #tpu.memory_space<vmem_shared>>)
        %add3A_204 = arith.constant 5 : i32
        %add3A_205 = arith.addi %mul3A_98, %add3A_204 : i32
        %add3A_206 = arith.constant 1 : i32
        %add3A_207 = arith.addi %add3A_205, %add3A_206 : i32
        %dma_start3A_208 = arith.constant 0 : i32
        %dma_start3A_209 = tpu.memref_slice %arg6[%add3A_207, %dma_start3A_208] : memref<80x125xi32, #tpu.memory_space<vmem>> -> memref<1x125xi32, #tpu.memory_space<vmem>>
        %dma_start3A_210 = tpu.memref_squeeze %dma_start3A_209 : memref<1x125xi32, #tpu.memory_space<vmem>> -> memref<125xi32, #tpu.memory_space<vmem>>
        %dma_start3A_211 = arith.constant 0 : i32
        %dma_start3A_212 = arith.constant 0 : i32
        %dma_start3A_213 = tpu.memref_slice %arg2[%dma_start3A_211, %dma_start3A_212] : memref<10000x64xi16, #tpu.memory_space<hbm>> -> memref<10000x64xi16, #tpu.memory_space<hbm>>
        tpu.enqueue_indirect_dma source(%dma_start3A_213 : memref<10000x64xi16, #tpu.memory_space<hbm>>) target(%arg9 : memref<125x64xi16, #tpu.memory_space<vmem>>) offsets(%dma_start3A_210 : memref<125xi32, #tpu.memory_space<vmem>>) semaphore(%arg16 : memref<!tpu.dma_semaphore, #tpu.memory_space<semaphore_mem>>)
      } else {
      }
      %lt3A_181 = arith.constant 15 : i32
      %lt3A_182 = arith.cmpi slt, %scan3A_95, %lt3A_181 : i32
      %convert_element_type3A_183 = arith.extui %lt3A_182 : i1 to i32
      %cond3A_184 = arith.constant 0 : i32
      %cond3A_185 = arith.cmpi ne, %convert_element_type3A_183, %cond3A_184 : i32
      scf.if %cond3A_185 {
        %dma_wait3A_197 = arith.constant 0 : i32
        %dma_wait3A_198 = arith.constant 0 : i32
        %dma_wait3A_199 = tpu.memref_slice %arg7[%dma_wait3A_197, %dma_wait3A_198] : memref<80x125xi32, #tpu.memory_space<vmem>> -> memref<1x125xi32, #tpu.memory_space<vmem>>
        %dma_wait3A_200 = tpu.memref_squeeze %dma_wait3A_199 : memref<1x125xi32, #tpu.memory_space<vmem>> -> memref<125xi32, #tpu.memory_space<vmem>>
        %dma_wait3A_201 = arith.constant 0 : i32
        %dma_wait3A_202 = arith.constant 0 : i32
        %dma_wait3A_203 = tpu.memref_slice %arg14[%dma_wait3A_201, %dma_wait3A_202] : memref<10240x64xi16, #tpu.memory_space<vmem_shared>> -> memref<10240x64xi16, #tpu.memory_space<vmem_shared>>
        tpu.wait_indirect_dma semaphore(%arg22 : memref<!tpu.dma_semaphore, #tpu.memory_space<semaphore_mem>>) src(%arg10 : memref<125x64xi16, #tpu.memory_space<vmem>>) dst(%dma_wait3A_203 : memref<10240x64xi16, #tpu.memory_space<vmem_shared>>)
        %add3A_204 = arith.constant 5 : i32
        %add3A_205 = arith.addi %mul3A_98, %add3A_204 : i32
        %add3A_206 = arith.constant 2 : i32
        %add3A_207 = arith.addi %add3A_205, %add3A_206 : i32
        %dma_start3A_208 = arith.constant 0 : i32
        %dma_start3A_209 = tpu.memref_slice %arg6[%add3A_207, %dma_start3A_208] : memref<80x125xi32, #tpu.memory_space<vmem>> -> memref<1x125xi32, #tpu.memory_space<vmem>>
        %dma_start3A_210 = tpu.memref_squeeze %dma_start3A_209 : memref<1x125xi32, #tpu.memory_space<vmem>> -> memref<125xi32, #tpu.memory_space<vmem>>
        %dma_start3A_211 = arith.constant 0 : i32
        %dma_start3A_212 = arith.constant 0 : i32
        %dma_start3A_213 = tpu.memref_slice %arg2[%dma_start3A_211, %dma_start3A_212] : memref<10000x64xi16, #tpu.memory_space<hbm>> -> memref<10000x64xi16, #tpu.memory_space<hbm>>
        tpu.enqueue_indirect_dma source(%dma_start3A_213 : memref<10000x64xi16, #tpu.memory_space<hbm>>) target(%arg10 : memref<125x64xi16, #tpu.memory_space<vmem>>) offsets(%dma_start3A_210 : memref<125xi32, #tpu.memory_space<vmem>>) semaphore(%arg17 : memref<!tpu.dma_semaphore, #tpu.memory_space<semaphore_mem>>)
      } else {
      }
      %lt3A_186 = arith.constant 15 : i32
      %lt3A_187 = arith.cmpi slt, %scan3A_95, %lt3A_186 : i32
      %convert_element_type3A_188 = arith.extui %lt3A_187 : i1 to i32
      %cond3A_189 = arith.constant 0 : i32
      %cond3A_190 = arith.cmpi ne, %convert_element_type3A_188, %cond3A_189 : i32
      scf.if %cond3A_190 {
        %dma_wait3A_197 = arith.constant 0 : i32
        %dma_wait3A_198 = arith.constant 0 : i32
        %dma_wait3A_199 = tpu.memref_slice %arg7[%dma_wait3A_197, %dma_wait3A_198] : memref<80x125xi32, #tpu.memory_space<vmem>> -> memref<1x125xi32, #tpu.memory_space<vmem>>
        %dma_wait3A_200 = tpu.memref_squeeze %dma_wait3A_199 : memref<1x125xi32, #tpu.memory_space<vmem>> -> memref<125xi32, #tpu.memory_space<vmem>>
        %dma_wait3A_201 = arith.constant 0 : i32
        %dma_wait3A_202 = arith.constant 0 : i32
        %dma_wait3A_203 = tpu.memref_slice %arg14[%dma_wait3A_201, %dma_wait3A_202] : memref<10240x64xi16, #tpu.memory_space<vmem_shared>> -> memref<10240x64xi16, #tpu.memory_space<vmem_shared>>
        tpu.wait_indirect_dma semaphore(%arg23 : memref<!tpu.dma_semaphore, #tpu.memory_space<semaphore_mem>>) src(%arg11 : memref<125x64xi16, #tpu.memory_space<vmem>>) dst(%dma_wait3A_203 : memref<10240x64xi16, #tpu.memory_space<vmem_shared>>)
        %add3A_204 = arith.constant 5 : i32
        %add3A_205 = arith.addi %mul3A_98, %add3A_204 : i32
        %add3A_206 = arith.constant 3 : i32
        %add3A_207 = arith.addi %add3A_205, %add3A_206 : i32
        %dma_start3A_208 = arith.constant 0 : i32
        %dma_start3A_209 = tpu.memref_slice %arg6[%add3A_207, %dma_start3A_208] : memref<80x125xi32, #tpu.memory_space<vmem>> -> memref<1x125xi32, #tpu.memory_space<vmem>>
        %dma_start3A_210 = tpu.memref_squeeze %dma_start3A_209 : memref<1x125xi32, #tpu.memory_space<vmem>> -> memref<125xi32, #tpu.memory_space<vmem>>
        %dma_start3A_211 = arith.constant 0 : i32
        %dma_start3A_212 = arith.constant 0 : i32
        %dma_start3A_213 = tpu.memref_slice %arg2[%dma_start3A_211, %dma_start3A_212] : memref<10000x64xi16, #tpu.memory_space<hbm>> -> memref<10000x64xi16, #tpu.memory_space<hbm>>
        tpu.enqueue_indirect_dma source(%dma_start3A_213 : memref<10000x64xi16, #tpu.memory_space<hbm>>) target(%arg11 : memref<125x64xi16, #tpu.memory_space<vmem>>) offsets(%dma_start3A_210 : memref<125xi32, #tpu.memory_space<vmem>>) semaphore(%arg18 : memref<!tpu.dma_semaphore, #tpu.memory_space<semaphore_mem>>)
      } else {
      }
      %lt3A_191 = arith.constant 15 : i32
      %lt3A_192 = arith.cmpi slt, %scan3A_95, %lt3A_191 : i32
      %convert_element_type3A_193 = arith.extui %lt3A_192 : i1 to i32
      %cond3A_194 = arith.constant 0 : i32
      %cond3A_195 = arith.cmpi ne, %convert_element_type3A_193, %cond3A_194 : i32
      scf.if %cond3A_195 {
        %dma_wait3A_197 = arith.constant 0 : i32
        %dma_wait3A_198 = arith.constant 0 : i32
        %dma_wait3A_199 = tpu.memref_slice %arg7[%dma_wait3A_197, %dma_wait3A_198] : memref<80x125xi32, #tpu.memory_space<vmem>> -> memref<1x125xi32, #tpu.memory_space<vmem>>
        %dma_wait3A_200 = tpu.memref_squeeze %dma_wait3A_199 : memref<1x125xi32, #tpu.memory_space<vmem>> -> memref<125xi32, #tpu.memory_space<vmem>>
        %dma_wait3A_201 = arith.constant 0 : i32
        %dma_wait3A_202 = arith.constant 0 : i32
        %dma_wait3A_203 = tpu.memref_slice %arg14[%dma_wait3A_201, %dma_wait3A_202] : memref<10240x64xi16, #tpu.memory_space<vmem_shared>> -> memref<10240x64xi16, #tpu.memory_space<vmem_shared>>
        tpu.wait_indirect_dma semaphore(%arg24 : memref<!tpu.dma_semaphore, #tpu.memory_space<semaphore_mem>>) src(%arg12 : memref<125x64xi16, #tpu.memory_space<vmem>>) dst(%dma_wait3A_203 : memref<10240x64xi16, #tpu.memory_space<vmem_shared>>)
        %add3A_204 = arith.constant 5 : i32
        %add3A_205 = arith.addi %mul3A_98, %add3A_204 : i32
        %add3A_206 = arith.constant 4 : i32
        %add3A_207 = arith.addi %add3A_205, %add3A_206 : i32
        %dma_start3A_208 = arith.constant 0 : i32
        %dma_start3A_209 = tpu.memref_slice %arg6[%add3A_207, %dma_start3A_208] : memref<80x125xi32, #tpu.memory_space<vmem>> -> memref<1x125xi32, #tpu.memory_space<vmem>>
        %dma_start3A_210 = tpu.memref_squeeze %dma_start3A_209 : memref<1x125xi32, #tpu.memory_space<vmem>> -> memref<125xi32, #tpu.memory_space<vmem>>
        %dma_start3A_211 = arith.constant 0 : i32
        %dma_start3A_212 = arith.constant 0 : i32
        %dma_start3A_213 = tpu.memref_slice %arg2[%dma_start3A_211, %dma_start3A_212] : memref<10000x64xi16, #tpu.memory_space<hbm>> -> memref<10000x64xi16, #tpu.memory_space<hbm>>
        tpu.enqueue_indirect_dma source(%dma_start3A_213 : memref<10000x64xi16, #tpu.memory_space<hbm>>) target(%arg12 : memref<125x64xi16, #tpu.memory_space<vmem>>) offsets(%dma_start3A_210 : memref<125xi32, #tpu.memory_space<vmem>>) semaphore(%arg19 : memref<!tpu.dma_semaphore, #tpu.memory_space<semaphore_mem>>)
      } else {
      }
      %scan3A_196 = arith.constant 0 : i32
      scf.yield %scan3A_196 : i32
    }
    %scan3A_59 = arith.constant 16 : i32
    %dma_wait3A = arith.constant 0 : i32
    %dma_wait3A_60 = arith.constant 0 : i32
    %dma_wait3A_61 = tpu.memref_slice %arg7[%dma_wait3A, %dma_wait3A_60] : memref<80x125xi32, #tpu.memory_space<vmem>> -> memref<1x125xi32, #tpu.memory_space<vmem>>
    %dma_wait3A_62 = tpu.memref_squeeze %dma_wait3A_61 : memref<1x125xi32, #tpu.memory_space<vmem>> -> memref<125xi32, #tpu.memory_space<vmem>>
    %dma_wait3A_63 = arith.constant 0 : i32
    %dma_wait3A_64 = arith.constant 0 : i32
    %dma_wait3A_65 = tpu.memref_slice %arg14[%dma_wait3A_63, %dma_wait3A_64] : memref<10240x64xi16, #tpu.memory_space<vmem_shared>> -> memref<10240x64xi16, #tpu.memory_space<vmem_shared>>
    tpu.wait_indirect_dma semaphore(%arg20 : memref<!tpu.dma_semaphore, #tpu.memory_space<semaphore_mem>>) src(%arg8 : memref<125x64xi16, #tpu.memory_space<vmem>>) dst(%dma_wait3A_65 : memref<10240x64xi16, #tpu.memory_space<vmem_shared>>)
    %dma_wait3A_66 = arith.constant 0 : i32
    %dma_wait3A_67 = arith.constant 0 : i32
    %dma_wait3A_68 = tpu.memref_slice %arg7[%dma_wait3A_66, %dma_wait3A_67] : memref<80x125xi32, #tpu.memory_space<vmem>> -> memref<1x125xi32, #tpu.memory_space<vmem>>
    %dma_wait3A_69 = tpu.memref_squeeze %dma_wait3A_68 : memref<1x125xi32, #tpu.memory_space<vmem>> -> memref<125xi32, #tpu.memory_space<vmem>>
    %dma_wait3A_70 = arith.constant 0 : i32
    %dma_wait3A_71 = arith.constant 0 : i32
    %dma_wait3A_72 = tpu.memref_slice %arg14[%dma_wait3A_70, %dma_wait3A_71] : memref<10240x64xi16, #tpu.memory_space<vmem_shared>> -> memref<10240x64xi16, #tpu.memory_space<vmem_shared>>
    tpu.wait_indirect_dma semaphore(%arg21 : memref<!tpu.dma_semaphore, #tpu.memory_space<semaphore_mem>>) src(%arg9 : memref<125x64xi16, #tpu.memory_space<vmem>>) dst(%dma_wait3A_72 : memref<10240x64xi16, #tpu.memory_space<vmem_shared>>)
    %dma_wait3A_73 = arith.constant 0 : i32
    %dma_wait3A_74 = arith.constant 0 : i32
    %dma_wait3A_75 = tpu.memref_slice %arg7[%dma_wait3A_73, %dma_wait3A_74] : memref<80x125xi32, #tpu.memory_space<vmem>> -> memref<1x125xi32, #tpu.memory_space<vmem>>
    %dma_wait3A_76 = tpu.memref_squeeze %dma_wait3A_75 : memref<1x125xi32, #tpu.memory_space<vmem>> -> memref<125xi32, #tpu.memory_space<vmem>>
    %dma_wait3A_77 = arith.constant 0 : i32
    %dma_wait3A_78 = arith.constant 0 : i32
    %dma_wait3A_79 = tpu.memref_slice %arg14[%dma_wait3A_77, %dma_wait3A_78] : memref<10240x64xi16, #tpu.memory_space<vmem_shared>> -> memref<10240x64xi16, #tpu.memory_space<vmem_shared>>
    tpu.wait_indirect_dma semaphore(%arg22 : memref<!tpu.dma_semaphore, #tpu.memory_space<semaphore_mem>>) src(%arg10 : memref<125x64xi16, #tpu.memory_space<vmem>>) dst(%dma_wait3A_79 : memref<10240x64xi16, #tpu.memory_space<vmem_shared>>)
    %dma_wait3A_80 = arith.constant 0 : i32
    %dma_wait3A_81 = arith.constant 0 : i32
    %dma_wait3A_82 = tpu.memref_slice %arg7[%dma_wait3A_80, %dma_wait3A_81] : memref<80x125xi32, #tpu.memory_space<vmem>> -> memref<1x125xi32, #tpu.memory_space<vmem>>
    %dma_wait3A_83 = tpu.memref_squeeze %dma_wait3A_82 : memref<1x125xi32, #tpu.memory_space<vmem>> -> memref<125xi32, #tpu.memory_space<vmem>>
    %dma_wait3A_84 = arith.constant 0 : i32
    %dma_wait3A_85 = arith.constant 0 : i32
    %dma_wait3A_86 = tpu.memref_slice %arg14[%dma_wait3A_84, %dma_wait3A_85] : memref<10240x64xi16, #tpu.memory_space<vmem_shared>> -> memref<10240x64xi16, #tpu.memory_space<vmem_shared>>
    tpu.wait_indirect_dma semaphore(%arg23 : memref<!tpu.dma_semaphore, #tpu.memory_space<semaphore_mem>>) src(%arg11 : memref<125x64xi16, #tpu.memory_space<vmem>>) dst(%dma_wait3A_86 : memref<10240x64xi16, #tpu.memory_space<vmem_shared>>)
    %dma_wait3A_87 = arith.constant 0 : i32
    %dma_wait3A_88 = arith.constant 0 : i32
    %dma_wait3A_89 = tpu.memref_slice %arg7[%dma_wait3A_87, %dma_wait3A_88] : memref<80x125xi32, #tpu.memory_space<vmem>> -> memref<1x125xi32, #tpu.memory_space<vmem>>
    %dma_wait3A_90 = tpu.memref_squeeze %dma_wait3A_89 : memref<1x125xi32, #tpu.memory_space<vmem>> -> memref<125xi32, #tpu.memory_space<vmem>>
    %dma_wait3A_91 = arith.constant 0 : i32
    %dma_wait3A_92 = arith.constant 0 : i32
    %dma_wait3A_93 = tpu.memref_slice %arg14[%dma_wait3A_91, %dma_wait3A_92] : memref<10240x64xi16, #tpu.memory_space<vmem_shared>> -> memref<10240x64xi16, #tpu.memory_space<vmem_shared>>
    tpu.wait_indirect_dma semaphore(%arg24 : memref<!tpu.dma_semaphore, #tpu.memory_space<semaphore_mem>>) src(%arg12 : memref<125x64xi16, #tpu.memory_space<vmem>>) dst(%dma_wait3A_93 : memref<10240x64xi16, #tpu.memory_space<vmem_shared>>)
    %barrier3A_94 = arith.constant 0 : index
    tpu.barrier barrier_id(%barrier3A_94)
    "tpu.region"() ({
      %run_scoped3A = tpu.sem_alloc : memref<!tpu.dma_semaphore, #tpu.memory_space<semaphore_mem>>
      %dma_start3A_95 = arith.constant 0 : i32
      %dma_start3A_96 = tpu.memref_slice %arg5[%arg0, %mul3A_7, %dma_start3A_95] : memref<2x10240x64xi16, #tpu.memory_space<hbm>> -> memref<1x640x64xi16, #tpu.memory_space<hbm>>
      %dma_start3A_97 = tpu.memref_squeeze %dma_start3A_96 : memref<1x640x64xi16, #tpu.memory_space<hbm>> -> memref<640x64xi16, #tpu.memory_space<hbm>>
      %dma_start3A_98 = arith.constant 0 : i32
      %dma_start3A_99 = tpu.memref_slice %arg14[%mul3A_7, %dma_start3A_98] : memref<10240x64xi16, #tpu.memory_space<vmem_shared>> -> memref<640x64xi16, #tpu.memory_space<vmem_shared>>
      tpu.enqueue_dma source(%dma_start3A_99 : memref<640x64xi16, #tpu.memory_space<vmem_shared>>) target(%dma_start3A_97 : memref<640x64xi16, #tpu.memory_space<hbm>>) target_semaphore(%run_scoped3A : memref<!tpu.dma_semaphore, #tpu.memory_space<semaphore_mem>>)
      %dma_wait3A_100 = arith.constant 0 : i32
      %dma_wait3A_101 = tpu.memref_slice %arg5[%arg0, %mul3A_7, %dma_wait3A_100] : memref<2x10240x64xi16, #tpu.memory_space<hbm>> -> memref<1x640x64xi16, #tpu.memory_space<hbm>>
      %dma_wait3A_102 = tpu.memref_squeeze %dma_wait3A_101 : memref<1x640x64xi16, #tpu.memory_space<hbm>> -> memref<640x64xi16, #tpu.memory_space<hbm>>
      %dma_wait3A_103 = arith.constant 0 : i32
      %dma_wait3A_104 = tpu.memref_slice %arg14[%mul3A_7, %dma_wait3A_103] : memref<10240x64xi16, #tpu.memory_space<vmem_shared>> -> memref<640x64xi16, #tpu.memory_space<vmem_shared>>
      tpu.wait_dma2 semaphore(%run_scoped3A : memref<!tpu.dma_semaphore, #tpu.memory_space<semaphore_mem>>) src(%dma_wait3A_104 : memref<640x64xi16, #tpu.memory_space<vmem_shared>>) dst(%dma_wait3A_102 : memref<640x64xi16, #tpu.memory_space<hbm>>)
      tpu.yield
    }) : () -> ()
    return
  }
}

module attributes {stable_mosaic.version = 14 : i64} {
  func.func @_prep_body(%arg0: memref<2x10240x16xf32, #tpu.memory_space<vmem>>, %arg1: memref<10000x128xf32, #tpu.memory_space<vmem>>, %arg2: memref<10240x1xf32, #tpu.memory_space<vmem>>, %arg3: memref<10000x128xi16, #tpu.memory_space<vmem>>, %arg4: memref<1x1xf32, #tpu.memory_space<vmem>>, %arg5: memref<1x1xf32, #tpu.memory_space<vmem>>) attributes {dimension_semantics = [], scalar_prefetch = 0 : i64, scratch_operands = 0 : i64, tpu.core_type = #tpu.core_type<tc>} {
    %get3A = arith.constant 0 : index
    %get3A_0 = arith.constant 0 : index
    %get3A_1 = arith.constant 0 : index
    %get3A_2 = vector.load %arg0[%get3A, %get3A_0, %get3A_1] : memref<2x10240x16xf32, #tpu.memory_space<vmem>>, vector<2x10240x16xf32>
    %slice3A = vector.extract_strided_slice %get3A_2 {offsets = [0, 0, 0], sizes = [1, 10240, 1], strides = [1, 1, 1]} : vector<2x10240x16xf32> to vector<1x10240x1xf32>
    %squeeze3A = vector.shape_cast %slice3A : vector<1x10240x1xf32> to vector<10240x1xf32>
    %slice3A_3 = vector.extract_strided_slice %get3A_2 {offsets = [1, 0, 0], sizes = [1, 10240, 1], strides = [1, 1, 1]} : vector<2x10240x16xf32> to vector<1x10240x1xf32>
    %squeeze3A_4 = vector.shape_cast %slice3A_3 : vector<1x10240x1xf32> to vector<10240x1xf32>
    %add3A = arith.addf %squeeze3A, %squeeze3A_4 : vector<10240x1xf32>
    %max3A = arith.constant 1.000000e+00 : f32
    %max3A_5 = vector.broadcast %max3A : f32 to vector<10240x1xf32>
    %max3A_6 = arith.maximumf %add3A, %max3A_5 : vector<10240x1xf32>
    %rsqrt3A = math.rsqrt %max3A_6 : vector<10240x1xf32>
    %swap3A = arith.constant 0 : index
    %swap3A_7 = arith.constant 0 : index
    %swap3A_8 = vector.load %arg2[%swap3A, %swap3A_7] : memref<10240x1xf32, #tpu.memory_space<vmem>>, vector<10240x1xf32>
    tpu.vector_store %arg2[%swap3A, %swap3A_7], %rsqrt3A {strides = array<i32>} : memref<10240x1xf32, #tpu.memory_space<vmem>>, vector<10240x1xf32>,
    %reduce_max3A = vector.shape_cast %add3A : vector<10240x1xf32> to vector<1x10240x1xf32>
    %reduce_max3A_9 = arith.constant dense<0xFF800000> : vector<1xf32>
    %reduce_max3A_10 = vector.multi_reduction <maximumf>, %reduce_max3A, %reduce_max3A_9 [1, 2] : vector<1x10240x1xf32> to vector<1xf32>
    %reduce_max3A_11 = vector.shape_cast %reduce_max3A_10 : vector<1xf32> to vector<1x1x1xf32>
    %reduce_max3A_12 = vector.extract %reduce_max3A_11[0, 0, 0] : f32 from vector<1x1x1xf32>
    %max3A_13 = arith.constant 1.000000e+00 : f32
    %max3A_14 = arith.maximumf %reduce_max3A_12, %max3A_13 : f32
    %broadcast_in_dim3A = arith.constant 0.000000e+00 : f32
    %broadcast_in_dim3A_15 = vector.broadcast %broadcast_in_dim3A : f32 to vector<1x1xf32>
    %add3A_16 = vector.broadcast %max3A_14 : f32 to vector<1x1xf32>
    %add3A_17 = arith.addf %broadcast_in_dim3A_15, %add3A_16 : vector<1x1xf32>
    %swap3A_18 = arith.constant 0 : index
    %swap3A_19 = arith.constant 0 : index
    %swap3A_20 = vector.load %arg5[%swap3A_18, %swap3A_19] : memref<1x1xf32, #tpu.memory_space<vmem>>, vector<1x1xf32>
    tpu.vector_store %arg5[%swap3A_18, %swap3A_19], %add3A_17 {strides = array<i32>} : memref<1x1xf32, #tpu.memory_space<vmem>>, vector<1x1xf32>,
    %get3A_21 = arith.constant 0 : index
    %get3A_22 = arith.constant 0 : index
    %get3A_23 = vector.load %arg1[%get3A_21, %get3A_22] : memref<10000x128xf32, #tpu.memory_space<vmem>>, vector<10000x128xf32>
    %slice3A_24 = vector.extract_strided_slice %rsqrt3A {offsets = [0, 0], sizes = [10000, 1], strides = [1, 1]} : vector<10240x1xf32> to vector<10000x1xf32>
    %mul3A = vector.broadcast %slice3A_24 : vector<10000x1xf32> to vector<10000x128xf32>
    %mul3A_25 = arith.mulf %get3A_23, %mul3A : vector<10000x128xf32>
    %abs3A = math.absf %mul3A_25 : vector<10000x128xf32>
    %reduce_max3A_26 = vector.shape_cast %abs3A : vector<10000x128xf32> to vector<1x10000x128xf32>
    %reduce_max3A_27 = arith.constant dense<0xFF800000> : vector<1xf32>
    %reduce_max3A_28 = vector.multi_reduction <maximumf>, %reduce_max3A_26, %reduce_max3A_27 [1, 2] : vector<1x10000x128xf32> to vector<1xf32>
    %reduce_max3A_29 = vector.shape_cast %reduce_max3A_28 : vector<1xf32> to vector<1x1x1xf32>
    %reduce_max3A_30 = vector.extract %reduce_max3A_29[0, 0, 0] : f32 from vector<1x1x1xf32>
    %mul3A_31 = arith.mulf %max3A_14, %reduce_max3A_30 : f32
    %max3A_32 = arith.constant 1.000000e-30 : f32
    %max3A_33 = arith.maximumf %mul3A_31, %max3A_32 : f32
    %div3A = arith.constant 3.276700e+04 : f32
    %div3A_34 = arith.divf %div3A, %max3A_33 : f32
    %mul3A_35 = vector.broadcast %div3A_34 : f32 to vector<10000x128xf32>
    %mul3A_36 = arith.mulf %mul3A_25, %mul3A_35 : vector<10000x128xf32>
    %round3A = math.roundeven %mul3A_36 : vector<10000x128xf32>
    %convert_element_type3A = arith.fptosi %round3A : vector<10000x128xf32> to vector<10000x128xi16>
    %div3A_37 = arith.constant 3.276700e+04 : f32
    %div3A_38 = arith.divf %max3A_33, %div3A_37 : f32
    %swap3A_39 = arith.constant 0 : index
    %swap3A_40 = arith.constant 0 : index
    %swap3A_41 = vector.load %arg3[%swap3A_39, %swap3A_40] : memref<10000x128xi16, #tpu.memory_space<vmem>>, vector<10000x128xi16>
    tpu.vector_store %arg3[%swap3A_39, %swap3A_40], %convert_element_type3A {strides = array<i32>} : memref<10000x128xi16, #tpu.memory_space<vmem>>, vector<10000x128xi16>,
    %broadcast_in_dim3A_42 = arith.constant 0.000000e+00 : f32
    %broadcast_in_dim3A_43 = vector.broadcast %broadcast_in_dim3A_42 : f32 to vector<1x1xf32>
    %add3A_44 = vector.broadcast %div3A_38 : f32 to vector<1x1xf32>
    %add3A_45 = arith.addf %broadcast_in_dim3A_43, %add3A_44 : vector<1x1xf32>
    %swap3A_46 = arith.constant 0 : index
    %swap3A_47 = arith.constant 0 : index
    %swap3A_48 = vector.load %arg4[%swap3A_46, %swap3A_47] : memref<1x1xf32, #tpu.memory_space<vmem>>, vector<1x1xf32>
    tpu.vector_store %arg4[%swap3A_46, %swap3A_47], %add3A_45 {strides = array<i32>} : memref<1x1xf32, #tpu.memory_space<vmem>>, vector<1x1xf32>,
    return
  }
}

module attributes {stable_mosaic.version = 14 : i64} {
  func.func @_l1_body(%arg0: memref<2x10240x128xi16, #tpu.memory_space<vmem>>, %arg1: memref<1x1xf32, #tpu.memory_space<vmem>>, %arg2: memref<1x1xf32, #tpu.memory_space<vmem>>, %arg3: memref<10240x1xf32, #tpu.memory_space<vmem>>, %arg4: memref<128x128xf32, #tpu.memory_space<vmem>>, %arg5: memref<128xf32, #tpu.memory_space<vmem>>, %arg6: memref<10000x128xi16, #tpu.memory_space<vmem>>, %arg7: memref<1x1xf32, #tpu.memory_space<vmem>>) attributes {dimension_semantics = [], scalar_prefetch = 0 : i64, scratch_operands = 0 : i64, tpu.core_type = #tpu.core_type<tc>} {
    %get3A = arith.constant 0 : index
    %get3A_0 = arith.constant 0 : index
    %get3A_1 = arith.constant 0 : index
    %get3A_2 = vector.load %arg0[%get3A, %get3A_0, %get3A_1] : memref<2x10240x128xi16, #tpu.memory_space<vmem>>, vector<2x10240x128xi16>
    %convert_element_type3A = arith.sitofp %get3A_2 : vector<2x10240x128xi16> to vector<2x10240x128xf32>
    %slice3A = vector.extract_strided_slice %convert_element_type3A {offsets = [0, 0, 0], sizes = [1, 10240, 128], strides = [1, 1, 1]} : vector<2x10240x128xf32> to vector<1x10240x128xf32>
    %squeeze3A = vector.shape_cast %slice3A : vector<1x10240x128xf32> to vector<10240x128xf32>
    %slice3A_3 = vector.extract_strided_slice %convert_element_type3A {offsets = [1, 0, 0], sizes = [1, 10240, 128], strides = [1, 1, 1]} : vector<2x10240x128xf32> to vector<1x10240x128xf32>
    %squeeze3A_4 = vector.shape_cast %slice3A_3 : vector<1x10240x128xf32> to vector<10240x128xf32>
    %add3A = arith.addf %squeeze3A, %squeeze3A_4 : vector<10240x128xf32>
    %get3A_5 = arith.constant 0 : index
    %get3A_6 = arith.constant 0 : index
    %get3A_7 = vector.load %arg1[%get3A_5, %get3A_6] : memref<1x1xf32, #tpu.memory_space<vmem>>, vector<1x1xf32>
    %get3A_8 = vector.extract %get3A_7[0, 0] : f32 from vector<1x1xf32>
    %mul3A = vector.broadcast %get3A_8 : f32 to vector<10240x128xf32>
    %mul3A_9 = arith.mulf %add3A, %mul3A : vector<10240x128xf32>
    %get3A_10 = arith.constant 0 : index
    %get3A_11 = arith.constant 0 : index
    %get3A_12 = vector.load %arg3[%get3A_10, %get3A_11] : memref<10240x1xf32, #tpu.memory_space<vmem>>, vector<10240x1xf32>
    %mul3A_13 = vector.broadcast %get3A_12 : vector<10240x1xf32> to vector<10240x128xf32>
    %mul3A_14 = arith.mulf %mul3A_9, %mul3A_13 : vector<10240x128xf32>
    %get3A_15 = arith.constant 0 : index
    %get3A_16 = arith.constant 0 : index
    %get3A_17 = vector.load %arg4[%get3A_15, %get3A_16] : memref<128x128xf32, #tpu.memory_space<vmem>>, vector<128x128xf32>
    %dot_general3A = arith.constant dense<0.000000e+00> : vector<10240x128xf32>
    %dot_general3A_18 = tpu.matmul %mul3A_14, %get3A_17, %dot_general3A {dimension_numbers = #tpu.dot_dimension_numbers<[1], [0], [0], [1], [0, 0, 1, 1], [], []>, transpose_lhs_hint = false} : vector<10240x128xf32>, vector<128x128xf32>, vector<10240x128xf32> -> vector<10240x128xf32>
    %get3A_19 = arith.constant 0 : index
    %get3A_20 = vector.load %arg5[%get3A_19] : memref<128xf32, #tpu.memory_space<vmem>>, vector<128xf32>
    %broadcast_in_dim3A = vector.shape_cast %get3A_20 : vector<128xf32> to vector<1x128xf32>
    %add3A_21 = vector.broadcast %broadcast_in_dim3A : vector<1x128xf32> to vector<10240x128xf32>
    %add3A_22 = arith.addf %dot_general3A_18, %add3A_21 : vector<10240x128xf32>
    %max3A = arith.constant 0.000000e+00 : f32
    %max3A_23 = vector.broadcast %max3A : f32 to vector<10240x128xf32>
    %max3A_24 = arith.maximumf %add3A_22, %max3A_23 : vector<10240x128xf32>
    %mul3A_25 = vector.broadcast %get3A_12 : vector<10240x1xf32> to vector<10240x128xf32>
    %mul3A_26 = arith.mulf %max3A_24, %mul3A_25 : vector<10240x128xf32>
    %slice3A_27 = vector.extract_strided_slice %mul3A_26 {offsets = [0, 0], sizes = [10000, 128], strides = [1, 1]} : vector<10240x128xf32> to vector<10000x128xf32>
    %get3A_28 = arith.constant 0 : index
    %get3A_29 = arith.constant 0 : index
    %get3A_30 = vector.load %arg2[%get3A_28, %get3A_29] : memref<1x1xf32, #tpu.memory_space<vmem>>, vector<1x1xf32>
    %get3A_31 = vector.extract %get3A_30[0, 0] : f32 from vector<1x1xf32>
    %abs3A = math.absf %slice3A_27 : vector<10000x128xf32>
    %reduce_max3A = vector.shape_cast %abs3A : vector<10000x128xf32> to vector<1x10000x128xf32>
    %reduce_max3A_32 = arith.constant dense<0xFF800000> : vector<1xf32>
    %reduce_max3A_33 = vector.multi_reduction <maximumf>, %reduce_max3A, %reduce_max3A_32 [1, 2] : vector<1x10000x128xf32> to vector<1xf32>
    %reduce_max3A_34 = vector.shape_cast %reduce_max3A_33 : vector<1xf32> to vector<1x1x1xf32>
    %reduce_max3A_35 = vector.extract %reduce_max3A_34[0, 0, 0] : f32 from vector<1x1x1xf32>
    %mul3A_36 = arith.mulf %get3A_31, %reduce_max3A_35 : f32
    %max3A_37 = arith.constant 1.000000e-30 : f32
    %max3A_38 = arith.maximumf %mul3A_36, %max3A_37 : f32
    %div3A = arith.constant 3.276700e+04 : f32
    %div3A_39 = arith.divf %div3A, %max3A_38 : f32
    %mul3A_40 = vector.broadcast %div3A_39 : f32 to vector<10000x128xf32>
    %mul3A_41 = arith.mulf %slice3A_27, %mul3A_40 : vector<10000x128xf32>
    %round3A = math.roundeven %mul3A_41 : vector<10000x128xf32>
    %convert_element_type3A_42 = arith.fptosi %round3A : vector<10000x128xf32> to vector<10000x128xi16>
    %div3A_43 = arith.constant 3.276700e+04 : f32
    %div3A_44 = arith.divf %max3A_38, %div3A_43 : f32
    %swap3A = arith.constant 0 : index
    %swap3A_45 = arith.constant 0 : index
    %swap3A_46 = vector.load %arg6[%swap3A, %swap3A_45] : memref<10000x128xi16, #tpu.memory_space<vmem>>, vector<10000x128xi16>
    tpu.vector_store %arg6[%swap3A, %swap3A_45], %convert_element_type3A_42 {strides = array<i32>} : memref<10000x128xi16, #tpu.memory_space<vmem>>, vector<10000x128xi16>,
    %broadcast_in_dim3A_47 = arith.constant 0.000000e+00 : f32
    %broadcast_in_dim3A_48 = vector.broadcast %broadcast_in_dim3A_47 : f32 to vector<1x1xf32>
    %add3A_49 = vector.broadcast %div3A_44 : f32 to vector<1x1xf32>
    %add3A_50 = arith.addf %broadcast_in_dim3A_48, %add3A_49 : vector<1x1xf32>
    %swap3A_51 = arith.constant 0 : index
    %swap3A_52 = arith.constant 0 : index
    %swap3A_53 = vector.load %arg7[%swap3A_51, %swap3A_52] : memref<1x1xf32, #tpu.memory_space<vmem>>, vector<1x1xf32>
    tpu.vector_store %arg7[%swap3A_51, %swap3A_52], %add3A_50 {strides = array<i32>} : memref<1x1xf32, #tpu.memory_space<vmem>>, vector<1x1xf32>,
    return
  }
}

module attributes {stable_mosaic.version = 14 : i64} {
  func.func @_l2_body(%arg0: memref<2x10240x128xi16, #tpu.memory_space<vmem>>, %arg1: memref<1x1xf32, #tpu.memory_space<vmem>>, %arg2: memref<1x1xf32, #tpu.memory_space<vmem>>, %arg3: memref<10240x1xf32, #tpu.memory_space<vmem>>, %arg4: memref<128x128xf32, #tpu.memory_space<vmem>>, %arg5: memref<128xf32, #tpu.memory_space<vmem>>, %arg6: memref<128x64xf32, #tpu.memory_space<vmem>>, %arg7: memref<10000x64xi16, #tpu.memory_space<vmem>>, %arg8: memref<1x1xf32, #tpu.memory_space<vmem>>) attributes {dimension_semantics = [], scalar_prefetch = 0 : i64, scratch_operands = 0 : i64, tpu.core_type = #tpu.core_type<tc>} {
    %get3A = arith.constant 0 : index
    %get3A_0 = arith.constant 0 : index
    %get3A_1 = arith.constant 0 : index
    %get3A_2 = vector.load %arg0[%get3A, %get3A_0, %get3A_1] : memref<2x10240x128xi16, #tpu.memory_space<vmem>>, vector<2x10240x128xi16>
    %convert_element_type3A = arith.sitofp %get3A_2 : vector<2x10240x128xi16> to vector<2x10240x128xf32>
    %slice3A = vector.extract_strided_slice %convert_element_type3A {offsets = [0, 0, 0], sizes = [1, 10240, 128], strides = [1, 1, 1]} : vector<2x10240x128xf32> to vector<1x10240x128xf32>
    %squeeze3A = vector.shape_cast %slice3A : vector<1x10240x128xf32> to vector<10240x128xf32>
    %slice3A_3 = vector.extract_strided_slice %convert_element_type3A {offsets = [1, 0, 0], sizes = [1, 10240, 128], strides = [1, 1, 1]} : vector<2x10240x128xf32> to vector<1x10240x128xf32>
    %squeeze3A_4 = vector.shape_cast %slice3A_3 : vector<1x10240x128xf32> to vector<10240x128xf32>
    %add3A = arith.addf %squeeze3A, %squeeze3A_4 : vector<10240x128xf32>
    %get3A_5 = arith.constant 0 : index
    %get3A_6 = arith.constant 0 : index
    %get3A_7 = vector.load %arg1[%get3A_5, %get3A_6] : memref<1x1xf32, #tpu.memory_space<vmem>>, vector<1x1xf32>
    %get3A_8 = vector.extract %get3A_7[0, 0] : f32 from vector<1x1xf32>
    %mul3A = vector.broadcast %get3A_8 : f32 to vector<10240x128xf32>
    %mul3A_9 = arith.mulf %add3A, %mul3A : vector<10240x128xf32>
    %get3A_10 = arith.constant 0 : index
    %get3A_11 = arith.constant 0 : index
    %get3A_12 = vector.load %arg3[%get3A_10, %get3A_11] : memref<10240x1xf32, #tpu.memory_space<vmem>>, vector<10240x1xf32>
    %mul3A_13 = vector.broadcast %get3A_12 : vector<10240x1xf32> to vector<10240x128xf32>
    %mul3A_14 = arith.mulf %mul3A_9, %mul3A_13 : vector<10240x128xf32>
    %get3A_15 = arith.constant 0 : index
    %get3A_16 = arith.constant 0 : index
    %get3A_17 = vector.load %arg4[%get3A_15, %get3A_16] : memref<128x128xf32, #tpu.memory_space<vmem>>, vector<128x128xf32>
    %dot_general3A = arith.constant dense<0.000000e+00> : vector<10240x128xf32>
    %dot_general3A_18 = tpu.matmul %mul3A_14, %get3A_17, %dot_general3A {dimension_numbers = #tpu.dot_dimension_numbers<[1], [0], [0], [1], [0, 0, 1, 1], [], []>, transpose_lhs_hint = false} : vector<10240x128xf32>, vector<128x128xf32>, vector<10240x128xf32> -> vector<10240x128xf32>
    %get3A_19 = arith.constant 0 : index
    %get3A_20 = vector.load %arg5[%get3A_19] : memref<128xf32, #tpu.memory_space<vmem>>, vector<128xf32>
    %broadcast_in_dim3A = vector.shape_cast %get3A_20 : vector<128xf32> to vector<1x128xf32>
    %add3A_21 = vector.broadcast %broadcast_in_dim3A : vector<1x128xf32> to vector<10240x128xf32>
    %add3A_22 = arith.addf %dot_general3A_18, %add3A_21 : vector<10240x128xf32>
    %max3A = arith.constant 0.000000e+00 : f32
    %max3A_23 = vector.broadcast %max3A : f32 to vector<10240x128xf32>
    %max3A_24 = arith.maximumf %add3A_22, %max3A_23 : vector<10240x128xf32>
    %mul3A_25 = vector.broadcast %get3A_12 : vector<10240x1xf32> to vector<10240x128xf32>
    %mul3A_26 = arith.mulf %max3A_24, %mul3A_25 : vector<10240x128xf32>
    %get3A_27 = arith.constant 0 : index
    %get3A_28 = arith.constant 0 : index
    %get3A_29 = vector.load %arg6[%get3A_27, %get3A_28] : memref<128x64xf32, #tpu.memory_space<vmem>>, vector<128x64xf32>
    %dot_general3A_30 = arith.constant dense<0.000000e+00> : vector<10240x64xf32>
    %dot_general3A_31 = tpu.matmul %mul3A_26, %get3A_29, %dot_general3A_30 {dimension_numbers = #tpu.dot_dimension_numbers<[1], [0], [0], [1], [0, 0, 1, 1], [], []>, transpose_lhs_hint = false} : vector<10240x128xf32>, vector<128x64xf32>, vector<10240x64xf32> -> vector<10240x64xf32>
    %slice3A_32 = vector.extract_strided_slice %dot_general3A_31 {offsets = [0, 0], sizes = [10000, 64], strides = [1, 1]} : vector<10240x64xf32> to vector<10000x64xf32>
    %get3A_33 = arith.constant 0 : index
    %get3A_34 = arith.constant 0 : index
    %get3A_35 = vector.load %arg2[%get3A_33, %get3A_34] : memref<1x1xf32, #tpu.memory_space<vmem>>, vector<1x1xf32>
    %get3A_36 = vector.extract %get3A_35[0, 0] : f32 from vector<1x1xf32>
    %abs3A = math.absf %slice3A_32 : vector<10000x64xf32>
    %reduce_max3A = vector.shape_cast %abs3A : vector<10000x64xf32> to vector<1x10000x64xf32>
    %reduce_max3A_37 = arith.constant dense<0xFF800000> : vector<1xf32>
    %reduce_max3A_38 = vector.multi_reduction <maximumf>, %reduce_max3A, %reduce_max3A_37 [1, 2] : vector<1x10000x64xf32> to vector<1xf32>
    %reduce_max3A_39 = vector.shape_cast %reduce_max3A_38 : vector<1xf32> to vector<1x1x1xf32>
    %reduce_max3A_40 = vector.extract %reduce_max3A_39[0, 0, 0] : f32 from vector<1x1x1xf32>
    %mul3A_41 = arith.mulf %get3A_36, %reduce_max3A_40 : f32
    %max3A_42 = arith.constant 1.000000e-30 : f32
    %max3A_43 = arith.maximumf %mul3A_41, %max3A_42 : f32
    %div3A = arith.constant 3.276700e+04 : f32
    %div3A_44 = arith.divf %div3A, %max3A_43 : f32
    %mul3A_45 = vector.broadcast %div3A_44 : f32 to vector<10000x64xf32>
    %mul3A_46 = arith.mulf %slice3A_32, %mul3A_45 : vector<10000x64xf32>
    %round3A = math.roundeven %mul3A_46 : vector<10000x64xf32>
    %convert_element_type3A_47 = arith.fptosi %round3A : vector<10000x64xf32> to vector<10000x64xi16>
    %div3A_48 = arith.constant 3.276700e+04 : f32
    %div3A_49 = arith.divf %max3A_43, %div3A_48 : f32
    %swap3A = arith.constant 0 : index
    %swap3A_50 = arith.constant 0 : index
    %swap3A_51 = vector.load %arg7[%swap3A, %swap3A_50] : memref<10000x64xi16, #tpu.memory_space<vmem>>, vector<10000x64xi16>
    tpu.vector_store %arg7[%swap3A, %swap3A_50], %convert_element_type3A_47 {strides = array<i32>} : memref<10000x64xi16, #tpu.memory_space<vmem>>, vector<10000x64xi16>,
    %broadcast_in_dim3A_52 = arith.constant 0.000000e+00 : f32
    %broadcast_in_dim3A_53 = vector.broadcast %broadcast_in_dim3A_52 : f32 to vector<1x1xf32>
    %add3A_54 = vector.broadcast %div3A_49 : f32 to vector<1x1xf32>
    %add3A_55 = arith.addf %broadcast_in_dim3A_53, %add3A_54 : vector<1x1xf32>
    %swap3A_56 = arith.constant 0 : index
    %swap3A_57 = arith.constant 0 : index
    %swap3A_58 = vector.load %arg8[%swap3A_56, %swap3A_57] : memref<1x1xf32, #tpu.memory_space<vmem>>, vector<1x1xf32>
    tpu.vector_store %arg8[%swap3A_56, %swap3A_57], %add3A_55 {strides = array<i32>} : memref<1x1xf32, #tpu.memory_space<vmem>>, vector<1x1xf32>,
    return
  }
}

module attributes {stable_mosaic.version = 14 : i64} {
  func.func @_final_body(%arg0: memref<2x10240x64xi16, #tpu.memory_space<vmem>>, %arg1: memref<1x1xf32, #tpu.memory_space<vmem>>, %arg2: memref<10240x1xf32, #tpu.memory_space<vmem>>, %arg3: memref<64xf32, #tpu.memory_space<vmem>>, %arg4: memref<10000x64xf32, #tpu.memory_space<vmem>>) attributes {dimension_semantics = [], scalar_prefetch = 0 : i64, scratch_operands = 0 : i64, tpu.core_type = #tpu.core_type<tc>} {
    %get3A = arith.constant 0 : index
    %get3A_0 = arith.constant 0 : index
    %get3A_1 = arith.constant 0 : index
    %get3A_2 = vector.load %arg0[%get3A, %get3A_0, %get3A_1] : memref<2x10240x64xi16, #tpu.memory_space<vmem>>, vector<2x10240x64xi16>
    %convert_element_type3A = arith.sitofp %get3A_2 : vector<2x10240x64xi16> to vector<2x10240x64xf32>
    %slice3A = vector.extract_strided_slice %convert_element_type3A {offsets = [0, 0, 0], sizes = [1, 10240, 64], strides = [1, 1, 1]} : vector<2x10240x64xf32> to vector<1x10240x64xf32>
    %squeeze3A = vector.shape_cast %slice3A : vector<1x10240x64xf32> to vector<10240x64xf32>
    %slice3A_3 = vector.extract_strided_slice %convert_element_type3A {offsets = [1, 0, 0], sizes = [1, 10240, 64], strides = [1, 1, 1]} : vector<2x10240x64xf32> to vector<1x10240x64xf32>
    %squeeze3A_4 = vector.shape_cast %slice3A_3 : vector<1x10240x64xf32> to vector<10240x64xf32>
    %add3A = arith.addf %squeeze3A, %squeeze3A_4 : vector<10240x64xf32>
    %get3A_5 = arith.constant 0 : index
    %get3A_6 = arith.constant 0 : index
    %get3A_7 = vector.load %arg1[%get3A_5, %get3A_6] : memref<1x1xf32, #tpu.memory_space<vmem>>, vector<1x1xf32>
    %get3A_8 = vector.extract %get3A_7[0, 0] : f32 from vector<1x1xf32>
    %mul3A = vector.broadcast %get3A_8 : f32 to vector<10240x64xf32>
    %mul3A_9 = arith.mulf %add3A, %mul3A : vector<10240x64xf32>
    %get3A_10 = arith.constant 0 : index
    %get3A_11 = arith.constant 0 : index
    %get3A_12 = vector.load %arg2[%get3A_10, %get3A_11] : memref<10240x1xf32, #tpu.memory_space<vmem>>, vector<10240x1xf32>
    %mul3A_13 = vector.broadcast %get3A_12 : vector<10240x1xf32> to vector<10240x64xf32>
    %mul3A_14 = arith.mulf %mul3A_9, %mul3A_13 : vector<10240x64xf32>
    %slice3A_15 = vector.extract_strided_slice %mul3A_14 {offsets = [0, 0], sizes = [10000, 64], strides = [1, 1]} : vector<10240x64xf32> to vector<10000x64xf32>
    %get3A_16 = arith.constant 0 : index
    %get3A_17 = vector.load %arg3[%get3A_16] : memref<64xf32, #tpu.memory_space<vmem>>, vector<64xf32>
    %broadcast_in_dim3A = vector.shape_cast %get3A_17 : vector<64xf32> to vector<1x64xf32>
    %add3A_18 = vector.broadcast %broadcast_in_dim3A : vector<1x64xf32> to vector<10000x64xf32>
    %add3A_19 = arith.addf %slice3A_15, %add3A_18 : vector<10000x64xf32>
    %swap3A = arith.constant 0 : index
    %swap3A_20 = arith.constant 0 : index
    %swap3A_21 = vector.load %arg4[%swap3A, %swap3A_20] : memref<10000x64xf32, #tpu.memory_space<vmem>>, vector<10000x64xf32>
    tpu.vector_store %arg4[%swap3A, %swap3A_20], %add3A_19 {strides = array<i32>} : memref<10000x64xf32, #tpu.memory_space<vmem>>, vector<10000x64xf32>,
    return
  }
}

</mosaic_0001>

<sc_bundles>
// kernel: kernel.11.cloned.1.call-start
scs
__scs_entry_jumppad:
0x0: {  	(pc) =	sbr.rel $0x88, $3  }
0x1: {  	(tag) =	ssettag $0x0;
	lr =	simm.s32 $0x1  }
0x2: {  	[smem:$0x3F99] =	sst lr;
	_ =	strace $0xD0000000  }
0x3: {  	_ = 	snop  }
0x4: {  	_ = 	snop  }
0x5: {  	_ = 	snop  }
0x6: {  	_ = 	snop  }
0x7: {  	_ = 	snop  }
__scs_overlays_trampoline_lowered:
0x8: {  	[smem:$0x3FA8] =	sst s0  }
0x9: {  	[smem:$0x3FA9] =	sst s1  }
0xa: {  	[smem:$0x3FAA] =	sst s2  }
0xb: {  	[smem:$0x3FAB] =	sst s3  }
0xc: {  	[smem:$0x3FAC] =	sst s4  }
0xd: {  	[smem:$0x3FAD] =	sst s5  }
0xe: {  	[smem:$0x3FAE] =	sst s6  }
0xf: {  	[smem:$0x3FAF] =	sst s7  }
0x10: {  	[smem:$0x3FB0] =	sst s8  }
0x11: {  	[smem:$0x3FB1] =	sst s9;
	s0 =	simm.s32 @!p0 $0x0  }
0x12: {  	s1 =	sld [smem:$0x3F97];
	s0 =	simm.s32 @p0 $0x1  }
0x13: {  	[smem:$0x3FB2] =	sst s0;
	s0 =	simm.s32 @!p1 $0x0  }
0x14: {  	s2 =	sld [smem:$0x3F96];
	s0 =	simm.s32 @p1 $0x1  }
0x15: {  	[smem:$0x3FB3] =	sst s0;
	s0 =	simm.s32 @!p2 $0x0  }
0x16: {  	s3 =	sld [smem:$0x3FDB];
	s0 =	simm.s32 @p2 $0x1  }
0x17: {  	s4 =	simm.s32 $0x1BF5;
	[smem:$0x3FB5] =	sst s0  }
0x18: {  	s0 =	sld [smem:$0x3F98];
	_ =	swait.ge [sflag:s4], $0x0  }
0x19: {  	s7 =	sld [smem:$0x3F99]  }
0x1a: {  	s8 =	sadd.s32 $0xFFFFE003, lr  }
0x1b: {  	s9 =	sadd.s32 $0xFFFFFEF7, lr;
	s5 =	simm.s32 $0xFFFFFFFF;
	p2 =	slt.u32 s8, $0xFFFFF086  }
0x1c: {  	p1 =	slt.u32 s9, $0xF7A;
	s5 =	simm.s32 @!p2 $0x0  }
0x1d: {  	s5 =	simm.s32 @p1 $0x1;
	p0 =	seq.s32 s7, s2  }
0x1e: {  	s7 =	smul.u32 @!p0 $0xF7A, s2;
	p2 =	seq.s32 @!p0 s5, $0x0  }
0x1f: {  	s9 =	smul.u32 $0xF7A, s1;
	s8 =	simm.s32 @!p0 $0x1BF5;
	p2 =	por !p2, p0  }
0x20: {  	[sflag:s8] =	ssyncset.s32 @!p0 $0xFFFFF086;
	s6 =	sadd.s32 @!p0 s3, s7;
	s7 =	simm.s32 @!p0 $0x108  }
0x21: {  	s3 =	sadd.s32 s3, s9;
	s6 =	sadd.s32 @!p0 $0x88, s6;
	s7 =	simm.s32 @p2 $0x1082  }
0x22: {  	[simem:s7], [sflag:s8] =	dma.local @!p0 [hbm:s6], $0xF7A  }
0x23: {  	s9 =	sor.u32 $0xD0000000, s2;
	s6 =	simm.s32 $0x108;
	_ =	swait.ge @!p0 [sflag:s8], $0x0  }
0x24: {  	s3 =	sadd.s32 $0x88, s3;
	s6 =	simm.s32 @!p1 $0x1082;
	[sflag:s4] =	ssyncset.s32 $0xFFFFF086  }
0x25: {  	[simem:s6], [sflag:s4] =	dma.local [hbm:s3], $0xF7A  }
0x26: {  	[smem:$0x3F99] =	sst s1;
	(tag) =	ssettag s2;
	_ =	strace s9  }
0x27: {  	s1 =	sld [smem:$0x3FA9]  }
0x28: {  	s2 =	sld [smem:$0x3FAA]  }
0x29: {  	s4 =	sld [smem:$0x3FAC]  }
0x2a: {  	p0 =	seq.s32 s5, $0x0;
	s5 =	sld [smem:$0x3FAD]  }
0x2b: {  	s6 =	sld [smem:$0x3FAE]  }
0x2c: {  	s7 =	sld [smem:$0x3FAF]  }
0x2d: {  	s3 =	simm.s32 $0x108;
	s8 =	sld [smem:$0x3FB0]  }
0x2e: {  	s3 =	simm.s32 @!p0 $0x1082;
	s9 =	sld [smem:$0x3FB1]  }
0x2f: {  	lr =	sadd.s32 s0, s3;
	s0 =	sld [smem:$0x3FA8]  }
0x30: {  	s3 =	sld [smem:$0x3FAB]  }
0x31: {  	[smem:$0x3FB4] =	sst s10  }
0x32: {  	s10 =	sld [smem:$0x3FB2];
	_ =	sdelay $0x3  }
0x33: {  	p0 =	seq.s32 s10, $0x1;
	s10 =	sld [smem:$0x3FB4];
	_ =	sdelay $0x3  }
0x34: {  	[smem:$0x3FB4] =	sst s10  }
0x35: {  	s10 =	sld [smem:$0x3FB3];
	_ =	sdelay $0x3  }
0x36: {  	p1 =	seq.s32 s10, $0x1;
	s10 =	sld [smem:$0x3FB4];
	_ =	sdelay $0x3  }
0x37: {  	[smem:$0x3FB4] =	sst s10  }
0x38: {  	s10 =	sld [smem:$0x3FB5]  }
0x39: {  	_ = 	snop;
	(pc) =	sbr.ind lr, $3  }
0x3a: {  	_ = 	snop  }
0x3b: {  	_ = 	snop  }
0x3c: {  	p2 =	seq.s32 s10, $0x1;
	s10 =	sld [smem:$0x3FB4]  }
0x3d: {  	_ =	shalt  }
0x3e: {  	_ =	shalt  }
0x3f: {  	_ =	shalt  }
0x40: {  	_ =	shalt  }
0x41: {  	_ =	shalt  }
0x42: {  	_ =	shalt  }
0x43: {  	_ =	shalt  }
0x44: {  	_ =	shalt  }
0x45: {  	_ =	shalt  }
0x46: {  	_ =	shalt  }
0x47: {  	_ =	shalt  }
0x48: {  	_ =	shalt  }
0x49: {  	_ =	shalt  }
0x4a: {  	_ =	shalt  }
0x4b: {  	_ =	shalt  }
0x4c: {  	_ =	shalt  }
0x4d: {  	_ =	shalt  }
0x4e: {  	_ =	shalt  }
0x4f: {  	_ =	shalt  }
0x50: {  	_ =	shalt  }
0x51: {  	_ =	shalt  }
0x52: {  	_ =	shalt  }
0x53: {  	_ =	shalt  }
0x54: {  	_ =	shalt  }
0x55: {  	_ =	shalt  }
0x56: {  	_ =	shalt  }
0x57: {  	_ =	shalt  }
0x58: {  	_ =	shalt  }
0x59: {  	_ =	shalt  }
0x5a: {  	_ =	shalt  }
0x5b: {  	_ =	shalt  }
0x5c: {  	_ =	shalt  }
0x5d: {  	_ =	shalt  }
0x5e: {  	_ =	shalt  }
0x5f: {  	_ =	shalt  }
0x60: {  	_ =	shalt  }
0x61: {  	_ =	shalt  }
0x62: {  	_ =	shalt  }
0x63: {  	_ =	shalt  }
0x64: {  	_ =	shalt  }
0x65: {  	_ =	shalt  }
0x66: {  	_ =	shalt  }
0x67: {  	_ =	shalt  }
0x68: {  	_ =	shalt  }
0x69: {  	_ =	shalt  }
0x6a: {  	_ =	shalt  }
0x6b: {  	_ =	shalt  }
0x6c: {  	_ =	shalt  }
0x6d: {  	_ =	shalt  }
0x6e: {  	_ =	shalt  }
0x6f: {  	_ =	shalt  }
0x70: {  	_ =	shalt  }
0x71: {  	_ =	shalt  }
0x72: {  	_ =	shalt  }
0x73: {  	_ =	shalt  }
0x74: {  	_ =	shalt  }
0x75: {  	_ =	shalt  }
0x76: {  	_ =	shalt  }
0x77: {  	_ =	shalt  }
0x78: {  	_ =	shalt  }
0x79: {  	_ =	shalt  }
0x7a: {  	_ =	shalt  }
0x7b: {  	_ =	shalt  }
0x7c: {  	_ =	shalt  }
0x7d: {  	_ =	shalt  }
0x7e: {  	_ =	shalt  }
0x7f: {  	_ =	shalt  }
0x80: {  	_ =	shalt  }
0x81: {  	_ =	shalt  }
0x82: {  	_ =	shalt  }
0x83: {  	_ =	shalt  }
0x84: {  	_ =	shalt  }
0x85: {  	_ =	shalt  }
0x86: {  	_ =	shalt  }
0x87: {  	_ =	shalt  }
.Lfunc_end0:
.L_simem_size_0:
called_computation_lowered:
.L_overlay_start_0:
0x88: {  	s2 =	sld [smem:$0x3FD9]  }
0x89: {  	s3 =	sld [smem:$0x3FFE];
	_ =	sdelay $0x1  }
0x8a: {  	s1 =	srdreg.scid  }
0x8b: {  	s0 =	sand.u32 $0x1, s1  }
0x8c: {  	s14 =	sshll.u32 s0, $0xA;
	s2 =	sadd.s32 s3, s2  }
0x8d: {  	s2 =	sadd.s32 s2, s14  }
0x8e: {  	[smem:$0x3FC0] =	sst s2  }
0x8f: {  	_ = 	snop  }
0x90: {  	s2 =	sld [smem:$0x3FD0];
	_ =	sdelay $0x2  }
0x91: {  	s15 =	simm.s32 $0xB;
	s4 =	simm.s32 $0x10  }
0x92: {  	[smem:s4], [sflag:s15] =	dma.local [hbm:s2], $0x1  }
0x93: {  	_ =	swait.eq [sflag:s15], $0x1  }
0x94: {  	[sflag:s15] =	ssyncset.done $0x0  }
0x95: {  	[sflag:s15] =	ssyncadd.s32 $0xFFFFFFFF  }
0x96: {  	s16 =	sld [smem:$0x10];
	(tm) =	ssettm $0x1  }
0x97: {  	s17 =	sld [smem:$0x3FFB];
	_ =	sdelay $0x3  }
0x98: {  	_ =	strace s17  }
0x99: {  	s3 =	sld [smem:$0x3FFC];
	_ =	sdelay $0x3  }
0x9a: {  	_ =	strace s3  }
0x9b: {  	s3 =	sld [smem:$0x3FFD];
	_ =	sdelay $0x3  }
0x9c: {  	_ =	strace s3  }
0x9d: {  	_ =	strace $0x8FFFFFFF  }
0x9e: {  	s18 =	sld [smem:$0x3FDB];
	_ =	sdelay $0x1  }
0x9f: {  	s19 =	simm.s32 $_scs_section_size  }
0xa0: {  	s5 =	simm.s32 $_size__tile_overlayer_lowered;
	s6 =	simm.s32 $_tile_overlayer_lowered  }
0xa1: {  	s22 =	simm.s32 $0x1BFF;
	s21 =	sshll.u32 s6, $0x1;
	s3 =	sadd.s32 s19, s18  }
0xa2: {  	s7 =	simm.s32 $0x0;
	s20 =	sshll.u32 s5, $0x1;
	s5 =	sadd.s32 s21, s3  }
0xa3: {  	[timem:s7], [sflag:s22] =	dma.local [hbm:s5], s20  }
0xa4: {  	_ =	swait.ge [sflag:s22], s20  }
0xa5: {  	s4 =	ssub.s32 $0x0, s20;
	[sflag:s22] =	ssyncset.done $0x0  }
0xa6: {  	[sflag:s22] =	ssyncadd.s32 s4;
	_ =	sdelay $0x1  }
0xa7: {  	s23 =	simm.s32 $0x1B8B  }
0xa8: {  	_ =	swait.ge [sflag:s23], $0x1  }
0xa9: {  	[sflag:s23] =	ssyncset.done $0x0  }
0xaa: {  	s25 =	simm.s32 $0x1B8E;
	s24 =	sld [smem:$0x3FFE];
	[sflag:s23] =	ssyncadd.s32 $0xFFFFFFFF  }
0xab: {  	s26 =	simm.s32 $execute0_lowered;
	[smem:$0x3FD2] =	sst s25  }
0xac: {  	s5 =	sshll.u32 s26, $0x1;
	_ =	strace $0x80000046;
	[dreg:$0x1] =	wrdreg $0xFFFFFFFF  }
0xad: {  	s28 =	simm.s32 $_size_execute0_lowered;
	s3 =	sadd.s32 s3, s5;
	[dreg:$0x0] =	wrdreg $0x0  }
0xae: {  	s5 =	sshll.u32 s28, $0x1;
	[dreg:$0x2] =	wrdreg s3  }
0xaf: {  	[dreg:$0x3] =	wrdreg s5  }
0xb0: {  	[dreg:$0x4] =	wrdreg $0xC0  }
0xb1: {  	_ =	task [dreg:s7], $0x5FFFF  }
0xb2: {  	[dreg:$0x1] =	wrdreg $0xFFFFFFFF  }
0xb3: {  	[dreg:$0x0] =	wrdreg $0x60  }
0xb4: {  	[dreg:$0x2] =	wrdreg s24  }
0xb5: {  	[dreg:$0x3] =	wrdreg s16  }
0xb6: {  	[dreg:$0x4] =	wrdreg $0x37D00  }
0xb7: {  	[dreg:$0x5] =	wrdreg $0x9  }
0xb8: {  	_ =	task.clear_ibuf [dreg:s7], $0x6FFFF;
	_ =	strace $0x90000046  }
0xb9: {  	s29 =	simm.s32 $0x9;
	_ =	strace $0x80000048  }
0xba: {  	_ =	swait.ge [sflag:s29], $0x1  }
0xbb: {  	[sflag:s29] =	ssyncadd.s32 $0xFFFFFFFF  }
0xbc: {  	_ =	strace $0x90000048  }
0xbd: {  	_ =	sfence  }
0xbe: {  	s30 =	sld [smem:$0x0];
	_ =	sdelay $0x2  }
0xbf: {  	s31 =	sshll.u32 s1, $0xD;
	s1 =	sshrl.u32 s1, $0x2  }
0xc0: {  	s3 =	sand.u32 $0x4000, s31;
	s1 =	sadd.s32 s1, s30  }
0xc1: {  	s0 =	sor.u32 s3, s0;
	s1 =	sshll.u32 s1, $0x11  }
0xc2: {  	s0 =	sor.u32 s1, s0  }
0xc3: {  	s0 =	sadd.s32 $0x8F2B, s0  }
0xc4: {  	[sflag:s0] =	ssyncadd.remote.s32 $0x1  }
0xc5: {  	_ =	sfence.sel $0xFFFF  }
0xc6: {  	[dreg:$0x0] =	wrdreg $0xFFFFFFFF;
	(pc) =	sbr.abs _section_cstart, $3  }
0xc7: {  	[dreg:$0x1] =	wrdreg $0xFFFFFFFF  }
0xc8: {  	_ =	task.clear_ibuf [dreg:s7], $0x2FFFF;
	_ =	strace $0x9FFFFFFF  }
0xc9: {  	(tm) =	ssettm $0x7FFFFFFF  }
tec
execute0_lowered:
.L_overlay_start_1:
0x0: {  	(tag) =	ssettag $0x1  }
0x1: {  	s4 =	rddreg [dreg:$0x0]  }
0x2: {  	s6 =	rddreg [dreg:$0x1]  }
0x3: {  	s0 =	srdreg.scid;
	s2 =	rddreg [dreg:$0x2]  }
0x4: {  	s1 =	rddreg [dreg:$0x3];
	s3 =	simm.s32 $0x0;
	s5 =	sand.u32 $0x1, s0  }
0x5: {  	s12 =	simm.s32 $0x2FD0;
	s0 =	stileid.u32;
	s7 =	smul.u32 $0x5000, s5  }
0x6: {  	s13 =	simm.s32 $0x2;
	s14 =	simm.s32 $0x7D;
	s8 =	smul.u32 $0x500, s0  }
0x7: {  	s15 =	simm.s32 $0x2800;
	s16 =	simm.s32 $0x1;
	s9 =	smul.u32 $0xA000, s0  }
0x8: {  	[smem:$0x7FF] =	sst s3;
	s10 =	smul.u32 $0x28000, s5;
	s5 =	ssub.s32 $0x2, s5  }
0x9: {  	s26 =	smul.u32 $0x2800, s0;
	_ =	strace $0x80000047;
	s17 =	sshll.u32 s0, $0x6  }
0xa: {  	s28 =	sshrl.u32 s5, $0x1;
	s17 =	sor.u32 $0x1C02, s17;
	s7 =	sadd.s32 s8, s7  }
0xb: {  	s11 =	ssub.s32 s5, s28;
	s29 =	sshrl.u32 s9, $0x2;
	s30 =	sadd.s32 s26, s10  }
0xc: {  	s18 =	sadd.s32 s26, s2;
	s7 =	sadd.s32 s7, s4;
	s4 =	sadd.s32 s29, s2  }
0xd: {  	s31 =	sshrl.u32 s30, $0x3;
	s18 =	sshrl.u32 s18, $0x3;
	s5 =	sadd.s32 $0x2800, s7  }
0xe: {  	s6 =	sadd.s32 s6, s31;
	s7 =	smax.u32 s11, $0x1;
	s8 =	sadd.s32 $0x800, s4  }
0xf: {  	v0 =	vimm.f32 $1.000000000e+00;
	v1 =	vimm.f32 $0.0e+00;
	s9 =	sadd.s32 $0x1000, s4;
	s10 =	sadd.s32 $0x1800, s4;
	s11 =	sadd.s32 $0x2000, s4  }
.LBB2_1:
0x10: {  	s19 =	simm.s32 $0x0  }
.LBB2_2:
0x11: {  	p0 =	sne.s32 s19, $0x1F00  }
.Ltmp0:
0x12: {  	_ = 	snop;
	(pc) =	sbr.rel @p0 .LBB2_2-.Ltmp0, $3  }
0x13: {  	_ =	sdelay $0x1  }
0x14: {  	s20 =	sshra.s32 s19, $0x2  }
0x15: {  	s19 =	sadd.s32 $0x40, s19;
	[tilespmem:s20+$0x2800] =	vst v0  }
0x16: {  	s19 =	simm.s32 $0x40;
	s20 =	simm.s32 $0x0  }
.LBB2_4:
0x17: {  	p0 =	sne.s32 s19, $0x1FC0;
	[tilespmem:s20+$0x2FD0] =	vst v1;
	s20 =	smov.u32 s19;
	s19 =	sadd.s32 $0x40, s19  }
.Ltmp1:
0x18: {  	(pc) =	sbr.rel @p0 .LBB2_4-.Ltmp1, $2  }
0x19: {  	_ =	sdelay $0x2  }
0x1a: {  	s20 =	sshra.s32 s20, $0x2  }
0x1b: {  	[tilespmem:s20+$0x2FD0] =	vst v1  }
0x1c: {  	[spmem:s4] =	stream.linear.scatter [tilespmem:s12], [sflag:$0x2], $0x800, $0x38;
	[tilespmem:$0x5FD0] =	vst v63  }
0x1d: {  	_ =	swait.ge [sflag:s13], $0x800  }
0x1e: {  	[sflag:s13] =	ssyncset.done $0x0  }
0x1f: {  	[sflag:s13] =	ssyncadd.s32 $0xFFFFF800  }
0x20: {  	[spmem:s8] =	stream.linear.scatter [tilespmem:s12], [sflag:$0x2], $0x800, $0x38;
	[tilespmem:$0x5FD0] =	vst v63  }
0x21: {  	_ =	swait.ge [sflag:s13], $0x800  }
0x22: {  	[sflag:s13] =	ssyncset.done $0x0  }
0x23: {  	[sflag:s13] =	ssyncadd.s32 $0xFFFFF800  }
0x24: {  	[spmem:s9] =	stream.linear.scatter [tilespmem:s12], [sflag:$0x2], $0x800, $0x38;
	[tilespmem:$0x5FD0] =	vst v63  }
0x25: {  	_ =	swait.ge [sflag:s13], $0x800  }
0x26: {  	[sflag:s13] =	ssyncset.done $0x0  }
0x27: {  	[sflag:s13] =	ssyncadd.s32 $0xFFFFF800  }
0x28: {  	[spmem:s10] =	stream.linear.scatter [tilespmem:s12], [sflag:$0x2], $0x800, $0x38;
	[tilespmem:$0x5FD0] =	vst v63  }
0x29: {  	_ =	swait.ge [sflag:s13], $0x800  }
0x2a: {  	[sflag:s13] =	ssyncset.done $0x0  }
0x2b: {  	[sflag:s13] =	ssyncadd.s32 $0xFFFFF800  }
0x2c: {  	[spmem:s11] =	stream.linear.scatter [tilespmem:s12], [sflag:$0x2], $0x800, $0x38;
	[tilespmem:$0x5FD0] =	vst v63  }
0x2d: {  	_ =	swait.ge [sflag:s13], $0x800  }
0x2e: {  	[sflag:s13] =	ssyncset.done $0x0  }
0x2f: {  	[sflag:s13] =	ssyncadd.s32 $0xFFFFF800  }
0x30: {  	s19 =	simm.s32 $0x0;
	[bflag:$0x0] =	sbarrier.arrive $0xFFFF  }
0x31: {  	[tilespmem:s19], [sflag:$0x2] =	stream.linear.gather [hbm4b:s5+s19], $0x2800, $0x38;
	[tilespmem:$0x5FD0] =	vst v63  }
0x32: {  	_ =	swait.ge [sflag:s13], $0x2800  }
0x33: {  	[sflag:s13] =	ssyncset.done $0x0  }
0x34: {  	[sflag:s13] =	ssyncadd.s32 $0xFFFFD800  }
.LBB2_6:
0x35: {  	p0 =	sne.s32 s19, $0x9E00  }
.Ltmp2:
0x36: {  	_ = 	snop;
	(pc) =	sbr.rel @p0 .LBB2_6-.Ltmp2, $3  }
0x37: {  	_ =	sdelay $0x1  }
0x38: {  	s20 =	sshra.s32 s19, $0x2;
	s19 =	sadd.s32 $0x200, s19  }
0x39: {  	[spmem:s2] =	stream.indirect.scatter.add.f32 [tilespmem:s15], [sflag:$0x1], $0x10, s20, s14, $0xb8;
	[tilespmem:$0x5FD0] =	vst v63  }
0x3a: {  	_ =	swait.ge [sflag:s16], $0x7D0  }
0x3b: {  	s19 =	simm.s32 $0x4F;
	[sflag:s16] =	ssyncset.done $0x0  }
.LBB2_8:
0x3c: {  	p0 =	sne.s32 s19, $0x1;
	s19 =	sadd.s32 $0xFFFFFFFF, s19;
	[sflag:s16] =	ssyncadd.s32 $0xFFFFF830  }
.Ltmp3:
0x3d: {  	(pc) =	sbr.rel @p0 .LBB2_8-.Ltmp3, $3  }
0x3e: {  	_ =	sdelay $0x1  }
0x3f: {  	_ =	swait.ge [sflag:s16], $0x7D0  }
0x40: {  	[sflag:s16] =	ssyncset.done $0x0  }
0x41: {  	s3 =	sadd.s32 $0x1, s3  }
0x42: {  	[sflag:s16] =	ssyncadd.s32 $0xFFFFF830;
	p0 =	sne.s32 s3, s7  }
.Ltmp4:
0x43: {  	[bflag:$0x0] =	sbarrier.arrive $0xFFFF;
	(pc) =	sbr.rel @p0 .LBB2_1-.Ltmp4, $4  }
0x44: {  	[hbm:s6], [sflag:s17] =	dma.local [spmem:s18], $0x500  }
0x45: {  	_ =	swait.ge [sflag:s13], $0x500  }
0x46: {  	[sflag:s13] =	ssyncset.done $0x0  }
0x47: {  	[sflag:s13] =	ssyncadd.s32 $0xFFFFFB00  }
0x48: {  	_ =	sfence.sel $0x180000  }
0x49: {  	[bflag:$0x0] =	sbarrier.arrive $0xFFFF  }
0x4a: {  	p0 =	sne.s32 s0, $0x0;
	_ =	strace $0x90000047  }
0x4b: {  	s0 =	sadd.s32 @!p0 $0x100000, s1;
	[bflag:$0x2] =	sbarrier.arrive $0xFFFF  }
0x4c: {  	[sflag:s0] =	ssyncadd.tile.s32 @!p0 $0x1;
	_ =	shalt  }
.Lfunc_end2:
_tile_overlayer_lowered:
.L_overlay_start_2:
0x4d: {  	(tag) =	ssettag $0x2  }
0x4e: {  	s0 =	rddreg [dreg:$0x0];
	s2 =	stileid.u32  }
0x4f: {  	s1 =	rddreg [dreg:$0x1];
	p0 =	sne.s32 s2, $0x0  }
0x50: {  	s3 =	rddreg [dreg:$0x2];
	[bflag:$0x3] =	sbarrier.arrive $0xFFFF;
	s2 =	simm.s32 @!p0 $0x1C02  }
0x51: {  	[timem:s3], [sflag:s2] =	dma.local @!p0 [hbm:s0], s1  }
0x52: {  	s0 =	simm.s32 @!p0 $0x2  }
0x53: {  	_ =	swait.ge @!p0 [sflag:s0], s1  }
0x54: {  	s1 =	ssub.s32 @!p0 $0x0, s1;
	[sflag:s0] =	ssyncset.done @!p0 $0x0  }
0x55: {  	[sflag:s0] =	ssyncadd.s32 @!p0 s1  }
0x56: {  	[bflag:$0x3] =	sbarrier.arrive $0xFFFF  }
0x57: {  	_ =	shalt  }

// kernel: kernel.14.cloned.1.call-start
scs
__scs_entry_jumppad:
0x0: {  	(pc) =	sbr.rel $0x88, $3  }
0x1: {  	(tag) =	ssettag $0x0;
	lr =	simm.s32 $0x1  }
0x2: {  	[smem:$0x3F99] =	sst lr;
	_ =	strace $0xD0000000  }
0x3: {  	_ = 	snop  }
0x4: {  	_ = 	snop  }
0x5: {  	_ = 	snop  }
0x6: {  	_ = 	snop  }
0x7: {  	_ = 	snop  }
__scs_overlays_trampoline_lowered:
0x8: {  	[smem:$0x3FA8] =	sst s0  }
0x9: {  	[smem:$0x3FA9] =	sst s1  }
0xa: {  	[smem:$0x3FAA] =	sst s2  }
0xb: {  	[smem:$0x3FAB] =	sst s3  }
0xc: {  	[smem:$0x3FAC] =	sst s4  }
0xd: {  	[smem:$0x3FAD] =	sst s5  }
0xe: {  	[smem:$0x3FAE] =	sst s6  }
0xf: {  	[smem:$0x3FAF] =	sst s7  }
0x10: {  	[smem:$0x3FB0] =	sst s8  }
0x11: {  	[smem:$0x3FB1] =	sst s9;
	s0 =	simm.s32 @!p0 $0x0  }
0x12: {  	s1 =	sld [smem:$0x3F97];
	s0 =	simm.s32 @p0 $0x1  }
0x13: {  	[smem:$0x3FB2] =	sst s0;
	s0 =	simm.s32 @!p1 $0x0  }
0x14: {  	s2 =	sld [smem:$0x3F96];
	s0 =	simm.s32 @p1 $0x1  }
0x15: {  	[smem:$0x3FB3] =	sst s0;
	s0 =	simm.s32 @!p2 $0x0  }
0x16: {  	s3 =	sld [smem:$0x3FDB];
	s0 =	simm.s32 @p2 $0x1  }
0x17: {  	s4 =	simm.s32 $0x1BF5;
	[smem:$0x3FB5] =	sst s0  }
0x18: {  	s0 =	sld [smem:$0x3F98];
	_ =	swait.ge [sflag:s4], $0x0  }
0x19: {  	s7 =	sld [smem:$0x3F99]  }
0x1a: {  	s8 =	sadd.s32 $0xFFFFE003, lr  }
0x1b: {  	s9 =	sadd.s32 $0xFFFFFEF7, lr;
	s5 =	simm.s32 $0xFFFFFFFF;
	p2 =	slt.u32 s8, $0xFFFFF086  }
0x1c: {  	p1 =	slt.u32 s9, $0xF7A;
	s5 =	simm.s32 @!p2 $0x0  }
0x1d: {  	s5 =	simm.s32 @p1 $0x1;
	p0 =	seq.s32 s7, s2  }
0x1e: {  	s7 =	smul.u32 @!p0 $0xF7A, s2;
	p2 =	seq.s32 @!p0 s5, $0x0  }
0x1f: {  	s9 =	smul.u32 $0xF7A, s1;
	s8 =	simm.s32 @!p0 $0x1BF5;
	p2 =	por !p2, p0  }
0x20: {  	[sflag:s8] =	ssyncset.s32 @!p0 $0xFFFFF086;
	s6 =	sadd.s32 @!p0 s3, s7;
	s7 =	simm.s32 @!p0 $0x108  }
0x21: {  	s3 =	sadd.s32 s3, s9;
	s6 =	sadd.s32 @!p0 $0x88, s6;
	s7 =	simm.s32 @p2 $0x1082  }
0x22: {  	[simem:s7], [sflag:s8] =	dma.local @!p0 [hbm:s6], $0xF7A  }
0x23: {  	s9 =	sor.u32 $0xD0000000, s2;
	s6 =	simm.s32 $0x108;
	_ =	swait.ge @!p0 [sflag:s8], $0x0  }
0x24: {  	s3 =	sadd.s32 $0x88, s3;
	s6 =	simm.s32 @!p1 $0x1082;
	[sflag:s4] =	ssyncset.s32 $0xFFFFF086  }
0x25: {  	[simem:s6], [sflag:s4] =	dma.local [hbm:s3], $0xF7A  }
0x26: {  	[smem:$0x3F99] =	sst s1;
	(tag) =	ssettag s2;
	_ =	strace s9  }
0x27: {  	s1 =	sld [smem:$0x3FA9]  }
0x28: {  	s2 =	sld [smem:$0x3FAA]  }
0x29: {  	s4 =	sld [smem:$0x3FAC]  }
0x2a: {  	p0 =	seq.s32 s5, $0x0;
	s5 =	sld [smem:$0x3FAD]  }
0x2b: {  	s6 =	sld [smem:$0x3FAE]  }
0x2c: {  	s7 =	sld [smem:$0x3FAF]  }
0x2d: {  	s3 =	simm.s32 $0x108;
	s8 =	sld [smem:$0x3FB0]  }
0x2e: {  	s3 =	simm.s32 @!p0 $0x1082;
	s9 =	sld [smem:$0x3FB1]  }
0x2f: {  	lr =	sadd.s32 s0, s3;
	s0 =	sld [smem:$0x3FA8]  }
0x30: {  	s3 =	sld [smem:$0x3FAB]  }
0x31: {  	[smem:$0x3FB4] =	sst s10  }
0x32: {  	s10 =	sld [smem:$0x3FB2];
	_ =	sdelay $0x3  }
0x33: {  	p0 =	seq.s32 s10, $0x1;
	s10 =	sld [smem:$0x3FB4];
	_ =	sdelay $0x3  }
0x34: {  	[smem:$0x3FB4] =	sst s10  }
0x35: {  	s10 =	sld [smem:$0x3FB3];
	_ =	sdelay $0x3  }
0x36: {  	p1 =	seq.s32 s10, $0x1;
	s10 =	sld [smem:$0x3FB4];
	_ =	sdelay $0x3  }
0x37: {  	[smem:$0x3FB4] =	sst s10  }
0x38: {  	s10 =	sld [smem:$0x3FB5]  }
0x39: {  	_ = 	snop;
	(pc) =	sbr.ind lr, $3  }
0x3a: {  	_ = 	snop  }
0x3b: {  	_ = 	snop  }
0x3c: {  	p2 =	seq.s32 s10, $0x1;
	s10 =	sld [smem:$0x3FB4]  }
0x3d: {  	_ =	shalt  }
0x3e: {  	_ =	shalt  }
0x3f: {  	_ =	shalt  }
0x40: {  	_ =	shalt  }
0x41: {  	_ =	shalt  }
0x42: {  	_ =	shalt  }
0x43: {  	_ =	shalt  }
0x44: {  	_ =	shalt  }
0x45: {  	_ =	shalt  }
0x46: {  	_ =	shalt  }
0x47: {  	_ =	shalt  }
0x48: {  	_ =	shalt  }
0x49: {  	_ =	shalt  }
0x4a: {  	_ =	shalt  }
0x4b: {  	_ =	shalt  }
0x4c: {  	_ =	shalt  }
0x4d: {  	_ =	shalt  }
0x4e: {  	_ =	shalt  }
0x4f: {  	_ =	shalt  }
0x50: {  	_ =	shalt  }
0x51: {  	_ =	shalt  }
0x52: {  	_ =	shalt  }
0x53: {  	_ =	shalt  }
0x54: {  	_ =	shalt  }
0x55: {  	_ =	shalt  }
0x56: {  	_ =	shalt  }
0x57: {  	_ =	shalt  }
0x58: {  	_ =	shalt  }
0x59: {  	_ =	shalt  }
0x5a: {  	_ =	shalt  }
0x5b: {  	_ =	shalt  }
0x5c: {  	_ =	shalt  }
0x5d: {  	_ =	shalt  }
0x5e: {  	_ =	shalt  }
0x5f: {  	_ =	shalt  }
0x60: {  	_ =	shalt  }
0x61: {  	_ =	shalt  }
0x62: {  	_ =	shalt  }
0x63: {  	_ =	shalt  }
0x64: {  	_ =	shalt  }
0x65: {  	_ =	shalt  }
0x66: {  	_ =	shalt  }
0x67: {  	_ =	shalt  }
0x68: {  	_ =	shalt  }
0x69: {  	_ =	shalt  }
0x6a: {  	_ =	shalt  }
0x6b: {  	_ =	shalt  }
0x6c: {  	_ =	shalt  }
0x6d: {  	_ =	shalt  }
0x6e: {  	_ =	shalt  }
0x6f: {  	_ =	shalt  }
0x70: {  	_ =	shalt  }
0x71: {  	_ =	shalt  }
0x72: {  	_ =	shalt  }
0x73: {  	_ =	shalt  }
0x74: {  	_ =	shalt  }
0x75: {  	_ =	shalt  }
0x76: {  	_ =	shalt  }
0x77: {  	_ =	shalt  }
0x78: {  	_ =	shalt  }
0x79: {  	_ =	shalt  }
0x7a: {  	_ =	shalt  }
0x7b: {  	_ =	shalt  }
0x7c: {  	_ =	shalt  }
0x7d: {  	_ =	shalt  }
0x7e: {  	_ =	shalt  }
0x7f: {  	_ =	shalt  }
0x80: {  	_ =	shalt  }
0x81: {  	_ =	shalt  }
0x82: {  	_ =	shalt  }
0x83: {  	_ =	shalt  }
0x84: {  	_ =	shalt  }
0x85: {  	_ =	shalt  }
0x86: {  	_ =	shalt  }
0x87: {  	_ =	shalt  }
.Lfunc_end0:
.L_simem_size_0:
called_computation.1_lowered:
.L_overlay_start_0:
0x88: {  	s2 =	sld [smem:$0x3FD9]  }
0x89: {  	s3 =	sld [smem:$0x3FFE];
	_ =	sdelay $0x1  }
0x8a: {  	s1 =	srdreg.scid  }
0x8b: {  	s0 =	sand.u32 $0x1, s1  }
0x8c: {  	s15 =	sshll.u32 s0, $0xA;
	s2 =	sadd.s32 s3, s2  }
0x8d: {  	s2 =	sadd.s32 s2, s15  }
0x8e: {  	[smem:$0x3FC0] =	sst s2  }
0x8f: {  	_ = 	snop  }
0x90: {  	s2 =	sld [smem:$0x3FD0];
	_ =	sdelay $0x2  }
0x91: {  	s4 =	simm.s32 $0xB;
	s16 =	simm.s32 $0x10  }
0x92: {  	[smem:s16], [sflag:s4] =	dma.local [hbm:s2], $0x1  }
0x93: {  	_ =	swait.eq [sflag:s4], $0x1  }
0x94: {  	[sflag:s4] =	ssyncset.done $0x0  }
0x95: {  	s17 =	sld [smem:$0x11];
	[sflag:s4] =	ssyncadd.s32 $0xFFFFFFFF  }
0x96: {  	s18 =	sld [smem:$0x12];
	(tm) =	ssettm $0x1  }
0x97: {  	s19 =	sld [smem:$0x3FFB];
	_ =	sdelay $0x3  }
0x98: {  	_ =	strace s19  }
0x99: {  	s2 =	sld [smem:$0x3FFC];
	_ =	sdelay $0x3  }
0x9a: {  	_ =	strace s2  }
0x9b: {  	s2 =	sld [smem:$0x3FFD];
	_ =	sdelay $0x3  }
0x9c: {  	_ =	strace s2  }
0x9d: {  	_ =	strace $0x8FFFFFFF  }
0x9e: {  	s20 =	sld [smem:$0x3FDB];
	_ =	sdelay $0x1  }
0x9f: {  	s5 =	simm.s32 $_scs_section_size  }
0xa0: {  	s6 =	simm.s32 $_size__tile_overlayer_lowered;
	s7 =	simm.s32 $_tile_overlayer_lowered  }
0xa1: {  	s8 =	simm.s32 $0x1BFF;
	s21 =	sshll.u32 s7, $0x1;
	s5 =	sadd.s32 s5, s20  }
0xa2: {  	s22 =	simm.s32 $0x0;
	s6 =	sshll.u32 s6, $0x1;
	s7 =	sadd.s32 s21, s5  }
0xa3: {  	[timem:s22], [sflag:s8] =	dma.local [hbm:s7], s6  }
0xa4: {  	_ =	swait.ge [sflag:s8], s6  }
0xa5: {  	s6 =	ssub.s32 $0x0, s6;
	[sflag:s8] =	ssyncset.done $0x0  }
0xa6: {  	[sflag:s8] =	ssyncadd.s32 s6;
	_ =	sdelay $0x1  }
0xa7: {  	s23 =	simm.s32 $0x1B8B  }
0xa8: {  	_ =	swait.ge [sflag:s23], $0x1  }
0xa9: {  	[sflag:s23] =	ssyncset.done $0x0  }
0xaa: {  	[sflag:s23] =	ssyncadd.s32 $0xFFFFFFFF  }
0xab: {  	s6 =	sld [smem:$0x0]  }
0xac: {  	s7 =	sand.u32 $0xFFFFFFFE, s1  }
0xad: {  	p0 =	sne.s32 s1, s7  }
0xae: {  	s7 =	sshll.u32 @p0 s7, $0xE  }
0xaf: {  	s7 =	sadd.s32 @p0 $0x11B8D, s7;
	s8 =	sshll.u32 @p0 s6, $0x11  }
0xb0: {  	s7 =	sor.u32 @p0 s8, s7  }
0xb1: {  	[sflag:s7] =	ssyncadd.remote.s32 @p0 $0x1;
	_ =	sdelay $0x1  }
0xb2: {  	s7 =	simm.s32 @p0 $0x1B8D  }
0xb3: {  	_ =	swait.eq @p0 [sflag:s7], $0x1  }
0xb4: {  	[sflag:s7] =	ssyncadd.s32 @p0 $0xFFFFFFFF  }
0xb5: {  	s8 =	sshll.u32 @!p0 s1, $0xE  }
0xb6: {  	s8 =	sor.u32 @!p0 $0x4000, s8;
	s7 =	simm.s32 @!p0 $0x1B8D  }
0xb7: {  	s6 =	sshll.u32 @!p0 s6, $0x11;
	s8 =	sadd.s32 @!p0 $0x11B8D, s8;
	_ =	swait.eq @!p0 [sflag:s7], $0x1  }
0xb8: {  	s6 =	sor.u32 @!p0 s6, s8;
	[sflag:s7] =	ssyncadd.s32 @!p0 $0xFFFFFFFF  }
0xb9: {  	s25 =	simm.s32 $0x1B8E;
	s24 =	sld [smem:$0x3FFE];
	[sflag:s6] =	ssyncadd.remote.s32 @!p0 $0x1  }
0xba: {  	s26 =	simm.s32 $execute0_lowered;
	[smem:$0x3FD2] =	sst s25  }
0xbb: {  	s7 =	sshll.u32 s26, $0x1;
	_ =	strace $0x8000004F;
	[dreg:$0x1] =	wrdreg $0xFFFFFFFF  }
0xbc: {  	s28 =	simm.s32 $_size_execute0_lowered;
	s5 =	sadd.s32 s5, s7;
	[dreg:$0x0] =	wrdreg $0x0  }
0xbd: {  	s7 =	sshll.u32 s28, $0x1;
	[dreg:$0x2] =	wrdreg s5  }
0xbe: {  	[dreg:$0x3] =	wrdreg s7  }
0xbf: {  	[dreg:$0x4] =	wrdreg $0xC0  }
0xc0: {  	_ =	task [dreg:s22], $0x5FFFF  }
0xc1: {  	[dreg:$0x1] =	wrdreg $0xFFFFFFFF  }
0xc2: {  	[dreg:$0x0] =	wrdreg $0x60  }
0xc3: {  	[dreg:$0x2] =	wrdreg s18  }
0xc4: {  	[dreg:$0x3] =	wrdreg s24  }
0xc5: {  	[dreg:$0x4] =	wrdreg s17  }
0xc6: {  	[dreg:$0x5] =	wrdreg $0x9  }
0xc7: {  	_ =	task.clear_ibuf [dreg:s22], $0x6FFFF;
	_ =	strace $0x9000004F  }
0xc8: {  	s29 =	simm.s32 $0x9;
	_ =	strace $0x80000051  }
0xc9: {  	_ =	swait.ge [sflag:s29], $0x1  }
0xca: {  	[sflag:s29] =	ssyncadd.s32 $0xFFFFFFFF  }
0xcb: {  	_ =	strace $0x90000051  }
0xcc: {  	_ =	sfence  }
0xcd: {  	s30 =	sld [smem:$0x0];
	_ =	sdelay $0x2  }
0xce: {  	s31 =	sshll.u32 s1, $0xD;
	s1 =	sshrl.u32 s1, $0x2  }
0xcf: {  	s4 =	sand.u32 $0x4000, s31;
	s1 =	sadd.s32 s1, s30  }
0xd0: {  	s0 =	sor.u32 s4, s0;
	s1 =	sshll.u32 s1, $0x11  }
0xd1: {  	s0 =	sor.u32 s1, s0  }
0xd2: {  	s0 =	sadd.s32 $0x8F2B, s0  }
0xd3: {  	[sflag:s0] =	ssyncadd.remote.s32 $0x1  }
0xd4: {  	_ =	sfence.sel $0xFFFF  }
0xd5: {  	[dreg:$0x0] =	wrdreg $0xFFFFFFFF;
	(pc) =	sbr.abs _section_cstart, $3  }
0xd6: {  	[dreg:$0x1] =	wrdreg $0xFFFFFFFF  }
0xd7: {  	_ =	task.clear_ibuf [dreg:s22], $0x2FFFF;
	_ =	strace $0x9FFFFFFF  }
0xd8: {  	(tm) =	ssettm $0x7FFFFFFF  }
0xd9: {  	_ =	shalt  }
tec
execute0_lowered:
.L_overlay_start_1:
0x0: {  	(tag) =	ssettag $0x1  }
0x1: {  	s1 =	rddreg [dreg:$0x0]  }
0x2: {  	s4 =	rddreg [dreg:$0x1];
	s2 =	srdreg.scid  }
0x3: {  	s0 =	stileid.u32;
	s6 =	rddreg [dreg:$0x2];
	s10 =	simm.s32 $0x16800  }
0x4: {  	s11 =	simm.s32 $0x19000;
	s5 =	sand.u32 $0x1, s2;
	s3 =	sshll.u32 s0, $0x1  }
0x5: {  	s12 =	simm.s32 $0x0;
	s2 =	rddreg [dreg:$0x3];
	s7 =	sor.u32 s5, s3  }
0x6: {  	s3 =	simm.s32 $0x0;
	s5 =	ssub.s32 $0x2, s5;
	s8 =	smul.u32 $0x500, s7  }
0x7: {  	[smem:$0x7FF] =	sst s3;
	s9 =	sshrl.u32 s5, $0x1;
	s7 =	smul.u32 $0x4E2, s7  }
0x8: {  	_ =	strace $0x80000050;
	s9 =	ssub.s32 s5, s9;
	s8 =	sadd.s32 s8, s4  }
0x9: {  	s6 =	sadd.s32 s6, s7;
	s7 =	smax.u32 s9, $0x1;
	s9 =	simm.s32 $0x14000  }
0xa: {  	s4 =	sadd.s32 $0xC800, s8;
	s5 =	sadd.s32 $0x2800, s8;
	s8 =	simm.s32 $0x1  }
.LBB2_1:
0xb: {  	[tilespmem:s3], [sflag:$0x1] =	stream.linear.gather [hbm4b:s1+s3], $0x14000, $0x38;
	[tilespmem:$0x1B710] =	vst v63  }
0xc: {  	_ =	swait.ge [sflag:s8], $0x14000  }
0xd: {  	[sflag:s8] =	ssyncset.done $0x0  }
0xe: {  	[sflag:s8] =	ssyncadd.s32 $0xFFFEC000  }
0xf: {  	[tilespmem:s9], [sflag:$0x1] =	stream.linear.gather [hbm4b:s4+s3], $0x2800, $0x38;
	[tilespmem:$0x1B710] =	vst v63  }
0x10: {  	_ =	swait.ge [sflag:s8], $0x2800  }
0x11: {  	[sflag:s8] =	ssyncset.done $0x0  }
0x12: {  	[sflag:s8] =	ssyncadd.s32 $0xFFFFD800  }
0x13: {  	[tilespmem:s10], [sflag:$0x1] =	stream.linear.gather [hbm4b:s5+s3], $0x2800, $0x38;
	[tilespmem:$0x1B710] =	vst v63  }
0x14: {  	_ =	swait.ge [sflag:s8], $0x2800  }
0x15: {  	s13 =	simm.s32 $0x14040;
	s14 =	simm.s32 $0x16840;
	[sflag:s8] =	ssyncset.done $0x0  }
0x16: {  	s15 =	simm.s32 $0x19000;
	s16 =	simm.s32 $0x0;
	[sflag:s8] =	ssyncadd.s32 $0xFFFFD800  }
.LBB2_2:
0x17: {  	v0 =	vld [tilespmem:s13+$0xFFFFFFC0]  }
0x18: {  	v1 =	vld [tilespmem:s14+$0xFFFFFFC0];
	_ =	sdelay $0x3  }
0x19: {  	v0 =	vshll.u32 v0, $0x3  }
0x1a: {  	v1 =	vshll.u32 v1, $0x3;
	_ =	sdelay $0x3  }
0x1b: {  	v0 =	vld.idx.msk [tilespmem:v0+s3+$0x0], $0xffff  }
0x1c: {  	v1 =	vld.idx.msk [tilespmem:v1+s3+$0x0], $0xffff;
	_ =	sdelay $0x4  }
0x1d: {  	v0 =	vmul.f32 v1, v0;
	_ =	sdelay $0x1  }
0x1e: {  	[tilespmem:s15+$0x0] =	vst v0  }
0x1f: {  	v0 =	vld [tilespmem:s13+$0xFFFFFFD0]  }
0x20: {  	v57 =	vld [tilespmem:s14+$0xFFFFFFD0];
	_ =	sdelay $0x3  }
0x21: {  	v0 =	vshll.u32 v0, $0x3  }
0x22: {  	v1 =	vshll.u32 v57, $0x3;
	_ =	sdelay $0x3  }
0x23: {  	v0 =	vld.idx.msk [tilespmem:v0+s3+$0x0], $0xffff  }
0x24: {  	v1 =	vld.idx.msk [tilespmem:v1+s3+$0x0], $0xffff;
	_ =	sdelay $0x4  }
0x25: {  	v0 =	vmul.f32 v1, v0  }
0x26: {  	s17 =	sand.u32 $0x3FFF, s16  }
0x27: {  	[tilespmem:s17+$0x19010] =	vst v0  }
0x28: {  	v0 =	vld [tilespmem:s13+$0xFFFFFFE0]  }
0x29: {  	v58 =	vld [tilespmem:s14+$0xFFFFFFE0];
	_ =	sdelay $0x3  }
0x2a: {  	v0 =	vshll.u32 v0, $0x3  }
0x2b: {  	v1 =	vshll.u32 v58, $0x3;
	_ =	sdelay $0x3  }
0x2c: {  	v0 =	vld.idx.msk [tilespmem:v0+s3+$0x0], $0xffff  }
0x2d: {  	v1 =	vld.idx.msk [tilespmem:v1+s3+$0x0], $0xffff;
	_ =	sdelay $0x4  }
0x2e: {  	v0 =	vmul.f32 v1, v0;
	_ =	sdelay $0x1  }
0x2f: {  	[tilespmem:s17+$0x19020] =	vst v0  }
0x30: {  	v0 =	vld [tilespmem:s13+$0xFFFFFFF0]  }
0x31: {  	v59 =	vld [tilespmem:s14+$0xFFFFFFF0];
	_ =	sdelay $0x3  }
0x32: {  	v0 =	vshll.u32 v0, $0x3  }
0x33: {  	v1 =	vshll.u32 v59, $0x3;
	_ =	sdelay $0x3  }
0x34: {  	v0 =	vld.idx.msk [tilespmem:v0+s3+$0x0], $0xffff  }
0x35: {  	v1 =	vld.idx.msk [tilespmem:v1+s3+$0x0], $0xffff;
	_ =	sdelay $0x4  }
0x36: {  	v0 =	vmul.f32 v1, v0;
	_ =	sdelay $0x1  }
0x37: {  	[tilespmem:s17+$0x19030] =	vst v0  }
0x38: {  	v0 =	vld [tilespmem:s13+$0x0]  }
0x39: {  	v60 =	vld [tilespmem:s14+$0x0];
	_ =	sdelay $0x3  }
0x3a: {  	v0 =	vshll.u32 v0, $0x3  }
0x3b: {  	v1 =	vshll.u32 v60, $0x3;
	_ =	sdelay $0x3  }
0x3c: {  	v0 =	vld.idx.msk [tilespmem:v0+s3+$0x0], $0xffff  }
0x3d: {  	v1 =	vld.idx.msk [tilespmem:v1+s3+$0x0], $0xffff;
	_ =	sdelay $0x4  }
0x3e: {  	v0 =	vmul.f32 v1, v0;
	_ =	sdelay $0x1  }
0x3f: {  	[tilespmem:s17+$0x19040] =	vst v0  }
0x40: {  	v0 =	vld [tilespmem:s13+$0x10]  }
0x41: {  	v61 =	vld [tilespmem:s14+$0x10];
	_ =	sdelay $0x3  }
0x42: {  	v0 =	vshll.u32 v0, $0x3  }
0x43: {  	v1 =	vshll.u32 v61, $0x3;
	_ =	sdelay $0x3  }
0x44: {  	v0 =	vld.idx.msk [tilespmem:v0+s3+$0x0], $0xffff  }
0x45: {  	v1 =	vld.idx.msk [tilespmem:v1+s3+$0x0], $0xffff;
	_ =	sdelay $0x4  }
0x46: {  	v0 =	vmul.f32 v1, v0;
	_ =	sdelay $0x1  }
0x47: {  	[tilespmem:s17+$0x19050] =	vst v0  }
0x48: {  	v0 =	vld [tilespmem:s13+$0x20]  }
0x49: {  	v62 =	vld [tilespmem:s14+$0x20];
	_ =	sdelay $0x3  }
0x4a: {  	v0 =	vshll.u32 v0, $0x3  }
0x4b: {  	v1 =	vshll.u32 v62, $0x3;
	_ =	sdelay $0x3  }
0x4c: {  	v0 =	vld.idx.msk [tilespmem:v0+s3+$0x0], $0xffff  }
0x4d: {  	v1 =	vld.idx.msk [tilespmem:v1+s3+$0x0], $0xffff;
	_ =	sdelay $0x4  }
0x4e: {  	v0 =	vmul.f32 v1, v0;
	_ =	sdelay $0x1  }
0x4f: {  	[tilespmem:s17+$0x19060] =	vst v0  }
0x50: {  	v0 =	vld [tilespmem:s13+$0x2D]  }
0x51: {  	v63 =	vld [tilespmem:s14+$0x2D];
	_ =	sdelay $0x3  }
0x52: {  	v0 =	vshll.u32 v0, $0x3  }
0x53: {  	v1 =	vshll.u32 v63, $0x3;
	_ =	sdelay $0x3  }
0x54: {  	v0 =	vld.idx.msk [tilespmem:v0+s3+$0x0], $0xffff  }
0x55: {  	v1 =	vld.idx.msk [tilespmem:v1+s3+$0x0], $0xffff;
	_ =	sdelay $0x1  }
0x56: {  	p0 =	sne.s32 s16, $0x2693  }
.Ltmp0:
0x57: {  	_ = 	snop;
	(pc) =	sbr.rel @p0 .LBB2_2-.Ltmp0, $4  }
0x58: {  	_ = 	snop  }
0x59: {  	v0 =	vmul.f32 v1, v0  }
0x5a: {  	s16 =	sadd.s32 $0x7D, s16  }
0x5b: {  	s13 =	sadd.s32 $0x80, s13;
	s14 =	sadd.s32 $0x80, s14;
	[tilespmem:s15+$0x6D] =	vst v0;
	s15 =	sadd.s32 $0x7D, s15  }
0x5c: {  	s12 =	sadd.s32 $0x1, s12  }
0x5d: {  	p0 =	sne.s32 s12, s7  }
.Ltmp1:
0x5e: {  	_ = 	snop;
	(pc) =	sbr.rel @p0 .LBB2_1-.Ltmp1, $4  }
0x5f: {  	[hbm4b:s6+s3] =	stream.linear.scatter [tilespmem:s11], [sflag:$0x1], $0x2710, $0x38;
	[tilespmem:$0x1B710] =	vst v63  }
0x60: {  	_ =	swait.ge [sflag:s8], $0x2710  }
0x61: {  	[sflag:s8] =	ssyncset.done $0x0  }
0x62: {  	[sflag:s8] =	ssyncadd.s32 $0xFFFFD8F0  }
0x63: {  	_ =	sfence.sel $0x180000  }
0x64: {  	[bflag:$0x0] =	sbarrier.arrive $0xFFFF  }
0x65: {  	p0 =	sne.s32 s0, $0x0;
	_ =	strace $0x90000050  }
0x66: {  	s0 =	sadd.s32 @!p0 $0x100000, s2;
	[bflag:$0x2] =	sbarrier.arrive $0xFFFF  }
0x67: {  	[sflag:s0] =	ssyncadd.tile.s32 @!p0 $0x1;
	_ =	shalt  }
.Lfunc_end2:
_tile_overlayer_lowered:
.L_overlay_start_2:
0x68: {  	(tag) =	ssettag $0x2  }
0x69: {  	s0 =	rddreg [dreg:$0x0];
	s2 =	stileid.u32  }
0x6a: {  	s1 =	rddreg [dreg:$0x1];
	p0 =	sne.s32 s2, $0x0  }
0x6b: {  	s3 =	rddreg [dreg:$0x2];
	[bflag:$0x3] =	sbarrier.arrive $0xFFFF;
	s2 =	simm.s32 @!p0 $0x1C01  }
0x6c: {  	[timem:s3], [sflag:s2] =	dma.local @!p0 [hbm:s0], s1  }
0x6d: {  	s0 =	simm.s32 @!p0 $0x1  }
0x6e: {  	_ =	swait.ge @!p0 [sflag:s0], s1  }
0x6f: {  	s1 =	ssub.s32 @!p0 $0x0, s1;
	[sflag:s0] =	ssyncset.done @!p0 $0x0  }
0x70: {  	[sflag:s0] =	ssyncadd.s32 @!p0 s1  }
0x71: {  	[bflag:$0x3] =	sbarrier.arrive $0xFFFF  }
0x72: {  	_ =	shalt  }

// kernel: kernel.17.cloned.1.call-start
scs
__scs_entry_jumppad:
0x0: {  	(pc) =	sbr.rel $0x88, $3  }
0x1: {  	(tag) =	ssettag $0x0;
	lr =	simm.s32 $0x1  }
0x2: {  	[smem:$0x3F99] =	sst lr;
	_ =	strace $0xD0000000  }
0x3: {  	_ = 	snop  }
0x4: {  	_ = 	snop  }
0x5: {  	_ = 	snop  }
0x6: {  	_ = 	snop  }
0x7: {  	_ = 	snop  }
__scs_overlays_trampoline_lowered:
0x8: {  	[smem:$0x3FA8] =	sst s0  }
0x9: {  	[smem:$0x3FA9] =	sst s1  }
0xa: {  	[smem:$0x3FAA] =	sst s2  }
0xb: {  	[smem:$0x3FAB] =	sst s3  }
0xc: {  	[smem:$0x3FAC] =	sst s4  }
0xd: {  	[smem:$0x3FAD] =	sst s5  }
0xe: {  	[smem:$0x3FAE] =	sst s6  }
0xf: {  	[smem:$0x3FAF] =	sst s7  }
0x10: {  	[smem:$0x3FB0] =	sst s8  }
0x11: {  	[smem:$0x3FB1] =	sst s9;
	s0 =	simm.s32 @!p0 $0x0  }
0x12: {  	s1 =	sld [smem:$0x3F97];
	s0 =	simm.s32 @p0 $0x1  }
0x13: {  	[smem:$0x3FB2] =	sst s0;
	s0 =	simm.s32 @!p1 $0x0  }
0x14: {  	s2 =	sld [smem:$0x3F96];
	s0 =	simm.s32 @p1 $0x1  }
0x15: {  	[smem:$0x3FB3] =	sst s0;
	s0 =	simm.s32 @!p2 $0x0  }
0x16: {  	s3 =	sld [smem:$0x3FDB];
	s0 =	simm.s32 @p2 $0x1  }
0x17: {  	s4 =	simm.s32 $0x1BF5;
	[smem:$0x3FB5] =	sst s0  }
0x18: {  	s0 =	sld [smem:$0x3F98];
	_ =	swait.ge [sflag:s4], $0x0  }
0x19: {  	s7 =	sld [smem:$0x3F99]  }
0x1a: {  	s8 =	sadd.s32 $0xFFFFE003, lr  }
0x1b: {  	s9 =	sadd.s32 $0xFFFFFEF7, lr;
	s5 =	simm.s32 $0xFFFFFFFF;
	p2 =	slt.u32 s8, $0xFFFFF086  }
0x1c: {  	p1 =	slt.u32 s9, $0xF7A;
	s5 =	simm.s32 @!p2 $0x0  }
0x1d: {  	s5 =	simm.s32 @p1 $0x1;
	p0 =	seq.s32 s7, s2  }
0x1e: {  	s7 =	smul.u32 @!p0 $0xF7A, s2;
	p2 =	seq.s32 @!p0 s5, $0x0  }
0x1f: {  	s9 =	smul.u32 $0xF7A, s1;
	s8 =	simm.s32 @!p0 $0x1BF5;
	p2 =	por !p2, p0  }
0x20: {  	[sflag:s8] =	ssyncset.s32 @!p0 $0xFFFFF086;
	s6 =	sadd.s32 @!p0 s3, s7;
	s7 =	simm.s32 @!p0 $0x108  }
0x21: {  	s3 =	sadd.s32 s3, s9;
	s6 =	sadd.s32 @!p0 $0x88, s6;
	s7 =	simm.s32 @p2 $0x1082  }
0x22: {  	[simem:s7], [sflag:s8] =	dma.local @!p0 [hbm:s6], $0xF7A  }
0x23: {  	s9 =	sor.u32 $0xD0000000, s2;
	s6 =	simm.s32 $0x108;
	_ =	swait.ge @!p0 [sflag:s8], $0x0  }
0x24: {  	s3 =	sadd.s32 $0x88, s3;
	s6 =	simm.s32 @!p1 $0x1082;
	[sflag:s4] =	ssyncset.s32 $0xFFFFF086  }
0x25: {  	[simem:s6], [sflag:s4] =	dma.local [hbm:s3], $0xF7A  }
0x26: {  	[smem:$0x3F99] =	sst s1;
	(tag) =	ssettag s2;
	_ =	strace s9  }
0x27: {  	s1 =	sld [smem:$0x3FA9]  }
0x28: {  	s2 =	sld [smem:$0x3FAA]  }
0x29: {  	s4 =	sld [smem:$0x3FAC]  }
0x2a: {  	p0 =	seq.s32 s5, $0x0;
	s5 =	sld [smem:$0x3FAD]  }
0x2b: {  	s6 =	sld [smem:$0x3FAE]  }
0x2c: {  	s7 =	sld [smem:$0x3FAF]  }
0x2d: {  	s3 =	simm.s32 $0x108;
	s8 =	sld [smem:$0x3FB0]  }
0x2e: {  	s3 =	simm.s32 @!p0 $0x1082;
	s9 =	sld [smem:$0x3FB1]  }
0x2f: {  	lr =	sadd.s32 s0, s3;
	s0 =	sld [smem:$0x3FA8]  }
0x30: {  	s3 =	sld [smem:$0x3FAB]  }
0x31: {  	[smem:$0x3FB4] =	sst s10  }
0x32: {  	s10 =	sld [smem:$0x3FB2];
	_ =	sdelay $0x3  }
0x33: {  	p0 =	seq.s32 s10, $0x1;
	s10 =	sld [smem:$0x3FB4];
	_ =	sdelay $0x3  }
0x34: {  	[smem:$0x3FB4] =	sst s10  }
0x35: {  	s10 =	sld [smem:$0x3FB3];
	_ =	sdelay $0x3  }
0x36: {  	p1 =	seq.s32 s10, $0x1;
	s10 =	sld [smem:$0x3FB4];
	_ =	sdelay $0x3  }
0x37: {  	[smem:$0x3FB4] =	sst s10  }
0x38: {  	s10 =	sld [smem:$0x3FB5]  }
0x39: {  	_ = 	snop;
	(pc) =	sbr.ind lr, $3  }
0x3a: {  	_ = 	snop  }
0x3b: {  	_ = 	snop  }
0x3c: {  	p2 =	seq.s32 s10, $0x1;
	s10 =	sld [smem:$0x3FB4]  }
0x3d: {  	_ =	shalt  }
0x3e: {  	_ =	shalt  }
0x3f: {  	_ =	shalt  }
0x40: {  	_ =	shalt  }
0x41: {  	_ =	shalt  }
0x42: {  	_ =	shalt  }
0x43: {  	_ =	shalt  }
0x44: {  	_ =	shalt  }
0x45: {  	_ =	shalt  }
0x46: {  	_ =	shalt  }
0x47: {  	_ =	shalt  }
0x48: {  	_ =	shalt  }
0x49: {  	_ =	shalt  }
0x4a: {  	_ =	shalt  }
0x4b: {  	_ =	shalt  }
0x4c: {  	_ =	shalt  }
0x4d: {  	_ =	shalt  }
0x4e: {  	_ =	shalt  }
0x4f: {  	_ =	shalt  }
0x50: {  	_ =	shalt  }
0x51: {  	_ =	shalt  }
0x52: {  	_ =	shalt  }
0x53: {  	_ =	shalt  }
0x54: {  	_ =	shalt  }
0x55: {  	_ =	shalt  }
0x56: {  	_ =	shalt  }
0x57: {  	_ =	shalt  }
0x58: {  	_ =	shalt  }
0x59: {  	_ =	shalt  }
0x5a: {  	_ =	shalt  }
0x5b: {  	_ =	shalt  }
0x5c: {  	_ =	shalt  }
0x5d: {  	_ =	shalt  }
0x5e: {  	_ =	shalt  }
0x5f: {  	_ =	shalt  }
0x60: {  	_ =	shalt  }
0x61: {  	_ =	shalt  }
0x62: {  	_ =	shalt  }
0x63: {  	_ =	shalt  }
0x64: {  	_ =	shalt  }
0x65: {  	_ =	shalt  }
0x66: {  	_ =	shalt  }
0x67: {  	_ =	shalt  }
0x68: {  	_ =	shalt  }
0x69: {  	_ =	shalt  }
0x6a: {  	_ =	shalt  }
0x6b: {  	_ =	shalt  }
0x6c: {  	_ =	shalt  }
0x6d: {  	_ =	shalt  }
0x6e: {  	_ =	shalt  }
0x6f: {  	_ =	shalt  }
0x70: {  	_ =	shalt  }
0x71: {  	_ =	shalt  }
0x72: {  	_ =	shalt  }
0x73: {  	_ =	shalt  }
0x74: {  	_ =	shalt  }
0x75: {  	_ =	shalt  }
0x76: {  	_ =	shalt  }
0x77: {  	_ =	shalt  }
0x78: {  	_ =	shalt  }
0x79: {  	_ =	shalt  }
0x7a: {  	_ =	shalt  }
0x7b: {  	_ =	shalt  }
0x7c: {  	_ =	shalt  }
0x7d: {  	_ =	shalt  }
0x7e: {  	_ =	shalt  }
0x7f: {  	_ =	shalt  }
0x80: {  	_ =	shalt  }
0x81: {  	_ =	shalt  }
0x82: {  	_ =	shalt  }
0x83: {  	_ =	shalt  }
0x84: {  	_ =	shalt  }
0x85: {  	_ =	shalt  }
0x86: {  	_ =	shalt  }
0x87: {  	_ =	shalt  }
.Lfunc_end0:
.L_simem_size_0:
called_computation.2_lowered:
.L_overlay_start_0:
0x88: {  	s2 =	sld [smem:$0x3FD9]  }
0x89: {  	s3 =	sld [smem:$0x3FFE];
	_ =	sdelay $0x1  }
0x8a: {  	s1 =	srdreg.scid  }
0x8b: {  	s0 =	sand.u32 $0x1, s1  }
0x8c: {  	s14 =	sshll.u32 s0, $0xA;
	s2 =	sadd.s32 s3, s2  }
0x8d: {  	s2 =	sadd.s32 s2, s14  }
0x8e: {  	[smem:$0x3FC0] =	sst s2  }
0x8f: {  	_ = 	snop  }
0x90: {  	s2 =	sld [smem:$0x3FD0];
	_ =	sdelay $0x2  }
0x91: {  	s15 =	simm.s32 $0xB;
	s4 =	simm.s32 $0x10  }
0x92: {  	[smem:s4], [sflag:s15] =	dma.local [hbm:s2], $0x1  }
0x93: {  	_ =	swait.eq [sflag:s15], $0x1  }
0x94: {  	[sflag:s15] =	ssyncset.done $0x0  }
0x95: {  	[sflag:s15] =	ssyncadd.s32 $0xFFFFFFFF  }
0x96: {  	s16 =	sld [smem:$0x10];
	(tm) =	ssettm $0x1  }
0x97: {  	s17 =	sld [smem:$0x3FFB];
	_ =	sdelay $0x3  }
0x98: {  	_ =	strace s17  }
0x99: {  	s3 =	sld [smem:$0x3FFC];
	_ =	sdelay $0x3  }
0x9a: {  	_ =	strace s3  }
0x9b: {  	s3 =	sld [smem:$0x3FFD];
	_ =	sdelay $0x3  }
0x9c: {  	_ =	strace s3  }
0x9d: {  	_ =	strace $0x8FFFFFFF  }
0x9e: {  	s18 =	sld [smem:$0x3FDB];
	_ =	sdelay $0x1  }
0x9f: {  	s19 =	simm.s32 $_scs_section_size  }
0xa0: {  	s5 =	simm.s32 $_size__tile_overlayer_lowered;
	s6 =	simm.s32 $_tile_overlayer_lowered  }
0xa1: {  	s22 =	simm.s32 $0x1BFF;
	s21 =	sshll.u32 s6, $0x1;
	s3 =	sadd.s32 s19, s18  }
0xa2: {  	s7 =	simm.s32 $0x0;
	s20 =	sshll.u32 s5, $0x1;
	s5 =	sadd.s32 s21, s3  }
0xa3: {  	[timem:s7], [sflag:s22] =	dma.local [hbm:s5], s20  }
0xa4: {  	_ =	swait.ge [sflag:s22], s20  }
0xa5: {  	s4 =	ssub.s32 $0x0, s20;
	[sflag:s22] =	ssyncset.done $0x0  }
0xa6: {  	[sflag:s22] =	ssyncadd.s32 s4;
	_ =	sdelay $0x1  }
0xa7: {  	s23 =	simm.s32 $0x1B8B  }
0xa8: {  	_ =	swait.ge [sflag:s23], $0x1  }
0xa9: {  	[sflag:s23] =	ssyncset.done $0x0  }
0xaa: {  	s25 =	simm.s32 $0x1B8E;
	s24 =	sld [smem:$0x3FFE];
	[sflag:s23] =	ssyncadd.s32 $0xFFFFFFFF  }
0xab: {  	s26 =	simm.s32 $execute0_lowered;
	[smem:$0x3FD2] =	sst s25  }
0xac: {  	s5 =	sshll.u32 s26, $0x1;
	_ =	strace $0x80000049;
	[dreg:$0x1] =	wrdreg $0xFFFFFFFF  }
0xad: {  	s28 =	simm.s32 $_size_execute0_lowered;
	s3 =	sadd.s32 s3, s5;
	[dreg:$0x0] =	wrdreg $0x0  }
0xae: {  	s5 =	sshll.u32 s28, $0x1;
	[dreg:$0x2] =	wrdreg s3  }
0xaf: {  	[dreg:$0x3] =	wrdreg s5  }
0xb0: {  	[dreg:$0x4] =	wrdreg $0xC0  }
0xb1: {  	_ =	task [dreg:s7], $0x5FFFF  }
0xb2: {  	[dreg:$0x1] =	wrdreg $0xFFFFFFFF  }
0xb3: {  	[dreg:$0x0] =	wrdreg $0x60  }
0xb4: {  	[dreg:$0x2] =	wrdreg s16  }
0xb5: {  	[dreg:$0x3] =	wrdreg s24  }
0xb6: {  	[dreg:$0x4] =	wrdreg $0x10C400  }
0xb7: {  	[dreg:$0x5] =	wrdreg $0x9  }
0xb8: {  	_ =	task.clear_ibuf [dreg:s7], $0x6FFFF;
	_ =	strace $0x90000049  }
0xb9: {  	s29 =	simm.s32 $0x9;
	_ =	strace $0x8000004B  }
0xba: {  	_ =	swait.ge [sflag:s29], $0x1  }
0xbb: {  	[sflag:s29] =	ssyncadd.s32 $0xFFFFFFFF  }
0xbc: {  	_ =	strace $0x9000004B  }
0xbd: {  	_ =	sfence  }
0xbe: {  	s30 =	sld [smem:$0x0];
	_ =	sdelay $0x2  }
0xbf: {  	s31 =	sshll.u32 s1, $0xD;
	s1 =	sshrl.u32 s1, $0x2  }
0xc0: {  	s3 =	sand.u32 $0x4000, s31;
	s1 =	sadd.s32 s1, s30  }
0xc1: {  	s0 =	sor.u32 s3, s0;
	s1 =	sshll.u32 s1, $0x11  }
0xc2: {  	s0 =	sor.u32 s1, s0  }
0xc3: {  	s0 =	sadd.s32 $0x8F2B, s0  }
0xc4: {  	[sflag:s0] =	ssyncadd.remote.s32 $0x1  }
0xc5: {  	_ =	sfence.sel $0xFFFF  }
0xc6: {  	[dreg:$0x0] =	wrdreg $0xFFFFFFFF;
	(pc) =	sbr.abs _section_cstart, $3  }
0xc7: {  	[dreg:$0x1] =	wrdreg $0xFFFFFFFF  }
0xc8: {  	_ =	task.clear_ibuf [dreg:s7], $0x2FFFF;
	_ =	strace $0x9FFFFFFF  }
0xc9: {  	(tm) =	ssettm $0x7FFFFFFF  }
tec
execute0_lowered:
.L_overlay_start_1:
0x0: {  	(tag) =	ssettag $0x1  }
0x1: {  	s1 =	rddreg [dreg:$0x0]  }
0x2: {  	s0 =	srdreg.scid;
	s2 =	rddreg [dreg:$0x1]  }
0x3: {  	s8 =	stileid.u32;
	s3 =	rddreg [dreg:$0x2];
	s4 =	simm.s32 $0x0  }
0x4: {  	s14 =	simm.s32 $0xEC40;
	s15 =	simm.s32 $0xB;
	s17 =	simm.s32 $0x7D  }
0x5: {  	s18 =	simm.s32 $0x5000;
	s20 =	simm.s32 $0x6F40;
	s6 =	smul.u32 $0x50, s8  }
0x6: {  	s28 =	simm.s32 $0xCD00;
	s29 =	simm.s32 $0x1;
	s21 =	smul.u32 $0x14000, s8  }
0x7: {  	s30 =	simm.s32 $0x2;
	s0 =	sand.u32 $0x1, s0;
	s8 =	smul.u32 $0x28000, s8  }
0x8: {  	s31 =	simm.s32 $0x3;
	s16 =	simm.s32 $0x6;
	s5 =	smul.u32 $0x500, s0  }
0x9: {  	[smem:$0x7FF] =	sst s4;
	s7 =	smul.u32 $0x140000, s0;
	s0 =	ssub.s32 $0x2, s0  }
0xa: {  	s19 =	simm.s32 $0x7;
	_ =	strace $0x8000004A;
	s23 =	sshrl.u32 s0, $0x1  }
0xb: {  	s8 =	sshrl.u32 s8, $0x2;
	s5 =	sadd.s32 s6, s5;
	s22 =	sadd.s32 s21, s7  }
0xc: {  	s0 =	ssub.s32 s0, s23;
	s6 =	sshrl.u32 s21, $0x1;
	s21 =	simm.s32 $0x8  }
0xd: {  	s23 =	simm.s32 $0x9;
	s5 =	sshll.u32 s5, $0x4;
	s26 =	sadd.s32 s6, s3  }
0xe: {  	s9 =	sadd.s32 s5, s2;
	s5 =	sshrl.u32 s22, $0x4;
	s22 =	simm.s32 $0x8E80  }
0xf: {  	s2 =	sadd.s32 s5, s2;
	s5 =	sadd.s32 s8, s3;
	s24 =	sadd.s32 $0xC800, s9  }
0x10: {  	s25 =	sadd.s32 $0x2800, s9;
	s9 =	smax.u32 s0, $0x1;
	[dreg:$0x4] =	wrdreg s24  }
0x11: {  	s0 =	simm.s32 $0x5;
	[dreg:$0x5] =	wrdreg s25;
	s2 =	sadd.s32 $0x16800, s2  }
0x12: {  	s10 =	sadd.s32 $0x2000, s5;
	s11 =	sadd.s32 $0x4000, s5;
	s12 =	sadd.s32 $0x6000, s5  }
0x13: {  	s13 =	sadd.s32 $0x8000, s5;
	s24 =	simm.s32 $0xADC0;
	s25 =	sshrl.u32 s26, $0x3  }
0x14: {  	v0 =	vimm.s32 $0x0;
	s26 =	simm.s32 $0xA;
	[dreg:$0x6] =	wrdreg s2;
	s2 =	simm.s32 $0x4  }
.LBB2_1:
0x15: {  	s7 =	simm.s32 $0x100;
	s6 =	simm.s32 $0x0  }
.LBB2_2:
0x16: {  	p0 =	sne.s32 s7, $0x7F00;
	[tilespmem:s6+$0xEC70] =	vst v0;
	s8 =	smov.u32 s7;
	s7 =	sadd.s32 $0x100, s7  }
.Ltmp0:
0x17: {  	[tilespmem:s6+$0xEC60] =	vst v0;
	(pc) =	sbr.rel @p0 .LBB2_2-.Ltmp0, $3  }
0x18: {  	[tilespmem:s6+$0xEC40] =	vst v0  }
0x19: {  	[tilespmem:s6+$0xEC50] =	vst v0;
	_ =	sdelay $0x1  }
0x1a: {  	s6 =	sshra.s32 s8, $0x2  }
0x1b: {  	[tilespmem:s6+$0xEC70] =	vst v0  }
0x1c: {  	[tilespmem:s6+$0xEC60] =	vst v0  }
0x1d: {  	[tilespmem:s6+$0xEC40] =	vst v0  }
0x1e: {  	[tilespmem:s6+$0xEC50] =	vst v0  }
0x1f: {  	[spmem:s5] =	stream.linear.scatter [tilespmem:s14], [sflag:$0xB], $0x2000, $0x38;
	[tilespmem:$0x1AC40] =	vst v63  }
0x20: {  	_ =	swait.ge [sflag:s15], $0x2000  }
0x21: {  	[sflag:s15] =	ssyncset.done $0x0  }
0x22: {  	[sflag:s15] =	ssyncadd.s32 $0xFFFFE000  }
0x23: {  	[spmem:s10] =	stream.linear.scatter [tilespmem:s14], [sflag:$0xB], $0x2000, $0x38;
	[tilespmem:$0x1AC40] =	vst v63  }
0x24: {  	_ =	swait.ge [sflag:s15], $0x2000  }
0x25: {  	[sflag:s15] =	ssyncset.done $0x0  }
0x26: {  	[sflag:s15] =	ssyncadd.s32 $0xFFFFE000  }
0x27: {  	[spmem:s11] =	stream.linear.scatter [tilespmem:s14], [sflag:$0xB], $0x2000, $0x38;
	[tilespmem:$0x1AC40] =	vst v63  }
0x28: {  	_ =	swait.ge [sflag:s15], $0x2000  }
0x29: {  	[sflag:s15] =	ssyncset.done $0x0  }
0x2a: {  	[sflag:s15] =	ssyncadd.s32 $0xFFFFE000  }
0x2b: {  	[spmem:s12] =	stream.linear.scatter [tilespmem:s14], [sflag:$0xB], $0x2000, $0x38;
	[tilespmem:$0x1AC40] =	vst v63  }
0x2c: {  	_ =	swait.ge [sflag:s15], $0x2000  }
0x2d: {  	[sflag:s15] =	ssyncset.done $0x0  }
0x2e: {  	[sflag:s15] =	ssyncadd.s32 $0xFFFFE000  }
0x2f: {  	[spmem:s13] =	stream.linear.scatter [tilespmem:s14], [sflag:$0xB], $0x2000, $0x38;
	[tilespmem:$0x1AC40] =	vst v63  }
0x30: {  	_ =	swait.ge [sflag:s15], $0x2000  }
0x31: {  	[sflag:s15] =	ssyncset.done $0x0  }
0x32: {  	s6 =	simm.s32 $0x0;
	s7 =	rddreg [dreg:$0x4];
	[sflag:s15] =	ssyncadd.s32 $0xFFFFE000  }
0x33: {  	[tilespmem:s6], [sflag:$0xB] =	stream.linear.gather [hbm4b:s7+s6], $0x2800, $0x38;
	[tilespmem:$0x1AC40] =	vst v63  }
0x34: {  	_ =	swait.ge [sflag:s15], $0x2800  }
0x35: {  	[sflag:s15] =	ssyncset.done $0x0  }
0x36: {  	s8 =	simm.s32 $0x2800;
	s7 =	rddreg [dreg:$0x5];
	[sflag:s15] =	ssyncadd.s32 $0xFFFFD800  }
0x37: {  	[tilespmem:s8], [sflag:$0xB] =	stream.linear.gather [hbm4b:s7+s6], $0x2800, $0x38;
	[tilespmem:$0x1AC40] =	vst v63  }
0x38: {  	_ =	swait.ge [sflag:s15], $0x2800  }
0x39: {  	[sflag:s15] =	ssyncset.done $0x0  }
0x3a: {  	[sflag:s15] =	ssyncadd.s32 $0xFFFFD800  }
0x3b: {  	[bflag:$0x0] =	sbarrier.arrive $0xFFFF  }
0x3c: {  	[tilespmem:s18], [sflag:$0x1] =	stream.indirect.gather [hbm4b:s1+s17], $0x40, s6, s17, $0xb8;
	[tilespmem:$0x1AC40] =	vst v63  }
0x3d: {  	s8 =	simm.s32 $0x80  }
0x3e: {  	[tilespmem:s20], [sflag:$0x2] =	stream.indirect.gather [hbm4b:s1+s17], $0x40, s8, s17, $0xb8;
	[tilespmem:$0x1AC40] =	vst v63  }
0x3f: {  	s7 =	simm.s32 $0x100  }
0x40: {  	[tilespmem:s22], [sflag:$0x3] =	stream.indirect.gather [hbm4b:s1+s17], $0x40, s7, s17, $0xb8;
	[tilespmem:$0x1AC40] =	vst v63  }
0x41: {  	s8 =	simm.s32 $0x180  }
0x42: {  	[tilespmem:s24], [sflag:$0x4] =	stream.indirect.gather [hbm4b:s1+s17], $0x40, s8, s17, $0xb8;
	[tilespmem:$0x1AC40] =	vst v63  }
0x43: {  	s7 =	simm.s32 $0x200  }
0x44: {  	[tilespmem:s28], [sflag:$0x5] =	stream.indirect.gather [hbm4b:s1+s17], $0x40, s7, s17, $0xb8;
	[tilespmem:$0x1AC40] =	vst v63  }
0x45: {  	_ =	swait.ge [sflag:s29], $0x1F40  }
0x46: {  	[sflag:s29] =	ssyncset.done $0x0  }
0x47: {  	s8 =	simm.s32 $0x2800;
	[sflag:s29] =	ssyncadd.s32 $0xFFFFE0C0  }
0x48: {  	[spmem:s3] =	stream.indirect.scatter.add.s16 [tilespmem:s18], [sflag:$0x6], $0x40, s8, s17, $0xb8;
	[tilespmem:$0x1AC40] =	vst v63  }
0x49: {  	_ =	swait.ge [sflag:s30], $0x1F40  }
0x4a: {  	[sflag:s30] =	ssyncset.done $0x0  }
0x4b: {  	s7 =	simm.s32 $0x2880;
	[sflag:s30] =	ssyncadd.s32 $0xFFFFE0C0  }
0x4c: {  	[spmem:s3] =	stream.indirect.scatter.add.s16 [tilespmem:s20], [sflag:$0x7], $0x40, s7, s17, $0xb8;
	[tilespmem:$0x1AC40] =	vst v63  }
0x4d: {  	_ =	swait.ge [sflag:s31], $0x1F40  }
0x4e: {  	[sflag:s31] =	ssyncset.done $0x0  }
0x4f: {  	s8 =	simm.s32 $0x2900;
	[sflag:s31] =	ssyncadd.s32 $0xFFFFE0C0  }
0x50: {  	[spmem:s3] =	stream.indirect.scatter.add.s16 [tilespmem:s22], [sflag:$0x8], $0x40, s8, s17, $0xb8;
	[tilespmem:$0x1AC40] =	vst v63  }
0x51: {  	_ =	swait.ge [sflag:s2], $0x1F40  }
0x52: {  	[sflag:s2] =	ssyncset.done $0x0  }
0x53: {  	s7 =	simm.s32 $0x2980;
	[sflag:s2] =	ssyncadd.s32 $0xFFFFE0C0  }
0x54: {  	[spmem:s3] =	stream.indirect.scatter.add.s16 [tilespmem:s24], [sflag:$0x9], $0x40, s7, s17, $0xb8;
	[tilespmem:$0x1AC40] =	vst v63  }
0x55: {  	_ =	swait.ge [sflag:s0], $0x1F40  }
0x56: {  	[sflag:s0] =	ssyncset.done $0x0  }
0x57: {  	s8 =	simm.s32 $0x2A00;
	[sflag:s0] =	ssyncadd.s32 $0xFFFFE0C0  }
0x58: {  	[spmem:s3] =	stream.indirect.scatter.add.s16 [tilespmem:s28], [sflag:$0xA], $0x40, s8, s17, $0xb8;
	[tilespmem:$0x1AC40] =	vst v63  }
0x59: {  	_ =	swait.ge [sflag:s16], $0x1F40  }
0x5a: {  	[sflag:s16] =	ssyncset.done $0x0  }
0x5b: {  	s7 =	simm.s32 $0x280;
	[sflag:s16] =	ssyncadd.s32 $0xFFFFE0C0  }
0x5c: {  	[tilespmem:s18], [sflag:$0x1] =	stream.indirect.gather [hbm4b:s1+s17], $0x40, s7, s17, $0xb8;
	[tilespmem:$0x1AC40] =	vst v63  }
0x5d: {  	_ =	swait.ge [sflag:s19], $0x1F40  }
0x5e: {  	[sflag:s19] =	ssyncset.done $0x0  }
0x5f: {  	s8 =	simm.s32 $0x300;
	[sflag:s19] =	ssyncadd.s32 $0xFFFFE0C0  }
0x60: {  	[tilespmem:s20], [sflag:$0x2] =	stream.indirect.gather [hbm4b:s1+s17], $0x40, s8, s17, $0xb8;
	[tilespmem:$0x1AC40] =	vst v63  }
0x61: {  	_ =	swait.ge [sflag:s21], $0x1F40  }
0x62: {  	[sflag:s21] =	ssyncset.done $0x0  }
0x63: {  	s7 =	simm.s32 $0x380;
	[sflag:s21] =	ssyncadd.s32 $0xFFFFE0C0  }
0x64: {  	[tilespmem:s22], [sflag:$0x3] =	stream.indirect.gather [hbm4b:s1+s17], $0x40, s7, s17, $0xb8;
	[tilespmem:$0x1AC40] =	vst v63  }
0x65: {  	_ =	swait.ge [sflag:s23], $0x1F40  }
0x66: {  	[sflag:s23] =	ssyncset.done $0x0  }
0x67: {  	s8 =	simm.s32 $0x400;
	[sflag:s23] =	ssyncadd.s32 $0xFFFFE0C0  }
0x68: {  	[tilespmem:s24], [sflag:$0x4] =	stream.indirect.gather [hbm4b:s1+s17], $0x40, s8, s17, $0xb8;
	[tilespmem:$0x1AC40] =	vst v63  }
0x69: {  	_ =	swait.ge [sflag:s26], $0x1F40  }
0x6a: {  	[sflag:s26] =	ssyncset.done $0x0  }
0x6b: {  	s6 =	simm.s32 $0xA00;
	s7 =	simm.s32 $0x480;
	[sflag:s26] =	ssyncadd.s32 $0xFFFFE0C0  }
.LBB2_4:
0x6c: {  	[tilespmem:s28], [sflag:$0x5] =	stream.indirect.gather [hbm4b:s1+s17], $0x40, s7, s17, $0xb8;
	[tilespmem:$0x1AC40] =	vst v63  }
0x6d: {  	s7 =	smov.u32 s6  }
0x6e: {  	p0 =	sne.s32 s6, $0x8C00;
	s6 =	sadd.s32 $0xA00, s6;
	_ =	swait.ge [sflag:s29], $0x1F40  }
0x6f: {  	s7 =	sshra.s32 s7, $0x2;
	[sflag:s29] =	ssyncset.done $0x0  }
0x70: {  	s8 =	sadd.s32 $0x2800, s7;
	[sflag:s29] =	ssyncadd.s32 $0xFFFFE0C0  }
0x71: {  	[spmem:s3] =	stream.indirect.scatter.add.s16 [tilespmem:s18], [sflag:$0x6], $0x40, s8, s17, $0xb8;
	[tilespmem:$0x1AC40] =	vst v63  }
0x72: {  	_ =	swait.ge [sflag:s30], $0x1F40  }
0x73: {  	[sflag:s30] =	ssyncset.done $0x0  }
0x74: {  	s8 =	sadd.s32 $0x2880, s7;
	[sflag:s30] =	ssyncadd.s32 $0xFFFFE0C0  }
0x75: {  	[spmem:s3] =	stream.indirect.scatter.add.s16 [tilespmem:s20], [sflag:$0x7], $0x40, s8, s17, $0xb8;
	[tilespmem:$0x1AC40] =	vst v63  }
0x76: {  	_ =	swait.ge [sflag:s31], $0x1F40  }
0x77: {  	[sflag:s31] =	ssyncset.done $0x0  }
0x78: {  	s8 =	sadd.s32 $0x2900, s7;
	[sflag:s31] =	ssyncadd.s32 $0xFFFFE0C0  }
0x79: {  	[spmem:s3] =	stream.indirect.scatter.add.s16 [tilespmem:s22], [sflag:$0x8], $0x40, s8, s17, $0xb8;
	[tilespmem:$0x1AC40] =	vst v63  }
0x7a: {  	_ =	swait.ge [sflag:s2], $0x1F40  }
0x7b: {  	[sflag:s2] =	ssyncset.done $0x0  }
0x7c: {  	s8 =	sadd.s32 $0x2980, s7;
	[sflag:s2] =	ssyncadd.s32 $0xFFFFE0C0  }
0x7d: {  	[spmem:s3] =	stream.indirect.scatter.add.s16 [tilespmem:s24], [sflag:$0x9], $0x40, s8, s17, $0xb8;
	[tilespmem:$0x1AC40] =	vst v63  }
0x7e: {  	_ =	swait.ge [sflag:s0], $0x1F40  }
0x7f: {  	[sflag:s0] =	ssyncset.done $0x0  }
0x80: {  	s8 =	sadd.s32 $0x2A00, s7;
	[sflag:s0] =	ssyncadd.s32 $0xFFFFE0C0  }
0x81: {  	[spmem:s3] =	stream.indirect.scatter.add.s16 [tilespmem:s28], [sflag:$0xA], $0x40, s8, s17, $0xb8;
	[tilespmem:$0x1AC40] =	vst v63  }
0x82: {  	_ =	swait.ge [sflag:s16], $0x1F40  }
0x83: {  	[sflag:s16] =	ssyncset.done $0x0  }
0x84: {  	s8 =	sadd.s32 $0x280, s7;
	[sflag:s16] =	ssyncadd.s32 $0xFFFFE0C0  }
0x85: {  	[tilespmem:s18], [sflag:$0x1] =	stream.indirect.gather [hbm4b:s1+s17], $0x40, s8, s17, $0xb8;
	[tilespmem:$0x1AC40] =	vst v63  }
0x86: {  	_ =	swait.ge [sflag:s19], $0x1F40  }
0x87: {  	[sflag:s19] =	ssyncset.done $0x0  }
0x88: {  	s8 =	sadd.s32 $0x300, s7;
	[sflag:s19] =	ssyncadd.s32 $0xFFFFE0C0  }
0x89: {  	[tilespmem:s20], [sflag:$0x2] =	stream.indirect.gather [hbm4b:s1+s17], $0x40, s8, s17, $0xb8;
	[tilespmem:$0x1AC40] =	vst v63  }
0x8a: {  	_ =	swait.ge [sflag:s21], $0x1F40  }
0x8b: {  	[sflag:s21] =	ssyncset.done $0x0  }
0x8c: {  	s8 =	sadd.s32 $0x380, s7;
	[sflag:s21] =	ssyncadd.s32 $0xFFFFE0C0  }
0x8d: {  	[tilespmem:s22], [sflag:$0x3] =	stream.indirect.gather [hbm4b:s1+s17], $0x40, s8, s17, $0xb8;
	[tilespmem:$0x1AC40] =	vst v63  }
0x8e: {  	_ =	swait.ge [sflag:s23], $0x1F40  }
0x8f: {  	[sflag:s23] =	ssyncset.done $0x0  }
.Ltmp1:
0x90: {  	s8 =	sadd.s32 $0x400, s7;
	[sflag:s23] =	ssyncadd.s32 $0xFFFFE0C0;
	(pc) =	sbr.rel @p0 .LBB2_4-.Ltmp1, $4  }
0x91: {  	[tilespmem:s24], [sflag:$0x4] =	stream.indirect.gather [hbm4b:s1+s17], $0x40, s8, s17, $0xb8;
	[tilespmem:$0x1AC40] =	vst v63  }
0x92: {  	_ =	swait.ge [sflag:s26], $0x1F40  }
0x93: {  	[sflag:s26] =	ssyncset.done $0x0  }
0x94: {  	s7 =	sadd.s32 $0x480, s7;
	[sflag:s26] =	ssyncadd.s32 $0xFFFFE0C0  }
0x95: {  	[tilespmem:s28], [sflag:$0x5] =	stream.indirect.gather [hbm4b:s1+s17], $0x40, s7, s17, $0xb8;
	[tilespmem:$0x1AC40] =	vst v63  }
0x96: {  	_ =	swait.ge [sflag:s29], $0x1F40  }
0x97: {  	[sflag:s29] =	ssyncset.done $0x0  }
0x98: {  	s6 =	simm.s32 $0x4D80;
	[sflag:s29] =	ssyncadd.s32 $0xFFFFE0C0  }
0x99: {  	[spmem:s3] =	stream.indirect.scatter.add.s16 [tilespmem:s18], [sflag:$0x6], $0x40, s6, s17, $0xb8;
	[tilespmem:$0x1AC40] =	vst v63  }
0x9a: {  	_ =	swait.ge [sflag:s30], $0x1F40  }
0x9b: {  	[sflag:s30] =	ssyncset.done $0x0  }
0x9c: {  	s7 =	simm.s32 $0x4E00;
	[sflag:s30] =	ssyncadd.s32 $0xFFFFE0C0  }
0x9d: {  	[spmem:s3] =	stream.indirect.scatter.add.s16 [tilespmem:s20], [sflag:$0x7], $0x40, s7, s17, $0xb8;
	[tilespmem:$0x1AC40] =	vst v63  }
0x9e: {  	_ =	swait.ge [sflag:s31], $0x1F40  }
0x9f: {  	[sflag:s31] =	ssyncset.done $0x0  }
0xa0: {  	s8 =	simm.s32 $0x4E80;
	[sflag:s31] =	ssyncadd.s32 $0xFFFFE0C0  }
0xa1: {  	[spmem:s3] =	stream.indirect.scatter.add.s16 [tilespmem:s22], [sflag:$0x8], $0x40, s8, s17, $0xb8;
	[tilespmem:$0x1AC40] =	vst v63  }
0xa2: {  	_ =	swait.ge [sflag:s2], $0x1F40  }
0xa3: {  	[sflag:s2] =	ssyncset.done $0x0  }
0xa4: {  	s7 =	simm.s32 $0x4F00;
	[sflag:s2] =	ssyncadd.s32 $0xFFFFE0C0  }
0xa5: {  	[spmem:s3] =	stream.indirect.scatter.add.s16 [tilespmem:s24], [sflag:$0x9], $0x40, s7, s17, $0xb8;
	[tilespmem:$0x1AC40] =	vst v63  }
0xa6: {  	_ =	swait.ge [sflag:s0], $0x1F40  }
0xa7: {  	[sflag:s0] =	ssyncset.done $0x0  }
0xa8: {  	s8 =	simm.s32 $0x4F80;
	[sflag:s0] =	ssyncadd.s32 $0xFFFFE0C0  }
0xa9: {  	[spmem:s3] =	stream.indirect.scatter.add.s16 [tilespmem:s28], [sflag:$0xA], $0x40, s8, s17, $0xb8;
	[tilespmem:$0x1AC40] =	vst v63  }
0xaa: {  	_ =	swait.ge [sflag:s16], $0x1F40  }
0xab: {  	[sflag:s16] =	ssyncset.done $0x0  }
0xac: {  	[sflag:s16] =	ssyncadd.s32 $0xFFFFE0C0  }
0xad: {  	_ =	swait.ge [sflag:s19], $0x1F40  }
0xae: {  	[sflag:s19] =	ssyncset.done $0x0  }
0xaf: {  	[sflag:s19] =	ssyncadd.s32 $0xFFFFE0C0  }
0xb0: {  	_ =	swait.ge [sflag:s21], $0x1F40  }
0xb1: {  	[sflag:s21] =	ssyncset.done $0x0  }
0xb2: {  	[sflag:s21] =	ssyncadd.s32 $0xFFFFE0C0  }
0xb3: {  	_ =	swait.ge [sflag:s23], $0x1F40  }
0xb4: {  	[sflag:s23] =	ssyncset.done $0x0  }
0xb5: {  	[sflag:s23] =	ssyncadd.s32 $0xFFFFE0C0  }
0xb6: {  	_ =	swait.ge [sflag:s26], $0x1F40  }
0xb7: {  	[sflag:s26] =	ssyncset.done $0x0  }
0xb8: {  	s4 =	sadd.s32 $0x1, s4;
	s7 =	stileid.u32;
	[sflag:s26] =	ssyncadd.s32 $0xFFFFE0C0  }
0xb9: {  	p0 =	sne.s32 s4, s9;
	s6 =	sshll.u32 s7, $0x6;
	[bflag:$0x0] =	sbarrier.arrive $0xFFFF  }
.Ltmp2:
0xba: {  	s6 =	sor.u32 $0x1C0B, s6;
	s8 =	rddreg [dreg:$0x6];
	(pc) =	sbr.rel @p0 .LBB2_1-.Ltmp2, $4  }
0xbb: {  	[hbm:s8], [sflag:s6] =	dma.local [spmem:s25], $0x1400  }
0xbc: {  	_ =	swait.ge [sflag:s15], $0x1400  }
0xbd: {  	[sflag:s15] =	ssyncset.done $0x0  }
0xbe: {  	[sflag:s15] =	ssyncadd.s32 $0xFFFFEC00  }
0xbf: {  	_ =	sfence.sel $0x180000  }
0xc0: {  	[bflag:$0x0] =	sbarrier.arrive $0xFFFF  }
0xc1: {  	_ =	strace $0x9000004A  }
0xc2: {  	s0 =	stileid.u32;
	[bflag:$0x2] =	sbarrier.arrive $0xFFFF  }
0xc3: {  	p0 =	sne.s32 s0, $0x0;
	s0 =	rddreg [dreg:$0x3]  }
0xc4: {  	s0 =	sadd.s32 @!p0 $0x100000, s0  }
0xc5: {  	[sflag:s0] =	ssyncadd.tile.s32 @!p0 $0x1;
	_ =	shalt  }
.Lfunc_end2:
_tile_overlayer_lowered:
.L_overlay_start_2:
0xc6: {  	(tag) =	ssettag $0x2  }
0xc7: {  	s0 =	rddreg [dreg:$0x0];
	s2 =	stileid.u32  }
0xc8: {  	s1 =	rddreg [dreg:$0x1];
	p0 =	sne.s32 s2, $0x0  }
0xc9: {  	s3 =	rddreg [dreg:$0x2];
	[bflag:$0x3] =	sbarrier.arrive $0xFFFF;
	s2 =	simm.s32 @!p0 $0x1C0B  }
0xca: {  	[timem:s3], [sflag:s2] =	dma.local @!p0 [hbm:s0], s1  }
0xcb: {  	s0 =	simm.s32 @!p0 $0xB  }
0xcc: {  	_ =	swait.ge @!p0 [sflag:s0], s1  }
0xcd: {  	s1 =	ssub.s32 @!p0 $0x0, s1;
	[sflag:s0] =	ssyncset.done @!p0 $0x0  }
0xce: {  	[sflag:s0] =	ssyncadd.s32 @!p0 s1  }
0xcf: {  	[bflag:$0x3] =	sbarrier.arrive $0xFFFF  }
0xd0: {  	_ =	shalt  }

// kernel: kernel.20.cloned.1.call-start
scs
__scs_entry_jumppad:
0x0: {  	(pc) =	sbr.rel $0x88, $3  }
0x1: {  	(tag) =	ssettag $0x0;
	lr =	simm.s32 $0x1  }
0x2: {  	[smem:$0x3F99] =	sst lr;
	_ =	strace $0xD0000000  }
0x3: {  	_ = 	snop  }
0x4: {  	_ = 	snop  }
0x5: {  	_ = 	snop  }
0x6: {  	_ = 	snop  }
0x7: {  	_ = 	snop  }
__scs_overlays_trampoline_lowered:
0x8: {  	[smem:$0x3FA8] =	sst s0  }
0x9: {  	[smem:$0x3FA9] =	sst s1  }
0xa: {  	[smem:$0x3FAA] =	sst s2  }
0xb: {  	[smem:$0x3FAB] =	sst s3  }
0xc: {  	[smem:$0x3FAC] =	sst s4  }
0xd: {  	[smem:$0x3FAD] =	sst s5  }
0xe: {  	[smem:$0x3FAE] =	sst s6  }
0xf: {  	[smem:$0x3FAF] =	sst s7  }
0x10: {  	[smem:$0x3FB0] =	sst s8  }
0x11: {  	[smem:$0x3FB1] =	sst s9;
	s0 =	simm.s32 @!p0 $0x0  }
0x12: {  	s1 =	sld [smem:$0x3F97];
	s0 =	simm.s32 @p0 $0x1  }
0x13: {  	[smem:$0x3FB2] =	sst s0;
	s0 =	simm.s32 @!p1 $0x0  }
0x14: {  	s2 =	sld [smem:$0x3F96];
	s0 =	simm.s32 @p1 $0x1  }
0x15: {  	[smem:$0x3FB3] =	sst s0;
	s0 =	simm.s32 @!p2 $0x0  }
0x16: {  	s3 =	sld [smem:$0x3FDB];
	s0 =	simm.s32 @p2 $0x1  }
0x17: {  	s4 =	simm.s32 $0x1BF5;
	[smem:$0x3FB5] =	sst s0  }
0x18: {  	s0 =	sld [smem:$0x3F98];
	_ =	swait.ge [sflag:s4], $0x0  }
0x19: {  	s7 =	sld [smem:$0x3F99]  }
0x1a: {  	s8 =	sadd.s32 $0xFFFFE003, lr  }
0x1b: {  	s9 =	sadd.s32 $0xFFFFFEF7, lr;
	s5 =	simm.s32 $0xFFFFFFFF;
	p2 =	slt.u32 s8, $0xFFFFF086  }
0x1c: {  	p1 =	slt.u32 s9, $0xF7A;
	s5 =	simm.s32 @!p2 $0x0  }
0x1d: {  	s5 =	simm.s32 @p1 $0x1;
	p0 =	seq.s32 s7, s2  }
0x1e: {  	s7 =	smul.u32 @!p0 $0xF7A, s2;
	p2 =	seq.s32 @!p0 s5, $0x0  }
0x1f: {  	s9 =	smul.u32 $0xF7A, s1;
	s8 =	simm.s32 @!p0 $0x1BF5;
	p2 =	por !p2, p0  }
0x20: {  	[sflag:s8] =	ssyncset.s32 @!p0 $0xFFFFF086;
	s6 =	sadd.s32 @!p0 s3, s7;
	s7 =	simm.s32 @!p0 $0x108  }
0x21: {  	s3 =	sadd.s32 s3, s9;
	s6 =	sadd.s32 @!p0 $0x88, s6;
	s7 =	simm.s32 @p2 $0x1082  }
0x22: {  	[simem:s7], [sflag:s8] =	dma.local @!p0 [hbm:s6], $0xF7A  }
0x23: {  	s9 =	sor.u32 $0xD0000000, s2;
	s6 =	simm.s32 $0x108;
	_ =	swait.ge @!p0 [sflag:s8], $0x0  }
0x24: {  	s3 =	sadd.s32 $0x88, s3;
	s6 =	simm.s32 @!p1 $0x1082;
	[sflag:s4] =	ssyncset.s32 $0xFFFFF086  }
0x25: {  	[simem:s6], [sflag:s4] =	dma.local [hbm:s3], $0xF7A  }
0x26: {  	[smem:$0x3F99] =	sst s1;
	(tag) =	ssettag s2;
	_ =	strace s9  }
0x27: {  	s1 =	sld [smem:$0x3FA9]  }
0x28: {  	s2 =	sld [smem:$0x3FAA]  }
0x29: {  	s4 =	sld [smem:$0x3FAC]  }
0x2a: {  	p0 =	seq.s32 s5, $0x0;
	s5 =	sld [smem:$0x3FAD]  }
0x2b: {  	s6 =	sld [smem:$0x3FAE]  }
0x2c: {  	s7 =	sld [smem:$0x3FAF]  }
0x2d: {  	s3 =	simm.s32 $0x108;
	s8 =	sld [smem:$0x3FB0]  }
0x2e: {  	s3 =	simm.s32 @!p0 $0x1082;
	s9 =	sld [smem:$0x3FB1]  }
0x2f: {  	lr =	sadd.s32 s0, s3;
	s0 =	sld [smem:$0x3FA8]  }
0x30: {  	s3 =	sld [smem:$0x3FAB]  }
0x31: {  	[smem:$0x3FB4] =	sst s10  }
0x32: {  	s10 =	sld [smem:$0x3FB2];
	_ =	sdelay $0x3  }
0x33: {  	p0 =	seq.s32 s10, $0x1;
	s10 =	sld [smem:$0x3FB4];
	_ =	sdelay $0x3  }
0x34: {  	[smem:$0x3FB4] =	sst s10  }
0x35: {  	s10 =	sld [smem:$0x3FB3];
	_ =	sdelay $0x3  }
0x36: {  	p1 =	seq.s32 s10, $0x1;
	s10 =	sld [smem:$0x3FB4];
	_ =	sdelay $0x3  }
0x37: {  	[smem:$0x3FB4] =	sst s10  }
0x38: {  	s10 =	sld [smem:$0x3FB5]  }
0x39: {  	_ = 	snop;
	(pc) =	sbr.ind lr, $3  }
0x3a: {  	_ = 	snop  }
0x3b: {  	_ = 	snop  }
0x3c: {  	p2 =	seq.s32 s10, $0x1;
	s10 =	sld [smem:$0x3FB4]  }
0x3d: {  	_ =	shalt  }
0x3e: {  	_ =	shalt  }
0x3f: {  	_ =	shalt  }
0x40: {  	_ =	shalt  }
0x41: {  	_ =	shalt  }
0x42: {  	_ =	shalt  }
0x43: {  	_ =	shalt  }
0x44: {  	_ =	shalt  }
0x45: {  	_ =	shalt  }
0x46: {  	_ =	shalt  }
0x47: {  	_ =	shalt  }
0x48: {  	_ =	shalt  }
0x49: {  	_ =	shalt  }
0x4a: {  	_ =	shalt  }
0x4b: {  	_ =	shalt  }
0x4c: {  	_ =	shalt  }
0x4d: {  	_ =	shalt  }
0x4e: {  	_ =	shalt  }
0x4f: {  	_ =	shalt  }
0x50: {  	_ =	shalt  }
0x51: {  	_ =	shalt  }
0x52: {  	_ =	shalt  }
0x53: {  	_ =	shalt  }
0x54: {  	_ =	shalt  }
0x55: {  	_ =	shalt  }
0x56: {  	_ =	shalt  }
0x57: {  	_ =	shalt  }
0x58: {  	_ =	shalt  }
0x59: {  	_ =	shalt  }
0x5a: {  	_ =	shalt  }
0x5b: {  	_ =	shalt  }
0x5c: {  	_ =	shalt  }
0x5d: {  	_ =	shalt  }
0x5e: {  	_ =	shalt  }
0x5f: {  	_ =	shalt  }
0x60: {  	_ =	shalt  }
0x61: {  	_ =	shalt  }
0x62: {  	_ =	shalt  }
0x63: {  	_ =	shalt  }
0x64: {  	_ =	shalt  }
0x65: {  	_ =	shalt  }
0x66: {  	_ =	shalt  }
0x67: {  	_ =	shalt  }
0x68: {  	_ =	shalt  }
0x69: {  	_ =	shalt  }
0x6a: {  	_ =	shalt  }
0x6b: {  	_ =	shalt  }
0x6c: {  	_ =	shalt  }
0x6d: {  	_ =	shalt  }
0x6e: {  	_ =	shalt  }
0x6f: {  	_ =	shalt  }
0x70: {  	_ =	shalt  }
0x71: {  	_ =	shalt  }
0x72: {  	_ =	shalt  }
0x73: {  	_ =	shalt  }
0x74: {  	_ =	shalt  }
0x75: {  	_ =	shalt  }
0x76: {  	_ =	shalt  }
0x77: {  	_ =	shalt  }
0x78: {  	_ =	shalt  }
0x79: {  	_ =	shalt  }
0x7a: {  	_ =	shalt  }
0x7b: {  	_ =	shalt  }
0x7c: {  	_ =	shalt  }
0x7d: {  	_ =	shalt  }
0x7e: {  	_ =	shalt  }
0x7f: {  	_ =	shalt  }
0x80: {  	_ =	shalt  }
0x81: {  	_ =	shalt  }
0x82: {  	_ =	shalt  }
0x83: {  	_ =	shalt  }
0x84: {  	_ =	shalt  }
0x85: {  	_ =	shalt  }
0x86: {  	_ =	shalt  }
0x87: {  	_ =	shalt  }
.Lfunc_end0:
.L_simem_size_0:
called_computation.3_lowered:
.L_overlay_start_0:
0x88: {  	s2 =	sld [smem:$0x3FD9]  }
0x89: {  	s3 =	sld [smem:$0x3FFE];
	_ =	sdelay $0x1  }
0x8a: {  	s1 =	srdreg.scid  }
0x8b: {  	s0 =	sand.u32 $0x1, s1  }
0x8c: {  	s14 =	sshll.u32 s0, $0xA;
	s2 =	sadd.s32 s3, s2  }
0x8d: {  	s2 =	sadd.s32 s2, s14  }
0x8e: {  	[smem:$0x3FC0] =	sst s2  }
0x8f: {  	_ = 	snop  }
0x90: {  	s2 =	sld [smem:$0x3FD0];
	_ =	sdelay $0x2  }
0x91: {  	s15 =	simm.s32 $0xB;
	s4 =	simm.s32 $0x10  }
0x92: {  	[smem:s4], [sflag:s15] =	dma.local [hbm:s2], $0x1  }
0x93: {  	_ =	swait.eq [sflag:s15], $0x1  }
0x94: {  	[sflag:s15] =	ssyncset.done $0x0  }
0x95: {  	[sflag:s15] =	ssyncadd.s32 $0xFFFFFFFF  }
0x96: {  	s16 =	sld [smem:$0x10];
	(tm) =	ssettm $0x1  }
0x97: {  	s17 =	sld [smem:$0x3FFB];
	_ =	sdelay $0x3  }
0x98: {  	_ =	strace s17  }
0x99: {  	s3 =	sld [smem:$0x3FFC];
	_ =	sdelay $0x3  }
0x9a: {  	_ =	strace s3  }
0x9b: {  	s3 =	sld [smem:$0x3FFD];
	_ =	sdelay $0x3  }
0x9c: {  	_ =	strace s3  }
0x9d: {  	_ =	strace $0x8FFFFFFF  }
0x9e: {  	s18 =	sld [smem:$0x3FDB];
	_ =	sdelay $0x1  }
0x9f: {  	s19 =	simm.s32 $_scs_section_size  }
0xa0: {  	s5 =	simm.s32 $_size__tile_overlayer_lowered;
	s6 =	simm.s32 $_tile_overlayer_lowered  }
0xa1: {  	s22 =	simm.s32 $0x1BFF;
	s21 =	sshll.u32 s6, $0x1;
	s3 =	sadd.s32 s19, s18  }
0xa2: {  	s7 =	simm.s32 $0x0;
	s20 =	sshll.u32 s5, $0x1;
	s5 =	sadd.s32 s21, s3  }
0xa3: {  	[timem:s7], [sflag:s22] =	dma.local [hbm:s5], s20  }
0xa4: {  	_ =	swait.ge [sflag:s22], s20  }
0xa5: {  	s4 =	ssub.s32 $0x0, s20;
	[sflag:s22] =	ssyncset.done $0x0  }
0xa6: {  	[sflag:s22] =	ssyncadd.s32 s4;
	_ =	sdelay $0x1  }
0xa7: {  	s23 =	simm.s32 $0x1B8B  }
0xa8: {  	_ =	swait.ge [sflag:s23], $0x1  }
0xa9: {  	[sflag:s23] =	ssyncset.done $0x0  }
0xaa: {  	s25 =	simm.s32 $0x1B8E;
	s24 =	sld [smem:$0x3FFE];
	[sflag:s23] =	ssyncadd.s32 $0xFFFFFFFF  }
0xab: {  	s26 =	simm.s32 $execute0_lowered;
	[smem:$0x3FD2] =	sst s25  }
0xac: {  	s5 =	sshll.u32 s26, $0x1;
	_ =	strace $0x8000004C;
	[dreg:$0x1] =	wrdreg $0xFFFFFFFF  }
0xad: {  	s28 =	simm.s32 $_size_execute0_lowered;
	s3 =	sadd.s32 s3, s5;
	[dreg:$0x0] =	wrdreg $0x0  }
0xae: {  	s5 =	sshll.u32 s28, $0x1;
	[dreg:$0x2] =	wrdreg s3  }
0xaf: {  	[dreg:$0x3] =	wrdreg s5  }
0xb0: {  	[dreg:$0x4] =	wrdreg $0xC0  }
0xb1: {  	_ =	task [dreg:s7], $0x5FFFF  }
0xb2: {  	[dreg:$0x1] =	wrdreg $0xFFFFFFFF  }
0xb3: {  	[dreg:$0x0] =	wrdreg $0x60  }
0xb4: {  	[dreg:$0x2] =	wrdreg s16  }
0xb5: {  	[dreg:$0x3] =	wrdreg s24  }
0xb6: {  	[dreg:$0x4] =	wrdreg $0x10C400  }
0xb7: {  	[dreg:$0x5] =	wrdreg $0xA  }
0xb8: {  	_ =	task.clear_ibuf [dreg:s7], $0x6FFFF;
	_ =	strace $0x9000004C  }
0xb9: {  	s29 =	simm.s32 $0xA;
	_ =	strace $0x8000004E  }
0xba: {  	_ =	swait.ge [sflag:s29], $0x1  }
0xbb: {  	[sflag:s29] =	ssyncadd.s32 $0xFFFFFFFF  }
0xbc: {  	_ =	strace $0x9000004E  }
0xbd: {  	_ =	sfence  }
0xbe: {  	s30 =	sld [smem:$0x0];
	_ =	sdelay $0x2  }
0xbf: {  	s31 =	sshll.u32 s1, $0xD;
	s1 =	sshrl.u32 s1, $0x2  }
0xc0: {  	s3 =	sand.u32 $0x4000, s31;
	s1 =	sadd.s32 s1, s30  }
0xc1: {  	s0 =	sor.u32 s3, s0;
	s1 =	sshll.u32 s1, $0x11  }
0xc2: {  	s0 =	sor.u32 s1, s0  }
0xc3: {  	s0 =	sadd.s32 $0x8F2B, s0  }
0xc4: {  	[sflag:s0] =	ssyncadd.remote.s32 $0x1  }
0xc5: {  	_ =	sfence.sel $0xFFFF  }
0xc6: {  	[dreg:$0x0] =	wrdreg $0xFFFFFFFF;
	(pc) =	sbr.abs _section_cstart, $3  }
0xc7: {  	[dreg:$0x1] =	wrdreg $0xFFFFFFFF  }
0xc8: {  	_ =	task.clear_ibuf [dreg:s7], $0x2FFFF;
	_ =	strace $0x9FFFFFFF  }
0xc9: {  	(tm) =	ssettm $0x7FFFFFFF  }
tec
execute0_lowered:
.L_overlay_start_1:
0x0: {  	(tag) =	ssettag $0x1  }
0x1: {  	s1 =	rddreg [dreg:$0x0]  }
0x2: {  	s0 =	srdreg.scid;
	s2 =	rddreg [dreg:$0x1]  }
0x3: {  	s8 =	stileid.u32;
	s3 =	rddreg [dreg:$0x2];
	s4 =	simm.s32 $0x0  }
0x4: {  	s14 =	simm.s32 $0xEC40;
	s15 =	simm.s32 $0xB;
	s17 =	simm.s32 $0x7D  }
0x5: {  	s18 =	simm.s32 $0x5000;
	s20 =	simm.s32 $0x6F40;
	s6 =	smul.u32 $0x50, s8  }
0x6: {  	s28 =	simm.s32 $0xCD00;
	s29 =	simm.s32 $0x1;
	s21 =	smul.u32 $0x14000, s8  }
0x7: {  	s30 =	simm.s32 $0x2;
	s0 =	sand.u32 $0x1, s0;
	s8 =	smul.u32 $0x28000, s8  }
0x8: {  	s31 =	simm.s32 $0x3;
	s16 =	simm.s32 $0x6;
	s5 =	smul.u32 $0x500, s0  }
0x9: {  	[smem:$0x7FF] =	sst s4;
	s7 =	smul.u32 $0x140000, s0;
	s0 =	ssub.s32 $0x2, s0  }
0xa: {  	s19 =	simm.s32 $0x7;
	_ =	strace $0x8000004D;
	s23 =	sshrl.u32 s0, $0x1  }
0xb: {  	s8 =	sshrl.u32 s8, $0x2;
	s5 =	sadd.s32 s6, s5;
	s22 =	sadd.s32 s21, s7  }
0xc: {  	s0 =	ssub.s32 s0, s23;
	s6 =	sshrl.u32 s21, $0x1;
	s21 =	simm.s32 $0x8  }
0xd: {  	s23 =	simm.s32 $0x9;
	s5 =	sshll.u32 s5, $0x4;
	s26 =	sadd.s32 s6, s3  }
0xe: {  	s9 =	sadd.s32 s5, s2;
	s5 =	sshrl.u32 s22, $0x4;
	s22 =	simm.s32 $0x8E80  }
0xf: {  	s2 =	sadd.s32 s5, s2;
	s5 =	sadd.s32 s8, s3;
	s24 =	sadd.s32 $0xC800, s9  }
0x10: {  	s25 =	sadd.s32 $0x2800, s9;
	s9 =	smax.u32 s0, $0x1;
	[dreg:$0x4] =	wrdreg s24  }
0x11: {  	s0 =	simm.s32 $0x5;
	[dreg:$0x5] =	wrdreg s25;
	s2 =	sadd.s32 $0x16A00, s2  }
0x12: {  	s10 =	sadd.s32 $0x2000, s5;
	s11 =	sadd.s32 $0x4000, s5;
	s12 =	sadd.s32 $0x6000, s5  }
0x13: {  	s13 =	sadd.s32 $0x8000, s5;
	s24 =	simm.s32 $0xADC0;
	s25 =	sshrl.u32 s26, $0x3  }
0x14: {  	v0 =	vimm.s32 $0x0;
	s26 =	simm.s32 $0xA;
	[dreg:$0x6] =	wrdreg s2;
	s2 =	simm.s32 $0x4  }
.LBB2_1:
0x15: {  	s7 =	simm.s32 $0x100;
	s6 =	simm.s32 $0x0  }
.LBB2_2:
0x16: {  	p0 =	sne.s32 s7, $0x7F00;
	[tilespmem:s6+$0xEC70] =	vst v0;
	s8 =	smov.u32 s7;
	s7 =	sadd.s32 $0x100, s7  }
.Ltmp0:
0x17: {  	[tilespmem:s6+$0xEC60] =	vst v0;
	(pc) =	sbr.rel @p0 .LBB2_2-.Ltmp0, $3  }
0x18: {  	[tilespmem:s6+$0xEC40] =	vst v0  }
0x19: {  	[tilespmem:s6+$0xEC50] =	vst v0;
	_ =	sdelay $0x1  }
0x1a: {  	s6 =	sshra.s32 s8, $0x2  }
0x1b: {  	[tilespmem:s6+$0xEC70] =	vst v0  }
0x1c: {  	[tilespmem:s6+$0xEC60] =	vst v0  }
0x1d: {  	[tilespmem:s6+$0xEC40] =	vst v0  }
0x1e: {  	[tilespmem:s6+$0xEC50] =	vst v0  }
0x1f: {  	[spmem:s5] =	stream.linear.scatter [tilespmem:s14], [sflag:$0xB], $0x2000, $0x38;
	[tilespmem:$0x1AC40] =	vst v63  }
0x20: {  	_ =	swait.ge [sflag:s15], $0x2000  }
0x21: {  	[sflag:s15] =	ssyncset.done $0x0  }
0x22: {  	[sflag:s15] =	ssyncadd.s32 $0xFFFFE000  }
0x23: {  	[spmem:s10] =	stream.linear.scatter [tilespmem:s14], [sflag:$0xB], $0x2000, $0x38;
	[tilespmem:$0x1AC40] =	vst v63  }
0x24: {  	_ =	swait.ge [sflag:s15], $0x2000  }
0x25: {  	[sflag:s15] =	ssyncset.done $0x0  }
0x26: {  	[sflag:s15] =	ssyncadd.s32 $0xFFFFE000  }
0x27: {  	[spmem:s11] =	stream.linear.scatter [tilespmem:s14], [sflag:$0xB], $0x2000, $0x38;
	[tilespmem:$0x1AC40] =	vst v63  }
0x28: {  	_ =	swait.ge [sflag:s15], $0x2000  }
0x29: {  	[sflag:s15] =	ssyncset.done $0x0  }
0x2a: {  	[sflag:s15] =	ssyncadd.s32 $0xFFFFE000  }
0x2b: {  	[spmem:s12] =	stream.linear.scatter [tilespmem:s14], [sflag:$0xB], $0x2000, $0x38;
	[tilespmem:$0x1AC40] =	vst v63  }
0x2c: {  	_ =	swait.ge [sflag:s15], $0x2000  }
0x2d: {  	[sflag:s15] =	ssyncset.done $0x0  }
0x2e: {  	[sflag:s15] =	ssyncadd.s32 $0xFFFFE000  }
0x2f: {  	[spmem:s13] =	stream.linear.scatter [tilespmem:s14], [sflag:$0xB], $0x2000, $0x38;
	[tilespmem:$0x1AC40] =	vst v63  }
0x30: {  	_ =	swait.ge [sflag:s15], $0x2000  }
0x31: {  	[sflag:s15] =	ssyncset.done $0x0  }
0x32: {  	s6 =	simm.s32 $0x0;
	s7 =	rddreg [dreg:$0x4];
	[sflag:s15] =	ssyncadd.s32 $0xFFFFE000  }
0x33: {  	[tilespmem:s6], [sflag:$0xB] =	stream.linear.gather [hbm4b:s7+s6], $0x2800, $0x38;
	[tilespmem:$0x1AC40] =	vst v63  }
0x34: {  	_ =	swait.ge [sflag:s15], $0x2800  }
0x35: {  	[sflag:s15] =	ssyncset.done $0x0  }
0x36: {  	s8 =	simm.s32 $0x2800;
	s7 =	rddreg [dreg:$0x5];
	[sflag:s15] =	ssyncadd.s32 $0xFFFFD800  }
0x37: {  	[tilespmem:s8], [sflag:$0xB] =	stream.linear.gather [hbm4b:s7+s6], $0x2800, $0x38;
	[tilespmem:$0x1AC40] =	vst v63  }
0x38: {  	_ =	swait.ge [sflag:s15], $0x2800  }
0x39: {  	[sflag:s15] =	ssyncset.done $0x0  }
0x3a: {  	[sflag:s15] =	ssyncadd.s32 $0xFFFFD800  }
0x3b: {  	[bflag:$0x0] =	sbarrier.arrive $0xFFFF  }
0x3c: {  	[tilespmem:s18], [sflag:$0x1] =	stream.indirect.gather [hbm4b:s1+s17], $0x40, s6, s17, $0xb8;
	[tilespmem:$0x1AC40] =	vst v63  }
0x3d: {  	s8 =	simm.s32 $0x80  }
0x3e: {  	[tilespmem:s20], [sflag:$0x2] =	stream.indirect.gather [hbm4b:s1+s17], $0x40, s8, s17, $0xb8;
	[tilespmem:$0x1AC40] =	vst v63  }
0x3f: {  	s7 =	simm.s32 $0x100  }
0x40: {  	[tilespmem:s22], [sflag:$0x3] =	stream.indirect.gather [hbm4b:s1+s17], $0x40, s7, s17, $0xb8;
	[tilespmem:$0x1AC40] =	vst v63  }
0x41: {  	s8 =	simm.s32 $0x180  }
0x42: {  	[tilespmem:s24], [sflag:$0x4] =	stream.indirect.gather [hbm4b:s1+s17], $0x40, s8, s17, $0xb8;
	[tilespmem:$0x1AC40] =	vst v63  }
0x43: {  	s7 =	simm.s32 $0x200  }
0x44: {  	[tilespmem:s28], [sflag:$0x5] =	stream.indirect.gather [hbm4b:s1+s17], $0x40, s7, s17, $0xb8;
	[tilespmem:$0x1AC40] =	vst v63  }
0x45: {  	_ =	swait.ge [sflag:s29], $0x1F40  }
0x46: {  	[sflag:s29] =	ssyncset.done $0x0  }
0x47: {  	s8 =	simm.s32 $0x2800;
	[sflag:s29] =	ssyncadd.s32 $0xFFFFE0C0  }
0x48: {  	[spmem:s3] =	stream.indirect.scatter.add.s16 [tilespmem:s18], [sflag:$0x6], $0x40, s8, s17, $0xb8;
	[tilespmem:$0x1AC40] =	vst v63  }
0x49: {  	_ =	swait.ge [sflag:s30], $0x1F40  }
0x4a: {  	[sflag:s30] =	ssyncset.done $0x0  }
0x4b: {  	s7 =	simm.s32 $0x2880;
	[sflag:s30] =	ssyncadd.s32 $0xFFFFE0C0  }
0x4c: {  	[spmem:s3] =	stream.indirect.scatter.add.s16 [tilespmem:s20], [sflag:$0x7], $0x40, s7, s17, $0xb8;
	[tilespmem:$0x1AC40] =	vst v63  }
0x4d: {  	_ =	swait.ge [sflag:s31], $0x1F40  }
0x4e: {  	[sflag:s31] =	ssyncset.done $0x0  }
0x4f: {  	s8 =	simm.s32 $0x2900;
	[sflag:s31] =	ssyncadd.s32 $0xFFFFE0C0  }
0x50: {  	[spmem:s3] =	stream.indirect.scatter.add.s16 [tilespmem:s22], [sflag:$0x8], $0x40, s8, s17, $0xb8;
	[tilespmem:$0x1AC40] =	vst v63  }
0x51: {  	_ =	swait.ge [sflag:s2], $0x1F40  }
0x52: {  	[sflag:s2] =	ssyncset.done $0x0  }
0x53: {  	s7 =	simm.s32 $0x2980;
	[sflag:s2] =	ssyncadd.s32 $0xFFFFE0C0  }
0x54: {  	[spmem:s3] =	stream.indirect.scatter.add.s16 [tilespmem:s24], [sflag:$0x9], $0x40, s7, s17, $0xb8;
	[tilespmem:$0x1AC40] =	vst v63  }
0x55: {  	_ =	swait.ge [sflag:s0], $0x1F40  }
0x56: {  	[sflag:s0] =	ssyncset.done $0x0  }
0x57: {  	s8 =	simm.s32 $0x2A00;
	[sflag:s0] =	ssyncadd.s32 $0xFFFFE0C0  }
0x58: {  	[spmem:s3] =	stream.indirect.scatter.add.s16 [tilespmem:s28], [sflag:$0xA], $0x40, s8, s17, $0xb8;
	[tilespmem:$0x1AC40] =	vst v63  }
0x59: {  	_ =	swait.ge [sflag:s16], $0x1F40  }
0x5a: {  	[sflag:s16] =	ssyncset.done $0x0  }
0x5b: {  	s7 =	simm.s32 $0x280;
	[sflag:s16] =	ssyncadd.s32 $0xFFFFE0C0  }
0x5c: {  	[tilespmem:s18], [sflag:$0x1] =	stream.indirect.gather [hbm4b:s1+s17], $0x40, s7, s17, $0xb8;
	[tilespmem:$0x1AC40] =	vst v63  }
0x5d: {  	_ =	swait.ge [sflag:s19], $0x1F40  }
0x5e: {  	[sflag:s19] =	ssyncset.done $0x0  }
0x5f: {  	s8 =	simm.s32 $0x300;
	[sflag:s19] =	ssyncadd.s32 $0xFFFFE0C0  }
0x60: {  	[tilespmem:s20], [sflag:$0x2] =	stream.indirect.gather [hbm4b:s1+s17], $0x40, s8, s17, $0xb8;
	[tilespmem:$0x1AC40] =	vst v63  }
0x61: {  	_ =	swait.ge [sflag:s21], $0x1F40  }
0x62: {  	[sflag:s21] =	ssyncset.done $0x0  }
0x63: {  	s7 =	simm.s32 $0x380;
	[sflag:s21] =	ssyncadd.s32 $0xFFFFE0C0  }
0x64: {  	[tilespmem:s22], [sflag:$0x3] =	stream.indirect.gather [hbm4b:s1+s17], $0x40, s7, s17, $0xb8;
	[tilespmem:$0x1AC40] =	vst v63  }
0x65: {  	_ =	swait.ge [sflag:s23], $0x1F40  }
0x66: {  	[sflag:s23] =	ssyncset.done $0x0  }
0x67: {  	s8 =	simm.s32 $0x400;
	[sflag:s23] =	ssyncadd.s32 $0xFFFFE0C0  }
0x68: {  	[tilespmem:s24], [sflag:$0x4] =	stream.indirect.gather [hbm4b:s1+s17], $0x40, s8, s17, $0xb8;
	[tilespmem:$0x1AC40] =	vst v63  }
0x69: {  	_ =	swait.ge [sflag:s26], $0x1F40  }
0x6a: {  	[sflag:s26] =	ssyncset.done $0x0  }
0x6b: {  	s6 =	simm.s32 $0xA00;
	s7 =	simm.s32 $0x480;
	[sflag:s26] =	ssyncadd.s32 $0xFFFFE0C0  }
.LBB2_4:
0x6c: {  	[tilespmem:s28], [sflag:$0x5] =	stream.indirect.gather [hbm4b:s1+s17], $0x40, s7, s17, $0xb8;
	[tilespmem:$0x1AC40] =	vst v63  }
0x6d: {  	s7 =	smov.u32 s6  }
0x6e: {  	p0 =	sne.s32 s6, $0x8C00;
	s6 =	sadd.s32 $0xA00, s6;
	_ =	swait.ge [sflag:s29], $0x1F40  }
0x6f: {  	s7 =	sshra.s32 s7, $0x2;
	[sflag:s29] =	ssyncset.done $0x0  }
0x70: {  	s8 =	sadd.s32 $0x2800, s7;
	[sflag:s29] =	ssyncadd.s32 $0xFFFFE0C0  }
0x71: {  	[spmem:s3] =	stream.indirect.scatter.add.s16 [tilespmem:s18], [sflag:$0x6], $0x40, s8, s17, $0xb8;
	[tilespmem:$0x1AC40] =	vst v63  }
0x72: {  	_ =	swait.ge [sflag:s30], $0x1F40  }
0x73: {  	[sflag:s30] =	ssyncset.done $0x0  }
0x74: {  	s8 =	sadd.s32 $0x2880, s7;
	[sflag:s30] =	ssyncadd.s32 $0xFFFFE0C0  }
0x75: {  	[spmem:s3] =	stream.indirect.scatter.add.s16 [tilespmem:s20], [sflag:$0x7], $0x40, s8, s17, $0xb8;
	[tilespmem:$0x1AC40] =	vst v63  }
0x76: {  	_ =	swait.ge [sflag:s31], $0x1F40  }
0x77: {  	[sflag:s31] =	ssyncset.done $0x0  }
0x78: {  	s8 =	sadd.s32 $0x2900, s7;
	[sflag:s31] =	ssyncadd.s32 $0xFFFFE0C0  }
0x79: {  	[spmem:s3] =	stream.indirect.scatter.add.s16 [tilespmem:s22], [sflag:$0x8], $0x40, s8, s17, $0xb8;
	[tilespmem:$0x1AC40] =	vst v63  }
0x7a: {  	_ =	swait.ge [sflag:s2], $0x1F40  }
0x7b: {  	[sflag:s2] =	ssyncset.done $0x0  }
0x7c: {  	s8 =	sadd.s32 $0x2980, s7;
	[sflag:s2] =	ssyncadd.s32 $0xFFFFE0C0  }
0x7d: {  	[spmem:s3] =	stream.indirect.scatter.add.s16 [tilespmem:s24], [sflag:$0x9], $0x40, s8, s17, $0xb8;
	[tilespmem:$0x1AC40] =	vst v63  }
0x7e: {  	_ =	swait.ge [sflag:s0], $0x1F40  }
0x7f: {  	[sflag:s0] =	ssyncset.done $0x0  }
0x80: {  	s8 =	sadd.s32 $0x2A00, s7;
	[sflag:s0] =	ssyncadd.s32 $0xFFFFE0C0  }
0x81: {  	[spmem:s3] =	stream.indirect.scatter.add.s16 [tilespmem:s28], [sflag:$0xA], $0x40, s8, s17, $0xb8;
	[tilespmem:$0x1AC40] =	vst v63  }
0x82: {  	_ =	swait.ge [sflag:s16], $0x1F40  }
0x83: {  	[sflag:s16] =	ssyncset.done $0x0  }
0x84: {  	s8 =	sadd.s32 $0x280, s7;
	[sflag:s16] =	ssyncadd.s32 $0xFFFFE0C0  }
0x85: {  	[tilespmem:s18], [sflag:$0x1] =	stream.indirect.gather [hbm4b:s1+s17], $0x40, s8, s17, $0xb8;
	[tilespmem:$0x1AC40] =	vst v63  }
0x86: {  	_ =	swait.ge [sflag:s19], $0x1F40  }
0x87: {  	[sflag:s19] =	ssyncset.done $0x0  }
0x88: {  	s8 =	sadd.s32 $0x300, s7;
	[sflag:s19] =	ssyncadd.s32 $0xFFFFE0C0  }
0x89: {  	[tilespmem:s20], [sflag:$0x2] =	stream.indirect.gather [hbm4b:s1+s17], $0x40, s8, s17, $0xb8;
	[tilespmem:$0x1AC40] =	vst v63  }
0x8a: {  	_ =	swait.ge [sflag:s21], $0x1F40  }
0x8b: {  	[sflag:s21] =	ssyncset.done $0x0  }
0x8c: {  	s8 =	sadd.s32 $0x380, s7;
	[sflag:s21] =	ssyncadd.s32 $0xFFFFE0C0  }
0x8d: {  	[tilespmem:s22], [sflag:$0x3] =	stream.indirect.gather [hbm4b:s1+s17], $0x40, s8, s17, $0xb8;
	[tilespmem:$0x1AC40] =	vst v63  }
0x8e: {  	_ =	swait.ge [sflag:s23], $0x1F40  }
0x8f: {  	[sflag:s23] =	ssyncset.done $0x0  }
.Ltmp1:
0x90: {  	s8 =	sadd.s32 $0x400, s7;
	[sflag:s23] =	ssyncadd.s32 $0xFFFFE0C0;
	(pc) =	sbr.rel @p0 .LBB2_4-.Ltmp1, $4  }
0x91: {  	[tilespmem:s24], [sflag:$0x4] =	stream.indirect.gather [hbm4b:s1+s17], $0x40, s8, s17, $0xb8;
	[tilespmem:$0x1AC40] =	vst v63  }
0x92: {  	_ =	swait.ge [sflag:s26], $0x1F40  }
0x93: {  	[sflag:s26] =	ssyncset.done $0x0  }
0x94: {  	s7 =	sadd.s32 $0x480, s7;
	[sflag:s26] =	ssyncadd.s32 $0xFFFFE0C0  }
0x95: {  	[tilespmem:s28], [sflag:$0x5] =	stream.indirect.gather [hbm4b:s1+s17], $0x40, s7, s17, $0xb8;
	[tilespmem:$0x1AC40] =	vst v63  }
0x96: {  	_ =	swait.ge [sflag:s29], $0x1F40  }
0x97: {  	[sflag:s29] =	ssyncset.done $0x0  }
0x98: {  	s6 =	simm.s32 $0x4D80;
	[sflag:s29] =	ssyncadd.s32 $0xFFFFE0C0  }
0x99: {  	[spmem:s3] =	stream.indirect.scatter.add.s16 [tilespmem:s18], [sflag:$0x6], $0x40, s6, s17, $0xb8;
	[tilespmem:$0x1AC40] =	vst v63  }
0x9a: {  	_ =	swait.ge [sflag:s30], $0x1F40  }
0x9b: {  	[sflag:s30] =	ssyncset.done $0x0  }
0x9c: {  	s7 =	simm.s32 $0x4E00;
	[sflag:s30] =	ssyncadd.s32 $0xFFFFE0C0  }
0x9d: {  	[spmem:s3] =	stream.indirect.scatter.add.s16 [tilespmem:s20], [sflag:$0x7], $0x40, s7, s17, $0xb8;
	[tilespmem:$0x1AC40] =	vst v63  }
0x9e: {  	_ =	swait.ge [sflag:s31], $0x1F40  }
0x9f: {  	[sflag:s31] =	ssyncset.done $0x0  }
0xa0: {  	s8 =	simm.s32 $0x4E80;
	[sflag:s31] =	ssyncadd.s32 $0xFFFFE0C0  }
0xa1: {  	[spmem:s3] =	stream.indirect.scatter.add.s16 [tilespmem:s22], [sflag:$0x8], $0x40, s8, s17, $0xb8;
	[tilespmem:$0x1AC40] =	vst v63  }
0xa2: {  	_ =	swait.ge [sflag:s2], $0x1F40  }
0xa3: {  	[sflag:s2] =	ssyncset.done $0x0  }
0xa4: {  	s7 =	simm.s32 $0x4F00;
	[sflag:s2] =	ssyncadd.s32 $0xFFFFE0C0  }
0xa5: {  	[spmem:s3] =	stream.indirect.scatter.add.s16 [tilespmem:s24], [sflag:$0x9], $0x40, s7, s17, $0xb8;
	[tilespmem:$0x1AC40] =	vst v63  }
0xa6: {  	_ =	swait.ge [sflag:s0], $0x1F40  }
0xa7: {  	[sflag:s0] =	ssyncset.done $0x0  }
0xa8: {  	s8 =	simm.s32 $0x4F80;
	[sflag:s0] =	ssyncadd.s32 $0xFFFFE0C0  }
0xa9: {  	[spmem:s3] =	stream.indirect.scatter.add.s16 [tilespmem:s28], [sflag:$0xA], $0x40, s8, s17, $0xb8;
	[tilespmem:$0x1AC40] =	vst v63  }
0xaa: {  	_ =	swait.ge [sflag:s16], $0x1F40  }
0xab: {  	[sflag:s16] =	ssyncset.done $0x0  }
0xac: {  	[sflag:s16] =	ssyncadd.s32 $0xFFFFE0C0  }
0xad: {  	_ =	swait.ge [sflag:s19], $0x1F40  }
0xae: {  	[sflag:s19] =	ssyncset.done $0x0  }
0xaf: {  	[sflag:s19] =	ssyncadd.s32 $0xFFFFE0C0  }
0xb0: {  	_ =	swait.ge [sflag:s21], $0x1F40  }
0xb1: {  	[sflag:s21] =	ssyncset.done $0x0  }
0xb2: {  	[sflag:s21] =	ssyncadd.s32 $0xFFFFE0C0  }
0xb3: {  	_ =	swait.ge [sflag:s23], $0x1F40  }
0xb4: {  	[sflag:s23] =	ssyncset.done $0x0  }
0xb5: {  	[sflag:s23] =	ssyncadd.s32 $0xFFFFE0C0  }
0xb6: {  	_ =	swait.ge [sflag:s26], $0x1F40  }
0xb7: {  	[sflag:s26] =	ssyncset.done $0x0  }
0xb8: {  	s4 =	sadd.s32 $0x1, s4;
	s7 =	stileid.u32;
	[sflag:s26] =	ssyncadd.s32 $0xFFFFE0C0  }
0xb9: {  	p0 =	sne.s32 s4, s9;
	s6 =	sshll.u32 s7, $0x6;
	[bflag:$0x0] =	sbarrier.arrive $0xFFFF  }
.Ltmp2:
0xba: {  	s6 =	sor.u32 $0x1C0B, s6;
	s8 =	rddreg [dreg:$0x6];
	(pc) =	sbr.rel @p0 .LBB2_1-.Ltmp2, $4  }
0xbb: {  	[hbm:s8], [sflag:s6] =	dma.local [spmem:s25], $0x1400  }
0xbc: {  	_ =	swait.ge [sflag:s15], $0x1400  }
0xbd: {  	[sflag:s15] =	ssyncset.done $0x0  }
0xbe: {  	[sflag:s15] =	ssyncadd.s32 $0xFFFFEC00  }
0xbf: {  	_ =	sfence.sel $0x180000  }
0xc0: {  	[bflag:$0x0] =	sbarrier.arrive $0xFFFF  }
0xc1: {  	_ =	strace $0x9000004D  }
0xc2: {  	s0 =	stileid.u32;
	[bflag:$0x2] =	sbarrier.arrive $0xFFFF  }
0xc3: {  	p0 =	sne.s32 s0, $0x0;
	s0 =	rddreg [dreg:$0x3]  }
0xc4: {  	s0 =	sadd.s32 @!p0 $0x100000, s0  }
0xc5: {  	[sflag:s0] =	ssyncadd.tile.s32 @!p0 $0x1;
	_ =	shalt  }
.Lfunc_end2:
_tile_overlayer_lowered:
.L_overlay_start_2:
0xc6: {  	(tag) =	ssettag $0x2  }
0xc7: {  	s0 =	rddreg [dreg:$0x0];
	s2 =	stileid.u32  }
0xc8: {  	s1 =	rddreg [dreg:$0x1];
	p0 =	sne.s32 s2, $0x0  }
0xc9: {  	s3 =	rddreg [dreg:$0x2];
	[bflag:$0x3] =	sbarrier.arrive $0xFFFF;
	s2 =	simm.s32 @!p0 $0x1C0B  }
0xca: {  	[timem:s3], [sflag:s2] =	dma.local @!p0 [hbm:s0], s1  }
0xcb: {  	s0 =	simm.s32 @!p0 $0xB  }
0xcc: {  	_ =	swait.ge @!p0 [sflag:s0], s1  }
0xcd: {  	s1 =	ssub.s32 @!p0 $0x0, s1;
	[sflag:s0] =	ssyncset.done @!p0 $0x0  }
0xce: {  	[sflag:s0] =	ssyncadd.s32 @!p0 s1  }
0xcf: {  	[bflag:$0x3] =	sbarrier.arrive $0xFFFF  }
0xd0: {  	_ =	shalt  }

// kernel: kernel.23.cloned.1.call-start
scs
__scs_entry_jumppad:
0x0: {  	(pc) =	sbr.rel $0x88, $3  }
0x1: {  	(tag) =	ssettag $0x0;
	lr =	simm.s32 $0x1  }
0x2: {  	[smem:$0x3F99] =	sst lr;
	_ =	strace $0xD0000000  }
0x3: {  	_ = 	snop  }
0x4: {  	_ = 	snop  }
0x5: {  	_ = 	snop  }
0x6: {  	_ = 	snop  }
0x7: {  	_ = 	snop  }
__scs_overlays_trampoline_lowered:
0x8: {  	[smem:$0x3FA8] =	sst s0  }
0x9: {  	[smem:$0x3FA9] =	sst s1  }
0xa: {  	[smem:$0x3FAA] =	sst s2  }
0xb: {  	[smem:$0x3FAB] =	sst s3  }
0xc: {  	[smem:$0x3FAC] =	sst s4  }
0xd: {  	[smem:$0x3FAD] =	sst s5  }
0xe: {  	[smem:$0x3FAE] =	sst s6  }
0xf: {  	[smem:$0x3FAF] =	sst s7  }
0x10: {  	[smem:$0x3FB0] =	sst s8  }
0x11: {  	[smem:$0x3FB1] =	sst s9;
	s0 =	simm.s32 @!p0 $0x0  }
0x12: {  	s1 =	sld [smem:$0x3F97];
	s0 =	simm.s32 @p0 $0x1  }
0x13: {  	[smem:$0x3FB2] =	sst s0;
	s0 =	simm.s32 @!p1 $0x0  }
0x14: {  	s2 =	sld [smem:$0x3F96];
	s0 =	simm.s32 @p1 $0x1  }
0x15: {  	[smem:$0x3FB3] =	sst s0;
	s0 =	simm.s32 @!p2 $0x0  }
0x16: {  	s3 =	sld [smem:$0x3FDB];
	s0 =	simm.s32 @p2 $0x1  }
0x17: {  	s4 =	simm.s32 $0x1BF5;
	[smem:$0x3FB5] =	sst s0  }
0x18: {  	s0 =	sld [smem:$0x3F98];
	_ =	swait.ge [sflag:s4], $0x0  }
0x19: {  	s7 =	sld [smem:$0x3F99]  }
0x1a: {  	s8 =	sadd.s32 $0xFFFFE003, lr  }
0x1b: {  	s9 =	sadd.s32 $0xFFFFFEF7, lr;
	s5 =	simm.s32 $0xFFFFFFFF;
	p2 =	slt.u32 s8, $0xFFFFF086  }
0x1c: {  	p1 =	slt.u32 s9, $0xF7A;
	s5 =	simm.s32 @!p2 $0x0  }
0x1d: {  	s5 =	simm.s32 @p1 $0x1;
	p0 =	seq.s32 s7, s2  }
0x1e: {  	s7 =	smul.u32 @!p0 $0xF7A, s2;
	p2 =	seq.s32 @!p0 s5, $0x0  }
0x1f: {  	s9 =	smul.u32 $0xF7A, s1;
	s8 =	simm.s32 @!p0 $0x1BF5;
	p2 =	por !p2, p0  }
0x20: {  	[sflag:s8] =	ssyncset.s32 @!p0 $0xFFFFF086;
	s6 =	sadd.s32 @!p0 s3, s7;
	s7 =	simm.s32 @!p0 $0x108  }
0x21: {  	s3 =	sadd.s32 s3, s9;
	s6 =	sadd.s32 @!p0 $0x88, s6;
	s7 =	simm.s32 @p2 $0x1082  }
0x22: {  	[simem:s7], [sflag:s8] =	dma.local @!p0 [hbm:s6], $0xF7A  }
0x23: {  	s9 =	sor.u32 $0xD0000000, s2;
	s6 =	simm.s32 $0x108;
	_ =	swait.ge @!p0 [sflag:s8], $0x0  }
0x24: {  	s3 =	sadd.s32 $0x88, s3;
	s6 =	simm.s32 @!p1 $0x1082;
	[sflag:s4] =	ssyncset.s32 $0xFFFFF086  }
0x25: {  	[simem:s6], [sflag:s4] =	dma.local [hbm:s3], $0xF7A  }
0x26: {  	[smem:$0x3F99] =	sst s1;
	(tag) =	ssettag s2;
	_ =	strace s9  }
0x27: {  	s1 =	sld [smem:$0x3FA9]  }
0x28: {  	s2 =	sld [smem:$0x3FAA]  }
0x29: {  	s4 =	sld [smem:$0x3FAC]  }
0x2a: {  	p0 =	seq.s32 s5, $0x0;
	s5 =	sld [smem:$0x3FAD]  }
0x2b: {  	s6 =	sld [smem:$0x3FAE]  }
0x2c: {  	s7 =	sld [smem:$0x3FAF]  }
0x2d: {  	s3 =	simm.s32 $0x108;
	s8 =	sld [smem:$0x3FB0]  }
0x2e: {  	s3 =	simm.s32 @!p0 $0x1082;
	s9 =	sld [smem:$0x3FB1]  }
0x2f: {  	lr =	sadd.s32 s0, s3;
	s0 =	sld [smem:$0x3FA8]  }
0x30: {  	s3 =	sld [smem:$0x3FAB]  }
0x31: {  	[smem:$0x3FB4] =	sst s10  }
0x32: {  	s10 =	sld [smem:$0x3FB2];
	_ =	sdelay $0x3  }
0x33: {  	p0 =	seq.s32 s10, $0x1;
	s10 =	sld [smem:$0x3FB4];
	_ =	sdelay $0x3  }
0x34: {  	[smem:$0x3FB4] =	sst s10  }
0x35: {  	s10 =	sld [smem:$0x3FB3];
	_ =	sdelay $0x3  }
0x36: {  	p1 =	seq.s32 s10, $0x1;
	s10 =	sld [smem:$0x3FB4];
	_ =	sdelay $0x3  }
0x37: {  	[smem:$0x3FB4] =	sst s10  }
0x38: {  	s10 =	sld [smem:$0x3FB5]  }
0x39: {  	_ = 	snop;
	(pc) =	sbr.ind lr, $3  }
0x3a: {  	_ = 	snop  }
0x3b: {  	_ = 	snop  }
0x3c: {  	p2 =	seq.s32 s10, $0x1;
	s10 =	sld [smem:$0x3FB4]  }
0x3d: {  	_ =	shalt  }
0x3e: {  	_ =	shalt  }
0x3f: {  	_ =	shalt  }
0x40: {  	_ =	shalt  }
0x41: {  	_ =	shalt  }
0x42: {  	_ =	shalt  }
0x43: {  	_ =	shalt  }
0x44: {  	_ =	shalt  }
0x45: {  	_ =	shalt  }
0x46: {  	_ =	shalt  }
0x47: {  	_ =	shalt  }
0x48: {  	_ =	shalt  }
0x49: {  	_ =	shalt  }
0x4a: {  	_ =	shalt  }
0x4b: {  	_ =	shalt  }
0x4c: {  	_ =	shalt  }
0x4d: {  	_ =	shalt  }
0x4e: {  	_ =	shalt  }
0x4f: {  	_ =	shalt  }
0x50: {  	_ =	shalt  }
0x51: {  	_ =	shalt  }
0x52: {  	_ =	shalt  }
0x53: {  	_ =	shalt  }
0x54: {  	_ =	shalt  }
0x55: {  	_ =	shalt  }
0x56: {  	_ =	shalt  }
0x57: {  	_ =	shalt  }
0x58: {  	_ =	shalt  }
0x59: {  	_ =	shalt  }
0x5a: {  	_ =	shalt  }
0x5b: {  	_ =	shalt  }
0x5c: {  	_ =	shalt  }
0x5d: {  	_ =	shalt  }
0x5e: {  	_ =	shalt  }
0x5f: {  	_ =	shalt  }
0x60: {  	_ =	shalt  }
0x61: {  	_ =	shalt  }
0x62: {  	_ =	shalt  }
0x63: {  	_ =	shalt  }
0x64: {  	_ =	shalt  }
0x65: {  	_ =	shalt  }
0x66: {  	_ =	shalt  }
0x67: {  	_ =	shalt  }
0x68: {  	_ =	shalt  }
0x69: {  	_ =	shalt  }
0x6a: {  	_ =	shalt  }
0x6b: {  	_ =	shalt  }
0x6c: {  	_ =	shalt  }
0x6d: {  	_ =	shalt  }
0x6e: {  	_ =	shalt  }
0x6f: {  	_ =	shalt  }
0x70: {  	_ =	shalt  }
0x71: {  	_ =	shalt  }
0x72: {  	_ =	shalt  }
0x73: {  	_ =	shalt  }
0x74: {  	_ =	shalt  }
0x75: {  	_ =	shalt  }
0x76: {  	_ =	shalt  }
0x77: {  	_ =	shalt  }
0x78: {  	_ =	shalt  }
0x79: {  	_ =	shalt  }
0x7a: {  	_ =	shalt  }
0x7b: {  	_ =	shalt  }
0x7c: {  	_ =	shalt  }
0x7d: {  	_ =	shalt  }
0x7e: {  	_ =	shalt  }
0x7f: {  	_ =	shalt  }
0x80: {  	_ =	shalt  }
0x81: {  	_ =	shalt  }
0x82: {  	_ =	shalt  }
0x83: {  	_ =	shalt  }
0x84: {  	_ =	shalt  }
0x85: {  	_ =	shalt  }
0x86: {  	_ =	shalt  }
0x87: {  	_ =	shalt  }
.Lfunc_end0:
.L_simem_size_0:
called_computation.4_lowered:
.L_overlay_start_0:
0x88: {  	s2 =	sld [smem:$0x3FD9]  }
0x89: {  	s3 =	sld [smem:$0x3FFE];
	_ =	sdelay $0x1  }
0x8a: {  	s1 =	srdreg.scid  }
0x8b: {  	s0 =	sand.u32 $0x1, s1  }
0x8c: {  	s15 =	sshll.u32 s0, $0xA;
	s2 =	sadd.s32 s3, s2  }
0x8d: {  	s2 =	sadd.s32 s2, s15  }
0x8e: {  	[smem:$0x3FC0] =	sst s2  }
0x8f: {  	_ = 	snop  }
0x90: {  	s2 =	sld [smem:$0x3FD0];
	_ =	sdelay $0x2  }
0x91: {  	s16 =	simm.s32 $0xB;
	s4 =	simm.s32 $0x10  }
0x92: {  	[smem:s4], [sflag:s16] =	dma.local [hbm:s2], $0x1  }
0x93: {  	_ =	swait.eq [sflag:s16], $0x1  }
0x94: {  	[sflag:s16] =	ssyncset.done $0x0  }
0x95: {  	[sflag:s16] =	ssyncadd.s32 $0xFFFFFFFF  }
0x96: {  	s17 =	sld [smem:$0x13];
	(tm) =	ssettm $0x1  }
0x97: {  	s18 =	sld [smem:$0x3FFB];
	_ =	sdelay $0x3  }
0x98: {  	_ =	strace s18  }
0x99: {  	s2 =	sld [smem:$0x3FFC];
	_ =	sdelay $0x3  }
0x9a: {  	_ =	strace s2  }
0x9b: {  	s2 =	sld [smem:$0x3FFD];
	_ =	sdelay $0x3  }
0x9c: {  	_ =	strace s2  }
0x9d: {  	_ =	strace $0x8FFFFFFF  }
0x9e: {  	s19 =	sld [smem:$0x3FDB];
	_ =	sdelay $0x1  }
0x9f: {  	s20 =	simm.s32 $_scs_section_size  }
0xa0: {  	s5 =	simm.s32 $_size__tile_overlayer_lowered;
	s6 =	simm.s32 $_tile_overlayer_lowered  }
0xa1: {  	s7 =	simm.s32 $0x1BFF;
	s21 =	sshll.u32 s6, $0x1;
	s4 =	sadd.s32 s20, s19  }
0xa2: {  	s22 =	simm.s32 $0x0;
	s5 =	sshll.u32 s5, $0x1;
	s6 =	sadd.s32 s21, s4  }
0xa3: {  	[timem:s22], [sflag:s7] =	dma.local [hbm:s6], s5  }
0xa4: {  	_ =	swait.ge [sflag:s7], s5  }
0xa5: {  	s5 =	ssub.s32 $0x0, s5;
	[sflag:s7] =	ssyncset.done $0x0  }
0xa6: {  	[sflag:s7] =	ssyncadd.s32 s5;
	_ =	sdelay $0x1  }
0xa7: {  	s23 =	simm.s32 $0x1B8B  }
0xa8: {  	_ =	swait.ge [sflag:s23], $0x1  }
0xa9: {  	[sflag:s23] =	ssyncset.done $0x0  }
0xaa: {  	[sflag:s23] =	ssyncadd.s32 $0xFFFFFFFF  }
0xab: {  	s5 =	sld [smem:$0x0]  }
0xac: {  	s6 =	sand.u32 $0xFFFFFFFE, s1  }
0xad: {  	p0 =	sne.s32 s1, s6  }
0xae: {  	s6 =	sshll.u32 @p0 s6, $0xE  }
0xaf: {  	s6 =	sadd.s32 @p0 $0x11B8D, s6;
	s7 =	sshll.u32 @p0 s5, $0x11  }
0xb0: {  	s6 =	sor.u32 @p0 s7, s6  }
0xb1: {  	[sflag:s6] =	ssyncadd.remote.s32 @p0 $0x1;
	_ =	sdelay $0x1  }
0xb2: {  	s6 =	simm.s32 @p0 $0x1B8D  }
0xb3: {  	_ =	swait.eq @p0 [sflag:s6], $0x1  }
0xb4: {  	[sflag:s6] =	ssyncadd.s32 @p0 $0xFFFFFFFF  }
0xb5: {  	s7 =	sshll.u32 @!p0 s1, $0xE  }
0xb6: {  	s7 =	sor.u32 @!p0 $0x4000, s7;
	s6 =	simm.s32 @!p0 $0x1B8D  }
0xb7: {  	s5 =	sshll.u32 @!p0 s5, $0x11;
	s7 =	sadd.s32 @!p0 $0x11B8D, s7;
	_ =	swait.eq @!p0 [sflag:s6], $0x1  }
0xb8: {  	s5 =	sor.u32 @!p0 s5, s7;
	[sflag:s6] =	ssyncadd.s32 @!p0 $0xFFFFFFFF  }
0xb9: {  	s25 =	simm.s32 $0x1B8E;
	s24 =	sld [smem:$0x3FFE];
	[sflag:s5] =	ssyncadd.remote.s32 @!p0 $0x1  }
0xba: {  	s26 =	simm.s32 $execute0_lowered;
	[smem:$0x3FD2] =	sst s25  }
0xbb: {  	s6 =	sshll.u32 s26, $0x1;
	_ =	strace $0x80000052;
	[dreg:$0x1] =	wrdreg $0xFFFFFFFF  }
0xbc: {  	s28 =	simm.s32 $_size_execute0_lowered;
	s4 =	sadd.s32 s4, s6;
	[dreg:$0x0] =	wrdreg $0x0  }
0xbd: {  	s6 =	sshll.u32 s28, $0x1;
	[dreg:$0x2] =	wrdreg s4  }
0xbe: {  	[dreg:$0x3] =	wrdreg s6  }
0xbf: {  	[dreg:$0x4] =	wrdreg $0xC0  }
0xc0: {  	_ =	task [dreg:s22], $0x5FFFF  }
0xc1: {  	[dreg:$0x1] =	wrdreg $0xFFFFFFFF  }
0xc2: {  	[dreg:$0x0] =	wrdreg $0x60  }
0xc3: {  	[dreg:$0x2] =	wrdreg s17  }
0xc4: {  	[dreg:$0x3] =	wrdreg s24  }
0xc5: {  	[dreg:$0x4] =	wrdreg $0xAE200  }
0xc6: {  	[dreg:$0x5] =	wrdreg $0xA  }
0xc7: {  	_ =	task.clear_ibuf [dreg:s22], $0x6FFFF;
	_ =	strace $0x90000052  }
0xc8: {  	s29 =	simm.s32 $0xA;
	_ =	strace $0x80000054  }
0xc9: {  	_ =	swait.ge [sflag:s29], $0x1  }
0xca: {  	[sflag:s29] =	ssyncadd.s32 $0xFFFFFFFF  }
0xcb: {  	_ =	strace $0x90000054  }
0xcc: {  	_ =	sfence  }
0xcd: {  	s30 =	sld [smem:$0x0];
	_ =	sdelay $0x2  }
0xce: {  	s31 =	sshll.u32 s1, $0xD;
	s1 =	sshrl.u32 s1, $0x2  }
0xcf: {  	s4 =	sand.u32 $0x4000, s31;
	s1 =	sadd.s32 s1, s30  }
0xd0: {  	s0 =	sor.u32 s4, s0;
	s1 =	sshll.u32 s1, $0x11  }
0xd1: {  	s0 =	sor.u32 s1, s0  }
0xd2: {  	s0 =	sadd.s32 $0x8F2B, s0  }
0xd3: {  	[sflag:s0] =	ssyncadd.remote.s32 $0x1  }
0xd4: {  	_ =	sfence.sel $0xFFFF  }
0xd5: {  	[dreg:$0x0] =	wrdreg $0xFFFFFFFF;
	(pc) =	sbr.abs _section_cstart, $3  }
0xd6: {  	[dreg:$0x1] =	wrdreg $0xFFFFFFFF  }
0xd7: {  	_ =	task.clear_ibuf [dreg:s22], $0x2FFFF;
	_ =	strace $0x9FFFFFFF  }
0xd8: {  	(tm) =	ssettm $0x7FFFFFFF  }
0xd9: {  	_ =	shalt  }
tec
execute0_lowered:
.L_overlay_start_1:
0x0: {  	(tag) =	ssettag $0x1  }
0x1: {  	s1 =	rddreg [dreg:$0x0]  }
0x2: {  	s0 =	srdreg.scid;
	s2 =	rddreg [dreg:$0x1]  }
0x3: {  	s8 =	stileid.u32;
	s3 =	rddreg [dreg:$0x2];
	s4 =	simm.s32 $0x0  }
0x4: {  	s14 =	simm.s32 $0x9E20;
	s15 =	simm.s32 $0xB;
	s17 =	simm.s32 $0x7D  }
0x5: {  	s18 =	simm.s32 $0x5000;
	s20 =	simm.s32 $0x5FA0;
	s6 =	smul.u32 $0x50, s8  }
0x6: {  	s28 =	simm.s32 $0x8E80;
	s29 =	simm.s32 $0x1;
	s21 =	smul.u32 $0xA000, s8  }
0x7: {  	s30 =	simm.s32 $0x2;
	s0 =	sand.u32 $0x1, s0;
	s8 =	smul.u32 $0x14000, s8  }
0x8: {  	s31 =	simm.s32 $0x3;
	s16 =	simm.s32 $0x6;
	s5 =	smul.u32 $0x500, s0  }
0x9: {  	[smem:$0x7FF] =	sst s4;
	s7 =	smul.u32 $0xA0000, s0;
	s0 =	ssub.s32 $0x2, s0  }
0xa: {  	s19 =	simm.s32 $0x7;
	_ =	strace $0x80000053;
	s23 =	sshrl.u32 s0, $0x1  }
0xb: {  	s8 =	sshrl.u32 s8, $0x2;
	s5 =	sadd.s32 s6, s5;
	s22 =	sadd.s32 s21, s7  }
0xc: {  	s0 =	ssub.s32 s0, s23;
	s6 =	sshrl.u32 s21, $0x1;
	s21 =	simm.s32 $0x8  }
0xd: {  	s23 =	simm.s32 $0x9;
	s5 =	sshll.u32 s5, $0x4;
	s26 =	sadd.s32 s6, s3  }
0xe: {  	s9 =	sadd.s32 s5, s2;
	s5 =	sshrl.u32 s22, $0x4;
	s22 =	simm.s32 $0x6F40  }
0xf: {  	s2 =	sadd.s32 s5, s2;
	s5 =	sadd.s32 s8, s3;
	s24 =	sadd.s32 $0xC800, s9  }
0x10: {  	s25 =	sadd.s32 $0x2800, s9;
	s9 =	smax.u32 s0, $0x1;
	[dreg:$0x4] =	wrdreg s24  }
0x11: {  	s0 =	simm.s32 $0x5;
	[dreg:$0x5] =	wrdreg s25;
	s2 =	sadd.s32 $0x16800, s2  }
0x12: {  	s10 =	sadd.s32 $0x1000, s5;
	s11 =	sadd.s32 $0x2000, s5;
	s12 =	sadd.s32 $0x3000, s5  }
0x13: {  	s13 =	sadd.s32 $0x4000, s5;
	s24 =	simm.s32 $0x7EE0;
	s25 =	sshrl.u32 s26, $0x3  }
0x14: {  	v0 =	vimm.s32 $0x0;
	s26 =	simm.s32 $0xA;
	[dreg:$0x6] =	wrdreg s2;
	s2 =	simm.s32 $0x4  }
.LBB2_1:
0x15: {  	s6 =	simm.s32 $0x80;
	s7 =	simm.s32 $0x0  }
.LBB2_2:
0x16: {  	p0 =	sne.s32 s6, $0x3F80;
	[tilespmem:s7+$0x9E20] =	vst v0;
	s8 =	smov.u32 s6;
	s6 =	sadd.s32 $0x80, s6  }
.Ltmp0:
0x17: {  	[tilespmem:s7+$0x9E30] =	vst v0;
	(pc) =	sbr.rel @p0 .LBB2_2-.Ltmp0, $2  }
0x18: {  	_ =	sdelay $0x2  }
0x19: {  	s7 =	sshra.s32 s8, $0x2  }
0x1a: {  	[tilespmem:s7+$0x9E20] =	vst v0  }
0x1b: {  	[tilespmem:s7+$0x9E30] =	vst v0  }
0x1c: {  	[spmem:s5] =	stream.linear.scatter [tilespmem:s14], [sflag:$0xB], $0x1000, $0x38;
	[tilespmem:$0xFE20] =	vst v63  }
0x1d: {  	_ =	swait.ge [sflag:s15], $0x1000  }
0x1e: {  	[sflag:s15] =	ssyncset.done $0x0  }
0x1f: {  	[sflag:s15] =	ssyncadd.s32 $0xFFFFF000  }
0x20: {  	[spmem:s10] =	stream.linear.scatter [tilespmem:s14], [sflag:$0xB], $0x1000, $0x38;
	[tilespmem:$0xFE20] =	vst v63  }
0x21: {  	_ =	swait.ge [sflag:s15], $0x1000  }
0x22: {  	[sflag:s15] =	ssyncset.done $0x0  }
0x23: {  	[sflag:s15] =	ssyncadd.s32 $0xFFFFF000  }
0x24: {  	[spmem:s11] =	stream.linear.scatter [tilespmem:s14], [sflag:$0xB], $0x1000, $0x38;
	[tilespmem:$0xFE20] =	vst v63  }
0x25: {  	_ =	swait.ge [sflag:s15], $0x1000  }
0x26: {  	[sflag:s15] =	ssyncset.done $0x0  }
0x27: {  	[sflag:s15] =	ssyncadd.s32 $0xFFFFF000  }
0x28: {  	[spmem:s12] =	stream.linear.scatter [tilespmem:s14], [sflag:$0xB], $0x1000, $0x38;
	[tilespmem:$0xFE20] =	vst v63  }
0x29: {  	_ =	swait.ge [sflag:s15], $0x1000  }
0x2a: {  	[sflag:s15] =	ssyncset.done $0x0  }
0x2b: {  	[sflag:s15] =	ssyncadd.s32 $0xFFFFF000  }
0x2c: {  	[spmem:s13] =	stream.linear.scatter [tilespmem:s14], [sflag:$0xB], $0x1000, $0x38;
	[tilespmem:$0xFE20] =	vst v63  }
0x2d: {  	_ =	swait.ge [sflag:s15], $0x1000  }
0x2e: {  	[sflag:s15] =	ssyncset.done $0x0  }
0x2f: {  	s6 =	simm.s32 $0x0;
	s8 =	rddreg [dreg:$0x4];
	[sflag:s15] =	ssyncadd.s32 $0xFFFFF000  }
0x30: {  	[tilespmem:s6], [sflag:$0xB] =	stream.linear.gather [hbm4b:s8+s6], $0x2800, $0x38;
	[tilespmem:$0xFE20] =	vst v63  }
0x31: {  	_ =	swait.ge [sflag:s15], $0x2800  }
0x32: {  	[sflag:s15] =	ssyncset.done $0x0  }
0x33: {  	s8 =	simm.s32 $0x2800;
	s7 =	rddreg [dreg:$0x5];
	[sflag:s15] =	ssyncadd.s32 $0xFFFFD800  }
0x34: {  	[tilespmem:s8], [sflag:$0xB] =	stream.linear.gather [hbm4b:s7+s6], $0x2800, $0x38;
	[tilespmem:$0xFE20] =	vst v63  }
0x35: {  	_ =	swait.ge [sflag:s15], $0x2800  }
0x36: {  	[sflag:s15] =	ssyncset.done $0x0  }
0x37: {  	[sflag:s15] =	ssyncadd.s32 $0xFFFFD800  }
0x38: {  	[bflag:$0x0] =	sbarrier.arrive $0xFFFF  }
0x39: {  	[tilespmem:s18], [sflag:$0x1] =	stream.indirect.gather [hbm4b:s1+s17], $0x20, s6, s17, $0xb8;
	[tilespmem:$0xFE20] =	vst v63  }
0x3a: {  	s8 =	simm.s32 $0x80  }
0x3b: {  	[tilespmem:s20], [sflag:$0x2] =	stream.indirect.gather [hbm4b:s1+s17], $0x20, s8, s17, $0xb8;
	[tilespmem:$0xFE20] =	vst v63  }
0x3c: {  	s7 =	simm.s32 $0x100  }
0x3d: {  	[tilespmem:s22], [sflag:$0x3] =	stream.indirect.gather [hbm4b:s1+s17], $0x20, s7, s17, $0xb8;
	[tilespmem:$0xFE20] =	vst v63  }
0x3e: {  	s8 =	simm.s32 $0x180  }
0x3f: {  	[tilespmem:s24], [sflag:$0x4] =	stream.indirect.gather [hbm4b:s1+s17], $0x20, s8, s17, $0xb8;
	[tilespmem:$0xFE20] =	vst v63  }
0x40: {  	s7 =	simm.s32 $0x200  }
0x41: {  	[tilespmem:s28], [sflag:$0x5] =	stream.indirect.gather [hbm4b:s1+s17], $0x20, s7, s17, $0xb8;
	[tilespmem:$0xFE20] =	vst v63  }
0x42: {  	_ =	swait.ge [sflag:s29], $0xFA0  }
0x43: {  	[sflag:s29] =	ssyncset.done $0x0  }
0x44: {  	s8 =	simm.s32 $0x2800;
	[sflag:s29] =	ssyncadd.s32 $0xFFFFF060  }
0x45: {  	[spmem:s3] =	stream.indirect.scatter.add.s16 [tilespmem:s18], [sflag:$0x6], $0x20, s8, s17, $0xb8;
	[tilespmem:$0xFE20] =	vst v63  }
0x46: {  	_ =	swait.ge [sflag:s30], $0xFA0  }
0x47: {  	[sflag:s30] =	ssyncset.done $0x0  }
0x48: {  	s7 =	simm.s32 $0x2880;
	[sflag:s30] =	ssyncadd.s32 $0xFFFFF060  }
0x49: {  	[spmem:s3] =	stream.indirect.scatter.add.s16 [tilespmem:s20], [sflag:$0x7], $0x20, s7, s17, $0xb8;
	[tilespmem:$0xFE20] =	vst v63  }
0x4a: {  	_ =	swait.ge [sflag:s31], $0xFA0  }
0x4b: {  	[sflag:s31] =	ssyncset.done $0x0  }
0x4c: {  	s8 =	simm.s32 $0x2900;
	[sflag:s31] =	ssyncadd.s32 $0xFFFFF060  }
0x4d: {  	[spmem:s3] =	stream.indirect.scatter.add.s16 [tilespmem:s22], [sflag:$0x8], $0x20, s8, s17, $0xb8;
	[tilespmem:$0xFE20] =	vst v63  }
0x4e: {  	_ =	swait.ge [sflag:s2], $0xFA0  }
0x4f: {  	[sflag:s2] =	ssyncset.done $0x0  }
0x50: {  	s7 =	simm.s32 $0x2980;
	[sflag:s2] =	ssyncadd.s32 $0xFFFFF060  }
0x51: {  	[spmem:s3] =	stream.indirect.scatter.add.s16 [tilespmem:s24], [sflag:$0x9], $0x20, s7, s17, $0xb8;
	[tilespmem:$0xFE20] =	vst v63  }
0x52: {  	_ =	swait.ge [sflag:s0], $0xFA0  }
0x53: {  	[sflag:s0] =	ssyncset.done $0x0  }
0x54: {  	s8 =	simm.s32 $0x2A00;
	[sflag:s0] =	ssyncadd.s32 $0xFFFFF060  }
0x55: {  	[spmem:s3] =	stream.indirect.scatter.add.s16 [tilespmem:s28], [sflag:$0xA], $0x20, s8, s17, $0xb8;
	[tilespmem:$0xFE20] =	vst v63  }
0x56: {  	_ =	swait.ge [sflag:s16], $0xFA0  }
0x57: {  	[sflag:s16] =	ssyncset.done $0x0  }
0x58: {  	s7 =	simm.s32 $0x280;
	[sflag:s16] =	ssyncadd.s32 $0xFFFFF060  }
0x59: {  	[tilespmem:s18], [sflag:$0x1] =	stream.indirect.gather [hbm4b:s1+s17], $0x20, s7, s17, $0xb8;
	[tilespmem:$0xFE20] =	vst v63  }
0x5a: {  	_ =	swait.ge [sflag:s19], $0xFA0  }
0x5b: {  	[sflag:s19] =	ssyncset.done $0x0  }
0x5c: {  	s8 =	simm.s32 $0x300;
	[sflag:s19] =	ssyncadd.s32 $0xFFFFF060  }
0x5d: {  	[tilespmem:s20], [sflag:$0x2] =	stream.indirect.gather [hbm4b:s1+s17], $0x20, s8, s17, $0xb8;
	[tilespmem:$0xFE20] =	vst v63  }
0x5e: {  	_ =	swait.ge [sflag:s21], $0xFA0  }
0x5f: {  	[sflag:s21] =	ssyncset.done $0x0  }
0x60: {  	s7 =	simm.s32 $0x380;
	[sflag:s21] =	ssyncadd.s32 $0xFFFFF060  }
0x61: {  	[tilespmem:s22], [sflag:$0x3] =	stream.indirect.gather [hbm4b:s1+s17], $0x20, s7, s17, $0xb8;
	[tilespmem:$0xFE20] =	vst v63  }
0x62: {  	_ =	swait.ge [sflag:s23], $0xFA0  }
0x63: {  	[sflag:s23] =	ssyncset.done $0x0  }
0x64: {  	s8 =	simm.s32 $0x400;
	[sflag:s23] =	ssyncadd.s32 $0xFFFFF060  }
0x65: {  	[tilespmem:s24], [sflag:$0x4] =	stream.indirect.gather [hbm4b:s1+s17], $0x20, s8, s17, $0xb8;
	[tilespmem:$0xFE20] =	vst v63  }
0x66: {  	_ =	swait.ge [sflag:s26], $0xFA0  }
0x67: {  	[sflag:s26] =	ssyncset.done $0x0  }
0x68: {  	s6 =	simm.s32 $0xA00;
	s7 =	simm.s32 $0x480;
	[sflag:s26] =	ssyncadd.s32 $0xFFFFF060  }
.LBB2_4:
0x69: {  	[tilespmem:s28], [sflag:$0x5] =	stream.indirect.gather [hbm4b:s1+s17], $0x20, s7, s17, $0xb8;
	[tilespmem:$0xFE20] =	vst v63  }
0x6a: {  	s7 =	smov.u32 s6  }
0x6b: {  	p0 =	sne.s32 s6, $0x8C00;
	s6 =	sadd.s32 $0xA00, s6;
	_ =	swait.ge [sflag:s29], $0xFA0  }
0x6c: {  	s7 =	sshra.s32 s7, $0x2;
	[sflag:s29] =	ssyncset.done $0x0  }
0x6d: {  	s8 =	sadd.s32 $0x2800, s7;
	[sflag:s29] =	ssyncadd.s32 $0xFFFFF060  }
0x6e: {  	[spmem:s3] =	stream.indirect.scatter.add.s16 [tilespmem:s18], [sflag:$0x6], $0x20, s8, s17, $0xb8;
	[tilespmem:$0xFE20] =	vst v63  }
0x6f: {  	_ =	swait.ge [sflag:s30], $0xFA0  }
0x70: {  	[sflag:s30] =	ssyncset.done $0x0  }
0x71: {  	s8 =	sadd.s32 $0x2880, s7;
	[sflag:s30] =	ssyncadd.s32 $0xFFFFF060  }
0x72: {  	[spmem:s3] =	stream.indirect.scatter.add.s16 [tilespmem:s20], [sflag:$0x7], $0x20, s8, s17, $0xb8;
	[tilespmem:$0xFE20] =	vst v63  }
0x73: {  	_ =	swait.ge [sflag:s31], $0xFA0  }
0x74: {  	[sflag:s31] =	ssyncset.done $0x0  }
0x75: {  	s8 =	sadd.s32 $0x2900, s7;
	[sflag:s31] =	ssyncadd.s32 $0xFFFFF060  }
0x76: {  	[spmem:s3] =	stream.indirect.scatter.add.s16 [tilespmem:s22], [sflag:$0x8], $0x20, s8, s17, $0xb8;
	[tilespmem:$0xFE20] =	vst v63  }
0x77: {  	_ =	swait.ge [sflag:s2], $0xFA0  }
0x78: {  	[sflag:s2] =	ssyncset.done $0x0  }
0x79: {  	s8 =	sadd.s32 $0x2980, s7;
	[sflag:s2] =	ssyncadd.s32 $0xFFFFF060  }
0x7a: {  	[spmem:s3] =	stream.indirect.scatter.add.s16 [tilespmem:s24], [sflag:$0x9], $0x20, s8, s17, $0xb8;
	[tilespmem:$0xFE20] =	vst v63  }
0x7b: {  	_ =	swait.ge [sflag:s0], $0xFA0  }
0x7c: {  	[sflag:s0] =	ssyncset.done $0x0  }
0x7d: {  	s8 =	sadd.s32 $0x2A00, s7;
	[sflag:s0] =	ssyncadd.s32 $0xFFFFF060  }
0x7e: {  	[spmem:s3] =	stream.indirect.scatter.add.s16 [tilespmem:s28], [sflag:$0xA], $0x20, s8, s17, $0xb8;
	[tilespmem:$0xFE20] =	vst v63  }
0x7f: {  	_ =	swait.ge [sflag:s16], $0xFA0  }
0x80: {  	[sflag:s16] =	ssyncset.done $0x0  }
0x81: {  	s8 =	sadd.s32 $0x280, s7;
	[sflag:s16] =	ssyncadd.s32 $0xFFFFF060  }
0x82: {  	[tilespmem:s18], [sflag:$0x1] =	stream.indirect.gather [hbm4b:s1+s17], $0x20, s8, s17, $0xb8;
	[tilespmem:$0xFE20] =	vst v63  }
0x83: {  	_ =	swait.ge [sflag:s19], $0xFA0  }
0x84: {  	[sflag:s19] =	ssyncset.done $0x0  }
0x85: {  	s8 =	sadd.s32 $0x300, s7;
	[sflag:s19] =	ssyncadd.s32 $0xFFFFF060  }
0x86: {  	[tilespmem:s20], [sflag:$0x2] =	stream.indirect.gather [hbm4b:s1+s17], $0x20, s8, s17, $0xb8;
	[tilespmem:$0xFE20] =	vst v63  }
0x87: {  	_ =	swait.ge [sflag:s21], $0xFA0  }
0x88: {  	[sflag:s21] =	ssyncset.done $0x0  }
0x89: {  	s8 =	sadd.s32 $0x380, s7;
	[sflag:s21] =	ssyncadd.s32 $0xFFFFF060  }
0x8a: {  	[tilespmem:s22], [sflag:$0x3] =	stream.indirect.gather [hbm4b:s1+s17], $0x20, s8, s17, $0xb8;
	[tilespmem:$0xFE20] =	vst v63  }
0x8b: {  	_ =	swait.ge [sflag:s23], $0xFA0  }
0x8c: {  	[sflag:s23] =	ssyncset.done $0x0  }
.Ltmp1:
0x8d: {  	s8 =	sadd.s32 $0x400, s7;
	[sflag:s23] =	ssyncadd.s32 $0xFFFFF060;
	(pc) =	sbr.rel @p0 .LBB2_4-.Ltmp1, $4  }
0x8e: {  	[tilespmem:s24], [sflag:$0x4] =	stream.indirect.gather [hbm4b:s1+s17], $0x20, s8, s17, $0xb8;
	[tilespmem:$0xFE20] =	vst v63  }
0x8f: {  	_ =	swait.ge [sflag:s26], $0xFA0  }
0x90: {  	[sflag:s26] =	ssyncset.done $0x0  }
0x91: {  	s7 =	sadd.s32 $0x480, s7;
	[sflag:s26] =	ssyncadd.s32 $0xFFFFF060  }
0x92: {  	[tilespmem:s28], [sflag:$0x5] =	stream.indirect.gather [hbm4b:s1+s17], $0x20, s7, s17, $0xb8;
	[tilespmem:$0xFE20] =	vst v63  }
0x93: {  	_ =	swait.ge [sflag:s29], $0xFA0  }
0x94: {  	[sflag:s29] =	ssyncset.done $0x0  }
0x95: {  	s6 =	simm.s32 $0x4D80;
	[sflag:s29] =	ssyncadd.s32 $0xFFFFF060  }
0x96: {  	[spmem:s3] =	stream.indirect.scatter.add.s16 [tilespmem:s18], [sflag:$0x6], $0x20, s6, s17, $0xb8;
	[tilespmem:$0xFE20] =	vst v63  }
0x97: {  	_ =	swait.ge [sflag:s30], $0xFA0  }
0x98: {  	[sflag:s30] =	ssyncset.done $0x0  }
0x99: {  	s7 =	simm.s32 $0x4E00;
	[sflag:s30] =	ssyncadd.s32 $0xFFFFF060  }
0x9a: {  	[spmem:s3] =	stream.indirect.scatter.add.s16 [tilespmem:s20], [sflag:$0x7], $0x20, s7, s17, $0xb8;
	[tilespmem:$0xFE20] =	vst v63  }
0x9b: {  	_ =	swait.ge [sflag:s31], $0xFA0  }
0x9c: {  	[sflag:s31] =	ssyncset.done $0x0  }
0x9d: {  	s8 =	simm.s32 $0x4E80;
	[sflag:s31] =	ssyncadd.s32 $0xFFFFF060  }
0x9e: {  	[spmem:s3] =	stream.indirect.scatter.add.s16 [tilespmem:s22], [sflag:$0x8], $0x20, s8, s17, $0xb8;
	[tilespmem:$0xFE20] =	vst v63  }
0x9f: {  	_ =	swait.ge [sflag:s2], $0xFA0  }
0xa0: {  	[sflag:s2] =	ssyncset.done $0x0  }
0xa1: {  	s7 =	simm.s32 $0x4F00;
	[sflag:s2] =	ssyncadd.s32 $0xFFFFF060  }
0xa2: {  	[spmem:s3] =	stream.indirect.scatter.add.s16 [tilespmem:s24], [sflag:$0x9], $0x20, s7, s17, $0xb8;
	[tilespmem:$0xFE20] =	vst v63  }
0xa3: {  	_ =	swait.ge [sflag:s0], $0xFA0  }
0xa4: {  	[sflag:s0] =	ssyncset.done $0x0  }
0xa5: {  	s8 =	simm.s32 $0x4F80;
	[sflag:s0] =	ssyncadd.s32 $0xFFFFF060  }
0xa6: {  	[spmem:s3] =	stream.indirect.scatter.add.s16 [tilespmem:s28], [sflag:$0xA], $0x20, s8, s17, $0xb8;
	[tilespmem:$0xFE20] =	vst v63  }
0xa7: {  	_ =	swait.ge [sflag:s16], $0xFA0  }
0xa8: {  	[sflag:s16] =	ssyncset.done $0x0  }
0xa9: {  	[sflag:s16] =	ssyncadd.s32 $0xFFFFF060  }
0xaa: {  	_ =	swait.ge [sflag:s19], $0xFA0  }
0xab: {  	[sflag:s19] =	ssyncset.done $0x0  }
0xac: {  	[sflag:s19] =	ssyncadd.s32 $0xFFFFF060  }
0xad: {  	_ =	swait.ge [sflag:s21], $0xFA0  }
0xae: {  	[sflag:s21] =	ssyncset.done $0x0  }
0xaf: {  	[sflag:s21] =	ssyncadd.s32 $0xFFFFF060  }
0xb0: {  	_ =	swait.ge [sflag:s23], $0xFA0  }
0xb1: {  	[sflag:s23] =	ssyncset.done $0x0  }
0xb2: {  	[sflag:s23] =	ssyncadd.s32 $0xFFFFF060  }
0xb3: {  	_ =	swait.ge [sflag:s26], $0xFA0  }
0xb4: {  	[sflag:s26] =	ssyncset.done $0x0  }
0xb5: {  	s4 =	sadd.s32 $0x1, s4;
	s7 =	stileid.u32;
	[sflag:s26] =	ssyncadd.s32 $0xFFFFF060  }
0xb6: {  	p0 =	sne.s32 s4, s9;
	s6 =	sshll.u32 s7, $0x6;
	[bflag:$0x0] =	sbarrier.arrive $0xFFFF  }
.Ltmp2:
0xb7: {  	s6 =	sor.u32 $0x1C0B, s6;
	s8 =	rddreg [dreg:$0x6];
	(pc) =	sbr.rel @p0 .LBB2_1-.Ltmp2, $4  }
0xb8: {  	[hbm:s8], [sflag:s6] =	dma.local [spmem:s25], $0xA00  }
0xb9: {  	_ =	swait.ge [sflag:s15], $0xA00  }
0xba: {  	[sflag:s15] =	ssyncset.done $0x0  }
0xbb: {  	[sflag:s15] =	ssyncadd.s32 $0xFFFFF600  }
0xbc: {  	_ =	sfence.sel $0x180000  }
0xbd: {  	[bflag:$0x0] =	sbarrier.arrive $0xFFFF  }
0xbe: {  	_ =	strace $0x90000053  }
0xbf: {  	s0 =	stileid.u32;
	[bflag:$0x2] =	sbarrier.arrive $0xFFFF  }
0xc0: {  	p0 =	sne.s32 s0, $0x0;
	s0 =	rddreg [dreg:$0x3]  }
0xc1: {  	s0 =	sadd.s32 @!p0 $0x100000, s0  }
0xc2: {  	[sflag:s0] =	ssyncadd.tile.s32 @!p0 $0x1;
	_ =	shalt  }
.Lfunc_end2:
_tile_overlayer_lowered:
.L_overlay_start_2:
0xc3: {  	(tag) =	ssettag $0x2  }
0xc4: {  	s0 =	rddreg [dreg:$0x0];
	s2 =	stileid.u32  }
0xc5: {  	s1 =	rddreg [dreg:$0x1];
	p0 =	sne.s32 s2, $0x0  }
0xc6: {  	s3 =	rddreg [dreg:$0x2];
	[bflag:$0x3] =	sbarrier.arrive $0xFFFF;
	s2 =	simm.s32 @!p0 $0x1C0B  }
0xc7: {  	[timem:s3], [sflag:s2] =	dma.local @!p0 [hbm:s0], s1  }
0xc8: {  	s0 =	simm.s32 @!p0 $0xB  }
0xc9: {  	_ =	swait.ge @!p0 [sflag:s0], s1  }
0xca: {  	s1 =	ssub.s32 @!p0 $0x0, s1;
	[sflag:s0] =	ssyncset.done @!p0 $0x0  }
0xcb: {  	[sflag:s0] =	ssyncadd.s32 @!p0 s1  }
0xcc: {  	[bflag:$0x3] =	sbarrier.arrive $0xFFFF  }
0xcd: {  	_ =	shalt  }

</sc_bundles>
